<compile_context>
chip_gen: v7x
topology: tpu7x:2x2x1
jax: 0.10.2.dev20260603
libtpu: 0.0.44.dev20260713+nightly
codegen_flags: <defaults>
</compile_context>

<pallas_src>
import functools

import jax
import jax.numpy as jnp
from jax import lax
from jax.experimental import pallas as pl
from jax.experimental.pallas import tpu as pltpu
from jax.experimental.pallas import tpu_sc as plsc

N = 100000
N2 = 102400
NP = N2 // 8
E = 3200000
PADW = 16
NC = 2
NS = 16
SUB = 80
NSUB = 5
CHUNK = SUB * NSUB
EPW = E // NS
NIT = EPW // CHUNK
NBUF = 4
NCK = E // CHUNK
RPW = N // NS



def _enc_body(x_ref, w1_ref, b1_ref, w2_ref, b2_ref, outa_ref, outb_ref):
    h = jnp.maximum(jnp.dot(x_ref[...], w1_ref[...]) + b1_ref[...], 0.0)
    h = jnp.maximum(jnp.dot(h, w2_ref[...]) + b2_ref[...], 0.0)
    blk = h.shape[0]
    ones = jnp.ones((blk, 1), jnp.float32)
    z3 = jnp.zeros((blk, 3), jnp.float32)
    z4 = jnp.zeros((blk, 4), jnp.float32)
    outa_ref[...] = jnp.concatenate([h[:, :12], ones, z3], axis=1)
    outb_ref[...] = jnp.concatenate([h[:, 12:], z4], axis=1)


def _encoder(x, W1, b1, W2, b2, blk=2000):
    return pl.pallas_call(
        _enc_body,
        grid=(N // blk,),
        in_specs=[
            pl.BlockSpec((blk, 128), lambda i: (i, 0)),
            pl.BlockSpec((128, 240), lambda i: (0, 0)),
            pl.BlockSpec((1, 240), lambda i: (0, 0)),
            pl.BlockSpec((240, 24), lambda i: (0, 0)),
            pl.BlockSpec((1, 24), lambda i: (0, 0)),
        ],
        out_specs=[
            pl.BlockSpec((blk, PADW), lambda i: (i, 0)),
            pl.BlockSpec((blk, PADW), lambda i: (i, 0)),
        ],
        out_shape=[jax.ShapeDtypeStruct((N2, PADW), jnp.float32)] * 2,
    )(x, W1, b1.reshape(1, 240), W2, b2.reshape(1, 24))



def _agg_body(eis, ha, hb, zeros, agga, aggb,
              src_v0, dst_v0, rows_v0, src_v1, dst_v1, rows_v1,
              src_v2, dst_v2, rows_v2, src_v3, dst_v3, rows_v3, acc,
              semi0, semi1, semi2, semi3,
              semg0, semg1, semg2, semg3,
              sems0, sems1, sems2, sems3):
    c = lax.axis_index("c")
    s = lax.axis_index("s")
    bufs = ((src_v0, dst_v0, rows_v0, semi0, semg0, sems0),
            (src_v1, dst_v1, rows_v1, semi1, semg1, sems1),
            (src_v2, dst_v2, rows_v2, semi2, semg2, sems2),
            (src_v3, dst_v3, rows_v3, semi3, semg3, sems3))

    pltpu.sync_copy(zeros.at[pl.ds(s * RPW, RPW)], acc.at[pl.ds(s * RPW, RPW)])
    plsc.subcore_barrier()

    def fire_idx(g, buf):
        src_v, dst_v, _, semi, _, _ = buf
        ck = s * NIT + g
        pltpu.async_copy(eis.at[0, ck], src_v, semi)
        pltpu.async_copy(eis.at[1, ck], dst_v, semi)

    def wait_idx(g, buf):
        src_v, dst_v, _, semi, _, _ = buf
        ck = s * NIT + g
        pltpu.make_async_copy(eis.at[0, ck], src_v, semi).wait()
        pltpu.make_async_copy(eis.at[1, ck], dst_v, semi).wait()

    def fire_gather(buf):
        src_v, _, rows_v, _, semg, _ = buf

        @pl.when(c == 0)
        def _():
            pltpu.async_copy(ha.at[src_v.at[0]], rows_v, semg)

        @pl.when(c == 1)
        def _():
            pltpu.async_copy(hb.at[src_v.at[0]], rows_v, semg)

    def wait_gather(buf):
        src_v, _, rows_v, _, semg, _ = buf
        pltpu.make_async_copy(ha.at[src_v.at[0]], rows_v, semg).wait()

    def fire_scatter(buf):
        _, dst_v, rows_v, _, _, sems = buf
        pltpu.async_copy(rows_v, acc.at[dst_v.at[0]], sems, add=True)

    def wait_scatter(buf):
        _, dst_v, rows_v, _, _, sems = buf
        pltpu.make_async_copy(rows_v, acc.at[dst_v.at[0]], sems).wait()

    fire_idx(0, bufs[0])
    fire_idx(1, bufs[1])
    wait_idx(0, bufs[0])
    fire_gather(bufs[0])

    def _quad(i, carry):
        for p in range(NBUF):
            g = NBUF * i + p
            b = bufs[p]
            bn = bufs[(p + 1) % NBUF]
            b2 = bufs[(p + 2) % NBUF]

            @pl.when(g >= 2)
            def _():
                wait_scatter(b2)

            @pl.when(g + 2 < NIT)
            def _():
                fire_idx(g + 2, b2)

            @pl.when(g + 1 < NIT)
            def _():
                wait_idx(g + 1, bn)
                fire_gather(bn)
            wait_gather(b)
            fire_scatter(b)
        return carry
    lax.fori_loop(0, NIT // NBUF, _quad, 0)
    wait_scatter(bufs[(NIT - 2) % NBUF])
    wait_scatter(bufs[(NIT - 1) % NBUF])
    plsc.subcore_barrier()

    @pl.when(c == 0)
    def _():
        pltpu.sync_copy(acc.at[pl.ds(s * RPW, RPW)], agga.at[pl.ds(s * RPW, RPW)])

    @pl.when(c == 1)
    def _():
        pltpu.sync_copy(acc.at[pl.ds(s * RPW, RPW)], aggb.at[pl.ds(s * RPW, RPW)])


_agg = functools.partial(
    pl.kernel,
    out_type=[jax.ShapeDtypeStruct((N2, PADW), jnp.float32)] * 2,
    mesh=plsc.VectorSubcoreMesh(core_axis_name="c", subcore_axis_name="s"),
    scratch_types=(
        [pltpu.VMEM((1, CHUNK), jnp.int32),
         pltpu.VMEM((1, CHUNK), jnp.int32),
         pltpu.VMEM((CHUNK, PADW), jnp.float32)] * NBUF
        + [pltpu.VMEM_SHARED((N, PADW), jnp.float32)]
        + [pltpu.SemaphoreType.DMA] * (3 * NBUF)
    ),
    compiler_params=pltpu.CompilerParams(use_tc_tiling_on_sc=False),
)(_agg_body)



def _bd(w12):
    w16 = jnp.zeros((16, 16), jnp.float32).at[:12, :12].set(w12)
    return jnp.kron(jnp.eye(8, dtype=jnp.float32), w16)


def _stacks(Wl, Wr):
    wa = jnp.concatenate([_bd(Wl[:12, :12]), _bd(Wl[12:, :12]),
                          _bd(Wr[:12, :12]), _bd(Wr[12:, :12])], axis=0)
    wb = jnp.concatenate([_bd(Wl[:12, 12:]), _bd(Wl[12:, 12:]),
                          _bd(Wr[:12, 12:]), _bd(Wr[12:, 12:])], axis=0)
    return wa, wb


def _spread():
    s16 = jnp.zeros((16, 16), jnp.float32).at[12, :].set(1.0)
    return jnp.kron(jnp.eye(8, dtype=jnp.float32), s16)


def _bias_tile(b12):
    return jnp.tile(jnp.concatenate([b12, jnp.zeros((4,), jnp.float32)]), 8).reshape(1, 128)


def _sagep_body(agga_ref, aggb_ref, ha_ref, hb_ref, wab_ref,
                bab_ref, sp_ref, outa_ref, outb_ref, *, final):
    agga = agga_ref[...]
    aggb = aggb_ref[...]
    cnt = jnp.dot(agga, sp_ref[...])
    inv = 1.0 / jnp.maximum(cnt, 1.0)
    xcat = jnp.concatenate([agga * inv, aggb * inv, ha_ref[...], hb_ref[...]], axis=1)
    o = jnp.dot(xcat, wab_ref[...]) + bab_ref[...]
    oa = o[:, :128]
    ob = o[:, 128:]
    if final:
        outa_ref[...] = oa
        outb_ref[...] = ob
    else:
        lane = lax.broadcasted_iota(jnp.int32, oa.shape, 1)
        onesa = jnp.where(lane % 16 == 12, 1.0, 0.0)
        outa_ref[...] = jnp.maximum(oa, 0.0) + onesa
        outb_ref[...] = jnp.maximum(ob, 0.0)


def _sagep(agga_p, aggb_p, ha_p, hb_p, Wl, bl, Wr, final=False, blk=1600):
    wa, wb = _stacks(Wl, Wr)
    wab = jnp.concatenate([wa, wb], axis=1)
    bab = jnp.concatenate([_bias_tile(bl[:12]), _bias_tile(bl[12:])], axis=1)
    return pl.pallas_call(
        functools.partial(_sagep_body, final=final),
        grid=(NP // blk,),
        in_specs=[
            pl.BlockSpec((blk, 128), lambda i: (i, 0)),
            pl.BlockSpec((blk, 128), lambda i: (i, 0)),
            pl.BlockSpec((blk, 128), lambda i: (i, 0)),
            pl.BlockSpec((blk, 128), lambda i: (i, 0)),
            pl.BlockSpec((512, 256), lambda i: (0, 0)),
            pl.BlockSpec((1, 256), lambda i: (0, 0)),
            pl.BlockSpec((128, 128), lambda i: (0, 0)),
        ],
        out_specs=[
            pl.BlockSpec((blk, 128), lambda i: (i, 0)),
            pl.BlockSpec((blk, 128), lambda i: (i, 0)),
        ],
        out_shape=[jax.ShapeDtypeStruct((NP, 128), jnp.float32)] * 2,
    )(agga_p, aggb_p, ha_p, hb_p, wab, bab, _spread())



def _dec_body(oa_ref, ob_ref, w3_ref, b3_ref, w4_ref, b4_ref, out_ref):
    xcat = jnp.concatenate([oa_ref[...], ob_ref[...]], axis=1)
    d = jnp.maximum(jnp.dot(xcat, w3_ref[...]) + b3_ref[...], 0.0)
    out_ref[...] = jnp.dot(d, w4_ref[...]) + b4_ref[...]


def _decoder(oa_p, ob_p, W3, b3, W4, b4, blk=1600):
    eye8 = jnp.eye(8, dtype=jnp.float32)
    w3a = jnp.zeros((16, 120), jnp.float32).at[:12].set(W3[:12])
    w3b = jnp.zeros((16, 120), jnp.float32).at[:12].set(W3[12:])
    w3ab = jnp.concatenate([jnp.kron(eye8, w3a), jnp.kron(eye8, w3b)], axis=0)
    w4bd = jnp.kron(eye8, W4)
    out96 = pl.pallas_call(
        _dec_body,
        grid=(NP // blk,),
        in_specs=[
            pl.BlockSpec((blk, 128), lambda i: (i, 0)),
            pl.BlockSpec((blk, 128), lambda i: (i, 0)),
            pl.BlockSpec((256, 960), lambda i: (0, 0)),
            pl.BlockSpec((1, 960), lambda i: (0, 0)),
            pl.BlockSpec((960, 96), lambda i: (0, 0)),
            pl.BlockSpec((1, 96), lambda i: (0, 0)),
        ],
        out_specs=pl.BlockSpec((blk, 96), lambda i: (i, 0)),
        out_shape=jax.ShapeDtypeStruct((NP, 96), jnp.float32),
    )(oa_p, ob_p, w3ab, jnp.tile(b3, 8).reshape(1, 960),
      w4bd, jnp.tile(b4, 8).reshape(1, 96))
    return out96.reshape(N2, 12)[:N]


def kernel(x, edge_index, W1, b1, W2, b2, Wl1, bl1, Wr1, Wl2, bl2, Wr2,
           Wl3, bl3, Wr3, W3, b3, W4, b4):
    eis = edge_index.reshape(2, NCK, 1, CHUNK)
    zeros = jnp.zeros((N, PADW), jnp.float32)

    def packed(t):
        return jnp.reshape(t, (NP, 128))

    def flat(p):
        return jnp.reshape(p, (N2, PADW))

    ha_t, hb_t = _encoder(x, W1, b1, W2, b2)
    ha_p, hb_p = packed(ha_t), packed(hb_t)

    agga, aggb = _agg(eis, flat(ha_p), flat(hb_p), zeros)
    ha_p, hb_p = _sagep(packed(agga), packed(aggb), ha_p, hb_p, Wl1, bl1, Wr1)
    agga, aggb = _agg(eis, flat(ha_p), flat(hb_p), zeros)
    ha_p, hb_p = _sagep(packed(agga), packed(aggb), ha_p, hb_p, Wl2, bl2, Wr2)
    agga, aggb = _agg(eis, flat(ha_p), flat(hb_p), zeros)
    oa_p, ob_p = _sagep(packed(agga), packed(aggb), ha_p, hb_p, Wl3, bl3, Wr3,
                        final=True)

    return _decoder(oa_p, ob_p, W3, b3, W4, b4)

# --- scband reference (transcript-rebuilt; emitter-appended) ---
"""Pipeline reference for scband-dlsage-54984171323620 (READ-ONLY COPY).

The authoritative reference and input builder live on the scoring server;
editing this copy changes nothing except your own understanding.
"""

import jax, jax.numpy as jnp
import numpy as np

N = 100000
E = 3200000
D_IN = 128
D_H = 24
D_OUT = 12


def _p(k, shape):
    return jax.random.normal(k, shape, dtype=jnp.float32) * 0.05


def setup_inputs(seed: int = 0) -> dict:
    key = jax.random.key(seed)
    ks = jax.random.split(key, 24)
    x = jax.random.normal(ks[0], (N, D_IN), dtype=jnp.float32)
    edge_index = jax.random.randint(ks[1], (2, E), 0, N, dtype=jnp.int32)
    return {
        'x': x,
        'edge_index': edge_index,
        # encoder: Linear(128,240) -> ReLU -> Linear(240,24) -> ReLU
        'W1': _p(ks[2], (D_IN, 240)), 'b1': _p(ks[3], (240,)),
        'W2': _p(ks[4], (240, D_H)), 'b2': _p(ks[5], (D_H,)),
        # 3x SAGEConv(24,24): lin_l (with bias) on aggregated neighbors, lin_r (no bias) on root
        'Wl1': _p(ks[6], (D_H, D_H)), 'bl1': _p(ks[7], (D_H,)), 'Wr1': _p(ks[8], (D_H, D_H)),
        'Wl2': _p(ks[9], (D_H, D_H)), 'bl2': _p(ks[10], (D_H,)), 'Wr2': _p(ks[11], (D_H, D_H)),
        'Wl3': _p(ks[12], (D_H, D_H)), 'bl3': _p(ks[13], (D_H,)), 'Wr3': _p(ks[14], (D_H, D_H)),
        # decoder: Linear(24,120) -> ReLU -> Linear(120,12)
        'W3': _p(ks[15], (D_H, 120)), 'b3': _p(ks[16], (120,)),
        'W4': _p(ks[17], (120, D_OUT)), 'b4': _p(ks[18], (D_OUT,)),
    }


def _sage_conv(x, edge_index, Wl, bl, Wr):
    # PyG SAGEConv with mean aggregation:
    # out_i = lin_l(mean_{j in N(i)} x_j) + lin_r(x_i)
    src = edge_index[0]
    dst = edge_index[1]
    msgs = jnp.take(x, src, axis=0)
    agg = jax.ops.segment_sum(msgs, dst, num_segments=N)
    cnt = jax.ops.segment_sum(jnp.ones((src.shape[0],), jnp.float32), dst, num_segments=N)
    mean = agg / jnp.clip(cnt, 1.0)[:, None]
    return mean @ Wl + bl + x @ Wr


def reference(x, edge_index, W1, b1, W2, b2, Wl1, bl1, Wr1, Wl2, bl2, Wr2, Wl3, bl3, Wr3, W3, b3, W4, b4):
    h = jax.nn.relu(x @ W1 + b1)
    h = jax.nn.relu(h @ W2 + b2)
    h = jax.nn.relu(_sage_conv(h, edge_index, Wl1, bl1, Wr1))
    h = jax.nn.relu(_sage_conv(h, edge_index, Wl2, bl2, Wr2))
    h = _sage_conv(h, edge_index, Wl3, bl3, Wr3)
    h = jax.nn.relu(h @ W3 + b3)
    return h @ W4 + b4

if __name__ == "__main__":
    import jax
    _d = setup_inputs()
    print(jax.jit(kernel)(*tuple(_d.values())))

</pallas_src>

<mosaic_0001>
#map = affine_map<(d0, d1) -> (0, 0, 0, 0)>
#map1 = affine_map<(d0, d1) -> (0, 0)>
module attributes {stable_mosaic.version = 14 : i64} {
  func.func @_agg_body(%arg0: i32, %arg1: i32, %arg2: memref<2x8000x1x400xi32, #tpu.memory_space<hbm>>, %arg3: memref<102400x16xf32, #tpu.memory_space<hbm>>, %arg4: memref<102400x16xf32, #tpu.memory_space<hbm>>, %arg5: memref<100000x16xf32, #tpu.memory_space<hbm>>, %arg6: memref<102400x16xf32, #tpu.memory_space<hbm>>, %arg7: memref<102400x16xf32, #tpu.memory_space<hbm>>, %arg8: memref<1x400xi32, #tpu.memory_space<vmem>>, %arg9: memref<1x400xi32, #tpu.memory_space<vmem>>, %arg10: memref<400x16xf32, #tpu.memory_space<vmem>>, %arg11: memref<1x400xi32, #tpu.memory_space<vmem>>, %arg12: memref<1x400xi32, #tpu.memory_space<vmem>>, %arg13: memref<400x16xf32, #tpu.memory_space<vmem>>, %arg14: memref<1x400xi32, #tpu.memory_space<vmem>>, %arg15: memref<1x400xi32, #tpu.memory_space<vmem>>, %arg16: memref<400x16xf32, #tpu.memory_space<vmem>>, %arg17: memref<1x400xi32, #tpu.memory_space<vmem>>, %arg18: memref<1x400xi32, #tpu.memory_space<vmem>>, %arg19: memref<400x16xf32, #tpu.memory_space<vmem>>, %arg20: memref<100000x16xf32, #tpu.memory_space<vmem_shared>>, %arg21: memref<!tpu.dma_semaphore, #tpu.memory_space<semaphore_mem>>, %arg22: memref<!tpu.dma_semaphore, #tpu.memory_space<semaphore_mem>>, %arg23: memref<!tpu.dma_semaphore, #tpu.memory_space<semaphore_mem>>, %arg24: memref<!tpu.dma_semaphore, #tpu.memory_space<semaphore_mem>>, %arg25: memref<!tpu.dma_semaphore, #tpu.memory_space<semaphore_mem>>, %arg26: memref<!tpu.dma_semaphore, #tpu.memory_space<semaphore_mem>>, %arg27: memref<!tpu.dma_semaphore, #tpu.memory_space<semaphore_mem>>, %arg28: memref<!tpu.dma_semaphore, #tpu.memory_space<semaphore_mem>>, %arg29: memref<!tpu.dma_semaphore, #tpu.memory_space<semaphore_mem>>, %arg30: memref<!tpu.dma_semaphore, #tpu.memory_space<semaphore_mem>>, %arg31: memref<!tpu.dma_semaphore, #tpu.memory_space<semaphore_mem>>, %arg32: memref<!tpu.dma_semaphore, #tpu.memory_space<semaphore_mem>>) attributes {dimension_semantics = [#tpu.dimension_semantics<core_parallel>, #tpu.dimension_semantics<subcore_parallel>], iteration_bounds = array<i64: 2, 16>, scalar_prefetch = 0 : i64, scratch_operands = 25 : i64, tpu.core_type = #tpu.core_type<sc_vector_subcore>, window_params = [{transform_indices = #map}, {transform_indices = #map1}, {transform_indices = #map1}, {transform_indices = #map1}, {transform_indices = #map1}, {transform_indices = #map1}]} {
    %mul3A = arith.constant 6250 : i32
    %mul3A_0 = arith.muli %arg1, %mul3A : i32
    %mul3A_1 = arith.constant 6250 : i32
    %mul3A_2 = arith.muli %arg1, %mul3A_1 : i32
    "tpu.region"() ({
      %run_scoped3A = tpu.sem_alloc : memref<!tpu.dma_semaphore, #tpu.memory_space<semaphore_mem>>
      %dma_start3A_103 = arith.constant 0 : i32
      %dma_start3A_104 = tpu.memref_slice %arg20[%mul3A_2, %dma_start3A_103] : memref<100000x16xf32, #tpu.memory_space<vmem_shared>> -> memref<6250x16xf32, #tpu.memory_space<vmem_shared>>
      %dma_start3A_105 = arith.constant 0 : i32
      %dma_start3A_106 = tpu.memref_slice %arg5[%mul3A_0, %dma_start3A_105] : memref<100000x16xf32, #tpu.memory_space<hbm>> -> memref<6250x16xf32, #tpu.memory_space<hbm>>
      tpu.enqueue_dma source(%dma_start3A_106 : memref<6250x16xf32, #tpu.memory_space<hbm>>) target(%dma_start3A_104 : memref<6250x16xf32, #tpu.memory_space<vmem_shared>>) target_semaphore(%run_scoped3A : memref<!tpu.dma_semaphore, #tpu.memory_space<semaphore_mem>>)
      %dma_wait3A_107 = arith.constant 0 : i32
      %dma_wait3A_108 = tpu.memref_slice %arg20[%mul3A_2, %dma_wait3A_107] : memref<100000x16xf32, #tpu.memory_space<vmem_shared>> -> memref<6250x16xf32, #tpu.memory_space<vmem_shared>>
      %dma_wait3A_109 = arith.constant 0 : i32
      %dma_wait3A_110 = tpu.memref_slice %arg5[%mul3A_0, %dma_wait3A_109] : memref<100000x16xf32, #tpu.memory_space<hbm>> -> memref<6250x16xf32, #tpu.memory_space<hbm>>
      tpu.wait_dma2 semaphore(%run_scoped3A : memref<!tpu.dma_semaphore, #tpu.memory_space<semaphore_mem>>) src(%dma_wait3A_110 : memref<6250x16xf32, #tpu.memory_space<hbm>>) dst(%dma_wait3A_108 : memref<6250x16xf32, #tpu.memory_space<vmem_shared>>)
      tpu.yield
    }) : () -> ()
    %barrier3A = arith.constant 0 : index
    tpu.barrier barrier_id(%barrier3A)
    %mul3A_3 = arith.constant 500 : i32
    %mul3A_4 = arith.muli %arg1, %mul3A_3 : i32
    %add3A = arith.constant 0 : i32
    %add3A_5 = arith.addi %mul3A_4, %add3A : i32
    %dma_start3A = arith.constant 0 : i32
    %dma_start3A_6 = arith.constant 0 : i32
    %dma_start3A_7 = arith.constant 0 : i32
    %dma_start3A_8 = tpu.memref_slice %arg2[%dma_start3A, %add3A_5, %dma_start3A_6, %dma_start3A_7] : memref<2x8000x1x400xi32, #tpu.memory_space<hbm>> -> memref<1x1x1x400xi32, #tpu.memory_space<hbm>>
    %dma_start3A_9 = tpu.memref_squeeze %dma_start3A_8 : memref<1x1x1x400xi32, #tpu.memory_space<hbm>> -> memref<1x400xi32, #tpu.memory_space<hbm>>
    %dma_start3A_10 = arith.constant 0 : i32
    %dma_start3A_11 = arith.constant 0 : i32
    %dma_start3A_12 = tpu.memref_slice %arg2[%dma_start3A, %add3A_5, %dma_start3A_10, %dma_start3A_11] : memref<2x8000x1x400xi32, #tpu.memory_space<hbm>> -> memref<1x1x1x400xi32, #tpu.memory_space<hbm>>
    %dma_start3A_13 = tpu.memref_squeeze %dma_start3A_12 : memref<1x1x1x400xi32, #tpu.memory_space<hbm>> -> memref<1x400xi32, #tpu.memory_space<hbm>>
    tpu.enqueue_dma source(%dma_start3A_13 : memref<1x400xi32, #tpu.memory_space<hbm>>) target(%arg8 : memref<1x400xi32, #tpu.memory_space<vmem>>) target_semaphore(%arg21 : memref<!tpu.dma_semaphore, #tpu.memory_space<semaphore_mem>>)
    %dma_start3A_14 = arith.constant 1 : i32
    %dma_start3A_15 = arith.constant 0 : i32
    %dma_start3A_16 = arith.constant 0 : i32
    %dma_start3A_17 = tpu.memref_slice %arg2[%dma_start3A_14, %add3A_5, %dma_start3A_15, %dma_start3A_16] : memref<2x8000x1x400xi32, #tpu.memory_space<hbm>> -> memref<1x1x1x400xi32, #tpu.memory_space<hbm>>
    %dma_start3A_18 = tpu.memref_squeeze %dma_start3A_17 : memref<1x1x1x400xi32, #tpu.memory_space<hbm>> -> memref<1x400xi32, #tpu.memory_space<hbm>>
    %dma_start3A_19 = arith.constant 0 : i32
    %dma_start3A_20 = arith.constant 0 : i32
    %dma_start3A_21 = tpu.memref_slice %arg2[%dma_start3A_14, %add3A_5, %dma_start3A_19, %dma_start3A_20] : memref<2x8000x1x400xi32, #tpu.memory_space<hbm>> -> memref<1x1x1x400xi32, #tpu.memory_space<hbm>>
    %dma_start3A_22 = tpu.memref_squeeze %dma_start3A_21 : memref<1x1x1x400xi32, #tpu.memory_space<hbm>> -> memref<1x400xi32, #tpu.memory_space<hbm>>
    tpu.enqueue_dma source(%dma_start3A_22 : memref<1x400xi32, #tpu.memory_space<hbm>>) target(%arg9 : memref<1x400xi32, #tpu.memory_space<vmem>>) target_semaphore(%arg21 : memref<!tpu.dma_semaphore, #tpu.memory_space<semaphore_mem>>)
    %mul3A_23 = arith.constant 500 : i32
    %mul3A_24 = arith.muli %arg1, %mul3A_23 : i32
    %add3A_25 = arith.constant 1 : i32
    %add3A_26 = arith.addi %mul3A_24, %add3A_25 : i32
    %dma_start3A_27 = arith.constant 0 : i32
    %dma_start3A_28 = arith.constant 0 : i32
    %dma_start3A_29 = arith.constant 0 : i32
    %dma_start3A_30 = tpu.memref_slice %arg2[%dma_start3A_27, %add3A_26, %dma_start3A_28, %dma_start3A_29] : memref<2x8000x1x400xi32, #tpu.memory_space<hbm>> -> memref<1x1x1x400xi32, #tpu.memory_space<hbm>>
    %dma_start3A_31 = tpu.memref_squeeze %dma_start3A_30 : memref<1x1x1x400xi32, #tpu.memory_space<hbm>> -> memref<1x400xi32, #tpu.memory_space<hbm>>
    %dma_start3A_32 = arith.constant 0 : i32
    %dma_start3A_33 = arith.constant 0 : i32
    %dma_start3A_34 = tpu.memref_slice %arg2[%dma_start3A_27, %add3A_26, %dma_start3A_32, %dma_start3A_33] : memref<2x8000x1x400xi32, #tpu.memory_space<hbm>> -> memref<1x1x1x400xi32, #tpu.memory_space<hbm>>
    %dma_start3A_35 = tpu.memref_squeeze %dma_start3A_34 : memref<1x1x1x400xi32, #tpu.memory_space<hbm>> -> memref<1x400xi32, #tpu.memory_space<hbm>>
    tpu.enqueue_dma source(%dma_start3A_35 : memref<1x400xi32, #tpu.memory_space<hbm>>) target(%arg11 : memref<1x400xi32, #tpu.memory_space<vmem>>) target_semaphore(%arg22 : memref<!tpu.dma_semaphore, #tpu.memory_space<semaphore_mem>>)
    %dma_start3A_36 = arith.constant 1 : i32
    %dma_start3A_37 = arith.constant 0 : i32
    %dma_start3A_38 = arith.constant 0 : i32
    %dma_start3A_39 = tpu.memref_slice %arg2[%dma_start3A_36, %add3A_26, %dma_start3A_37, %dma_start3A_38] : memref<2x8000x1x400xi32, #tpu.memory_space<hbm>> -> memref<1x1x1x400xi32, #tpu.memory_space<hbm>>
    %dma_start3A_40 = tpu.memref_squeeze %dma_start3A_39 : memref<1x1x1x400xi32, #tpu.memory_space<hbm>> -> memref<1x400xi32, #tpu.memory_space<hbm>>
    %dma_start3A_41 = arith.constant 0 : i32
    %dma_start3A_42 = arith.constant 0 : i32
    %dma_start3A_43 = tpu.memref_slice %arg2[%dma_start3A_36, %add3A_26, %dma_start3A_41, %dma_start3A_42] : memref<2x8000x1x400xi32, #tpu.memory_space<hbm>> -> memref<1x1x1x400xi32, #tpu.memory_space<hbm>>
    %dma_start3A_44 = tpu.memref_squeeze %dma_start3A_43 : memref<1x1x1x400xi32, #tpu.memory_space<hbm>> -> memref<1x400xi32, #tpu.memory_space<hbm>>
    tpu.enqueue_dma source(%dma_start3A_44 : memref<1x400xi32, #tpu.memory_space<hbm>>) target(%arg12 : memref<1x400xi32, #tpu.memory_space<vmem>>) target_semaphore(%arg22 : memref<!tpu.dma_semaphore, #tpu.memory_space<semaphore_mem>>)
    %mul3A_45 = arith.constant 500 : i32
    %mul3A_46 = arith.muli %arg1, %mul3A_45 : i32
    %add3A_47 = arith.constant 0 : i32
    %add3A_48 = arith.addi %mul3A_46, %add3A_47 : i32
    %dma_wait3A = arith.constant 0 : i32
    %dma_wait3A_49 = arith.constant 0 : i32
    %dma_wait3A_50 = arith.constant 0 : i32
    %dma_wait3A_51 = tpu.memref_slice %arg2[%dma_wait3A, %add3A_48, %dma_wait3A_49, %dma_wait3A_50] : memref<2x8000x1x400xi32, #tpu.memory_space<hbm>> -> memref<1x1x1x400xi32, #tpu.memory_space<hbm>>
    %dma_wait3A_52 = tpu.memref_squeeze %dma_wait3A_51 : memref<1x1x1x400xi32, #tpu.memory_space<hbm>> -> memref<1x400xi32, #tpu.memory_space<hbm>>
    %dma_wait3A_53 = arith.constant 0 : i32
    %dma_wait3A_54 = arith.constant 0 : i32
    %dma_wait3A_55 = tpu.memref_slice %arg2[%dma_wait3A, %add3A_48, %dma_wait3A_53, %dma_wait3A_54] : memref<2x8000x1x400xi32, #tpu.memory_space<hbm>> -> memref<1x1x1x400xi32, #tpu.memory_space<hbm>>
    %dma_wait3A_56 = tpu.memref_squeeze %dma_wait3A_55 : memref<1x1x1x400xi32, #tpu.memory_space<hbm>> -> memref<1x400xi32, #tpu.memory_space<hbm>>
    tpu.wait_dma2 semaphore(%arg21 : memref<!tpu.dma_semaphore, #tpu.memory_space<semaphore_mem>>) src(%dma_wait3A_56 : memref<1x400xi32, #tpu.memory_space<hbm>>) dst(%arg8 : memref<1x400xi32, #tpu.memory_space<vmem>>)
    %dma_wait3A_57 = arith.constant 1 : i32
    %dma_wait3A_58 = arith.constant 0 : i32
    %dma_wait3A_59 = arith.constant 0 : i32
    %dma_wait3A_60 = tpu.memref_slice %arg2[%dma_wait3A_57, %add3A_48, %dma_wait3A_58, %dma_wait3A_59] : memref<2x8000x1x400xi32, #tpu.memory_space<hbm>> -> memref<1x1x1x400xi32, #tpu.memory_space<hbm>>
    %dma_wait3A_61 = tpu.memref_squeeze %dma_wait3A_60 : memref<1x1x1x400xi32, #tpu.memory_space<hbm>> -> memref<1x400xi32, #tpu.memory_space<hbm>>
    %dma_wait3A_62 = arith.constant 0 : i32
    %dma_wait3A_63 = arith.constant 0 : i32
    %dma_wait3A_64 = tpu.memref_slice %arg2[%dma_wait3A_57, %add3A_48, %dma_wait3A_62, %dma_wait3A_63] : memref<2x8000x1x400xi32, #tpu.memory_space<hbm>> -> memref<1x1x1x400xi32, #tpu.memory_space<hbm>>
    %dma_wait3A_65 = tpu.memref_squeeze %dma_wait3A_64 : memref<1x1x1x400xi32, #tpu.memory_space<hbm>> -> memref<1x400xi32, #tpu.memory_space<hbm>>
    tpu.wait_dma2 semaphore(%arg21 : memref<!tpu.dma_semaphore, #tpu.memory_space<semaphore_mem>>) src(%dma_wait3A_65 : memref<1x400xi32, #tpu.memory_space<hbm>>) dst(%arg9 : memref<1x400xi32, #tpu.memory_space<vmem>>)
    %eq3A = arith.constant 0 : i32
    %eq3A_66 = arith.cmpi eq, %arg0, %eq3A : i32
    %convert_element_type3A = arith.extui %eq3A_66 : i1 to i32
    %cond3A = arith.constant 0 : i32
    %cond3A_67 = arith.cmpi ne, %convert_element_type3A, %cond3A : i32
    scf.if %cond3A_67 {
      %dma_start3A_103 = arith.constant 0 : i32
      %dma_start3A_104 = arith.constant 0 : i32
      %dma_start3A_105 = tpu.memref_slice %arg8[%dma_start3A_103, %dma_start3A_104] : memref<1x400xi32, #tpu.memory_space<vmem>> -> memref<1x400xi32, #tpu.memory_space<vmem>>
      %dma_start3A_106 = tpu.memref_squeeze %dma_start3A_105 : memref<1x400xi32, #tpu.memory_space<vmem>> -> memref<400xi32, #tpu.memory_space<vmem>>
      %dma_start3A_107 = arith.constant 0 : i32
      %dma_start3A_108 = arith.constant 0 : i32
      %dma_start3A_109 = tpu.memref_slice %arg3[%dma_start3A_107, %dma_start3A_108] : memref<102400x16xf32, #tpu.memory_space<hbm>> -> memref<102400x16xf32, #tpu.memory_space<hbm>>
      tpu.enqueue_indirect_dma source(%dma_start3A_109 : memref<102400x16xf32, #tpu.memory_space<hbm>>) target(%arg10 : memref<400x16xf32, #tpu.memory_space<vmem>>) offsets(%dma_start3A_106 : memref<400xi32, #tpu.memory_space<vmem>>) semaphore(%arg25 : memref<!tpu.dma_semaphore, #tpu.memory_space<semaphore_mem>>)
    } else {
    }
    %eq3A_68 = arith.constant 1 : i32
    %eq3A_69 = arith.cmpi eq, %arg0, %eq3A_68 : i32
    %convert_element_type3A_70 = arith.extui %eq3A_69 : i1 to i32
    %cond3A_71 = arith.constant 0 : i32
    %cond3A_72 = arith.cmpi ne, %convert_element_type3A_70, %cond3A_71 : i32
    scf.if %cond3A_72 {
      %dma_start3A_103 = arith.constant 0 : i32
      %dma_start3A_104 = arith.constant 0 : i32
      %dma_start3A_105 = tpu.memref_slice %arg8[%dma_start3A_103, %dma_start3A_104] : memref<1x400xi32, #tpu.memory_space<vmem>> -> memref<1x400xi32, #tpu.memory_space<vmem>>
      %dma_start3A_106 = tpu.memref_squeeze %dma_start3A_105 : memref<1x400xi32, #tpu.memory_space<vmem>> -> memref<400xi32, #tpu.memory_space<vmem>>
      %dma_start3A_107 = arith.constant 0 : i32
      %dma_start3A_108 = arith.constant 0 : i32
      %dma_start3A_109 = tpu.memref_slice %arg4[%dma_start3A_107, %dma_start3A_108] : memref<102400x16xf32, #tpu.memory_space<hbm>> -> memref<102400x16xf32, #tpu.memory_space<hbm>>
      tpu.enqueue_indirect_dma source(%dma_start3A_109 : memref<102400x16xf32, #tpu.memory_space<hbm>>) target(%arg10 : memref<400x16xf32, #tpu.memory_space<vmem>>) offsets(%dma_start3A_106 : memref<400xi32, #tpu.memory_space<vmem>>) semaphore(%arg25 : memref<!tpu.dma_semaphore, #tpu.memory_space<semaphore_mem>>)
    } else {
    }
    %scan3A = arith.constant 0 : i32
    %scan3A_73 = arith.constant 0 : i32
    %scan3A_74 = arith.constant 125 : i32
    %scan3A_75 = arith.addi %scan3A_73, %scan3A_74 : i32
    %scan3A_76 = arith.constant 1 : i32
    scf.for %scan3A_103 = %scan3A_73 to %scan3A_75 step %scan3A_76  : i32 {
      %mul3A_104 = arith.constant 4 : i32
      %mul3A_105 = arith.muli %mul3A_104, %scan3A_103 : i32
      %add3A_106 = arith.constant 0 : i32
      %add3A_107 = arith.addi %mul3A_105, %add3A_106 : i32
      %ge3A = arith.constant 2 : i32
      %ge3A_108 = arith.cmpi sge, %add3A_107, %ge3A : i32
      %convert_element_type3A_109 = arith.extui %ge3A_108 : i1 to i32
      %cond3A_110 = arith.constant 0 : i32
      %cond3A_111 = arith.cmpi ne, %convert_element_type3A_109, %cond3A_110 : i32
      scf.if %cond3A_111 {
        %dma_wait3A_250 = arith.constant 0 : i32
        %dma_wait3A_251 = arith.constant 0 : i32
        %dma_wait3A_252 = tpu.memref_slice %arg15[%dma_wait3A_250, %dma_wait3A_251] : memref<1x400xi32, #tpu.memory_space<vmem>> -> memref<1x400xi32, #tpu.memory_space<vmem>>
        %dma_wait3A_253 = tpu.memref_squeeze %dma_wait3A_252 : memref<1x400xi32, #tpu.memory_space<vmem>> -> memref<400xi32, #tpu.memory_space<vmem>>
        %dma_wait3A_254 = arith.constant 0 : i32
        %dma_wait3A_255 = arith.constant 0 : i32
        %dma_wait3A_256 = tpu.memref_slice %arg20[%dma_wait3A_254, %dma_wait3A_255] : memref<100000x16xf32, #tpu.memory_space<vmem_shared>> -> memref<100000x16xf32, #tpu.memory_space<vmem_shared>>
        tpu.wait_indirect_dma semaphore(%arg31 : memref<!tpu.dma_semaphore, #tpu.memory_space<semaphore_mem>>) src(%arg16 : memref<400x16xf32, #tpu.memory_space<vmem>>) dst(%dma_wait3A_256 : memref<100000x16xf32, #tpu.memory_space<vmem_shared>>)
      } else {
      }
      %add3A_112 = arith.constant 2 : i32
      %add3A_113 = arith.addi %add3A_107, %add3A_112 : i32
      %lt3A = arith.constant 500 : i32
      %lt3A_114 = arith.cmpi slt, %add3A_113, %lt3A : i32
      %convert_element_type3A_115 = arith.extui %lt3A_114 : i1 to i32
      %cond3A_116 = arith.constant 0 : i32
      %cond3A_117 = arith.cmpi ne, %convert_element_type3A_115, %cond3A_116 : i32
      scf.if %cond3A_117 {
        %add3A_250 = arith.constant 2 : i32
        %add3A_251 = arith.addi %add3A_107, %add3A_250 : i32
        %mul3A_252 = arith.constant 500 : i32
        %mul3A_253 = arith.muli %arg1, %mul3A_252 : i32
        %add3A_254 = arith.addi %mul3A_253, %add3A_251 : i32
        %dma_start3A_255 = arith.constant 0 : i32
        %dma_start3A_256 = arith.constant 0 : i32
        %dma_start3A_257 = arith.constant 0 : i32
        %dma_start3A_258 = tpu.memref_slice %arg2[%dma_start3A_255, %add3A_254, %dma_start3A_256, %dma_start3A_257] : memref<2x8000x1x400xi32, #tpu.memory_space<hbm>> -> memref<1x1x1x400xi32, #tpu.memory_space<hbm>>
        %dma_start3A_259 = tpu.memref_squeeze %dma_start3A_258 : memref<1x1x1x400xi32, #tpu.memory_space<hbm>> -> memref<1x400xi32, #tpu.memory_space<hbm>>
        %dma_start3A_260 = arith.constant 0 : i32
        %dma_start3A_261 = arith.constant 0 : i32
        %dma_start3A_262 = tpu.memref_slice %arg2[%dma_start3A_255, %add3A_254, %dma_start3A_260, %dma_start3A_261] : memref<2x8000x1x400xi32, #tpu.memory_space<hbm>> -> memref<1x1x1x400xi32, #tpu.memory_space<hbm>>
        %dma_start3A_263 = tpu.memref_squeeze %dma_start3A_262 : memref<1x1x1x400xi32, #tpu.memory_space<hbm>> -> memref<1x400xi32, #tpu.memory_space<hbm>>
        tpu.enqueue_dma source(%dma_start3A_263 : memref<1x400xi32, #tpu.memory_space<hbm>>) target(%arg14 : memref<1x400xi32, #tpu.memory_space<vmem>>) target_semaphore(%arg23 : memref<!tpu.dma_semaphore, #tpu.memory_space<semaphore_mem>>)
        %dma_start3A_264 = arith.constant 1 : i32
        %dma_start3A_265 = arith.constant 0 : i32
        %dma_start3A_266 = arith.constant 0 : i32
        %dma_start3A_267 = tpu.memref_slice %arg2[%dma_start3A_264, %add3A_254, %dma_start3A_265, %dma_start3A_266] : memref<2x8000x1x400xi32, #tpu.memory_space<hbm>> -> memref<1x1x1x400xi32, #tpu.memory_space<hbm>>
        %dma_start3A_268 = tpu.memref_squeeze %dma_start3A_267 : memref<1x1x1x400xi32, #tpu.memory_space<hbm>> -> memref<1x400xi32, #tpu.memory_space<hbm>>
        %dma_start3A_269 = arith.constant 0 : i32
        %dma_start3A_270 = arith.constant 0 : i32
        %dma_start3A_271 = tpu.memref_slice %arg2[%dma_start3A_264, %add3A_254, %dma_start3A_269, %dma_start3A_270] : memref<2x8000x1x400xi32, #tpu.memory_space<hbm>> -> memref<1x1x1x400xi32, #tpu.memory_space<hbm>>
        %dma_start3A_272 = tpu.memref_squeeze %dma_start3A_271 : memref<1x1x1x400xi32, #tpu.memory_space<hbm>> -> memref<1x400xi32, #tpu.memory_space<hbm>>
        tpu.enqueue_dma source(%dma_start3A_272 : memref<1x400xi32, #tpu.memory_space<hbm>>) target(%arg15 : memref<1x400xi32, #tpu.memory_space<vmem>>) target_semaphore(%arg23 : memref<!tpu.dma_semaphore, #tpu.memory_space<semaphore_mem>>)
      } else {
      }
      %add3A_118 = arith.constant 1 : i32
      %add3A_119 = arith.addi %add3A_107, %add3A_118 : i32
      %lt3A_120 = arith.constant 500 : i32
      %lt3A_121 = arith.cmpi slt, %add3A_119, %lt3A_120 : i32
      %convert_element_type3A_122 = arith.extui %lt3A_121 : i1 to i32
      %cond3A_123 = arith.constant 0 : i32
      %cond3A_124 = arith.cmpi ne, %convert_element_type3A_122, %cond3A_123 : i32
      scf.if %cond3A_124 {
        %add3A_250 = arith.constant 1 : i32
        %add3A_251 = arith.addi %add3A_107, %add3A_250 : i32
        %mul3A_252 = arith.constant 500 : i32
        %mul3A_253 = arith.muli %arg1, %mul3A_252 : i32
        %add3A_254 = arith.addi %mul3A_253, %add3A_251 : i32
        %dma_wait3A_255 = arith.constant 0 : i32
        %dma_wait3A_256 = arith.constant 0 : i32
        %dma_wait3A_257 = arith.constant 0 : i32
        %dma_wait3A_258 = tpu.memref_slice %arg2[%dma_wait3A_255, %add3A_254, %dma_wait3A_256, %dma_wait3A_257] : memref<2x8000x1x400xi32, #tpu.memory_space<hbm>> -> memref<1x1x1x400xi32, #tpu.memory_space<hbm>>
        %dma_wait3A_259 = tpu.memref_squeeze %dma_wait3A_258 : memref<1x1x1x400xi32, #tpu.memory_space<hbm>> -> memref<1x400xi32, #tpu.memory_space<hbm>>
        %dma_wait3A_260 = arith.constant 0 : i32
        %dma_wait3A_261 = arith.constant 0 : i32
        %dma_wait3A_262 = tpu.memref_slice %arg2[%dma_wait3A_255, %add3A_254, %dma_wait3A_260, %dma_wait3A_261] : memref<2x8000x1x400xi32, #tpu.memory_space<hbm>> -> memref<1x1x1x400xi32, #tpu.memory_space<hbm>>
        %dma_wait3A_263 = tpu.memref_squeeze %dma_wait3A_262 : memref<1x1x1x400xi32, #tpu.memory_space<hbm>> -> memref<1x400xi32, #tpu.memory_space<hbm>>
        tpu.wait_dma2 semaphore(%arg22 : memref<!tpu.dma_semaphore, #tpu.memory_space<semaphore_mem>>) src(%dma_wait3A_263 : memref<1x400xi32, #tpu.memory_space<hbm>>) dst(%arg11 : memref<1x400xi32, #tpu.memory_space<vmem>>)
        %dma_wait3A_264 = arith.constant 1 : i32
        %dma_wait3A_265 = arith.constant 0 : i32
        %dma_wait3A_266 = arith.constant 0 : i32
        %dma_wait3A_267 = tpu.memref_slice %arg2[%dma_wait3A_264, %add3A_254, %dma_wait3A_265, %dma_wait3A_266] : memref<2x8000x1x400xi32, #tpu.memory_space<hbm>> -> memref<1x1x1x400xi32, #tpu.memory_space<hbm>>
        %dma_wait3A_268 = tpu.memref_squeeze %dma_wait3A_267 : memref<1x1x1x400xi32, #tpu.memory_space<hbm>> -> memref<1x400xi32, #tpu.memory_space<hbm>>
        %dma_wait3A_269 = arith.constant 0 : i32
        %dma_wait3A_270 = arith.constant 0 : i32
        %dma_wait3A_271 = tpu.memref_slice %arg2[%dma_wait3A_264, %add3A_254, %dma_wait3A_269, %dma_wait3A_270] : memref<2x8000x1x400xi32, #tpu.memory_space<hbm>> -> memref<1x1x1x400xi32, #tpu.memory_space<hbm>>
        %dma_wait3A_272 = tpu.memref_squeeze %dma_wait3A_271 : memref<1x1x1x400xi32, #tpu.memory_space<hbm>> -> memref<1x400xi32, #tpu.memory_space<hbm>>
        tpu.wait_dma2 semaphore(%arg22 : memref<!tpu.dma_semaphore, #tpu.memory_space<semaphore_mem>>) src(%dma_wait3A_272 : memref<1x400xi32, #tpu.memory_space<hbm>>) dst(%arg12 : memref<1x400xi32, #tpu.memory_space<vmem>>)
        %eq3A_273 = arith.constant 0 : i32
        %eq3A_274 = arith.cmpi eq, %arg0, %eq3A_273 : i32
        %convert_element_type3A_275 = arith.extui %eq3A_274 : i1 to i32
        %cond3A_276 = arith.constant 0 : i32
        %cond3A_277 = arith.cmpi ne, %convert_element_type3A_275, %cond3A_276 : i32
        scf.if %cond3A_277 {
          %dma_start3A_283 = arith.constant 0 : i32
          %dma_start3A_284 = arith.constant 0 : i32
          %dma_start3A_285 = tpu.memref_slice %arg11[%dma_start3A_283, %dma_start3A_284] : memref<1x400xi32, #tpu.memory_space<vmem>> -> memref<1x400xi32, #tpu.memory_space<vmem>>
          %dma_start3A_286 = tpu.memref_squeeze %dma_start3A_285 : memref<1x400xi32, #tpu.memory_space<vmem>> -> memref<400xi32, #tpu.memory_space<vmem>>
          %dma_start3A_287 = arith.constant 0 : i32
          %dma_start3A_288 = arith.constant 0 : i32
          %dma_start3A_289 = tpu.memref_slice %arg3[%dma_start3A_287, %dma_start3A_288] : memref<102400x16xf32, #tpu.memory_space<hbm>> -> memref<102400x16xf32, #tpu.memory_space<hbm>>
          tpu.enqueue_indirect_dma source(%dma_start3A_289 : memref<102400x16xf32, #tpu.memory_space<hbm>>) target(%arg13 : memref<400x16xf32, #tpu.memory_space<vmem>>) offsets(%dma_start3A_286 : memref<400xi32, #tpu.memory_space<vmem>>) semaphore(%arg26 : memref<!tpu.dma_semaphore, #tpu.memory_space<semaphore_mem>>)
        } else {
        }
        %eq3A_278 = arith.constant 1 : i32
        %eq3A_279 = arith.cmpi eq, %arg0, %eq3A_278 : i32
        %convert_element_type3A_280 = arith.extui %eq3A_279 : i1 to i32
        %cond3A_281 = arith.constant 0 : i32
        %cond3A_282 = arith.cmpi ne, %convert_element_type3A_280, %cond3A_281 : i32
        scf.if %cond3A_282 {
          %dma_start3A_283 = arith.constant 0 : i32
          %dma_start3A_284 = arith.constant 0 : i32
          %dma_start3A_285 = tpu.memref_slice %arg11[%dma_start3A_283, %dma_start3A_284] : memref<1x400xi32, #tpu.memory_space<vmem>> -> memref<1x400xi32, #tpu.memory_space<vmem>>
          %dma_start3A_286 = tpu.memref_squeeze %dma_start3A_285 : memref<1x400xi32, #tpu.memory_space<vmem>> -> memref<400xi32, #tpu.memory_space<vmem>>
          %dma_start3A_287 = arith.constant 0 : i32
          %dma_start3A_288 = arith.constant 0 : i32
          %dma_start3A_289 = tpu.memref_slice %arg4[%dma_start3A_287, %dma_start3A_288] : memref<102400x16xf32, #tpu.memory_space<hbm>> -> memref<102400x16xf32, #tpu.memory_space<hbm>>
          tpu.enqueue_indirect_dma source(%dma_start3A_289 : memref<102400x16xf32, #tpu.memory_space<hbm>>) target(%arg13 : memref<400x16xf32, #tpu.memory_space<vmem>>) offsets(%dma_start3A_286 : memref<400xi32, #tpu.memory_space<vmem>>) semaphore(%arg26 : memref<!tpu.dma_semaphore, #tpu.memory_space<semaphore_mem>>)
        } else {
        }
      } else {
      }
      %dma_wait3A_125 = arith.constant 0 : i32
      %dma_wait3A_126 = arith.constant 0 : i32
      %dma_wait3A_127 = tpu.memref_slice %arg8[%dma_wait3A_125, %dma_wait3A_126] : memref<1x400xi32, #tpu.memory_space<vmem>> -> memref<1x400xi32, #tpu.memory_space<vmem>>
      %dma_wait3A_128 = tpu.memref_squeeze %dma_wait3A_127 : memref<1x400xi32, #tpu.memory_space<vmem>> -> memref<400xi32, #tpu.memory_space<vmem>>
      %dma_wait3A_129 = arith.constant 0 : i32
      %dma_wait3A_130 = arith.constant 0 : i32
      %dma_wait3A_131 = tpu.memref_slice %arg3[%dma_wait3A_129, %dma_wait3A_130] : memref<102400x16xf32, #tpu.memory_space<hbm>> -> memref<102400x16xf32, #tpu.memory_space<hbm>>
      tpu.wait_indirect_dma semaphore(%arg25 : memref<!tpu.dma_semaphore, #tpu.memory_space<semaphore_mem>>) src(%dma_wait3A_131 : memref<102400x16xf32, #tpu.memory_space<hbm>>) dst(%arg10 : memref<400x16xf32, #tpu.memory_space<vmem>>)
      %dma_start3A_132 = arith.constant 0 : i32
      %dma_start3A_133 = arith.constant 0 : i32
      %dma_start3A_134 = tpu.memref_slice %arg9[%dma_start3A_132, %dma_start3A_133] : memref<1x400xi32, #tpu.memory_space<vmem>> -> memref<1x400xi32, #tpu.memory_space<vmem>>
      %dma_start3A_135 = tpu.memref_squeeze %dma_start3A_134 : memref<1x400xi32, #tpu.memory_space<vmem>> -> memref<400xi32, #tpu.memory_space<vmem>>
      %dma_start3A_136 = arith.constant 0 : i32
      %dma_start3A_137 = arith.constant 0 : i32
      %dma_start3A_138 = tpu.memref_slice %arg20[%dma_start3A_136, %dma_start3A_137] : memref<100000x16xf32, #tpu.memory_space<vmem_shared>> -> memref<100000x16xf32, #tpu.memory_space<vmem_shared>>
      tpu.enqueue_indirect_dma source(%arg10 : memref<400x16xf32, #tpu.memory_space<vmem>>) target(%dma_start3A_138 : memref<100000x16xf32, #tpu.memory_space<vmem_shared>>) offsets(%dma_start3A_135 : memref<400xi32, #tpu.memory_space<vmem>>) semaphore(%arg29 : memref<!tpu.dma_semaphore, #tpu.memory_space<semaphore_mem>>) {add = true}
      %mul3A_139 = arith.constant 4 : i32
      %mul3A_140 = arith.muli %mul3A_139, %scan3A_103 : i32
      %add3A_141 = arith.constant 1 : i32
      %add3A_142 = arith.addi %mul3A_140, %add3A_141 : i32
      %ge3A_143 = arith.constant 2 : i32
      %ge3A_144 = arith.cmpi sge, %add3A_142, %ge3A_143 : i32
      %convert_element_type3A_145 = arith.extui %ge3A_144 : i1 to i32
      %cond3A_146 = arith.constant 0 : i32
      %cond3A_147 = arith.cmpi ne, %convert_element_type3A_145, %cond3A_146 : i32
      scf.if %cond3A_147 {
        %dma_wait3A_250 = arith.constant 0 : i32
        %dma_wait3A_251 = arith.constant 0 : i32
        %dma_wait3A_252 = tpu.memref_slice %arg18[%dma_wait3A_250, %dma_wait3A_251] : memref<1x400xi32, #tpu.memory_space<vmem>> -> memref<1x400xi32, #tpu.memory_space<vmem>>
        %dma_wait3A_253 = tpu.memref_squeeze %dma_wait3A_252 : memref<1x400xi32, #tpu.memory_space<vmem>> -> memref<400xi32, #tpu.memory_space<vmem>>
        %dma_wait3A_254 = arith.constant 0 : i32
        %dma_wait3A_255 = arith.constant 0 : i32
        %dma_wait3A_256 = tpu.memref_slice %arg20[%dma_wait3A_254, %dma_wait3A_255] : memref<100000x16xf32, #tpu.memory_space<vmem_shared>> -> memref<100000x16xf32, #tpu.memory_space<vmem_shared>>
        tpu.wait_indirect_dma semaphore(%arg32 : memref<!tpu.dma_semaphore, #tpu.memory_space<semaphore_mem>>) src(%arg19 : memref<400x16xf32, #tpu.memory_space<vmem>>) dst(%dma_wait3A_256 : memref<100000x16xf32, #tpu.memory_space<vmem_shared>>)
      } else {
      }
      %add3A_148 = arith.constant 2 : i32
      %add3A_149 = arith.addi %add3A_142, %add3A_148 : i32
      %lt3A_150 = arith.constant 500 : i32
      %lt3A_151 = arith.cmpi slt, %add3A_149, %lt3A_150 : i32
      %convert_element_type3A_152 = arith.extui %lt3A_151 : i1 to i32
      %cond3A_153 = arith.constant 0 : i32
      %cond3A_154 = arith.cmpi ne, %convert_element_type3A_152, %cond3A_153 : i32
      scf.if %cond3A_154 {
        %add3A_250 = arith.constant 2 : i32
        %add3A_251 = arith.addi %add3A_142, %add3A_250 : i32
        %mul3A_252 = arith.constant 500 : i32
        %mul3A_253 = arith.muli %arg1, %mul3A_252 : i32
        %add3A_254 = arith.addi %mul3A_253, %add3A_251 : i32
        %dma_start3A_255 = arith.constant 0 : i32
        %dma_start3A_256 = arith.constant 0 : i32
        %dma_start3A_257 = arith.constant 0 : i32
        %dma_start3A_258 = tpu.memref_slice %arg2[%dma_start3A_255, %add3A_254, %dma_start3A_256, %dma_start3A_257] : memref<2x8000x1x400xi32, #tpu.memory_space<hbm>> -> memref<1x1x1x400xi32, #tpu.memory_space<hbm>>
        %dma_start3A_259 = tpu.memref_squeeze %dma_start3A_258 : memref<1x1x1x400xi32, #tpu.memory_space<hbm>> -> memref<1x400xi32, #tpu.memory_space<hbm>>
        %dma_start3A_260 = arith.constant 0 : i32
        %dma_start3A_261 = arith.constant 0 : i32
        %dma_start3A_262 = tpu.memref_slice %arg2[%dma_start3A_255, %add3A_254, %dma_start3A_260, %dma_start3A_261] : memref<2x8000x1x400xi32, #tpu.memory_space<hbm>> -> memref<1x1x1x400xi32, #tpu.memory_space<hbm>>
        %dma_start3A_263 = tpu.memref_squeeze %dma_start3A_262 : memref<1x1x1x400xi32, #tpu.memory_space<hbm>> -> memref<1x400xi32, #tpu.memory_space<hbm>>
        tpu.enqueue_dma source(%dma_start3A_263 : memref<1x400xi32, #tpu.memory_space<hbm>>) target(%arg17 : memref<1x400xi32, #tpu.memory_space<vmem>>) target_semaphore(%arg24 : memref<!tpu.dma_semaphore, #tpu.memory_space<semaphore_mem>>)
        %dma_start3A_264 = arith.constant 1 : i32
        %dma_start3A_265 = arith.constant 0 : i32
        %dma_start3A_266 = arith.constant 0 : i32
        %dma_start3A_267 = tpu.memref_slice %arg2[%dma_start3A_264, %add3A_254, %dma_start3A_265, %dma_start3A_266] : memref<2x8000x1x400xi32, #tpu.memory_space<hbm>> -> memref<1x1x1x400xi32, #tpu.memory_space<hbm>>
        %dma_start3A_268 = tpu.memref_squeeze %dma_start3A_267 : memref<1x1x1x400xi32, #tpu.memory_space<hbm>> -> memref<1x400xi32, #tpu.memory_space<hbm>>
        %dma_start3A_269 = arith.constant 0 : i32
        %dma_start3A_270 = arith.constant 0 : i32
        %dma_start3A_271 = tpu.memref_slice %arg2[%dma_start3A_264, %add3A_254, %dma_start3A_269, %dma_start3A_270] : memref<2x8000x1x400xi32, #tpu.memory_space<hbm>> -> memref<1x1x1x400xi32, #tpu.memory_space<hbm>>
        %dma_start3A_272 = tpu.memref_squeeze %dma_start3A_271 : memref<1x1x1x400xi32, #tpu.memory_space<hbm>> -> memref<1x400xi32, #tpu.memory_space<hbm>>
        tpu.enqueue_dma source(%dma_start3A_272 : memref<1x400xi32, #tpu.memory_space<hbm>>) target(%arg18 : memref<1x400xi32, #tpu.memory_space<vmem>>) target_semaphore(%arg24 : memref<!tpu.dma_semaphore, #tpu.memory_space<semaphore_mem>>)
      } else {
      }
      %add3A_155 = arith.constant 1 : i32
      %add3A_156 = arith.addi %add3A_142, %add3A_155 : i32
      %lt3A_157 = arith.constant 500 : i32
      %lt3A_158 = arith.cmpi slt, %add3A_156, %lt3A_157 : i32
      %convert_element_type3A_159 = arith.extui %lt3A_158 : i1 to i32
      %cond3A_160 = arith.constant 0 : i32
      %cond3A_161 = arith.cmpi ne, %convert_element_type3A_159, %cond3A_160 : i32
      scf.if %cond3A_161 {
        %add3A_250 = arith.constant 1 : i32
        %add3A_251 = arith.addi %add3A_142, %add3A_250 : i32
        %mul3A_252 = arith.constant 500 : i32
        %mul3A_253 = arith.muli %arg1, %mul3A_252 : i32
        %add3A_254 = arith.addi %mul3A_253, %add3A_251 : i32
        %dma_wait3A_255 = arith.constant 0 : i32
        %dma_wait3A_256 = arith.constant 0 : i32
        %dma_wait3A_257 = arith.constant 0 : i32
        %dma_wait3A_258 = tpu.memref_slice %arg2[%dma_wait3A_255, %add3A_254, %dma_wait3A_256, %dma_wait3A_257] : memref<2x8000x1x400xi32, #tpu.memory_space<hbm>> -> memref<1x1x1x400xi32, #tpu.memory_space<hbm>>
        %dma_wait3A_259 = tpu.memref_squeeze %dma_wait3A_258 : memref<1x1x1x400xi32, #tpu.memory_space<hbm>> -> memref<1x400xi32, #tpu.memory_space<hbm>>
        %dma_wait3A_260 = arith.constant 0 : i32
        %dma_wait3A_261 = arith.constant 0 : i32
        %dma_wait3A_262 = tpu.memref_slice %arg2[%dma_wait3A_255, %add3A_254, %dma_wait3A_260, %dma_wait3A_261] : memref<2x8000x1x400xi32, #tpu.memory_space<hbm>> -> memref<1x1x1x400xi32, #tpu.memory_space<hbm>>
        %dma_wait3A_263 = tpu.memref_squeeze %dma_wait3A_262 : memref<1x1x1x400xi32, #tpu.memory_space<hbm>> -> memref<1x400xi32, #tpu.memory_space<hbm>>
        tpu.wait_dma2 semaphore(%arg23 : memref<!tpu.dma_semaphore, #tpu.memory_space<semaphore_mem>>) src(%dma_wait3A_263 : memref<1x400xi32, #tpu.memory_space<hbm>>) dst(%arg14 : memref<1x400xi32, #tpu.memory_space<vmem>>)
        %dma_wait3A_264 = arith.constant 1 : i32
        %dma_wait3A_265 = arith.constant 0 : i32
        %dma_wait3A_266 = arith.constant 0 : i32
        %dma_wait3A_267 = tpu.memref_slice %arg2[%dma_wait3A_264, %add3A_254, %dma_wait3A_265, %dma_wait3A_266] : memref<2x8000x1x400xi32, #tpu.memory_space<hbm>> -> memref<1x1x1x400xi32, #tpu.memory_space<hbm>>
        %dma_wait3A_268 = tpu.memref_squeeze %dma_wait3A_267 : memref<1x1x1x400xi32, #tpu.memory_space<hbm>> -> memref<1x400xi32, #tpu.memory_space<hbm>>
        %dma_wait3A_269 = arith.constant 0 : i32
        %dma_wait3A_270 = arith.constant 0 : i32
        %dma_wait3A_271 = tpu.memref_slice %arg2[%dma_wait3A_264, %add3A_254, %dma_wait3A_269, %dma_wait3A_270] : memref<2x8000x1x400xi32, #tpu.memory_space<hbm>> -> memref<1x1x1x400xi32, #tpu.memory_space<hbm>>
        %dma_wait3A_272 = tpu.memref_squeeze %dma_wait3A_271 : memref<1x1x1x400xi32, #tpu.memory_space<hbm>> -> memref<1x400xi32, #tpu.memory_space<hbm>>
        tpu.wait_dma2 semaphore(%arg23 : memref<!tpu.dma_semaphore, #tpu.memory_space<semaphore_mem>>) src(%dma_wait3A_272 : memref<1x400xi32, #tpu.memory_space<hbm>>) dst(%arg15 : memref<1x400xi32, #tpu.memory_space<vmem>>)
        %eq3A_273 = arith.constant 0 : i32
        %eq3A_274 = arith.cmpi eq, %arg0, %eq3A_273 : i32
        %convert_element_type3A_275 = arith.extui %eq3A_274 : i1 to i32
        %cond3A_276 = arith.constant 0 : i32
        %cond3A_277 = arith.cmpi ne, %convert_element_type3A_275, %cond3A_276 : i32
        scf.if %cond3A_277 {
          %dma_start3A_283 = arith.constant 0 : i32
          %dma_start3A_284 = arith.constant 0 : i32
          %dma_start3A_285 = tpu.memref_slice %arg14[%dma_start3A_283, %dma_start3A_284] : memref<1x400xi32, #tpu.memory_space<vmem>> -> memref<1x400xi32, #tpu.memory_space<vmem>>
          %dma_start3A_286 = tpu.memref_squeeze %dma_start3A_285 : memref<1x400xi32, #tpu.memory_space<vmem>> -> memref<400xi32, #tpu.memory_space<vmem>>
          %dma_start3A_287 = arith.constant 0 : i32
          %dma_start3A_288 = arith.constant 0 : i32
          %dma_start3A_289 = tpu.memref_slice %arg3[%dma_start3A_287, %dma_start3A_288] : memref<102400x16xf32, #tpu.memory_space<hbm>> -> memref<102400x16xf32, #tpu.memory_space<hbm>>
          tpu.enqueue_indirect_dma source(%dma_start3A_289 : memref<102400x16xf32, #tpu.memory_space<hbm>>) target(%arg16 : memref<400x16xf32, #tpu.memory_space<vmem>>) offsets(%dma_start3A_286 : memref<400xi32, #tpu.memory_space<vmem>>) semaphore(%arg27 : memref<!tpu.dma_semaphore, #tpu.memory_space<semaphore_mem>>)
        } else {
        }
        %eq3A_278 = arith.constant 1 : i32
        %eq3A_279 = arith.cmpi eq, %arg0, %eq3A_278 : i32
        %convert_element_type3A_280 = arith.extui %eq3A_279 : i1 to i32
        %cond3A_281 = arith.constant 0 : i32
        %cond3A_282 = arith.cmpi ne, %convert_element_type3A_280, %cond3A_281 : i32
        scf.if %cond3A_282 {
          %dma_start3A_283 = arith.constant 0 : i32
          %dma_start3A_284 = arith.constant 0 : i32
          %dma_start3A_285 = tpu.memref_slice %arg14[%dma_start3A_283, %dma_start3A_284] : memref<1x400xi32, #tpu.memory_space<vmem>> -> memref<1x400xi32, #tpu.memory_space<vmem>>
          %dma_start3A_286 = tpu.memref_squeeze %dma_start3A_285 : memref<1x400xi32, #tpu.memory_space<vmem>> -> memref<400xi32, #tpu.memory_space<vmem>>
          %dma_start3A_287 = arith.constant 0 : i32
          %dma_start3A_288 = arith.constant 0 : i32
          %dma_start3A_289 = tpu.memref_slice %arg4[%dma_start3A_287, %dma_start3A_288] : memref<102400x16xf32, #tpu.memory_space<hbm>> -> memref<102400x16xf32, #tpu.memory_space<hbm>>
          tpu.enqueue_indirect_dma source(%dma_start3A_289 : memref<102400x16xf32, #tpu.memory_space<hbm>>) target(%arg16 : memref<400x16xf32, #tpu.memory_space<vmem>>) offsets(%dma_start3A_286 : memref<400xi32, #tpu.memory_space<vmem>>) semaphore(%arg27 : memref<!tpu.dma_semaphore, #tpu.memory_space<semaphore_mem>>)
        } else {
        }
      } else {
      }
      %dma_wait3A_162 = arith.constant 0 : i32
      %dma_wait3A_163 = arith.constant 0 : i32
      %dma_wait3A_164 = tpu.memref_slice %arg11[%dma_wait3A_162, %dma_wait3A_163] : memref<1x400xi32, #tpu.memory_space<vmem>> -> memref<1x400xi32, #tpu.memory_space<vmem>>
      %dma_wait3A_165 = tpu.memref_squeeze %dma_wait3A_164 : memref<1x400xi32, #tpu.memory_space<vmem>> -> memref<400xi32, #tpu.memory_space<vmem>>
      %dma_wait3A_166 = arith.constant 0 : i32
      %dma_wait3A_167 = arith.constant 0 : i32
      %dma_wait3A_168 = tpu.memref_slice %arg3[%dma_wait3A_166, %dma_wait3A_167] : memref<102400x16xf32, #tpu.memory_space<hbm>> -> memref<102400x16xf32, #tpu.memory_space<hbm>>
      tpu.wait_indirect_dma semaphore(%arg26 : memref<!tpu.dma_semaphore, #tpu.memory_space<semaphore_mem>>) src(%dma_wait3A_168 : memref<102400x16xf32, #tpu.memory_space<hbm>>) dst(%arg13 : memref<400x16xf32, #tpu.memory_space<vmem>>)
      %dma_start3A_169 = arith.constant 0 : i32
      %dma_start3A_170 = arith.constant 0 : i32
      %dma_start3A_171 = tpu.memref_slice %arg12[%dma_start3A_169, %dma_start3A_170] : memref<1x400xi32, #tpu.memory_space<vmem>> -> memref<1x400xi32, #tpu.memory_space<vmem>>
      %dma_start3A_172 = tpu.memref_squeeze %dma_start3A_171 : memref<1x400xi32, #tpu.memory_space<vmem>> -> memref<400xi32, #tpu.memory_space<vmem>>
      %dma_start3A_173 = arith.constant 0 : i32
      %dma_start3A_174 = arith.constant 0 : i32
      %dma_start3A_175 = tpu.memref_slice %arg20[%dma_start3A_173, %dma_start3A_174] : memref<100000x16xf32, #tpu.memory_space<vmem_shared>> -> memref<100000x16xf32, #tpu.memory_space<vmem_shared>>
      tpu.enqueue_indirect_dma source(%arg13 : memref<400x16xf32, #tpu.memory_space<vmem>>) target(%dma_start3A_175 : memref<100000x16xf32, #tpu.memory_space<vmem_shared>>) offsets(%dma_start3A_172 : memref<400xi32, #tpu.memory_space<vmem>>) semaphore(%arg30 : memref<!tpu.dma_semaphore, #tpu.memory_space<semaphore_mem>>) {add = true}
      %mul3A_176 = arith.constant 4 : i32
      %mul3A_177 = arith.muli %mul3A_176, %scan3A_103 : i32
      %add3A_178 = arith.constant 2 : i32
      %add3A_179 = arith.addi %mul3A_177, %add3A_178 : i32
      %ge3A_180 = arith.constant 2 : i32
      %ge3A_181 = arith.cmpi sge, %add3A_179, %ge3A_180 : i32
      %convert_element_type3A_182 = arith.extui %ge3A_181 : i1 to i32
      %cond3A_183 = arith.constant 0 : i32
      %cond3A_184 = arith.cmpi ne, %convert_element_type3A_182, %cond3A_183 : i32
      scf.if %cond3A_184 {
        %dma_wait3A_250 = arith.constant 0 : i32
        %dma_wait3A_251 = arith.constant 0 : i32
        %dma_wait3A_252 = tpu.memref_slice %arg9[%dma_wait3A_250, %dma_wait3A_251] : memref<1x400xi32, #tpu.memory_space<vmem>> -> memref<1x400xi32, #tpu.memory_space<vmem>>
        %dma_wait3A_253 = tpu.memref_squeeze %dma_wait3A_252 : memref<1x400xi32, #tpu.memory_space<vmem>> -> memref<400xi32, #tpu.memory_space<vmem>>
        %dma_wait3A_254 = arith.constant 0 : i32
        %dma_wait3A_255 = arith.constant 0 : i32
        %dma_wait3A_256 = tpu.memref_slice %arg20[%dma_wait3A_254, %dma_wait3A_255] : memref<100000x16xf32, #tpu.memory_space<vmem_shared>> -> memref<100000x16xf32, #tpu.memory_space<vmem_shared>>
        tpu.wait_indirect_dma semaphore(%arg29 : memref<!tpu.dma_semaphore, #tpu.memory_space<semaphore_mem>>) src(%arg10 : memref<400x16xf32, #tpu.memory_space<vmem>>) dst(%dma_wait3A_256 : memref<100000x16xf32, #tpu.memory_space<vmem_shared>>)
      } else {
      }
      %add3A_185 = arith.constant 2 : i32
      %add3A_186 = arith.addi %add3A_179, %add3A_185 : i32
      %lt3A_187 = arith.constant 500 : i32
      %lt3A_188 = arith.cmpi slt, %add3A_186, %lt3A_187 : i32
      %convert_element_type3A_189 = arith.extui %lt3A_188 : i1 to i32
      %cond3A_190 = arith.constant 0 : i32
      %cond3A_191 = arith.cmpi ne, %convert_element_type3A_189, %cond3A_190 : i32
      scf.if %cond3A_191 {
        %add3A_250 = arith.constant 2 : i32
        %add3A_251 = arith.addi %add3A_179, %add3A_250 : i32
        %mul3A_252 = arith.constant 500 : i32
        %mul3A_253 = arith.muli %arg1, %mul3A_252 : i32
        %add3A_254 = arith.addi %mul3A_253, %add3A_251 : i32
        %dma_start3A_255 = arith.constant 0 : i32
        %dma_start3A_256 = arith.constant 0 : i32
        %dma_start3A_257 = arith.constant 0 : i32
        %dma_start3A_258 = tpu.memref_slice %arg2[%dma_start3A_255, %add3A_254, %dma_start3A_256, %dma_start3A_257] : memref<2x8000x1x400xi32, #tpu.memory_space<hbm>> -> memref<1x1x1x400xi32, #tpu.memory_space<hbm>>
        %dma_start3A_259 = tpu.memref_squeeze %dma_start3A_258 : memref<1x1x1x400xi32, #tpu.memory_space<hbm>> -> memref<1x400xi32, #tpu.memory_space<hbm>>
        %dma_start3A_260 = arith.constant 0 : i32
        %dma_start3A_261 = arith.constant 0 : i32
        %dma_start3A_262 = tpu.memref_slice %arg2[%dma_start3A_255, %add3A_254, %dma_start3A_260, %dma_start3A_261] : memref<2x8000x1x400xi32, #tpu.memory_space<hbm>> -> memref<1x1x1x400xi32, #tpu.memory_space<hbm>>
        %dma_start3A_263 = tpu.memref_squeeze %dma_start3A_262 : memref<1x1x1x400xi32, #tpu.memory_space<hbm>> -> memref<1x400xi32, #tpu.memory_space<hbm>>
        tpu.enqueue_dma source(%dma_start3A_263 : memref<1x400xi32, #tpu.memory_space<hbm>>) target(%arg8 : memref<1x400xi32, #tpu.memory_space<vmem>>) target_semaphore(%arg21 : memref<!tpu.dma_semaphore, #tpu.memory_space<semaphore_mem>>)
        %dma_start3A_264 = arith.constant 1 : i32
        %dma_start3A_265 = arith.constant 0 : i32
        %dma_start3A_266 = arith.constant 0 : i32
        %dma_start3A_267 = tpu.memref_slice %arg2[%dma_start3A_264, %add3A_254, %dma_start3A_265, %dma_start3A_266] : memref<2x8000x1x400xi32, #tpu.memory_space<hbm>> -> memref<1x1x1x400xi32, #tpu.memory_space<hbm>>
        %dma_start3A_268 = tpu.memref_squeeze %dma_start3A_267 : memref<1x1x1x400xi32, #tpu.memory_space<hbm>> -> memref<1x400xi32, #tpu.memory_space<hbm>>
        %dma_start3A_269 = arith.constant 0 : i32
        %dma_start3A_270 = arith.constant 0 : i32
        %dma_start3A_271 = tpu.memref_slice %arg2[%dma_start3A_264, %add3A_254, %dma_start3A_269, %dma_start3A_270] : memref<2x8000x1x400xi32, #tpu.memory_space<hbm>> -> memref<1x1x1x400xi32, #tpu.memory_space<hbm>>
        %dma_start3A_272 = tpu.memref_squeeze %dma_start3A_271 : memref<1x1x1x400xi32, #tpu.memory_space<hbm>> -> memref<1x400xi32, #tpu.memory_space<hbm>>
        tpu.enqueue_dma source(%dma_start3A_272 : memref<1x400xi32, #tpu.memory_space<hbm>>) target(%arg9 : memref<1x400xi32, #tpu.memory_space<vmem>>) target_semaphore(%arg21 : memref<!tpu.dma_semaphore, #tpu.memory_space<semaphore_mem>>)
      } else {
      }
      %add3A_192 = arith.constant 1 : i32
      %add3A_193 = arith.addi %add3A_179, %add3A_192 : i32
      %lt3A_194 = arith.constant 500 : i32
      %lt3A_195 = arith.cmpi slt, %add3A_193, %lt3A_194 : i32
      %convert_element_type3A_196 = arith.extui %lt3A_195 : i1 to i32
      %cond3A_197 = arith.constant 0 : i32
      %cond3A_198 = arith.cmpi ne, %convert_element_type3A_196, %cond3A_197 : i32
      scf.if %cond3A_198 {
        %add3A_250 = arith.constant 1 : i32
        %add3A_251 = arith.addi %add3A_179, %add3A_250 : i32
        %mul3A_252 = arith.constant 500 : i32
        %mul3A_253 = arith.muli %arg1, %mul3A_252 : i32
        %add3A_254 = arith.addi %mul3A_253, %add3A_251 : i32
        %dma_wait3A_255 = arith.constant 0 : i32
        %dma_wait3A_256 = arith.constant 0 : i32
        %dma_wait3A_257 = arith.constant 0 : i32
        %dma_wait3A_258 = tpu.memref_slice %arg2[%dma_wait3A_255, %add3A_254, %dma_wait3A_256, %dma_wait3A_257] : memref<2x8000x1x400xi32, #tpu.memory_space<hbm>> -> memref<1x1x1x400xi32, #tpu.memory_space<hbm>>
        %dma_wait3A_259 = tpu.memref_squeeze %dma_wait3A_258 : memref<1x1x1x400xi32, #tpu.memory_space<hbm>> -> memref<1x400xi32, #tpu.memory_space<hbm>>
        %dma_wait3A_260 = arith.constant 0 : i32
        %dma_wait3A_261 = arith.constant 0 : i32
        %dma_wait3A_262 = tpu.memref_slice %arg2[%dma_wait3A_255, %add3A_254, %dma_wait3A_260, %dma_wait3A_261] : memref<2x8000x1x400xi32, #tpu.memory_space<hbm>> -> memref<1x1x1x400xi32, #tpu.memory_space<hbm>>
        %dma_wait3A_263 = tpu.memref_squeeze %dma_wait3A_262 : memref<1x1x1x400xi32, #tpu.memory_space<hbm>> -> memref<1x400xi32, #tpu.memory_space<hbm>>
        tpu.wait_dma2 semaphore(%arg24 : memref<!tpu.dma_semaphore, #tpu.memory_space<semaphore_mem>>) src(%dma_wait3A_263 : memref<1x400xi32, #tpu.memory_space<hbm>>) dst(%arg17 : memref<1x400xi32, #tpu.memory_space<vmem>>)
        %dma_wait3A_264 = arith.constant 1 : i32
        %dma_wait3A_265 = arith.constant 0 : i32
        %dma_wait3A_266 = arith.constant 0 : i32
        %dma_wait3A_267 = tpu.memref_slice %arg2[%dma_wait3A_264, %add3A_254, %dma_wait3A_265, %dma_wait3A_266] : memref<2x8000x1x400xi32, #tpu.memory_space<hbm>> -> memref<1x1x1x400xi32, #tpu.memory_space<hbm>>
        %dma_wait3A_268 = tpu.memref_squeeze %dma_wait3A_267 : memref<1x1x1x400xi32, #tpu.memory_space<hbm>> -> memref<1x400xi32, #tpu.memory_space<hbm>>
        %dma_wait3A_269 = arith.constant 0 : i32
        %dma_wait3A_270 = arith.constant 0 : i32
        %dma_wait3A_271 = tpu.memref_slice %arg2[%dma_wait3A_264, %add3A_254, %dma_wait3A_269, %dma_wait3A_270] : memref<2x8000x1x400xi32, #tpu.memory_space<hbm>> -> memref<1x1x1x400xi32, #tpu.memory_space<hbm>>
        %dma_wait3A_272 = tpu.memref_squeeze %dma_wait3A_271 : memref<1x1x1x400xi32, #tpu.memory_space<hbm>> -> memref<1x400xi32, #tpu.memory_space<hbm>>
        tpu.wait_dma2 semaphore(%arg24 : memref<!tpu.dma_semaphore, #tpu.memory_space<semaphore_mem>>) src(%dma_wait3A_272 : memref<1x400xi32, #tpu.memory_space<hbm>>) dst(%arg18 : memref<1x400xi32, #tpu.memory_space<vmem>>)
        %eq3A_273 = arith.constant 0 : i32
        %eq3A_274 = arith.cmpi eq, %arg0, %eq3A_273 : i32
        %convert_element_type3A_275 = arith.extui %eq3A_274 : i1 to i32
        %cond3A_276 = arith.constant 0 : i32
        %cond3A_277 = arith.cmpi ne, %convert_element_type3A_275, %cond3A_276 : i32
        scf.if %cond3A_277 {
          %dma_start3A_283 = arith.constant 0 : i32
          %dma_start3A_284 = arith.constant 0 : i32
          %dma_start3A_285 = tpu.memref_slice %arg17[%dma_start3A_283, %dma_start3A_284] : memref<1x400xi32, #tpu.memory_space<vmem>> -> memref<1x400xi32, #tpu.memory_space<vmem>>
          %dma_start3A_286 = tpu.memref_squeeze %dma_start3A_285 : memref<1x400xi32, #tpu.memory_space<vmem>> -> memref<400xi32, #tpu.memory_space<vmem>>
          %dma_start3A_287 = arith.constant 0 : i32
          %dma_start3A_288 = arith.constant 0 : i32
          %dma_start3A_289 = tpu.memref_slice %arg3[%dma_start3A_287, %dma_start3A_288] : memref<102400x16xf32, #tpu.memory_space<hbm>> -> memref<102400x16xf32, #tpu.memory_space<hbm>>
          tpu.enqueue_indirect_dma source(%dma_start3A_289 : memref<102400x16xf32, #tpu.memory_space<hbm>>) target(%arg19 : memref<400x16xf32, #tpu.memory_space<vmem>>) offsets(%dma_start3A_286 : memref<400xi32, #tpu.memory_space<vmem>>) semaphore(%arg28 : memref<!tpu.dma_semaphore, #tpu.memory_space<semaphore_mem>>)
        } else {
        }
        %eq3A_278 = arith.constant 1 : i32
        %eq3A_279 = arith.cmpi eq, %arg0, %eq3A_278 : i32
        %convert_element_type3A_280 = arith.extui %eq3A_279 : i1 to i32
        %cond3A_281 = arith.constant 0 : i32
        %cond3A_282 = arith.cmpi ne, %convert_element_type3A_280, %cond3A_281 : i32
        scf.if %cond3A_282 {
          %dma_start3A_283 = arith.constant 0 : i32
          %dma_start3A_284 = arith.constant 0 : i32
          %dma_start3A_285 = tpu.memref_slice %arg17[%dma_start3A_283, %dma_start3A_284] : memref<1x400xi32, #tpu.memory_space<vmem>> -> memref<1x400xi32, #tpu.memory_space<vmem>>
          %dma_start3A_286 = tpu.memref_squeeze %dma_start3A_285 : memref<1x400xi32, #tpu.memory_space<vmem>> -> memref<400xi32, #tpu.memory_space<vmem>>
          %dma_start3A_287 = arith.constant 0 : i32
          %dma_start3A_288 = arith.constant 0 : i32
          %dma_start3A_289 = tpu.memref_slice %arg4[%dma_start3A_287, %dma_start3A_288] : memref<102400x16xf32, #tpu.memory_space<hbm>> -> memref<102400x16xf32, #tpu.memory_space<hbm>>
          tpu.enqueue_indirect_dma source(%dma_start3A_289 : memref<102400x16xf32, #tpu.memory_space<hbm>>) target(%arg19 : memref<400x16xf32, #tpu.memory_space<vmem>>) offsets(%dma_start3A_286 : memref<400xi32, #tpu.memory_space<vmem>>) semaphore(%arg28 : memref<!tpu.dma_semaphore, #tpu.memory_space<semaphore_mem>>)
        } else {
        }
      } else {
      }
      %dma_wait3A_199 = arith.constant 0 : i32
      %dma_wait3A_200 = arith.constant 0 : i32
      %dma_wait3A_201 = tpu.memref_slice %arg14[%dma_wait3A_199, %dma_wait3A_200] : memref<1x400xi32, #tpu.memory_space<vmem>> -> memref<1x400xi32, #tpu.memory_space<vmem>>
      %dma_wait3A_202 = tpu.memref_squeeze %dma_wait3A_201 : memref<1x400xi32, #tpu.memory_space<vmem>> -> memref<400xi32, #tpu.memory_space<vmem>>
      %dma_wait3A_203 = arith.constant 0 : i32
      %dma_wait3A_204 = arith.constant 0 : i32
      %dma_wait3A_205 = tpu.memref_slice %arg3[%dma_wait3A_203, %dma_wait3A_204] : memref<102400x16xf32, #tpu.memory_space<hbm>> -> memref<102400x16xf32, #tpu.memory_space<hbm>>
      tpu.wait_indirect_dma semaphore(%arg27 : memref<!tpu.dma_semaphore, #tpu.memory_space<semaphore_mem>>) src(%dma_wait3A_205 : memref<102400x16xf32, #tpu.memory_space<hbm>>) dst(%arg16 : memref<400x16xf32, #tpu.memory_space<vmem>>)
      %dma_start3A_206 = arith.constant 0 : i32
      %dma_start3A_207 = arith.constant 0 : i32
      %dma_start3A_208 = tpu.memref_slice %arg15[%dma_start3A_206, %dma_start3A_207] : memref<1x400xi32, #tpu.memory_space<vmem>> -> memref<1x400xi32, #tpu.memory_space<vmem>>
      %dma_start3A_209 = tpu.memref_squeeze %dma_start3A_208 : memref<1x400xi32, #tpu.memory_space<vmem>> -> memref<400xi32, #tpu.memory_space<vmem>>
      %dma_start3A_210 = arith.constant 0 : i32
      %dma_start3A_211 = arith.constant 0 : i32
      %dma_start3A_212 = tpu.memref_slice %arg20[%dma_start3A_210, %dma_start3A_211] : memref<100000x16xf32, #tpu.memory_space<vmem_shared>> -> memref<100000x16xf32, #tpu.memory_space<vmem_shared>>
      tpu.enqueue_indirect_dma source(%arg16 : memref<400x16xf32, #tpu.memory_space<vmem>>) target(%dma_start3A_212 : memref<100000x16xf32, #tpu.memory_space<vmem_shared>>) offsets(%dma_start3A_209 : memref<400xi32, #tpu.memory_space<vmem>>) semaphore(%arg31 : memref<!tpu.dma_semaphore, #tpu.memory_space<semaphore_mem>>) {add = true}
      %mul3A_213 = arith.constant 4 : i32
      %mul3A_214 = arith.muli %mul3A_213, %scan3A_103 : i32
      %add3A_215 = arith.constant 3 : i32
      %add3A_216 = arith.addi %mul3A_214, %add3A_215 : i32
      %ge3A_217 = arith.constant 2 : i32
      %ge3A_218 = arith.cmpi sge, %add3A_216, %ge3A_217 : i32
      %convert_element_type3A_219 = arith.extui %ge3A_218 : i1 to i32
      %cond3A_220 = arith.constant 0 : i32
      %cond3A_221 = arith.cmpi ne, %convert_element_type3A_219, %cond3A_220 : i32
      scf.if %cond3A_221 {
        %dma_wait3A_250 = arith.constant 0 : i32
        %dma_wait3A_251 = arith.constant 0 : i32
        %dma_wait3A_252 = tpu.memref_slice %arg12[%dma_wait3A_250, %dma_wait3A_251] : memref<1x400xi32, #tpu.memory_space<vmem>> -> memref<1x400xi32, #tpu.memory_space<vmem>>
        %dma_wait3A_253 = tpu.memref_squeeze %dma_wait3A_252 : memref<1x400xi32, #tpu.memory_space<vmem>> -> memref<400xi32, #tpu.memory_space<vmem>>
        %dma_wait3A_254 = arith.constant 0 : i32
        %dma_wait3A_255 = arith.constant 0 : i32
        %dma_wait3A_256 = tpu.memref_slice %arg20[%dma_wait3A_254, %dma_wait3A_255] : memref<100000x16xf32, #tpu.memory_space<vmem_shared>> -> memref<100000x16xf32, #tpu.memory_space<vmem_shared>>
        tpu.wait_indirect_dma semaphore(%arg30 : memref<!tpu.dma_semaphore, #tpu.memory_space<semaphore_mem>>) src(%arg13 : memref<400x16xf32, #tpu.memory_space<vmem>>) dst(%dma_wait3A_256 : memref<100000x16xf32, #tpu.memory_space<vmem_shared>>)
      } else {
      }
      %add3A_222 = arith.constant 2 : i32
      %add3A_223 = arith.addi %add3A_216, %add3A_222 : i32
      %lt3A_224 = arith.constant 500 : i32
      %lt3A_225 = arith.cmpi slt, %add3A_223, %lt3A_224 : i32
      %convert_element_type3A_226 = arith.extui %lt3A_225 : i1 to i32
      %cond3A_227 = arith.constant 0 : i32
      %cond3A_228 = arith.cmpi ne, %convert_element_type3A_226, %cond3A_227 : i32
      scf.if %cond3A_228 {
        %add3A_250 = arith.constant 2 : i32
        %add3A_251 = arith.addi %add3A_216, %add3A_250 : i32
        %mul3A_252 = arith.constant 500 : i32
        %mul3A_253 = arith.muli %arg1, %mul3A_252 : i32
        %add3A_254 = arith.addi %mul3A_253, %add3A_251 : i32
        %dma_start3A_255 = arith.constant 0 : i32
        %dma_start3A_256 = arith.constant 0 : i32
        %dma_start3A_257 = arith.constant 0 : i32
        %dma_start3A_258 = tpu.memref_slice %arg2[%dma_start3A_255, %add3A_254, %dma_start3A_256, %dma_start3A_257] : memref<2x8000x1x400xi32, #tpu.memory_space<hbm>> -> memref<1x1x1x400xi32, #tpu.memory_space<hbm>>
        %dma_start3A_259 = tpu.memref_squeeze %dma_start3A_258 : memref<1x1x1x400xi32, #tpu.memory_space<hbm>> -> memref<1x400xi32, #tpu.memory_space<hbm>>
        %dma_start3A_260 = arith.constant 0 : i32
        %dma_start3A_261 = arith.constant 0 : i32
        %dma_start3A_262 = tpu.memref_slice %arg2[%dma_start3A_255, %add3A_254, %dma_start3A_260, %dma_start3A_261] : memref<2x8000x1x400xi32, #tpu.memory_space<hbm>> -> memref<1x1x1x400xi32, #tpu.memory_space<hbm>>
        %dma_start3A_263 = tpu.memref_squeeze %dma_start3A_262 : memref<1x1x1x400xi32, #tpu.memory_space<hbm>> -> memref<1x400xi32, #tpu.memory_space<hbm>>
        tpu.enqueue_dma source(%dma_start3A_263 : memref<1x400xi32, #tpu.memory_space<hbm>>) target(%arg11 : memref<1x400xi32, #tpu.memory_space<vmem>>) target_semaphore(%arg22 : memref<!tpu.dma_semaphore, #tpu.memory_space<semaphore_mem>>)
        %dma_start3A_264 = arith.constant 1 : i32
        %dma_start3A_265 = arith.constant 0 : i32
        %dma_start3A_266 = arith.constant 0 : i32
        %dma_start3A_267 = tpu.memref_slice %arg2[%dma_start3A_264, %add3A_254, %dma_start3A_265, %dma_start3A_266] : memref<2x8000x1x400xi32, #tpu.memory_space<hbm>> -> memref<1x1x1x400xi32, #tpu.memory_space<hbm>>
        %dma_start3A_268 = tpu.memref_squeeze %dma_start3A_267 : memref<1x1x1x400xi32, #tpu.memory_space<hbm>> -> memref<1x400xi32, #tpu.memory_space<hbm>>
        %dma_start3A_269 = arith.constant 0 : i32
        %dma_start3A_270 = arith.constant 0 : i32
        %dma_start3A_271 = tpu.memref_slice %arg2[%dma_start3A_264, %add3A_254, %dma_start3A_269, %dma_start3A_270] : memref<2x8000x1x400xi32, #tpu.memory_space<hbm>> -> memref<1x1x1x400xi32, #tpu.memory_space<hbm>>
        %dma_start3A_272 = tpu.memref_squeeze %dma_start3A_271 : memref<1x1x1x400xi32, #tpu.memory_space<hbm>> -> memref<1x400xi32, #tpu.memory_space<hbm>>
        tpu.enqueue_dma source(%dma_start3A_272 : memref<1x400xi32, #tpu.memory_space<hbm>>) target(%arg12 : memref<1x400xi32, #tpu.memory_space<vmem>>) target_semaphore(%arg22 : memref<!tpu.dma_semaphore, #tpu.memory_space<semaphore_mem>>)
      } else {
      }
      %add3A_229 = arith.constant 1 : i32
      %add3A_230 = arith.addi %add3A_216, %add3A_229 : i32
      %lt3A_231 = arith.constant 500 : i32
      %lt3A_232 = arith.cmpi slt, %add3A_230, %lt3A_231 : i32
      %convert_element_type3A_233 = arith.extui %lt3A_232 : i1 to i32
      %cond3A_234 = arith.constant 0 : i32
      %cond3A_235 = arith.cmpi ne, %convert_element_type3A_233, %cond3A_234 : i32
      scf.if %cond3A_235 {
        %add3A_250 = arith.constant 1 : i32
        %add3A_251 = arith.addi %add3A_216, %add3A_250 : i32
        %mul3A_252 = arith.constant 500 : i32
        %mul3A_253 = arith.muli %arg1, %mul3A_252 : i32
        %add3A_254 = arith.addi %mul3A_253, %add3A_251 : i32
        %dma_wait3A_255 = arith.constant 0 : i32
        %dma_wait3A_256 = arith.constant 0 : i32
        %dma_wait3A_257 = arith.constant 0 : i32
        %dma_wait3A_258 = tpu.memref_slice %arg2[%dma_wait3A_255, %add3A_254, %dma_wait3A_256, %dma_wait3A_257] : memref<2x8000x1x400xi32, #tpu.memory_space<hbm>> -> memref<1x1x1x400xi32, #tpu.memory_space<hbm>>
        %dma_wait3A_259 = tpu.memref_squeeze %dma_wait3A_258 : memref<1x1x1x400xi32, #tpu.memory_space<hbm>> -> memref<1x400xi32, #tpu.memory_space<hbm>>
        %dma_wait3A_260 = arith.constant 0 : i32
        %dma_wait3A_261 = arith.constant 0 : i32
        %dma_wait3A_262 = tpu.memref_slice %arg2[%dma_wait3A_255, %add3A_254, %dma_wait3A_260, %dma_wait3A_261] : memref<2x8000x1x400xi32, #tpu.memory_space<hbm>> -> memref<1x1x1x400xi32, #tpu.memory_space<hbm>>
        %dma_wait3A_263 = tpu.memref_squeeze %dma_wait3A_262 : memref<1x1x1x400xi32, #tpu.memory_space<hbm>> -> memref<1x400xi32, #tpu.memory_space<hbm>>
        tpu.wait_dma2 semaphore(%arg21 : memref<!tpu.dma_semaphore, #tpu.memory_space<semaphore_mem>>) src(%dma_wait3A_263 : memref<1x400xi32, #tpu.memory_space<hbm>>) dst(%arg8 : memref<1x400xi32, #tpu.memory_space<vmem>>)
        %dma_wait3A_264 = arith.constant 1 : i32
        %dma_wait3A_265 = arith.constant 0 : i32
        %dma_wait3A_266 = arith.constant 0 : i32
        %dma_wait3A_267 = tpu.memref_slice %arg2[%dma_wait3A_264, %add3A_254, %dma_wait3A_265, %dma_wait3A_266] : memref<2x8000x1x400xi32, #tpu.memory_space<hbm>> -> memref<1x1x1x400xi32, #tpu.memory_space<hbm>>
        %dma_wait3A_268 = tpu.memref_squeeze %dma_wait3A_267 : memref<1x1x1x400xi32, #tpu.memory_space<hbm>> -> memref<1x400xi32, #tpu.memory_space<hbm>>
        %dma_wait3A_269 = arith.constant 0 : i32
        %dma_wait3A_270 = arith.constant 0 : i32
        %dma_wait3A_271 = tpu.memref_slice %arg2[%dma_wait3A_264, %add3A_254, %dma_wait3A_269, %dma_wait3A_270] : memref<2x8000x1x400xi32, #tpu.memory_space<hbm>> -> memref<1x1x1x400xi32, #tpu.memory_space<hbm>>
        %dma_wait3A_272 = tpu.memref_squeeze %dma_wait3A_271 : memref<1x1x1x400xi32, #tpu.memory_space<hbm>> -> memref<1x400xi32, #tpu.memory_space<hbm>>
        tpu.wait_dma2 semaphore(%arg21 : memref<!tpu.dma_semaphore, #tpu.memory_space<semaphore_mem>>) src(%dma_wait3A_272 : memref<1x400xi32, #tpu.memory_space<hbm>>) dst(%arg9 : memref<1x400xi32, #tpu.memory_space<vmem>>)
        %eq3A_273 = arith.constant 0 : i32
        %eq3A_274 = arith.cmpi eq, %arg0, %eq3A_273 : i32
        %convert_element_type3A_275 = arith.extui %eq3A_274 : i1 to i32
        %cond3A_276 = arith.constant 0 : i32
        %cond3A_277 = arith.cmpi ne, %convert_element_type3A_275, %cond3A_276 : i32
        scf.if %cond3A_277 {
          %dma_start3A_283 = arith.constant 0 : i32
          %dma_start3A_284 = arith.constant 0 : i32
          %dma_start3A_285 = tpu.memref_slice %arg8[%dma_start3A_283, %dma_start3A_284] : memref<1x400xi32, #tpu.memory_space<vmem>> -> memref<1x400xi32, #tpu.memory_space<vmem>>
          %dma_start3A_286 = tpu.memref_squeeze %dma_start3A_285 : memref<1x400xi32, #tpu.memory_space<vmem>> -> memref<400xi32, #tpu.memory_space<vmem>>
          %dma_start3A_287 = arith.constant 0 : i32
          %dma_start3A_288 = arith.constant 0 : i32
          %dma_start3A_289 = tpu.memref_slice %arg3[%dma_start3A_287, %dma_start3A_288] : memref<102400x16xf32, #tpu.memory_space<hbm>> -> memref<102400x16xf32, #tpu.memory_space<hbm>>
          tpu.enqueue_indirect_dma source(%dma_start3A_289 : memref<102400x16xf32, #tpu.memory_space<hbm>>) target(%arg10 : memref<400x16xf32, #tpu.memory_space<vmem>>) offsets(%dma_start3A_286 : memref<400xi32, #tpu.memory_space<vmem>>) semaphore(%arg25 : memref<!tpu.dma_semaphore, #tpu.memory_space<semaphore_mem>>)
        } else {
        }
        %eq3A_278 = arith.constant 1 : i32
        %eq3A_279 = arith.cmpi eq, %arg0, %eq3A_278 : i32
        %convert_element_type3A_280 = arith.extui %eq3A_279 : i1 to i32
        %cond3A_281 = arith.constant 0 : i32
        %cond3A_282 = arith.cmpi ne, %convert_element_type3A_280, %cond3A_281 : i32
        scf.if %cond3A_282 {
          %dma_start3A_283 = arith.constant 0 : i32
          %dma_start3A_284 = arith.constant 0 : i32
          %dma_start3A_285 = tpu.memref_slice %arg8[%dma_start3A_283, %dma_start3A_284] : memref<1x400xi32, #tpu.memory_space<vmem>> -> memref<1x400xi32, #tpu.memory_space<vmem>>
          %dma_start3A_286 = tpu.memref_squeeze %dma_start3A_285 : memref<1x400xi32, #tpu.memory_space<vmem>> -> memref<400xi32, #tpu.memory_space<vmem>>
          %dma_start3A_287 = arith.constant 0 : i32
          %dma_start3A_288 = arith.constant 0 : i32
          %dma_start3A_289 = tpu.memref_slice %arg4[%dma_start3A_287, %dma_start3A_288] : memref<102400x16xf32, #tpu.memory_space<hbm>> -> memref<102400x16xf32, #tpu.memory_space<hbm>>
          tpu.enqueue_indirect_dma source(%dma_start3A_289 : memref<102400x16xf32, #tpu.memory_space<hbm>>) target(%arg10 : memref<400x16xf32, #tpu.memory_space<vmem>>) offsets(%dma_start3A_286 : memref<400xi32, #tpu.memory_space<vmem>>) semaphore(%arg25 : memref<!tpu.dma_semaphore, #tpu.memory_space<semaphore_mem>>)
        } else {
        }
      } else {
      }
      %dma_wait3A_236 = arith.constant 0 : i32
      %dma_wait3A_237 = arith.constant 0 : i32
      %dma_wait3A_238 = tpu.memref_slice %arg17[%dma_wait3A_236, %dma_wait3A_237] : memref<1x400xi32, #tpu.memory_space<vmem>> -> memref<1x400xi32, #tpu.memory_space<vmem>>
      %dma_wait3A_239 = tpu.memref_squeeze %dma_wait3A_238 : memref<1x400xi32, #tpu.memory_space<vmem>> -> memref<400xi32, #tpu.memory_space<vmem>>
      %dma_wait3A_240 = arith.constant 0 : i32
      %dma_wait3A_241 = arith.constant 0 : i32
      %dma_wait3A_242 = tpu.memref_slice %arg3[%dma_wait3A_240, %dma_wait3A_241] : memref<102400x16xf32, #tpu.memory_space<hbm>> -> memref<102400x16xf32, #tpu.memory_space<hbm>>
      tpu.wait_indirect_dma semaphore(%arg28 : memref<!tpu.dma_semaphore, #tpu.memory_space<semaphore_mem>>) src(%dma_wait3A_242 : memref<102400x16xf32, #tpu.memory_space<hbm>>) dst(%arg19 : memref<400x16xf32, #tpu.memory_space<vmem>>)
      %dma_start3A_243 = arith.constant 0 : i32
      %dma_start3A_244 = arith.constant 0 : i32
      %dma_start3A_245 = tpu.memref_slice %arg18[%dma_start3A_243, %dma_start3A_244] : memref<1x400xi32, #tpu.memory_space<vmem>> -> memref<1x400xi32, #tpu.memory_space<vmem>>
      %dma_start3A_246 = tpu.memref_squeeze %dma_start3A_245 : memref<1x400xi32, #tpu.memory_space<vmem>> -> memref<400xi32, #tpu.memory_space<vmem>>
      %dma_start3A_247 = arith.constant 0 : i32
      %dma_start3A_248 = arith.constant 0 : i32
      %dma_start3A_249 = tpu.memref_slice %arg20[%dma_start3A_247, %dma_start3A_248] : memref<100000x16xf32, #tpu.memory_space<vmem_shared>> -> memref<100000x16xf32, #tpu.memory_space<vmem_shared>>
      tpu.enqueue_indirect_dma source(%arg19 : memref<400x16xf32, #tpu.memory_space<vmem>>) target(%dma_start3A_249 : memref<100000x16xf32, #tpu.memory_space<vmem_shared>>) offsets(%dma_start3A_246 : memref<400xi32, #tpu.memory_space<vmem>>) semaphore(%arg32 : memref<!tpu.dma_semaphore, #tpu.memory_space<semaphore_mem>>) {add = true}
    }
    %scan3A_77 = arith.constant 125 : i32
    %dma_wait3A_78 = arith.constant 0 : i32
    %dma_wait3A_79 = arith.constant 0 : i32
    %dma_wait3A_80 = tpu.memref_slice %arg15[%dma_wait3A_78, %dma_wait3A_79] : memref<1x400xi32, #tpu.memory_space<vmem>> -> memref<1x400xi32, #tpu.memory_space<vmem>>
    %dma_wait3A_81 = tpu.memref_squeeze %dma_wait3A_80 : memref<1x400xi32, #tpu.memory_space<vmem>> -> memref<400xi32, #tpu.memory_space<vmem>>
    %dma_wait3A_82 = arith.constant 0 : i32
    %dma_wait3A_83 = arith.constant 0 : i32
    %dma_wait3A_84 = tpu.memref_slice %arg20[%dma_wait3A_82, %dma_wait3A_83] : memref<100000x16xf32, #tpu.memory_space<vmem_shared>> -> memref<100000x16xf32, #tpu.memory_space<vmem_shared>>
    tpu.wait_indirect_dma semaphore(%arg31 : memref<!tpu.dma_semaphore, #tpu.memory_space<semaphore_mem>>) src(%arg16 : memref<400x16xf32, #tpu.memory_space<vmem>>) dst(%dma_wait3A_84 : memref<100000x16xf32, #tpu.memory_space<vmem_shared>>)
    %dma_wait3A_85 = arith.constant 0 : i32
    %dma_wait3A_86 = arith.constant 0 : i32
    %dma_wait3A_87 = tpu.memref_slice %arg18[%dma_wait3A_85, %dma_wait3A_86] : memref<1x400xi32, #tpu.memory_space<vmem>> -> memref<1x400xi32, #tpu.memory_space<vmem>>
    %dma_wait3A_88 = tpu.memref_squeeze %dma_wait3A_87 : memref<1x400xi32, #tpu.memory_space<vmem>> -> memref<400xi32, #tpu.memory_space<vmem>>
    %dma_wait3A_89 = arith.constant 0 : i32
    %dma_wait3A_90 = arith.constant 0 : i32
    %dma_wait3A_91 = tpu.memref_slice %arg20[%dma_wait3A_89, %dma_wait3A_90] : memref<100000x16xf32, #tpu.memory_space<vmem_shared>> -> memref<100000x16xf32, #tpu.memory_space<vmem_shared>>
    tpu.wait_indirect_dma semaphore(%arg32 : memref<!tpu.dma_semaphore, #tpu.memory_space<semaphore_mem>>) src(%arg19 : memref<400x16xf32, #tpu.memory_space<vmem>>) dst(%dma_wait3A_91 : memref<100000x16xf32, #tpu.memory_space<vmem_shared>>)
    %barrier3A_92 = arith.constant 0 : index
    tpu.barrier barrier_id(%barrier3A_92)
    %eq3A_93 = arith.constant 0 : i32
    %eq3A_94 = arith.cmpi eq, %arg0, %eq3A_93 : i32
    %convert_element_type3A_95 = arith.extui %eq3A_94 : i1 to i32
    %cond3A_96 = arith.constant 0 : i32
    %cond3A_97 = arith.cmpi ne, %convert_element_type3A_95, %cond3A_96 : i32
    scf.if %cond3A_97 {
      %mul3A_103 = arith.constant 6250 : i32
      %mul3A_104 = arith.muli %arg1, %mul3A_103 : i32
      %mul3A_105 = arith.constant 6250 : i32
      %mul3A_106 = arith.muli %arg1, %mul3A_105 : i32
      "tpu.region"() ({
        %run_scoped3A = tpu.sem_alloc : memref<!tpu.dma_semaphore, #tpu.memory_space<semaphore_mem>>
        %dma_start3A_107 = arith.constant 0 : i32
        %dma_start3A_108 = tpu.memref_slice %arg6[%mul3A_106, %dma_start3A_107] : memref<102400x16xf32, #tpu.memory_space<hbm>> -> memref<6250x16xf32, #tpu.memory_space<hbm>>
        %dma_start3A_109 = arith.constant 0 : i32
        %dma_start3A_110 = tpu.memref_slice %arg20[%mul3A_104, %dma_start3A_109] : memref<100000x16xf32, #tpu.memory_space<vmem_shared>> -> memref<6250x16xf32, #tpu.memory_space<vmem_shared>>
        tpu.enqueue_dma source(%dma_start3A_110 : memref<6250x16xf32, #tpu.memory_space<vmem_shared>>) target(%dma_start3A_108 : memref<6250x16xf32, #tpu.memory_space<hbm>>) target_semaphore(%run_scoped3A : memref<!tpu.dma_semaphore, #tpu.memory_space<semaphore_mem>>)
        %dma_wait3A_111 = arith.constant 0 : i32
        %dma_wait3A_112 = tpu.memref_slice %arg6[%mul3A_106, %dma_wait3A_111] : memref<102400x16xf32, #tpu.memory_space<hbm>> -> memref<6250x16xf32, #tpu.memory_space<hbm>>
        %dma_wait3A_113 = arith.constant 0 : i32
        %dma_wait3A_114 = tpu.memref_slice %arg20[%mul3A_104, %dma_wait3A_113] : memref<100000x16xf32, #tpu.memory_space<vmem_shared>> -> memref<6250x16xf32, #tpu.memory_space<vmem_shared>>
        tpu.wait_dma2 semaphore(%run_scoped3A : memref<!tpu.dma_semaphore, #tpu.memory_space<semaphore_mem>>) src(%dma_wait3A_114 : memref<6250x16xf32, #tpu.memory_space<vmem_shared>>) dst(%dma_wait3A_112 : memref<6250x16xf32, #tpu.memory_space<hbm>>)
        tpu.yield
      }) : () -> ()
    } else {
    }
    %eq3A_98 = arith.constant 1 : i32
    %eq3A_99 = arith.cmpi eq, %arg0, %eq3A_98 : i32
    %convert_element_type3A_100 = arith.extui %eq3A_99 : i1 to i32
    %cond3A_101 = arith.constant 0 : i32
    %cond3A_102 = arith.cmpi ne, %convert_element_type3A_100, %cond3A_101 : i32
    scf.if %cond3A_102 {
      %mul3A_103 = arith.constant 6250 : i32
      %mul3A_104 = arith.muli %arg1, %mul3A_103 : i32
      %mul3A_105 = arith.constant 6250 : i32
      %mul3A_106 = arith.muli %arg1, %mul3A_105 : i32
      "tpu.region"() ({
        %run_scoped3A = tpu.sem_alloc : memref<!tpu.dma_semaphore, #tpu.memory_space<semaphore_mem>>
        %dma_start3A_107 = arith.constant 0 : i32
        %dma_start3A_108 = tpu.memref_slice %arg7[%mul3A_106, %dma_start3A_107] : memref<102400x16xf32, #tpu.memory_space<hbm>> -> memref<6250x16xf32, #tpu.memory_space<hbm>>
        %dma_start3A_109 = arith.constant 0 : i32
        %dma_start3A_110 = tpu.memref_slice %arg20[%mul3A_104, %dma_start3A_109] : memref<100000x16xf32, #tpu.memory_space<vmem_shared>> -> memref<6250x16xf32, #tpu.memory_space<vmem_shared>>
        tpu.enqueue_dma source(%dma_start3A_110 : memref<6250x16xf32, #tpu.memory_space<vmem_shared>>) target(%dma_start3A_108 : memref<6250x16xf32, #tpu.memory_space<hbm>>) target_semaphore(%run_scoped3A : memref<!tpu.dma_semaphore, #tpu.memory_space<semaphore_mem>>)
        %dma_wait3A_111 = arith.constant 0 : i32
        %dma_wait3A_112 = tpu.memref_slice %arg7[%mul3A_106, %dma_wait3A_111] : memref<102400x16xf32, #tpu.memory_space<hbm>> -> memref<6250x16xf32, #tpu.memory_space<hbm>>
        %dma_wait3A_113 = arith.constant 0 : i32
        %dma_wait3A_114 = tpu.memref_slice %arg20[%mul3A_104, %dma_wait3A_113] : memref<100000x16xf32, #tpu.memory_space<vmem_shared>> -> memref<6250x16xf32, #tpu.memory_space<vmem_shared>>
        tpu.wait_dma2 semaphore(%run_scoped3A : memref<!tpu.dma_semaphore, #tpu.memory_space<semaphore_mem>>) src(%dma_wait3A_114 : memref<6250x16xf32, #tpu.memory_space<vmem_shared>>) dst(%dma_wait3A_112 : memref<6250x16xf32, #tpu.memory_space<hbm>>)
        tpu.yield
      }) : () -> ()
    } else {
    }
    return
  }
}

#map = affine_map<(d0, d1) -> (0, 0, 0, 0)>
#map1 = affine_map<(d0, d1) -> (0, 0)>
module attributes {stable_mosaic.version = 14 : i64} {
  func.func @_agg_body(%arg0: i32, %arg1: i32, %arg2: memref<2x8000x1x400xi32, #tpu.memory_space<hbm>>, %arg3: memref<102400x16xf32, #tpu.memory_space<hbm>>, %arg4: memref<102400x16xf32, #tpu.memory_space<hbm>>, %arg5: memref<100000x16xf32, #tpu.memory_space<hbm>>, %arg6: memref<102400x16xf32, #tpu.memory_space<hbm>>, %arg7: memref<102400x16xf32, #tpu.memory_space<hbm>>, %arg8: memref<1x400xi32, #tpu.memory_space<vmem>>, %arg9: memref<1x400xi32, #tpu.memory_space<vmem>>, %arg10: memref<400x16xf32, #tpu.memory_space<vmem>>, %arg11: memref<1x400xi32, #tpu.memory_space<vmem>>, %arg12: memref<1x400xi32, #tpu.memory_space<vmem>>, %arg13: memref<400x16xf32, #tpu.memory_space<vmem>>, %arg14: memref<1x400xi32, #tpu.memory_space<vmem>>, %arg15: memref<1x400xi32, #tpu.memory_space<vmem>>, %arg16: memref<400x16xf32, #tpu.memory_space<vmem>>, %arg17: memref<1x400xi32, #tpu.memory_space<vmem>>, %arg18: memref<1x400xi32, #tpu.memory_space<vmem>>, %arg19: memref<400x16xf32, #tpu.memory_space<vmem>>, %arg20: memref<100000x16xf32, #tpu.memory_space<vmem_shared>>, %arg21: memref<!tpu.dma_semaphore, #tpu.memory_space<semaphore_mem>>, %arg22: memref<!tpu.dma_semaphore, #tpu.memory_space<semaphore_mem>>, %arg23: memref<!tpu.dma_semaphore, #tpu.memory_space<semaphore_mem>>, %arg24: memref<!tpu.dma_semaphore, #tpu.memory_space<semaphore_mem>>, %arg25: memref<!tpu.dma_semaphore, #tpu.memory_space<semaphore_mem>>, %arg26: memref<!tpu.dma_semaphore, #tpu.memory_space<semaphore_mem>>, %arg27: memref<!tpu.dma_semaphore, #tpu.memory_space<semaphore_mem>>, %arg28: memref<!tpu.dma_semaphore, #tpu.memory_space<semaphore_mem>>, %arg29: memref<!tpu.dma_semaphore, #tpu.memory_space<semaphore_mem>>, %arg30: memref<!tpu.dma_semaphore, #tpu.memory_space<semaphore_mem>>, %arg31: memref<!tpu.dma_semaphore, #tpu.memory_space<semaphore_mem>>, %arg32: memref<!tpu.dma_semaphore, #tpu.memory_space<semaphore_mem>>) attributes {dimension_semantics = [#tpu.dimension_semantics<core_parallel>, #tpu.dimension_semantics<subcore_parallel>], iteration_bounds = array<i64: 2, 16>, scalar_prefetch = 0 : i64, scratch_operands = 25 : i64, tpu.core_type = #tpu.core_type<sc_vector_subcore>, window_params = [{transform_indices = #map}, {transform_indices = #map1}, {transform_indices = #map1}, {transform_indices = #map1}, {transform_indices = #map1}, {transform_indices = #map1}]} {
    %mul3A = arith.constant 6250 : i32
    %mul3A_0 = arith.muli %arg1, %mul3A : i32
    %mul3A_1 = arith.constant 6250 : i32
    %mul3A_2 = arith.muli %arg1, %mul3A_1 : i32
    "tpu.region"() ({
      %run_scoped3A = tpu.sem_alloc : memref<!tpu.dma_semaphore, #tpu.memory_space<semaphore_mem>>
      %dma_start3A_103 = arith.constant 0 : i32
      %dma_start3A_104 = tpu.memref_slice %arg20[%mul3A_2, %dma_start3A_103] : memref<100000x16xf32, #tpu.memory_space<vmem_shared>> -> memref<6250x16xf32, #tpu.memory_space<vmem_shared>>
      %dma_start3A_105 = arith.constant 0 : i32
      %dma_start3A_106 = tpu.memref_slice %arg5[%mul3A_0, %dma_start3A_105] : memref<100000x16xf32, #tpu.memory_space<hbm>> -> memref<6250x16xf32, #tpu.memory_space<hbm>>
      tpu.enqueue_dma source(%dma_start3A_106 : memref<6250x16xf32, #tpu.memory_space<hbm>>) target(%dma_start3A_104 : memref<6250x16xf32, #tpu.memory_space<vmem_shared>>) target_semaphore(%run_scoped3A : memref<!tpu.dma_semaphore, #tpu.memory_space<semaphore_mem>>)
      %dma_wait3A_107 = arith.constant 0 : i32
      %dma_wait3A_108 = tpu.memref_slice %arg20[%mul3A_2, %dma_wait3A_107] : memref<100000x16xf32, #tpu.memory_space<vmem_shared>> -> memref<6250x16xf32, #tpu.memory_space<vmem_shared>>
      %dma_wait3A_109 = arith.constant 0 : i32
      %dma_wait3A_110 = tpu.memref_slice %arg5[%mul3A_0, %dma_wait3A_109] : memref<100000x16xf32, #tpu.memory_space<hbm>> -> memref<6250x16xf32, #tpu.memory_space<hbm>>
      tpu.wait_dma2 semaphore(%run_scoped3A : memref<!tpu.dma_semaphore, #tpu.memory_space<semaphore_mem>>) src(%dma_wait3A_110 : memref<6250x16xf32, #tpu.memory_space<hbm>>) dst(%dma_wait3A_108 : memref<6250x16xf32, #tpu.memory_space<vmem_shared>>)
      tpu.yield
    }) : () -> ()
    %barrier3A = arith.constant 0 : index
    tpu.barrier barrier_id(%barrier3A)
    %mul3A_3 = arith.constant 500 : i32
    %mul3A_4 = arith.muli %arg1, %mul3A_3 : i32
    %add3A = arith.constant 0 : i32
    %add3A_5 = arith.addi %mul3A_4, %add3A : i32
    %dma_start3A = arith.constant 0 : i32
    %dma_start3A_6 = arith.constant 0 : i32
    %dma_start3A_7 = arith.constant 0 : i32
    %dma_start3A_8 = tpu.memref_slice %arg2[%dma_start3A, %add3A_5, %dma_start3A_6, %dma_start3A_7] : memref<2x8000x1x400xi32, #tpu.memory_space<hbm>> -> memref<1x1x1x400xi32, #tpu.memory_space<hbm>>
    %dma_start3A_9 = tpu.memref_squeeze %dma_start3A_8 : memref<1x1x1x400xi32, #tpu.memory_space<hbm>> -> memref<1x400xi32, #tpu.memory_space<hbm>>
    %dma_start3A_10 = arith.constant 0 : i32
    %dma_start3A_11 = arith.constant 0 : i32
    %dma_start3A_12 = tpu.memref_slice %arg2[%dma_start3A, %add3A_5, %dma_start3A_10, %dma_start3A_11] : memref<2x8000x1x400xi32, #tpu.memory_space<hbm>> -> memref<1x1x1x400xi32, #tpu.memory_space<hbm>>
    %dma_start3A_13 = tpu.memref_squeeze %dma_start3A_12 : memref<1x1x1x400xi32, #tpu.memory_space<hbm>> -> memref<1x400xi32, #tpu.memory_space<hbm>>
    tpu.enqueue_dma source(%dma_start3A_13 : memref<1x400xi32, #tpu.memory_space<hbm>>) target(%arg8 : memref<1x400xi32, #tpu.memory_space<vmem>>) target_semaphore(%arg21 : memref<!tpu.dma_semaphore, #tpu.memory_space<semaphore_mem>>)
    %dma_start3A_14 = arith.constant 1 : i32
    %dma_start3A_15 = arith.constant 0 : i32
    %dma_start3A_16 = arith.constant 0 : i32
    %dma_start3A_17 = tpu.memref_slice %arg2[%dma_start3A_14, %add3A_5, %dma_start3A_15, %dma_start3A_16] : memref<2x8000x1x400xi32, #tpu.memory_space<hbm>> -> memref<1x1x1x400xi32, #tpu.memory_space<hbm>>
    %dma_start3A_18 = tpu.memref_squeeze %dma_start3A_17 : memref<1x1x1x400xi32, #tpu.memory_space<hbm>> -> memref<1x400xi32, #tpu.memory_space<hbm>>
    %dma_start3A_19 = arith.constant 0 : i32
    %dma_start3A_20 = arith.constant 0 : i32
    %dma_start3A_21 = tpu.memref_slice %arg2[%dma_start3A_14, %add3A_5, %dma_start3A_19, %dma_start3A_20] : memref<2x8000x1x400xi32, #tpu.memory_space<hbm>> -> memref<1x1x1x400xi32, #tpu.memory_space<hbm>>
    %dma_start3A_22 = tpu.memref_squeeze %dma_start3A_21 : memref<1x1x1x400xi32, #tpu.memory_space<hbm>> -> memref<1x400xi32, #tpu.memory_space<hbm>>
    tpu.enqueue_dma source(%dma_start3A_22 : memref<1x400xi32, #tpu.memory_space<hbm>>) target(%arg9 : memref<1x400xi32, #tpu.memory_space<vmem>>) target_semaphore(%arg21 : memref<!tpu.dma_semaphore, #tpu.memory_space<semaphore_mem>>)
    %mul3A_23 = arith.constant 500 : i32
    %mul3A_24 = arith.muli %arg1, %mul3A_23 : i32
    %add3A_25 = arith.constant 1 : i32
    %add3A_26 = arith.addi %mul3A_24, %add3A_25 : i32
    %dma_start3A_27 = arith.constant 0 : i32
    %dma_start3A_28 = arith.constant 0 : i32
    %dma_start3A_29 = arith.constant 0 : i32
    %dma_start3A_30 = tpu.memref_slice %arg2[%dma_start3A_27, %add3A_26, %dma_start3A_28, %dma_start3A_29] : memref<2x8000x1x400xi32, #tpu.memory_space<hbm>> -> memref<1x1x1x400xi32, #tpu.memory_space<hbm>>
    %dma_start3A_31 = tpu.memref_squeeze %dma_start3A_30 : memref<1x1x1x400xi32, #tpu.memory_space<hbm>> -> memref<1x400xi32, #tpu.memory_space<hbm>>
    %dma_start3A_32 = arith.constant 0 : i32
    %dma_start3A_33 = arith.constant 0 : i32
    %dma_start3A_34 = tpu.memref_slice %arg2[%dma_start3A_27, %add3A_26, %dma_start3A_32, %dma_start3A_33] : memref<2x8000x1x400xi32, #tpu.memory_space<hbm>> -> memref<1x1x1x400xi32, #tpu.memory_space<hbm>>
    %dma_start3A_35 = tpu.memref_squeeze %dma_start3A_34 : memref<1x1x1x400xi32, #tpu.memory_space<hbm>> -> memref<1x400xi32, #tpu.memory_space<hbm>>
    tpu.enqueue_dma source(%dma_start3A_35 : memref<1x400xi32, #tpu.memory_space<hbm>>) target(%arg11 : memref<1x400xi32, #tpu.memory_space<vmem>>) target_semaphore(%arg22 : memref<!tpu.dma_semaphore, #tpu.memory_space<semaphore_mem>>)
    %dma_start3A_36 = arith.constant 1 : i32
    %dma_start3A_37 = arith.constant 0 : i32
    %dma_start3A_38 = arith.constant 0 : i32
    %dma_start3A_39 = tpu.memref_slice %arg2[%dma_start3A_36, %add3A_26, %dma_start3A_37, %dma_start3A_38] : memref<2x8000x1x400xi32, #tpu.memory_space<hbm>> -> memref<1x1x1x400xi32, #tpu.memory_space<hbm>>
    %dma_start3A_40 = tpu.memref_squeeze %dma_start3A_39 : memref<1x1x1x400xi32, #tpu.memory_space<hbm>> -> memref<1x400xi32, #tpu.memory_space<hbm>>
    %dma_start3A_41 = arith.constant 0 : i32
    %dma_start3A_42 = arith.constant 0 : i32
    %dma_start3A_43 = tpu.memref_slice %arg2[%dma_start3A_36, %add3A_26, %dma_start3A_41, %dma_start3A_42] : memref<2x8000x1x400xi32, #tpu.memory_space<hbm>> -> memref<1x1x1x400xi32, #tpu.memory_space<hbm>>
    %dma_start3A_44 = tpu.memref_squeeze %dma_start3A_43 : memref<1x1x1x400xi32, #tpu.memory_space<hbm>> -> memref<1x400xi32, #tpu.memory_space<hbm>>
    tpu.enqueue_dma source(%dma_start3A_44 : memref<1x400xi32, #tpu.memory_space<hbm>>) target(%arg12 : memref<1x400xi32, #tpu.memory_space<vmem>>) target_semaphore(%arg22 : memref<!tpu.dma_semaphore, #tpu.memory_space<semaphore_mem>>)
    %mul3A_45 = arith.constant 500 : i32
    %mul3A_46 = arith.muli %arg1, %mul3A_45 : i32
    %add3A_47 = arith.constant 0 : i32
    %add3A_48 = arith.addi %mul3A_46, %add3A_47 : i32
    %dma_wait3A = arith.constant 0 : i32
    %dma_wait3A_49 = arith.constant 0 : i32
    %dma_wait3A_50 = arith.constant 0 : i32
    %dma_wait3A_51 = tpu.memref_slice %arg2[%dma_wait3A, %add3A_48, %dma_wait3A_49, %dma_wait3A_50] : memref<2x8000x1x400xi32, #tpu.memory_space<hbm>> -> memref<1x1x1x400xi32, #tpu.memory_space<hbm>>
    %dma_wait3A_52 = tpu.memref_squeeze %dma_wait3A_51 : memref<1x1x1x400xi32, #tpu.memory_space<hbm>> -> memref<1x400xi32, #tpu.memory_space<hbm>>
    %dma_wait3A_53 = arith.constant 0 : i32
    %dma_wait3A_54 = arith.constant 0 : i32
    %dma_wait3A_55 = tpu.memref_slice %arg2[%dma_wait3A, %add3A_48, %dma_wait3A_53, %dma_wait3A_54] : memref<2x8000x1x400xi32, #tpu.memory_space<hbm>> -> memref<1x1x1x400xi32, #tpu.memory_space<hbm>>
    %dma_wait3A_56 = tpu.memref_squeeze %dma_wait3A_55 : memref<1x1x1x400xi32, #tpu.memory_space<hbm>> -> memref<1x400xi32, #tpu.memory_space<hbm>>
    tpu.wait_dma2 semaphore(%arg21 : memref<!tpu.dma_semaphore, #tpu.memory_space<semaphore_mem>>) src(%dma_wait3A_56 : memref<1x400xi32, #tpu.memory_space<hbm>>) dst(%arg8 : memref<1x400xi32, #tpu.memory_space<vmem>>)
    %dma_wait3A_57 = arith.constant 1 : i32
    %dma_wait3A_58 = arith.constant 0 : i32
    %dma_wait3A_59 = arith.constant 0 : i32
    %dma_wait3A_60 = tpu.memref_slice %arg2[%dma_wait3A_57, %add3A_48, %dma_wait3A_58, %dma_wait3A_59] : memref<2x8000x1x400xi32, #tpu.memory_space<hbm>> -> memref<1x1x1x400xi32, #tpu.memory_space<hbm>>
    %dma_wait3A_61 = tpu.memref_squeeze %dma_wait3A_60 : memref<1x1x1x400xi32, #tpu.memory_space<hbm>> -> memref<1x400xi32, #tpu.memory_space<hbm>>
    %dma_wait3A_62 = arith.constant 0 : i32
    %dma_wait3A_63 = arith.constant 0 : i32
    %dma_wait3A_64 = tpu.memref_slice %arg2[%dma_wait3A_57, %add3A_48, %dma_wait3A_62, %dma_wait3A_63] : memref<2x8000x1x400xi32, #tpu.memory_space<hbm>> -> memref<1x1x1x400xi32, #tpu.memory_space<hbm>>
    %dma_wait3A_65 = tpu.memref_squeeze %dma_wait3A_64 : memref<1x1x1x400xi32, #tpu.memory_space<hbm>> -> memref<1x400xi32, #tpu.memory_space<hbm>>
    tpu.wait_dma2 semaphore(%arg21 : memref<!tpu.dma_semaphore, #tpu.memory_space<semaphore_mem>>) src(%dma_wait3A_65 : memref<1x400xi32, #tpu.memory_space<hbm>>) dst(%arg9 : memref<1x400xi32, #tpu.memory_space<vmem>>)
    %eq3A = arith.constant 0 : i32
    %eq3A_66 = arith.cmpi eq, %arg0, %eq3A : i32
    %convert_element_type3A = arith.extui %eq3A_66 : i1 to i32
    %cond3A = arith.constant 0 : i32
    %cond3A_67 = arith.cmpi ne, %convert_element_type3A, %cond3A : i32
    scf.if %cond3A_67 {
      %dma_start3A_103 = arith.constant 0 : i32
      %dma_start3A_104 = arith.constant 0 : i32
      %dma_start3A_105 = tpu.memref_slice %arg8[%dma_start3A_103, %dma_start3A_104] : memref<1x400xi32, #tpu.memory_space<vmem>> -> memref<1x400xi32, #tpu.memory_space<vmem>>
      %dma_start3A_106 = tpu.memref_squeeze %dma_start3A_105 : memref<1x400xi32, #tpu.memory_space<vmem>> -> memref<400xi32, #tpu.memory_space<vmem>>
      %dma_start3A_107 = arith.constant 0 : i32
      %dma_start3A_108 = arith.constant 0 : i32
      %dma_start3A_109 = tpu.memref_slice %arg3[%dma_start3A_107, %dma_start3A_108] : memref<102400x16xf32, #tpu.memory_space<hbm>> -> memref<102400x16xf32, #tpu.memory_space<hbm>>
      tpu.enqueue_indirect_dma source(%dma_start3A_109 : memref<102400x16xf32, #tpu.memory_space<hbm>>) target(%arg10 : memref<400x16xf32, #tpu.memory_space<vmem>>) offsets(%dma_start3A_106 : memref<400xi32, #tpu.memory_space<vmem>>) semaphore(%arg25 : memref<!tpu.dma_semaphore, #tpu.memory_space<semaphore_mem>>)
    } else {
    }
    %eq3A_68 = arith.constant 1 : i32
    %eq3A_69 = arith.cmpi eq, %arg0, %eq3A_68 : i32
    %convert_element_type3A_70 = arith.extui %eq3A_69 : i1 to i32
    %cond3A_71 = arith.constant 0 : i32
    %cond3A_72 = arith.cmpi ne, %convert_element_type3A_70, %cond3A_71 : i32
    scf.if %cond3A_72 {
      %dma_start3A_103 = arith.constant 0 : i32
      %dma_start3A_104 = arith.constant 0 : i32
      %dma_start3A_105 = tpu.memref_slice %arg8[%dma_start3A_103, %dma_start3A_104] : memref<1x400xi32, #tpu.memory_space<vmem>> -> memref<1x400xi32, #tpu.memory_space<vmem>>
      %dma_start3A_106 = tpu.memref_squeeze %dma_start3A_105 : memref<1x400xi32, #tpu.memory_space<vmem>> -> memref<400xi32, #tpu.memory_space<vmem>>
      %dma_start3A_107 = arith.constant 0 : i32
      %dma_start3A_108 = arith.constant 0 : i32
      %dma_start3A_109 = tpu.memref_slice %arg4[%dma_start3A_107, %dma_start3A_108] : memref<102400x16xf32, #tpu.memory_space<hbm>> -> memref<102400x16xf32, #tpu.memory_space<hbm>>
      tpu.enqueue_indirect_dma source(%dma_start3A_109 : memref<102400x16xf32, #tpu.memory_space<hbm>>) target(%arg10 : memref<400x16xf32, #tpu.memory_space<vmem>>) offsets(%dma_start3A_106 : memref<400xi32, #tpu.memory_space<vmem>>) semaphore(%arg25 : memref<!tpu.dma_semaphore, #tpu.memory_space<semaphore_mem>>)
    } else {
    }
    %scan3A = arith.constant 0 : i32
    %scan3A_73 = arith.constant 0 : i32
    %scan3A_74 = arith.constant 125 : i32
    %scan3A_75 = arith.addi %scan3A_73, %scan3A_74 : i32
    %scan3A_76 = arith.constant 1 : i32
    scf.for %scan3A_103 = %scan3A_73 to %scan3A_75 step %scan3A_76  : i32 {
      %mul3A_104 = arith.constant 4 : i32
      %mul3A_105 = arith.muli %mul3A_104, %scan3A_103 : i32
      %add3A_106 = arith.constant 0 : i32
      %add3A_107 = arith.addi %mul3A_105, %add3A_106 : i32
      %ge3A = arith.constant 2 : i32
      %ge3A_108 = arith.cmpi sge, %add3A_107, %ge3A : i32
      %convert_element_type3A_109 = arith.extui %ge3A_108 : i1 to i32
      %cond3A_110 = arith.constant 0 : i32
      %cond3A_111 = arith.cmpi ne, %convert_element_type3A_109, %cond3A_110 : i32
      scf.if %cond3A_111 {
        %dma_wait3A_250 = arith.constant 0 : i32
        %dma_wait3A_251 = arith.constant 0 : i32
        %dma_wait3A_252 = tpu.memref_slice %arg15[%dma_wait3A_250, %dma_wait3A_251] : memref<1x400xi32, #tpu.memory_space<vmem>> -> memref<1x400xi32, #tpu.memory_space<vmem>>
        %dma_wait3A_253 = tpu.memref_squeeze %dma_wait3A_252 : memref<1x400xi32, #tpu.memory_space<vmem>> -> memref<400xi32, #tpu.memory_space<vmem>>
        %dma_wait3A_254 = arith.constant 0 : i32
        %dma_wait3A_255 = arith.constant 0 : i32
        %dma_wait3A_256 = tpu.memref_slice %arg20[%dma_wait3A_254, %dma_wait3A_255] : memref<100000x16xf32, #tpu.memory_space<vmem_shared>> -> memref<100000x16xf32, #tpu.memory_space<vmem_shared>>
        tpu.wait_indirect_dma semaphore(%arg31 : memref<!tpu.dma_semaphore, #tpu.memory_space<semaphore_mem>>) src(%arg16 : memref<400x16xf32, #tpu.memory_space<vmem>>) dst(%dma_wait3A_256 : memref<100000x16xf32, #tpu.memory_space<vmem_shared>>)
      } else {
      }
      %add3A_112 = arith.constant 2 : i32
      %add3A_113 = arith.addi %add3A_107, %add3A_112 : i32
      %lt3A = arith.constant 500 : i32
      %lt3A_114 = arith.cmpi slt, %add3A_113, %lt3A : i32
      %convert_element_type3A_115 = arith.extui %lt3A_114 : i1 to i32
      %cond3A_116 = arith.constant 0 : i32
      %cond3A_117 = arith.cmpi ne, %convert_element_type3A_115, %cond3A_116 : i32
      scf.if %cond3A_117 {
        %add3A_250 = arith.constant 2 : i32
        %add3A_251 = arith.addi %add3A_107, %add3A_250 : i32
        %mul3A_252 = arith.constant 500 : i32
        %mul3A_253 = arith.muli %arg1, %mul3A_252 : i32
        %add3A_254 = arith.addi %mul3A_253, %add3A_251 : i32
        %dma_start3A_255 = arith.constant 0 : i32
        %dma_start3A_256 = arith.constant 0 : i32
        %dma_start3A_257 = arith.constant 0 : i32
        %dma_start3A_258 = tpu.memref_slice %arg2[%dma_start3A_255, %add3A_254, %dma_start3A_256, %dma_start3A_257] : memref<2x8000x1x400xi32, #tpu.memory_space<hbm>> -> memref<1x1x1x400xi32, #tpu.memory_space<hbm>>
        %dma_start3A_259 = tpu.memref_squeeze %dma_start3A_258 : memref<1x1x1x400xi32, #tpu.memory_space<hbm>> -> memref<1x400xi32, #tpu.memory_space<hbm>>
        %dma_start3A_260 = arith.constant 0 : i32
        %dma_start3A_261 = arith.constant 0 : i32
        %dma_start3A_262 = tpu.memref_slice %arg2[%dma_start3A_255, %add3A_254, %dma_start3A_260, %dma_start3A_261] : memref<2x8000x1x400xi32, #tpu.memory_space<hbm>> -> memref<1x1x1x400xi32, #tpu.memory_space<hbm>>
        %dma_start3A_263 = tpu.memref_squeeze %dma_start3A_262 : memref<1x1x1x400xi32, #tpu.memory_space<hbm>> -> memref<1x400xi32, #tpu.memory_space<hbm>>
        tpu.enqueue_dma source(%dma_start3A_263 : memref<1x400xi32, #tpu.memory_space<hbm>>) target(%arg14 : memref<1x400xi32, #tpu.memory_space<vmem>>) target_semaphore(%arg23 : memref<!tpu.dma_semaphore, #tpu.memory_space<semaphore_mem>>)
        %dma_start3A_264 = arith.constant 1 : i32
        %dma_start3A_265 = arith.constant 0 : i32
        %dma_start3A_266 = arith.constant 0 : i32
        %dma_start3A_267 = tpu.memref_slice %arg2[%dma_start3A_264, %add3A_254, %dma_start3A_265, %dma_start3A_266] : memref<2x8000x1x400xi32, #tpu.memory_space<hbm>> -> memref<1x1x1x400xi32, #tpu.memory_space<hbm>>
        %dma_start3A_268 = tpu.memref_squeeze %dma_start3A_267 : memref<1x1x1x400xi32, #tpu.memory_space<hbm>> -> memref<1x400xi32, #tpu.memory_space<hbm>>
        %dma_start3A_269 = arith.constant 0 : i32
        %dma_start3A_270 = arith.constant 0 : i32
        %dma_start3A_271 = tpu.memref_slice %arg2[%dma_start3A_264, %add3A_254, %dma_start3A_269, %dma_start3A_270] : memref<2x8000x1x400xi32, #tpu.memory_space<hbm>> -> memref<1x1x1x400xi32, #tpu.memory_space<hbm>>
        %dma_start3A_272 = tpu.memref_squeeze %dma_start3A_271 : memref<1x1x1x400xi32, #tpu.memory_space<hbm>> -> memref<1x400xi32, #tpu.memory_space<hbm>>
        tpu.enqueue_dma source(%dma_start3A_272 : memref<1x400xi32, #tpu.memory_space<hbm>>) target(%arg15 : memref<1x400xi32, #tpu.memory_space<vmem>>) target_semaphore(%arg23 : memref<!tpu.dma_semaphore, #tpu.memory_space<semaphore_mem>>)
      } else {
      }
      %add3A_118 = arith.constant 1 : i32
      %add3A_119 = arith.addi %add3A_107, %add3A_118 : i32
      %lt3A_120 = arith.constant 500 : i32
      %lt3A_121 = arith.cmpi slt, %add3A_119, %lt3A_120 : i32
      %convert_element_type3A_122 = arith.extui %lt3A_121 : i1 to i32
      %cond3A_123 = arith.constant 0 : i32
      %cond3A_124 = arith.cmpi ne, %convert_element_type3A_122, %cond3A_123 : i32
      scf.if %cond3A_124 {
        %add3A_250 = arith.constant 1 : i32
        %add3A_251 = arith.addi %add3A_107, %add3A_250 : i32
        %mul3A_252 = arith.constant 500 : i32
        %mul3A_253 = arith.muli %arg1, %mul3A_252 : i32
        %add3A_254 = arith.addi %mul3A_253, %add3A_251 : i32
        %dma_wait3A_255 = arith.constant 0 : i32
        %dma_wait3A_256 = arith.constant 0 : i32
        %dma_wait3A_257 = arith.constant 0 : i32
        %dma_wait3A_258 = tpu.memref_slice %arg2[%dma_wait3A_255, %add3A_254, %dma_wait3A_256, %dma_wait3A_257] : memref<2x8000x1x400xi32, #tpu.memory_space<hbm>> -> memref<1x1x1x400xi32, #tpu.memory_space<hbm>>
        %dma_wait3A_259 = tpu.memref_squeeze %dma_wait3A_258 : memref<1x1x1x400xi32, #tpu.memory_space<hbm>> -> memref<1x400xi32, #tpu.memory_space<hbm>>
        %dma_wait3A_260 = arith.constant 0 : i32
        %dma_wait3A_261 = arith.constant 0 : i32
        %dma_wait3A_262 = tpu.memref_slice %arg2[%dma_wait3A_255, %add3A_254, %dma_wait3A_260, %dma_wait3A_261] : memref<2x8000x1x400xi32, #tpu.memory_space<hbm>> -> memref<1x1x1x400xi32, #tpu.memory_space<hbm>>
        %dma_wait3A_263 = tpu.memref_squeeze %dma_wait3A_262 : memref<1x1x1x400xi32, #tpu.memory_space<hbm>> -> memref<1x400xi32, #tpu.memory_space<hbm>>
        tpu.wait_dma2 semaphore(%arg22 : memref<!tpu.dma_semaphore, #tpu.memory_space<semaphore_mem>>) src(%dma_wait3A_263 : memref<1x400xi32, #tpu.memory_space<hbm>>) dst(%arg11 : memref<1x400xi32, #tpu.memory_space<vmem>>)
        %dma_wait3A_264 = arith.constant 1 : i32
        %dma_wait3A_265 = arith.constant 0 : i32
        %dma_wait3A_266 = arith.constant 0 : i32
        %dma_wait3A_267 = tpu.memref_slice %arg2[%dma_wait3A_264, %add3A_254, %dma_wait3A_265, %dma_wait3A_266] : memref<2x8000x1x400xi32, #tpu.memory_space<hbm>> -> memref<1x1x1x400xi32, #tpu.memory_space<hbm>>
        %dma_wait3A_268 = tpu.memref_squeeze %dma_wait3A_267 : memref<1x1x1x400xi32, #tpu.memory_space<hbm>> -> memref<1x400xi32, #tpu.memory_space<hbm>>
        %dma_wait3A_269 = arith.constant 0 : i32
        %dma_wait3A_270 = arith.constant 0 : i32
        %dma_wait3A_271 = tpu.memref_slice %arg2[%dma_wait3A_264, %add3A_254, %dma_wait3A_269, %dma_wait3A_270] : memref<2x8000x1x400xi32, #tpu.memory_space<hbm>> -> memref<1x1x1x400xi32, #tpu.memory_space<hbm>>
        %dma_wait3A_272 = tpu.memref_squeeze %dma_wait3A_271 : memref<1x1x1x400xi32, #tpu.memory_space<hbm>> -> memref<1x400xi32, #tpu.memory_space<hbm>>
        tpu.wait_dma2 semaphore(%arg22 : memref<!tpu.dma_semaphore, #tpu.memory_space<semaphore_mem>>) src(%dma_wait3A_272 : memref<1x400xi32, #tpu.memory_space<hbm>>) dst(%arg12 : memref<1x400xi32, #tpu.memory_space<vmem>>)
        %eq3A_273 = arith.constant 0 : i32
        %eq3A_274 = arith.cmpi eq, %arg0, %eq3A_273 : i32
        %convert_element_type3A_275 = arith.extui %eq3A_274 : i1 to i32
        %cond3A_276 = arith.constant 0 : i32
        %cond3A_277 = arith.cmpi ne, %convert_element_type3A_275, %cond3A_276 : i32
        scf.if %cond3A_277 {
          %dma_start3A_283 = arith.constant 0 : i32
          %dma_start3A_284 = arith.constant 0 : i32
          %dma_start3A_285 = tpu.memref_slice %arg11[%dma_start3A_283, %dma_start3A_284] : memref<1x400xi32, #tpu.memory_space<vmem>> -> memref<1x400xi32, #tpu.memory_space<vmem>>
          %dma_start3A_286 = tpu.memref_squeeze %dma_start3A_285 : memref<1x400xi32, #tpu.memory_space<vmem>> -> memref<400xi32, #tpu.memory_space<vmem>>
          %dma_start3A_287 = arith.constant 0 : i32
          %dma_start3A_288 = arith.constant 0 : i32
          %dma_start3A_289 = tpu.memref_slice %arg3[%dma_start3A_287, %dma_start3A_288] : memref<102400x16xf32, #tpu.memory_space<hbm>> -> memref<102400x16xf32, #tpu.memory_space<hbm>>
          tpu.enqueue_indirect_dma source(%dma_start3A_289 : memref<102400x16xf32, #tpu.memory_space<hbm>>) target(%arg13 : memref<400x16xf32, #tpu.memory_space<vmem>>) offsets(%dma_start3A_286 : memref<400xi32, #tpu.memory_space<vmem>>) semaphore(%arg26 : memref<!tpu.dma_semaphore, #tpu.memory_space<semaphore_mem>>)
        } else {
        }
        %eq3A_278 = arith.constant 1 : i32
        %eq3A_279 = arith.cmpi eq, %arg0, %eq3A_278 : i32
        %convert_element_type3A_280 = arith.extui %eq3A_279 : i1 to i32
        %cond3A_281 = arith.constant 0 : i32
        %cond3A_282 = arith.cmpi ne, %convert_element_type3A_280, %cond3A_281 : i32
        scf.if %cond3A_282 {
          %dma_start3A_283 = arith.constant 0 : i32
          %dma_start3A_284 = arith.constant 0 : i32
          %dma_start3A_285 = tpu.memref_slice %arg11[%dma_start3A_283, %dma_start3A_284] : memref<1x400xi32, #tpu.memory_space<vmem>> -> memref<1x400xi32, #tpu.memory_space<vmem>>
          %dma_start3A_286 = tpu.memref_squeeze %dma_start3A_285 : memref<1x400xi32, #tpu.memory_space<vmem>> -> memref<400xi32, #tpu.memory_space<vmem>>
          %dma_start3A_287 = arith.constant 0 : i32
          %dma_start3A_288 = arith.constant 0 : i32
          %dma_start3A_289 = tpu.memref_slice %arg4[%dma_start3A_287, %dma_start3A_288] : memref<102400x16xf32, #tpu.memory_space<hbm>> -> memref<102400x16xf32, #tpu.memory_space<hbm>>
          tpu.enqueue_indirect_dma source(%dma_start3A_289 : memref<102400x16xf32, #tpu.memory_space<hbm>>) target(%arg13 : memref<400x16xf32, #tpu.memory_space<vmem>>) offsets(%dma_start3A_286 : memref<400xi32, #tpu.memory_space<vmem>>) semaphore(%arg26 : memref<!tpu.dma_semaphore, #tpu.memory_space<semaphore_mem>>)
        } else {
        }
      } else {
      }
      %dma_wait3A_125 = arith.constant 0 : i32
      %dma_wait3A_126 = arith.constant 0 : i32
      %dma_wait3A_127 = tpu.memref_slice %arg8[%dma_wait3A_125, %dma_wait3A_126] : memref<1x400xi32, #tpu.memory_space<vmem>> -> memref<1x400xi32, #tpu.memory_space<vmem>>
      %dma_wait3A_128 = tpu.memref_squeeze %dma_wait3A_127 : memref<1x400xi32, #tpu.memory_space<vmem>> -> memref<400xi32, #tpu.memory_space<vmem>>
      %dma_wait3A_129 = arith.constant 0 : i32
      %dma_wait3A_130 = arith.constant 0 : i32
      %dma_wait3A_131 = tpu.memref_slice %arg3[%dma_wait3A_129, %dma_wait3A_130] : memref<102400x16xf32, #tpu.memory_space<hbm>> -> memref<102400x16xf32, #tpu.memory_space<hbm>>
      tpu.wait_indirect_dma semaphore(%arg25 : memref<!tpu.dma_semaphore, #tpu.memory_space<semaphore_mem>>) src(%dma_wait3A_131 : memref<102400x16xf32, #tpu.memory_space<hbm>>) dst(%arg10 : memref<400x16xf32, #tpu.memory_space<vmem>>)
      %dma_start3A_132 = arith.constant 0 : i32
      %dma_start3A_133 = arith.constant 0 : i32
      %dma_start3A_134 = tpu.memref_slice %arg9[%dma_start3A_132, %dma_start3A_133] : memref<1x400xi32, #tpu.memory_space<vmem>> -> memref<1x400xi32, #tpu.memory_space<vmem>>
      %dma_start3A_135 = tpu.memref_squeeze %dma_start3A_134 : memref<1x400xi32, #tpu.memory_space<vmem>> -> memref<400xi32, #tpu.memory_space<vmem>>
      %dma_start3A_136 = arith.constant 0 : i32
      %dma_start3A_137 = arith.constant 0 : i32
      %dma_start3A_138 = tpu.memref_slice %arg20[%dma_start3A_136, %dma_start3A_137] : memref<100000x16xf32, #tpu.memory_space<vmem_shared>> -> memref<100000x16xf32, #tpu.memory_space<vmem_shared>>
      tpu.enqueue_indirect_dma source(%arg10 : memref<400x16xf32, #tpu.memory_space<vmem>>) target(%dma_start3A_138 : memref<100000x16xf32, #tpu.memory_space<vmem_shared>>) offsets(%dma_start3A_135 : memref<400xi32, #tpu.memory_space<vmem>>) semaphore(%arg29 : memref<!tpu.dma_semaphore, #tpu.memory_space<semaphore_mem>>) {add = true}
      %mul3A_139 = arith.constant 4 : i32
      %mul3A_140 = arith.muli %mul3A_139, %scan3A_103 : i32
      %add3A_141 = arith.constant 1 : i32
      %add3A_142 = arith.addi %mul3A_140, %add3A_141 : i32
      %ge3A_143 = arith.constant 2 : i32
      %ge3A_144 = arith.cmpi sge, %add3A_142, %ge3A_143 : i32
      %convert_element_type3A_145 = arith.extui %ge3A_144 : i1 to i32
      %cond3A_146 = arith.constant 0 : i32
      %cond3A_147 = arith.cmpi ne, %convert_element_type3A_145, %cond3A_146 : i32
      scf.if %cond3A_147 {
        %dma_wait3A_250 = arith.constant 0 : i32
        %dma_wait3A_251 = arith.constant 0 : i32
        %dma_wait3A_252 = tpu.memref_slice %arg18[%dma_wait3A_250, %dma_wait3A_251] : memref<1x400xi32, #tpu.memory_space<vmem>> -> memref<1x400xi32, #tpu.memory_space<vmem>>
        %dma_wait3A_253 = tpu.memref_squeeze %dma_wait3A_252 : memref<1x400xi32, #tpu.memory_space<vmem>> -> memref<400xi32, #tpu.memory_space<vmem>>
        %dma_wait3A_254 = arith.constant 0 : i32
        %dma_wait3A_255 = arith.constant 0 : i32
        %dma_wait3A_256 = tpu.memref_slice %arg20[%dma_wait3A_254, %dma_wait3A_255] : memref<100000x16xf32, #tpu.memory_space<vmem_shared>> -> memref<100000x16xf32, #tpu.memory_space<vmem_shared>>
        tpu.wait_indirect_dma semaphore(%arg32 : memref<!tpu.dma_semaphore, #tpu.memory_space<semaphore_mem>>) src(%arg19 : memref<400x16xf32, #tpu.memory_space<vmem>>) dst(%dma_wait3A_256 : memref<100000x16xf32, #tpu.memory_space<vmem_shared>>)
      } else {
      }
      %add3A_148 = arith.constant 2 : i32
      %add3A_149 = arith.addi %add3A_142, %add3A_148 : i32
      %lt3A_150 = arith.constant 500 : i32
      %lt3A_151 = arith.cmpi slt, %add3A_149, %lt3A_150 : i32
      %convert_element_type3A_152 = arith.extui %lt3A_151 : i1 to i32
      %cond3A_153 = arith.constant 0 : i32
      %cond3A_154 = arith.cmpi ne, %convert_element_type3A_152, %cond3A_153 : i32
      scf.if %cond3A_154 {
        %add3A_250 = arith.constant 2 : i32
        %add3A_251 = arith.addi %add3A_142, %add3A_250 : i32
        %mul3A_252 = arith.constant 500 : i32
        %mul3A_253 = arith.muli %arg1, %mul3A_252 : i32
        %add3A_254 = arith.addi %mul3A_253, %add3A_251 : i32
        %dma_start3A_255 = arith.constant 0 : i32
        %dma_start3A_256 = arith.constant 0 : i32
        %dma_start3A_257 = arith.constant 0 : i32
        %dma_start3A_258 = tpu.memref_slice %arg2[%dma_start3A_255, %add3A_254, %dma_start3A_256, %dma_start3A_257] : memref<2x8000x1x400xi32, #tpu.memory_space<hbm>> -> memref<1x1x1x400xi32, #tpu.memory_space<hbm>>
        %dma_start3A_259 = tpu.memref_squeeze %dma_start3A_258 : memref<1x1x1x400xi32, #tpu.memory_space<hbm>> -> memref<1x400xi32, #tpu.memory_space<hbm>>
        %dma_start3A_260 = arith.constant 0 : i32
        %dma_start3A_261 = arith.constant 0 : i32
        %dma_start3A_262 = tpu.memref_slice %arg2[%dma_start3A_255, %add3A_254, %dma_start3A_260, %dma_start3A_261] : memref<2x8000x1x400xi32, #tpu.memory_space<hbm>> -> memref<1x1x1x400xi32, #tpu.memory_space<hbm>>
        %dma_start3A_263 = tpu.memref_squeeze %dma_start3A_262 : memref<1x1x1x400xi32, #tpu.memory_space<hbm>> -> memref<1x400xi32, #tpu.memory_space<hbm>>
        tpu.enqueue_dma source(%dma_start3A_263 : memref<1x400xi32, #tpu.memory_space<hbm>>) target(%arg17 : memref<1x400xi32, #tpu.memory_space<vmem>>) target_semaphore(%arg24 : memref<!tpu.dma_semaphore, #tpu.memory_space<semaphore_mem>>)
        %dma_start3A_264 = arith.constant 1 : i32
        %dma_start3A_265 = arith.constant 0 : i32
        %dma_start3A_266 = arith.constant 0 : i32
        %dma_start3A_267 = tpu.memref_slice %arg2[%dma_start3A_264, %add3A_254, %dma_start3A_265, %dma_start3A_266] : memref<2x8000x1x400xi32, #tpu.memory_space<hbm>> -> memref<1x1x1x400xi32, #tpu.memory_space<hbm>>
        %dma_start3A_268 = tpu.memref_squeeze %dma_start3A_267 : memref<1x1x1x400xi32, #tpu.memory_space<hbm>> -> memref<1x400xi32, #tpu.memory_space<hbm>>
        %dma_start3A_269 = arith.constant 0 : i32
        %dma_start3A_270 = arith.constant 0 : i32
        %dma_start3A_271 = tpu.memref_slice %arg2[%dma_start3A_264, %add3A_254, %dma_start3A_269, %dma_start3A_270] : memref<2x8000x1x400xi32, #tpu.memory_space<hbm>> -> memref<1x1x1x400xi32, #tpu.memory_space<hbm>>
        %dma_start3A_272 = tpu.memref_squeeze %dma_start3A_271 : memref<1x1x1x400xi32, #tpu.memory_space<hbm>> -> memref<1x400xi32, #tpu.memory_space<hbm>>
        tpu.enqueue_dma source(%dma_start3A_272 : memref<1x400xi32, #tpu.memory_space<hbm>>) target(%arg18 : memref<1x400xi32, #tpu.memory_space<vmem>>) target_semaphore(%arg24 : memref<!tpu.dma_semaphore, #tpu.memory_space<semaphore_mem>>)
      } else {
      }
      %add3A_155 = arith.constant 1 : i32
      %add3A_156 = arith.addi %add3A_142, %add3A_155 : i32
      %lt3A_157 = arith.constant 500 : i32
      %lt3A_158 = arith.cmpi slt, %add3A_156, %lt3A_157 : i32
      %convert_element_type3A_159 = arith.extui %lt3A_158 : i1 to i32
      %cond3A_160 = arith.constant 0 : i32
      %cond3A_161 = arith.cmpi ne, %convert_element_type3A_159, %cond3A_160 : i32
      scf.if %cond3A_161 {
        %add3A_250 = arith.constant 1 : i32
        %add3A_251 = arith.addi %add3A_142, %add3A_250 : i32
        %mul3A_252 = arith.constant 500 : i32
        %mul3A_253 = arith.muli %arg1, %mul3A_252 : i32
        %add3A_254 = arith.addi %mul3A_253, %add3A_251 : i32
        %dma_wait3A_255 = arith.constant 0 : i32
        %dma_wait3A_256 = arith.constant 0 : i32
        %dma_wait3A_257 = arith.constant 0 : i32
        %dma_wait3A_258 = tpu.memref_slice %arg2[%dma_wait3A_255, %add3A_254, %dma_wait3A_256, %dma_wait3A_257] : memref<2x8000x1x400xi32, #tpu.memory_space<hbm>> -> memref<1x1x1x400xi32, #tpu.memory_space<hbm>>
        %dma_wait3A_259 = tpu.memref_squeeze %dma_wait3A_258 : memref<1x1x1x400xi32, #tpu.memory_space<hbm>> -> memref<1x400xi32, #tpu.memory_space<hbm>>
        %dma_wait3A_260 = arith.constant 0 : i32
        %dma_wait3A_261 = arith.constant 0 : i32
        %dma_wait3A_262 = tpu.memref_slice %arg2[%dma_wait3A_255, %add3A_254, %dma_wait3A_260, %dma_wait3A_261] : memref<2x8000x1x400xi32, #tpu.memory_space<hbm>> -> memref<1x1x1x400xi32, #tpu.memory_space<hbm>>
        %dma_wait3A_263 = tpu.memref_squeeze %dma_wait3A_262 : memref<1x1x1x400xi32, #tpu.memory_space<hbm>> -> memref<1x400xi32, #tpu.memory_space<hbm>>
        tpu.wait_dma2 semaphore(%arg23 : memref<!tpu.dma_semaphore, #tpu.memory_space<semaphore_mem>>) src(%dma_wait3A_263 : memref<1x400xi32, #tpu.memory_space<hbm>>) dst(%arg14 : memref<1x400xi32, #tpu.memory_space<vmem>>)
        %dma_wait3A_264 = arith.constant 1 : i32
        %dma_wait3A_265 = arith.constant 0 : i32
        %dma_wait3A_266 = arith.constant 0 : i32
        %dma_wait3A_267 = tpu.memref_slice %arg2[%dma_wait3A_264, %add3A_254, %dma_wait3A_265, %dma_wait3A_266] : memref<2x8000x1x400xi32, #tpu.memory_space<hbm>> -> memref<1x1x1x400xi32, #tpu.memory_space<hbm>>
        %dma_wait3A_268 = tpu.memref_squeeze %dma_wait3A_267 : memref<1x1x1x400xi32, #tpu.memory_space<hbm>> -> memref<1x400xi32, #tpu.memory_space<hbm>>
        %dma_wait3A_269 = arith.constant 0 : i32
        %dma_wait3A_270 = arith.constant 0 : i32
        %dma_wait3A_271 = tpu.memref_slice %arg2[%dma_wait3A_264, %add3A_254, %dma_wait3A_269, %dma_wait3A_270] : memref<2x8000x1x400xi32, #tpu.memory_space<hbm>> -> memref<1x1x1x400xi32, #tpu.memory_space<hbm>>
        %dma_wait3A_272 = tpu.memref_squeeze %dma_wait3A_271 : memref<1x1x1x400xi32, #tpu.memory_space<hbm>> -> memref<1x400xi32, #tpu.memory_space<hbm>>
        tpu.wait_dma2 semaphore(%arg23 : memref<!tpu.dma_semaphore, #tpu.memory_space<semaphore_mem>>) src(%dma_wait3A_272 : memref<1x400xi32, #tpu.memory_space<hbm>>) dst(%arg15 : memref<1x400xi32, #tpu.memory_space<vmem>>)
        %eq3A_273 = arith.constant 0 : i32
        %eq3A_274 = arith.cmpi eq, %arg0, %eq3A_273 : i32
        %convert_element_type3A_275 = arith.extui %eq3A_274 : i1 to i32
        %cond3A_276 = arith.constant 0 : i32
        %cond3A_277 = arith.cmpi ne, %convert_element_type3A_275, %cond3A_276 : i32
        scf.if %cond3A_277 {
          %dma_start3A_283 = arith.constant 0 : i32
          %dma_start3A_284 = arith.constant 0 : i32
          %dma_start3A_285 = tpu.memref_slice %arg14[%dma_start3A_283, %dma_start3A_284] : memref<1x400xi32, #tpu.memory_space<vmem>> -> memref<1x400xi32, #tpu.memory_space<vmem>>
          %dma_start3A_286 = tpu.memref_squeeze %dma_start3A_285 : memref<1x400xi32, #tpu.memory_space<vmem>> -> memref<400xi32, #tpu.memory_space<vmem>>
          %dma_start3A_287 = arith.constant 0 : i32
          %dma_start3A_288 = arith.constant 0 : i32
          %dma_start3A_289 = tpu.memref_slice %arg3[%dma_start3A_287, %dma_start3A_288] : memref<102400x16xf32, #tpu.memory_space<hbm>> -> memref<102400x16xf32, #tpu.memory_space<hbm>>
          tpu.enqueue_indirect_dma source(%dma_start3A_289 : memref<102400x16xf32, #tpu.memory_space<hbm>>) target(%arg16 : memref<400x16xf32, #tpu.memory_space<vmem>>) offsets(%dma_start3A_286 : memref<400xi32, #tpu.memory_space<vmem>>) semaphore(%arg27 : memref<!tpu.dma_semaphore, #tpu.memory_space<semaphore_mem>>)
        } else {
        }
        %eq3A_278 = arith.constant 1 : i32
        %eq3A_279 = arith.cmpi eq, %arg0, %eq3A_278 : i32
        %convert_element_type3A_280 = arith.extui %eq3A_279 : i1 to i32
        %cond3A_281 = arith.constant 0 : i32
        %cond3A_282 = arith.cmpi ne, %convert_element_type3A_280, %cond3A_281 : i32
        scf.if %cond3A_282 {
          %dma_start3A_283 = arith.constant 0 : i32
          %dma_start3A_284 = arith.constant 0 : i32
          %dma_start3A_285 = tpu.memref_slice %arg14[%dma_start3A_283, %dma_start3A_284] : memref<1x400xi32, #tpu.memory_space<vmem>> -> memref<1x400xi32, #tpu.memory_space<vmem>>
          %dma_start3A_286 = tpu.memref_squeeze %dma_start3A_285 : memref<1x400xi32, #tpu.memory_space<vmem>> -> memref<400xi32, #tpu.memory_space<vmem>>
          %dma_start3A_287 = arith.constant 0 : i32
          %dma_start3A_288 = arith.constant 0 : i32
          %dma_start3A_289 = tpu.memref_slice %arg4[%dma_start3A_287, %dma_start3A_288] : memref<102400x16xf32, #tpu.memory_space<hbm>> -> memref<102400x16xf32, #tpu.memory_space<hbm>>
          tpu.enqueue_indirect_dma source(%dma_start3A_289 : memref<102400x16xf32, #tpu.memory_space<hbm>>) target(%arg16 : memref<400x16xf32, #tpu.memory_space<vmem>>) offsets(%dma_start3A_286 : memref<400xi32, #tpu.memory_space<vmem>>) semaphore(%arg27 : memref<!tpu.dma_semaphore, #tpu.memory_space<semaphore_mem>>)
        } else {
        }
      } else {
      }
      %dma_wait3A_162 = arith.constant 0 : i32
      %dma_wait3A_163 = arith.constant 0 : i32
      %dma_wait3A_164 = tpu.memref_slice %arg11[%dma_wait3A_162, %dma_wait3A_163] : memref<1x400xi32, #tpu.memory_space<vmem>> -> memref<1x400xi32, #tpu.memory_space<vmem>>
      %dma_wait3A_165 = tpu.memref_squeeze %dma_wait3A_164 : memref<1x400xi32, #tpu.memory_space<vmem>> -> memref<400xi32, #tpu.memory_space<vmem>>
      %dma_wait3A_166 = arith.constant 0 : i32
      %dma_wait3A_167 = arith.constant 0 : i32
      %dma_wait3A_168 = tpu.memref_slice %arg3[%dma_wait3A_166, %dma_wait3A_167] : memref<102400x16xf32, #tpu.memory_space<hbm>> -> memref<102400x16xf32, #tpu.memory_space<hbm>>
      tpu.wait_indirect_dma semaphore(%arg26 : memref<!tpu.dma_semaphore, #tpu.memory_space<semaphore_mem>>) src(%dma_wait3A_168 : memref<102400x16xf32, #tpu.memory_space<hbm>>) dst(%arg13 : memref<400x16xf32, #tpu.memory_space<vmem>>)
      %dma_start3A_169 = arith.constant 0 : i32
      %dma_start3A_170 = arith.constant 0 : i32
      %dma_start3A_171 = tpu.memref_slice %arg12[%dma_start3A_169, %dma_start3A_170] : memref<1x400xi32, #tpu.memory_space<vmem>> -> memref<1x400xi32, #tpu.memory_space<vmem>>
      %dma_start3A_172 = tpu.memref_squeeze %dma_start3A_171 : memref<1x400xi32, #tpu.memory_space<vmem>> -> memref<400xi32, #tpu.memory_space<vmem>>
      %dma_start3A_173 = arith.constant 0 : i32
      %dma_start3A_174 = arith.constant 0 : i32
      %dma_start3A_175 = tpu.memref_slice %arg20[%dma_start3A_173, %dma_start3A_174] : memref<100000x16xf32, #tpu.memory_space<vmem_shared>> -> memref<100000x16xf32, #tpu.memory_space<vmem_shared>>
      tpu.enqueue_indirect_dma source(%arg13 : memref<400x16xf32, #tpu.memory_space<vmem>>) target(%dma_start3A_175 : memref<100000x16xf32, #tpu.memory_space<vmem_shared>>) offsets(%dma_start3A_172 : memref<400xi32, #tpu.memory_space<vmem>>) semaphore(%arg30 : memref<!tpu.dma_semaphore, #tpu.memory_space<semaphore_mem>>) {add = true}
      %mul3A_176 = arith.constant 4 : i32
      %mul3A_177 = arith.muli %mul3A_176, %scan3A_103 : i32
      %add3A_178 = arith.constant 2 : i32
      %add3A_179 = arith.addi %mul3A_177, %add3A_178 : i32
      %ge3A_180 = arith.constant 2 : i32
      %ge3A_181 = arith.cmpi sge, %add3A_179, %ge3A_180 : i32
      %convert_element_type3A_182 = arith.extui %ge3A_181 : i1 to i32
      %cond3A_183 = arith.constant 0 : i32
      %cond3A_184 = arith.cmpi ne, %convert_element_type3A_182, %cond3A_183 : i32
      scf.if %cond3A_184 {
        %dma_wait3A_250 = arith.constant 0 : i32
        %dma_wait3A_251 = arith.constant 0 : i32
        %dma_wait3A_252 = tpu.memref_slice %arg9[%dma_wait3A_250, %dma_wait3A_251] : memref<1x400xi32, #tpu.memory_space<vmem>> -> memref<1x400xi32, #tpu.memory_space<vmem>>
        %dma_wait3A_253 = tpu.memref_squeeze %dma_wait3A_252 : memref<1x400xi32, #tpu.memory_space<vmem>> -> memref<400xi32, #tpu.memory_space<vmem>>
        %dma_wait3A_254 = arith.constant 0 : i32
        %dma_wait3A_255 = arith.constant 0 : i32
        %dma_wait3A_256 = tpu.memref_slice %arg20[%dma_wait3A_254, %dma_wait3A_255] : memref<100000x16xf32, #tpu.memory_space<vmem_shared>> -> memref<100000x16xf32, #tpu.memory_space<vmem_shared>>
        tpu.wait_indirect_dma semaphore(%arg29 : memref<!tpu.dma_semaphore, #tpu.memory_space<semaphore_mem>>) src(%arg10 : memref<400x16xf32, #tpu.memory_space<vmem>>) dst(%dma_wait3A_256 : memref<100000x16xf32, #tpu.memory_space<vmem_shared>>)
      } else {
      }
      %add3A_185 = arith.constant 2 : i32
      %add3A_186 = arith.addi %add3A_179, %add3A_185 : i32
      %lt3A_187 = arith.constant 500 : i32
      %lt3A_188 = arith.cmpi slt, %add3A_186, %lt3A_187 : i32
      %convert_element_type3A_189 = arith.extui %lt3A_188 : i1 to i32
      %cond3A_190 = arith.constant 0 : i32
      %cond3A_191 = arith.cmpi ne, %convert_element_type3A_189, %cond3A_190 : i32
      scf.if %cond3A_191 {
        %add3A_250 = arith.constant 2 : i32
        %add3A_251 = arith.addi %add3A_179, %add3A_250 : i32
        %mul3A_252 = arith.constant 500 : i32
        %mul3A_253 = arith.muli %arg1, %mul3A_252 : i32
        %add3A_254 = arith.addi %mul3A_253, %add3A_251 : i32
        %dma_start3A_255 = arith.constant 0 : i32
        %dma_start3A_256 = arith.constant 0 : i32
        %dma_start3A_257 = arith.constant 0 : i32
        %dma_start3A_258 = tpu.memref_slice %arg2[%dma_start3A_255, %add3A_254, %dma_start3A_256, %dma_start3A_257] : memref<2x8000x1x400xi32, #tpu.memory_space<hbm>> -> memref<1x1x1x400xi32, #tpu.memory_space<hbm>>
        %dma_start3A_259 = tpu.memref_squeeze %dma_start3A_258 : memref<1x1x1x400xi32, #tpu.memory_space<hbm>> -> memref<1x400xi32, #tpu.memory_space<hbm>>
        %dma_start3A_260 = arith.constant 0 : i32
        %dma_start3A_261 = arith.constant 0 : i32
        %dma_start3A_262 = tpu.memref_slice %arg2[%dma_start3A_255, %add3A_254, %dma_start3A_260, %dma_start3A_261] : memref<2x8000x1x400xi32, #tpu.memory_space<hbm>> -> memref<1x1x1x400xi32, #tpu.memory_space<hbm>>
        %dma_start3A_263 = tpu.memref_squeeze %dma_start3A_262 : memref<1x1x1x400xi32, #tpu.memory_space<hbm>> -> memref<1x400xi32, #tpu.memory_space<hbm>>
        tpu.enqueue_dma source(%dma_start3A_263 : memref<1x400xi32, #tpu.memory_space<hbm>>) target(%arg8 : memref<1x400xi32, #tpu.memory_space<vmem>>) target_semaphore(%arg21 : memref<!tpu.dma_semaphore, #tpu.memory_space<semaphore_mem>>)
        %dma_start3A_264 = arith.constant 1 : i32
        %dma_start3A_265 = arith.constant 0 : i32
        %dma_start3A_266 = arith.constant 0 : i32
        %dma_start3A_267 = tpu.memref_slice %arg2[%dma_start3A_264, %add3A_254, %dma_start3A_265, %dma_start3A_266] : memref<2x8000x1x400xi32, #tpu.memory_space<hbm>> -> memref<1x1x1x400xi32, #tpu.memory_space<hbm>>
        %dma_start3A_268 = tpu.memref_squeeze %dma_start3A_267 : memref<1x1x1x400xi32, #tpu.memory_space<hbm>> -> memref<1x400xi32, #tpu.memory_space<hbm>>
        %dma_start3A_269 = arith.constant 0 : i32
        %dma_start3A_270 = arith.constant 0 : i32
        %dma_start3A_271 = tpu.memref_slice %arg2[%dma_start3A_264, %add3A_254, %dma_start3A_269, %dma_start3A_270] : memref<2x8000x1x400xi32, #tpu.memory_space<hbm>> -> memref<1x1x1x400xi32, #tpu.memory_space<hbm>>
        %dma_start3A_272 = tpu.memref_squeeze %dma_start3A_271 : memref<1x1x1x400xi32, #tpu.memory_space<hbm>> -> memref<1x400xi32, #tpu.memory_space<hbm>>
        tpu.enqueue_dma source(%dma_start3A_272 : memref<1x400xi32, #tpu.memory_space<hbm>>) target(%arg9 : memref<1x400xi32, #tpu.memory_space<vmem>>) target_semaphore(%arg21 : memref<!tpu.dma_semaphore, #tpu.memory_space<semaphore_mem>>)
      } else {
      }
      %add3A_192 = arith.constant 1 : i32
      %add3A_193 = arith.addi %add3A_179, %add3A_192 : i32
      %lt3A_194 = arith.constant 500 : i32
      %lt3A_195 = arith.cmpi slt, %add3A_193, %lt3A_194 : i32
      %convert_element_type3A_196 = arith.extui %lt3A_195 : i1 to i32
      %cond3A_197 = arith.constant 0 : i32
      %cond3A_198 = arith.cmpi ne, %convert_element_type3A_196, %cond3A_197 : i32
      scf.if %cond3A_198 {
        %add3A_250 = arith.constant 1 : i32
        %add3A_251 = arith.addi %add3A_179, %add3A_250 : i32
        %mul3A_252 = arith.constant 500 : i32
        %mul3A_253 = arith.muli %arg1, %mul3A_252 : i32
        %add3A_254 = arith.addi %mul3A_253, %add3A_251 : i32
        %dma_wait3A_255 = arith.constant 0 : i32
        %dma_wait3A_256 = arith.constant 0 : i32
        %dma_wait3A_257 = arith.constant 0 : i32
        %dma_wait3A_258 = tpu.memref_slice %arg2[%dma_wait3A_255, %add3A_254, %dma_wait3A_256, %dma_wait3A_257] : memref<2x8000x1x400xi32, #tpu.memory_space<hbm>> -> memref<1x1x1x400xi32, #tpu.memory_space<hbm>>
        %dma_wait3A_259 = tpu.memref_squeeze %dma_wait3A_258 : memref<1x1x1x400xi32, #tpu.memory_space<hbm>> -> memref<1x400xi32, #tpu.memory_space<hbm>>
        %dma_wait3A_260 = arith.constant 0 : i32
        %dma_wait3A_261 = arith.constant 0 : i32
        %dma_wait3A_262 = tpu.memref_slice %arg2[%dma_wait3A_255, %add3A_254, %dma_wait3A_260, %dma_wait3A_261] : memref<2x8000x1x400xi32, #tpu.memory_space<hbm>> -> memref<1x1x1x400xi32, #tpu.memory_space<hbm>>
        %dma_wait3A_263 = tpu.memref_squeeze %dma_wait3A_262 : memref<1x1x1x400xi32, #tpu.memory_space<hbm>> -> memref<1x400xi32, #tpu.memory_space<hbm>>
        tpu.wait_dma2 semaphore(%arg24 : memref<!tpu.dma_semaphore, #tpu.memory_space<semaphore_mem>>) src(%dma_wait3A_263 : memref<1x400xi32, #tpu.memory_space<hbm>>) dst(%arg17 : memref<1x400xi32, #tpu.memory_space<vmem>>)
        %dma_wait3A_264 = arith.constant 1 : i32
        %dma_wait3A_265 = arith.constant 0 : i32
        %dma_wait3A_266 = arith.constant 0 : i32
        %dma_wait3A_267 = tpu.memref_slice %arg2[%dma_wait3A_264, %add3A_254, %dma_wait3A_265, %dma_wait3A_266] : memref<2x8000x1x400xi32, #tpu.memory_space<hbm>> -> memref<1x1x1x400xi32, #tpu.memory_space<hbm>>
        %dma_wait3A_268 = tpu.memref_squeeze %dma_wait3A_267 : memref<1x1x1x400xi32, #tpu.memory_space<hbm>> -> memref<1x400xi32, #tpu.memory_space<hbm>>
        %dma_wait3A_269 = arith.constant 0 : i32
        %dma_wait3A_270 = arith.constant 0 : i32
        %dma_wait3A_271 = tpu.memref_slice %arg2[%dma_wait3A_264, %add3A_254, %dma_wait3A_269, %dma_wait3A_270] : memref<2x8000x1x400xi32, #tpu.memory_space<hbm>> -> memref<1x1x1x400xi32, #tpu.memory_space<hbm>>
        %dma_wait3A_272 = tpu.memref_squeeze %dma_wait3A_271 : memref<1x1x1x400xi32, #tpu.memory_space<hbm>> -> memref<1x400xi32, #tpu.memory_space<hbm>>
        tpu.wait_dma2 semaphore(%arg24 : memref<!tpu.dma_semaphore, #tpu.memory_space<semaphore_mem>>) src(%dma_wait3A_272 : memref<1x400xi32, #tpu.memory_space<hbm>>) dst(%arg18 : memref<1x400xi32, #tpu.memory_space<vmem>>)
        %eq3A_273 = arith.constant 0 : i32
        %eq3A_274 = arith.cmpi eq, %arg0, %eq3A_273 : i32
        %convert_element_type3A_275 = arith.extui %eq3A_274 : i1 to i32
        %cond3A_276 = arith.constant 0 : i32
        %cond3A_277 = arith.cmpi ne, %convert_element_type3A_275, %cond3A_276 : i32
        scf.if %cond3A_277 {
          %dma_start3A_283 = arith.constant 0 : i32
          %dma_start3A_284 = arith.constant 0 : i32
          %dma_start3A_285 = tpu.memref_slice %arg17[%dma_start3A_283, %dma_start3A_284] : memref<1x400xi32, #tpu.memory_space<vmem>> -> memref<1x400xi32, #tpu.memory_space<vmem>>
          %dma_start3A_286 = tpu.memref_squeeze %dma_start3A_285 : memref<1x400xi32, #tpu.memory_space<vmem>> -> memref<400xi32, #tpu.memory_space<vmem>>
          %dma_start3A_287 = arith.constant 0 : i32
          %dma_start3A_288 = arith.constant 0 : i32
          %dma_start3A_289 = tpu.memref_slice %arg3[%dma_start3A_287, %dma_start3A_288] : memref<102400x16xf32, #tpu.memory_space<hbm>> -> memref<102400x16xf32, #tpu.memory_space<hbm>>
          tpu.enqueue_indirect_dma source(%dma_start3A_289 : memref<102400x16xf32, #tpu.memory_space<hbm>>) target(%arg19 : memref<400x16xf32, #tpu.memory_space<vmem>>) offsets(%dma_start3A_286 : memref<400xi32, #tpu.memory_space<vmem>>) semaphore(%arg28 : memref<!tpu.dma_semaphore, #tpu.memory_space<semaphore_mem>>)
        } else {
        }
        %eq3A_278 = arith.constant 1 : i32
        %eq3A_279 = arith.cmpi eq, %arg0, %eq3A_278 : i32
        %convert_element_type3A_280 = arith.extui %eq3A_279 : i1 to i32
        %cond3A_281 = arith.constant 0 : i32
        %cond3A_282 = arith.cmpi ne, %convert_element_type3A_280, %cond3A_281 : i32
        scf.if %cond3A_282 {
          %dma_start3A_283 = arith.constant 0 : i32
          %dma_start3A_284 = arith.constant 0 : i32
          %dma_start3A_285 = tpu.memref_slice %arg17[%dma_start3A_283, %dma_start3A_284] : memref<1x400xi32, #tpu.memory_space<vmem>> -> memref<1x400xi32, #tpu.memory_space<vmem>>
          %dma_start3A_286 = tpu.memref_squeeze %dma_start3A_285 : memref<1x400xi32, #tpu.memory_space<vmem>> -> memref<400xi32, #tpu.memory_space<vmem>>
          %dma_start3A_287 = arith.constant 0 : i32
          %dma_start3A_288 = arith.constant 0 : i32
          %dma_start3A_289 = tpu.memref_slice %arg4[%dma_start3A_287, %dma_start3A_288] : memref<102400x16xf32, #tpu.memory_space<hbm>> -> memref<102400x16xf32, #tpu.memory_space<hbm>>
          tpu.enqueue_indirect_dma source(%dma_start3A_289 : memref<102400x16xf32, #tpu.memory_space<hbm>>) target(%arg19 : memref<400x16xf32, #tpu.memory_space<vmem>>) offsets(%dma_start3A_286 : memref<400xi32, #tpu.memory_space<vmem>>) semaphore(%arg28 : memref<!tpu.dma_semaphore, #tpu.memory_space<semaphore_mem>>)
        } else {
        }
      } else {
      }
      %dma_wait3A_199 = arith.constant 0 : i32
      %dma_wait3A_200 = arith.constant 0 : i32
      %dma_wait3A_201 = tpu.memref_slice %arg14[%dma_wait3A_199, %dma_wait3A_200] : memref<1x400xi32, #tpu.memory_space<vmem>> -> memref<1x400xi32, #tpu.memory_space<vmem>>
      %dma_wait3A_202 = tpu.memref_squeeze %dma_wait3A_201 : memref<1x400xi32, #tpu.memory_space<vmem>> -> memref<400xi32, #tpu.memory_space<vmem>>
      %dma_wait3A_203 = arith.constant 0 : i32
      %dma_wait3A_204 = arith.constant 0 : i32
      %dma_wait3A_205 = tpu.memref_slice %arg3[%dma_wait3A_203, %dma_wait3A_204] : memref<102400x16xf32, #tpu.memory_space<hbm>> -> memref<102400x16xf32, #tpu.memory_space<hbm>>
      tpu.wait_indirect_dma semaphore(%arg27 : memref<!tpu.dma_semaphore, #tpu.memory_space<semaphore_mem>>) src(%dma_wait3A_205 : memref<102400x16xf32, #tpu.memory_space<hbm>>) dst(%arg16 : memref<400x16xf32, #tpu.memory_space<vmem>>)
      %dma_start3A_206 = arith.constant 0 : i32
      %dma_start3A_207 = arith.constant 0 : i32
      %dma_start3A_208 = tpu.memref_slice %arg15[%dma_start3A_206, %dma_start3A_207] : memref<1x400xi32, #tpu.memory_space<vmem>> -> memref<1x400xi32, #tpu.memory_space<vmem>>
      %dma_start3A_209 = tpu.memref_squeeze %dma_start3A_208 : memref<1x400xi32, #tpu.memory_space<vmem>> -> memref<400xi32, #tpu.memory_space<vmem>>
      %dma_start3A_210 = arith.constant 0 : i32
      %dma_start3A_211 = arith.constant 0 : i32
      %dma_start3A_212 = tpu.memref_slice %arg20[%dma_start3A_210, %dma_start3A_211] : memref<100000x16xf32, #tpu.memory_space<vmem_shared>> -> memref<100000x16xf32, #tpu.memory_space<vmem_shared>>
      tpu.enqueue_indirect_dma source(%arg16 : memref<400x16xf32, #tpu.memory_space<vmem>>) target(%dma_start3A_212 : memref<100000x16xf32, #tpu.memory_space<vmem_shared>>) offsets(%dma_start3A_209 : memref<400xi32, #tpu.memory_space<vmem>>) semaphore(%arg31 : memref<!tpu.dma_semaphore, #tpu.memory_space<semaphore_mem>>) {add = true}
      %mul3A_213 = arith.constant 4 : i32
      %mul3A_214 = arith.muli %mul3A_213, %scan3A_103 : i32
      %add3A_215 = arith.constant 3 : i32
      %add3A_216 = arith.addi %mul3A_214, %add3A_215 : i32
      %ge3A_217 = arith.constant 2 : i32
      %ge3A_218 = arith.cmpi sge, %add3A_216, %ge3A_217 : i32
      %convert_element_type3A_219 = arith.extui %ge3A_218 : i1 to i32
      %cond3A_220 = arith.constant 0 : i32
      %cond3A_221 = arith.cmpi ne, %convert_element_type3A_219, %cond3A_220 : i32
      scf.if %cond3A_221 {
        %dma_wait3A_250 = arith.constant 0 : i32
        %dma_wait3A_251 = arith.constant 0 : i32
        %dma_wait3A_252 = tpu.memref_slice %arg12[%dma_wait3A_250, %dma_wait3A_251] : memref<1x400xi32, #tpu.memory_space<vmem>> -> memref<1x400xi32, #tpu.memory_space<vmem>>
        %dma_wait3A_253 = tpu.memref_squeeze %dma_wait3A_252 : memref<1x400xi32, #tpu.memory_space<vmem>> -> memref<400xi32, #tpu.memory_space<vmem>>
        %dma_wait3A_254 = arith.constant 0 : i32
        %dma_wait3A_255 = arith.constant 0 : i32
        %dma_wait3A_256 = tpu.memref_slice %arg20[%dma_wait3A_254, %dma_wait3A_255] : memref<100000x16xf32, #tpu.memory_space<vmem_shared>> -> memref<100000x16xf32, #tpu.memory_space<vmem_shared>>
        tpu.wait_indirect_dma semaphore(%arg30 : memref<!tpu.dma_semaphore, #tpu.memory_space<semaphore_mem>>) src(%arg13 : memref<400x16xf32, #tpu.memory_space<vmem>>) dst(%dma_wait3A_256 : memref<100000x16xf32, #tpu.memory_space<vmem_shared>>)
      } else {
      }
      %add3A_222 = arith.constant 2 : i32
      %add3A_223 = arith.addi %add3A_216, %add3A_222 : i32
      %lt3A_224 = arith.constant 500 : i32
      %lt3A_225 = arith.cmpi slt, %add3A_223, %lt3A_224 : i32
      %convert_element_type3A_226 = arith.extui %lt3A_225 : i1 to i32
      %cond3A_227 = arith.constant 0 : i32
      %cond3A_228 = arith.cmpi ne, %convert_element_type3A_226, %cond3A_227 : i32
      scf.if %cond3A_228 {
        %add3A_250 = arith.constant 2 : i32
        %add3A_251 = arith.addi %add3A_216, %add3A_250 : i32
        %mul3A_252 = arith.constant 500 : i32
        %mul3A_253 = arith.muli %arg1, %mul3A_252 : i32
        %add3A_254 = arith.addi %mul3A_253, %add3A_251 : i32
        %dma_start3A_255 = arith.constant 0 : i32
        %dma_start3A_256 = arith.constant 0 : i32
        %dma_start3A_257 = arith.constant 0 : i32
        %dma_start3A_258 = tpu.memref_slice %arg2[%dma_start3A_255, %add3A_254, %dma_start3A_256, %dma_start3A_257] : memref<2x8000x1x400xi32, #tpu.memory_space<hbm>> -> memref<1x1x1x400xi32, #tpu.memory_space<hbm>>
        %dma_start3A_259 = tpu.memref_squeeze %dma_start3A_258 : memref<1x1x1x400xi32, #tpu.memory_space<hbm>> -> memref<1x400xi32, #tpu.memory_space<hbm>>
        %dma_start3A_260 = arith.constant 0 : i32
        %dma_start3A_261 = arith.constant 0 : i32
        %dma_start3A_262 = tpu.memref_slice %arg2[%dma_start3A_255, %add3A_254, %dma_start3A_260, %dma_start3A_261] : memref<2x8000x1x400xi32, #tpu.memory_space<hbm>> -> memref<1x1x1x400xi32, #tpu.memory_space<hbm>>
        %dma_start3A_263 = tpu.memref_squeeze %dma_start3A_262 : memref<1x1x1x400xi32, #tpu.memory_space<hbm>> -> memref<1x400xi32, #tpu.memory_space<hbm>>
        tpu.enqueue_dma source(%dma_start3A_263 : memref<1x400xi32, #tpu.memory_space<hbm>>) target(%arg11 : memref<1x400xi32, #tpu.memory_space<vmem>>) target_semaphore(%arg22 : memref<!tpu.dma_semaphore, #tpu.memory_space<semaphore_mem>>)
        %dma_start3A_264 = arith.constant 1 : i32
        %dma_start3A_265 = arith.constant 0 : i32
        %dma_start3A_266 = arith.constant 0 : i32
        %dma_start3A_267 = tpu.memref_slice %arg2[%dma_start3A_264, %add3A_254, %dma_start3A_265, %dma_start3A_266] : memref<2x8000x1x400xi32, #tpu.memory_space<hbm>> -> memref<1x1x1x400xi32, #tpu.memory_space<hbm>>
        %dma_start3A_268 = tpu.memref_squeeze %dma_start3A_267 : memref<1x1x1x400xi32, #tpu.memory_space<hbm>> -> memref<1x400xi32, #tpu.memory_space<hbm>>
        %dma_start3A_269 = arith.constant 0 : i32
        %dma_start3A_270 = arith.constant 0 : i32
        %dma_start3A_271 = tpu.memref_slice %arg2[%dma_start3A_264, %add3A_254, %dma_start3A_269, %dma_start3A_270] : memref<2x8000x1x400xi32, #tpu.memory_space<hbm>> -> memref<1x1x1x400xi32, #tpu.memory_space<hbm>>
        %dma_start3A_272 = tpu.memref_squeeze %dma_start3A_271 : memref<1x1x1x400xi32, #tpu.memory_space<hbm>> -> memref<1x400xi32, #tpu.memory_space<hbm>>
        tpu.enqueue_dma source(%dma_start3A_272 : memref<1x400xi32, #tpu.memory_space<hbm>>) target(%arg12 : memref<1x400xi32, #tpu.memory_space<vmem>>) target_semaphore(%arg22 : memref<!tpu.dma_semaphore, #tpu.memory_space<semaphore_mem>>)
      } else {
      }
      %add3A_229 = arith.constant 1 : i32
      %add3A_230 = arith.addi %add3A_216, %add3A_229 : i32
      %lt3A_231 = arith.constant 500 : i32
      %lt3A_232 = arith.cmpi slt, %add3A_230, %lt3A_231 : i32
      %convert_element_type3A_233 = arith.extui %lt3A_232 : i1 to i32
      %cond3A_234 = arith.constant 0 : i32
      %cond3A_235 = arith.cmpi ne, %convert_element_type3A_233, %cond3A_234 : i32
      scf.if %cond3A_235 {
        %add3A_250 = arith.constant 1 : i32
        %add3A_251 = arith.addi %add3A_216, %add3A_250 : i32
        %mul3A_252 = arith.constant 500 : i32
        %mul3A_253 = arith.muli %arg1, %mul3A_252 : i32
        %add3A_254 = arith.addi %mul3A_253, %add3A_251 : i32
        %dma_wait3A_255 = arith.constant 0 : i32
        %dma_wait3A_256 = arith.constant 0 : i32
        %dma_wait3A_257 = arith.constant 0 : i32
        %dma_wait3A_258 = tpu.memref_slice %arg2[%dma_wait3A_255, %add3A_254, %dma_wait3A_256, %dma_wait3A_257] : memref<2x8000x1x400xi32, #tpu.memory_space<hbm>> -> memref<1x1x1x400xi32, #tpu.memory_space<hbm>>
        %dma_wait3A_259 = tpu.memref_squeeze %dma_wait3A_258 : memref<1x1x1x400xi32, #tpu.memory_space<hbm>> -> memref<1x400xi32, #tpu.memory_space<hbm>>
        %dma_wait3A_260 = arith.constant 0 : i32
        %dma_wait3A_261 = arith.constant 0 : i32
        %dma_wait3A_262 = tpu.memref_slice %arg2[%dma_wait3A_255, %add3A_254, %dma_wait3A_260, %dma_wait3A_261] : memref<2x8000x1x400xi32, #tpu.memory_space<hbm>> -> memref<1x1x1x400xi32, #tpu.memory_space<hbm>>
        %dma_wait3A_263 = tpu.memref_squeeze %dma_wait3A_262 : memref<1x1x1x400xi32, #tpu.memory_space<hbm>> -> memref<1x400xi32, #tpu.memory_space<hbm>>
        tpu.wait_dma2 semaphore(%arg21 : memref<!tpu.dma_semaphore, #tpu.memory_space<semaphore_mem>>) src(%dma_wait3A_263 : memref<1x400xi32, #tpu.memory_space<hbm>>) dst(%arg8 : memref<1x400xi32, #tpu.memory_space<vmem>>)
        %dma_wait3A_264 = arith.constant 1 : i32
        %dma_wait3A_265 = arith.constant 0 : i32
        %dma_wait3A_266 = arith.constant 0 : i32
        %dma_wait3A_267 = tpu.memref_slice %arg2[%dma_wait3A_264, %add3A_254, %dma_wait3A_265, %dma_wait3A_266] : memref<2x8000x1x400xi32, #tpu.memory_space<hbm>> -> memref<1x1x1x400xi32, #tpu.memory_space<hbm>>
        %dma_wait3A_268 = tpu.memref_squeeze %dma_wait3A_267 : memref<1x1x1x400xi32, #tpu.memory_space<hbm>> -> memref<1x400xi32, #tpu.memory_space<hbm>>
        %dma_wait3A_269 = arith.constant 0 : i32
        %dma_wait3A_270 = arith.constant 0 : i32
        %dma_wait3A_271 = tpu.memref_slice %arg2[%dma_wait3A_264, %add3A_254, %dma_wait3A_269, %dma_wait3A_270] : memref<2x8000x1x400xi32, #tpu.memory_space<hbm>> -> memref<1x1x1x400xi32, #tpu.memory_space<hbm>>
        %dma_wait3A_272 = tpu.memref_squeeze %dma_wait3A_271 : memref<1x1x1x400xi32, #tpu.memory_space<hbm>> -> memref<1x400xi32, #tpu.memory_space<hbm>>
        tpu.wait_dma2 semaphore(%arg21 : memref<!tpu.dma_semaphore, #tpu.memory_space<semaphore_mem>>) src(%dma_wait3A_272 : memref<1x400xi32, #tpu.memory_space<hbm>>) dst(%arg9 : memref<1x400xi32, #tpu.memory_space<vmem>>)
        %eq3A_273 = arith.constant 0 : i32
        %eq3A_274 = arith.cmpi eq, %arg0, %eq3A_273 : i32
        %convert_element_type3A_275 = arith.extui %eq3A_274 : i1 to i32
        %cond3A_276 = arith.constant 0 : i32
        %cond3A_277 = arith.cmpi ne, %convert_element_type3A_275, %cond3A_276 : i32
        scf.if %cond3A_277 {
          %dma_start3A_283 = arith.constant 0 : i32
          %dma_start3A_284 = arith.constant 0 : i32
          %dma_start3A_285 = tpu.memref_slice %arg8[%dma_start3A_283, %dma_start3A_284] : memref<1x400xi32, #tpu.memory_space<vmem>> -> memref<1x400xi32, #tpu.memory_space<vmem>>
          %dma_start3A_286 = tpu.memref_squeeze %dma_start3A_285 : memref<1x400xi32, #tpu.memory_space<vmem>> -> memref<400xi32, #tpu.memory_space<vmem>>
          %dma_start3A_287 = arith.constant 0 : i32
          %dma_start3A_288 = arith.constant 0 : i32
          %dma_start3A_289 = tpu.memref_slice %arg3[%dma_start3A_287, %dma_start3A_288] : memref<102400x16xf32, #tpu.memory_space<hbm>> -> memref<102400x16xf32, #tpu.memory_space<hbm>>
          tpu.enqueue_indirect_dma source(%dma_start3A_289 : memref<102400x16xf32, #tpu.memory_space<hbm>>) target(%arg10 : memref<400x16xf32, #tpu.memory_space<vmem>>) offsets(%dma_start3A_286 : memref<400xi32, #tpu.memory_space<vmem>>) semaphore(%arg25 : memref<!tpu.dma_semaphore, #tpu.memory_space<semaphore_mem>>)
        } else {
        }
        %eq3A_278 = arith.constant 1 : i32
        %eq3A_279 = arith.cmpi eq, %arg0, %eq3A_278 : i32
        %convert_element_type3A_280 = arith.extui %eq3A_279 : i1 to i32
        %cond3A_281 = arith.constant 0 : i32
        %cond3A_282 = arith.cmpi ne, %convert_element_type3A_280, %cond3A_281 : i32
        scf.if %cond3A_282 {
          %dma_start3A_283 = arith.constant 0 : i32
          %dma_start3A_284 = arith.constant 0 : i32
          %dma_start3A_285 = tpu.memref_slice %arg8[%dma_start3A_283, %dma_start3A_284] : memref<1x400xi32, #tpu.memory_space<vmem>> -> memref<1x400xi32, #tpu.memory_space<vmem>>
          %dma_start3A_286 = tpu.memref_squeeze %dma_start3A_285 : memref<1x400xi32, #tpu.memory_space<vmem>> -> memref<400xi32, #tpu.memory_space<vmem>>
          %dma_start3A_287 = arith.constant 0 : i32
          %dma_start3A_288 = arith.constant 0 : i32
          %dma_start3A_289 = tpu.memref_slice %arg4[%dma_start3A_287, %dma_start3A_288] : memref<102400x16xf32, #tpu.memory_space<hbm>> -> memref<102400x16xf32, #tpu.memory_space<hbm>>
          tpu.enqueue_indirect_dma source(%dma_start3A_289 : memref<102400x16xf32, #tpu.memory_space<hbm>>) target(%arg10 : memref<400x16xf32, #tpu.memory_space<vmem>>) offsets(%dma_start3A_286 : memref<400xi32, #tpu.memory_space<vmem>>) semaphore(%arg25 : memref<!tpu.dma_semaphore, #tpu.memory_space<semaphore_mem>>)
        } else {
        }
      } else {
      }
      %dma_wait3A_236 = arith.constant 0 : i32
      %dma_wait3A_237 = arith.constant 0 : i32
      %dma_wait3A_238 = tpu.memref_slice %arg17[%dma_wait3A_236, %dma_wait3A_237] : memref<1x400xi32, #tpu.memory_space<vmem>> -> memref<1x400xi32, #tpu.memory_space<vmem>>
      %dma_wait3A_239 = tpu.memref_squeeze %dma_wait3A_238 : memref<1x400xi32, #tpu.memory_space<vmem>> -> memref<400xi32, #tpu.memory_space<vmem>>
      %dma_wait3A_240 = arith.constant 0 : i32
      %dma_wait3A_241 = arith.constant 0 : i32
      %dma_wait3A_242 = tpu.memref_slice %arg3[%dma_wait3A_240, %dma_wait3A_241] : memref<102400x16xf32, #tpu.memory_space<hbm>> -> memref<102400x16xf32, #tpu.memory_space<hbm>>
      tpu.wait_indirect_dma semaphore(%arg28 : memref<!tpu.dma_semaphore, #tpu.memory_space<semaphore_mem>>) src(%dma_wait3A_242 : memref<102400x16xf32, #tpu.memory_space<hbm>>) dst(%arg19 : memref<400x16xf32, #tpu.memory_space<vmem>>)
      %dma_start3A_243 = arith.constant 0 : i32
      %dma_start3A_244 = arith.constant 0 : i32
      %dma_start3A_245 = tpu.memref_slice %arg18[%dma_start3A_243, %dma_start3A_244] : memref<1x400xi32, #tpu.memory_space<vmem>> -> memref<1x400xi32, #tpu.memory_space<vmem>>
      %dma_start3A_246 = tpu.memref_squeeze %dma_start3A_245 : memref<1x400xi32, #tpu.memory_space<vmem>> -> memref<400xi32, #tpu.memory_space<vmem>>
      %dma_start3A_247 = arith.constant 0 : i32
      %dma_start3A_248 = arith.constant 0 : i32
      %dma_start3A_249 = tpu.memref_slice %arg20[%dma_start3A_247, %dma_start3A_248] : memref<100000x16xf32, #tpu.memory_space<vmem_shared>> -> memref<100000x16xf32, #tpu.memory_space<vmem_shared>>
      tpu.enqueue_indirect_dma source(%arg19 : memref<400x16xf32, #tpu.memory_space<vmem>>) target(%dma_start3A_249 : memref<100000x16xf32, #tpu.memory_space<vmem_shared>>) offsets(%dma_start3A_246 : memref<400xi32, #tpu.memory_space<vmem>>) semaphore(%arg32 : memref<!tpu.dma_semaphore, #tpu.memory_space<semaphore_mem>>) {add = true}
    }
    %scan3A_77 = arith.constant 125 : i32
    %dma_wait3A_78 = arith.constant 0 : i32
    %dma_wait3A_79 = arith.constant 0 : i32
    %dma_wait3A_80 = tpu.memref_slice %arg15[%dma_wait3A_78, %dma_wait3A_79] : memref<1x400xi32, #tpu.memory_space<vmem>> -> memref<1x400xi32, #tpu.memory_space<vmem>>
    %dma_wait3A_81 = tpu.memref_squeeze %dma_wait3A_80 : memref<1x400xi32, #tpu.memory_space<vmem>> -> memref<400xi32, #tpu.memory_space<vmem>>
    %dma_wait3A_82 = arith.constant 0 : i32
    %dma_wait3A_83 = arith.constant 0 : i32
    %dma_wait3A_84 = tpu.memref_slice %arg20[%dma_wait3A_82, %dma_wait3A_83] : memref<100000x16xf32, #tpu.memory_space<vmem_shared>> -> memref<100000x16xf32, #tpu.memory_space<vmem_shared>>
    tpu.wait_indirect_dma semaphore(%arg31 : memref<!tpu.dma_semaphore, #tpu.memory_space<semaphore_mem>>) src(%arg16 : memref<400x16xf32, #tpu.memory_space<vmem>>) dst(%dma_wait3A_84 : memref<100000x16xf32, #tpu.memory_space<vmem_shared>>)
    %dma_wait3A_85 = arith.constant 0 : i32
    %dma_wait3A_86 = arith.constant 0 : i32
    %dma_wait3A_87 = tpu.memref_slice %arg18[%dma_wait3A_85, %dma_wait3A_86] : memref<1x400xi32, #tpu.memory_space<vmem>> -> memref<1x400xi32, #tpu.memory_space<vmem>>
    %dma_wait3A_88 = tpu.memref_squeeze %dma_wait3A_87 : memref<1x400xi32, #tpu.memory_space<vmem>> -> memref<400xi32, #tpu.memory_space<vmem>>
    %dma_wait3A_89 = arith.constant 0 : i32
    %dma_wait3A_90 = arith.constant 0 : i32
    %dma_wait3A_91 = tpu.memref_slice %arg20[%dma_wait3A_89, %dma_wait3A_90] : memref<100000x16xf32, #tpu.memory_space<vmem_shared>> -> memref<100000x16xf32, #tpu.memory_space<vmem_shared>>
    tpu.wait_indirect_dma semaphore(%arg32 : memref<!tpu.dma_semaphore, #tpu.memory_space<semaphore_mem>>) src(%arg19 : memref<400x16xf32, #tpu.memory_space<vmem>>) dst(%dma_wait3A_91 : memref<100000x16xf32, #tpu.memory_space<vmem_shared>>)
    %barrier3A_92 = arith.constant 0 : index
    tpu.barrier barrier_id(%barrier3A_92)
    %eq3A_93 = arith.constant 0 : i32
    %eq3A_94 = arith.cmpi eq, %arg0, %eq3A_93 : i32
    %convert_element_type3A_95 = arith.extui %eq3A_94 : i1 to i32
    %cond3A_96 = arith.constant 0 : i32
    %cond3A_97 = arith.cmpi ne, %convert_element_type3A_95, %cond3A_96 : i32
    scf.if %cond3A_97 {
      %mul3A_103 = arith.constant 6250 : i32
      %mul3A_104 = arith.muli %arg1, %mul3A_103 : i32
      %mul3A_105 = arith.constant 6250 : i32
      %mul3A_106 = arith.muli %arg1, %mul3A_105 : i32
      "tpu.region"() ({
        %run_scoped3A = tpu.sem_alloc : memref<!tpu.dma_semaphore, #tpu.memory_space<semaphore_mem>>
        %dma_start3A_107 = arith.constant 0 : i32
        %dma_start3A_108 = tpu.memref_slice %arg6[%mul3A_106, %dma_start3A_107] : memref<102400x16xf32, #tpu.memory_space<hbm>> -> memref<6250x16xf32, #tpu.memory_space<hbm>>
        %dma_start3A_109 = arith.constant 0 : i32
        %dma_start3A_110 = tpu.memref_slice %arg20[%mul3A_104, %dma_start3A_109] : memref<100000x16xf32, #tpu.memory_space<vmem_shared>> -> memref<6250x16xf32, #tpu.memory_space<vmem_shared>>
        tpu.enqueue_dma source(%dma_start3A_110 : memref<6250x16xf32, #tpu.memory_space<vmem_shared>>) target(%dma_start3A_108 : memref<6250x16xf32, #tpu.memory_space<hbm>>) target_semaphore(%run_scoped3A : memref<!tpu.dma_semaphore, #tpu.memory_space<semaphore_mem>>)
        %dma_wait3A_111 = arith.constant 0 : i32
        %dma_wait3A_112 = tpu.memref_slice %arg6[%mul3A_106, %dma_wait3A_111] : memref<102400x16xf32, #tpu.memory_space<hbm>> -> memref<6250x16xf32, #tpu.memory_space<hbm>>
        %dma_wait3A_113 = arith.constant 0 : i32
        %dma_wait3A_114 = tpu.memref_slice %arg20[%mul3A_104, %dma_wait3A_113] : memref<100000x16xf32, #tpu.memory_space<vmem_shared>> -> memref<6250x16xf32, #tpu.memory_space<vmem_shared>>
        tpu.wait_dma2 semaphore(%run_scoped3A : memref<!tpu.dma_semaphore, #tpu.memory_space<semaphore_mem>>) src(%dma_wait3A_114 : memref<6250x16xf32, #tpu.memory_space<vmem_shared>>) dst(%dma_wait3A_112 : memref<6250x16xf32, #tpu.memory_space<hbm>>)
        tpu.yield
      }) : () -> ()
    } else {
    }
    %eq3A_98 = arith.constant 1 : i32
    %eq3A_99 = arith.cmpi eq, %arg0, %eq3A_98 : i32
    %convert_element_type3A_100 = arith.extui %eq3A_99 : i1 to i32
    %cond3A_101 = arith.constant 0 : i32
    %cond3A_102 = arith.cmpi ne, %convert_element_type3A_100, %cond3A_101 : i32
    scf.if %cond3A_102 {
      %mul3A_103 = arith.constant 6250 : i32
      %mul3A_104 = arith.muli %arg1, %mul3A_103 : i32
      %mul3A_105 = arith.constant 6250 : i32
      %mul3A_106 = arith.muli %arg1, %mul3A_105 : i32
      "tpu.region"() ({
        %run_scoped3A = tpu.sem_alloc : memref<!tpu.dma_semaphore, #tpu.memory_space<semaphore_mem>>
        %dma_start3A_107 = arith.constant 0 : i32
        %dma_start3A_108 = tpu.memref_slice %arg7[%mul3A_106, %dma_start3A_107] : memref<102400x16xf32, #tpu.memory_space<hbm>> -> memref<6250x16xf32, #tpu.memory_space<hbm>>
        %dma_start3A_109 = arith.constant 0 : i32
        %dma_start3A_110 = tpu.memref_slice %arg20[%mul3A_104, %dma_start3A_109] : memref<100000x16xf32, #tpu.memory_space<vmem_shared>> -> memref<6250x16xf32, #tpu.memory_space<vmem_shared>>
        tpu.enqueue_dma source(%dma_start3A_110 : memref<6250x16xf32, #tpu.memory_space<vmem_shared>>) target(%dma_start3A_108 : memref<6250x16xf32, #tpu.memory_space<hbm>>) target_semaphore(%run_scoped3A : memref<!tpu.dma_semaphore, #tpu.memory_space<semaphore_mem>>)
        %dma_wait3A_111 = arith.constant 0 : i32
        %dma_wait3A_112 = tpu.memref_slice %arg7[%mul3A_106, %dma_wait3A_111] : memref<102400x16xf32, #tpu.memory_space<hbm>> -> memref<6250x16xf32, #tpu.memory_space<hbm>>
        %dma_wait3A_113 = arith.constant 0 : i32
        %dma_wait3A_114 = tpu.memref_slice %arg20[%mul3A_104, %dma_wait3A_113] : memref<100000x16xf32, #tpu.memory_space<vmem_shared>> -> memref<6250x16xf32, #tpu.memory_space<vmem_shared>>
        tpu.wait_dma2 semaphore(%run_scoped3A : memref<!tpu.dma_semaphore, #tpu.memory_space<semaphore_mem>>) src(%dma_wait3A_114 : memref<6250x16xf32, #tpu.memory_space<vmem_shared>>) dst(%dma_wait3A_112 : memref<6250x16xf32, #tpu.memory_space<hbm>>)
        tpu.yield
      }) : () -> ()
    } else {
    }
    return
  }
}

#map = affine_map<(d0, d1) -> (0, 0, 0, 0)>
#map1 = affine_map<(d0, d1) -> (0, 0)>
module attributes {stable_mosaic.version = 14 : i64} {
  func.func @_agg_body(%arg0: i32, %arg1: i32, %arg2: memref<2x8000x1x400xi32, #tpu.memory_space<hbm>>, %arg3: memref<102400x16xf32, #tpu.memory_space<hbm>>, %arg4: memref<102400x16xf32, #tpu.memory_space<hbm>>, %arg5: memref<100000x16xf32, #tpu.memory_space<hbm>>, %arg6: memref<102400x16xf32, #tpu.memory_space<hbm>>, %arg7: memref<102400x16xf32, #tpu.memory_space<hbm>>, %arg8: memref<1x400xi32, #tpu.memory_space<vmem>>, %arg9: memref<1x400xi32, #tpu.memory_space<vmem>>, %arg10: memref<400x16xf32, #tpu.memory_space<vmem>>, %arg11: memref<1x400xi32, #tpu.memory_space<vmem>>, %arg12: memref<1x400xi32, #tpu.memory_space<vmem>>, %arg13: memref<400x16xf32, #tpu.memory_space<vmem>>, %arg14: memref<1x400xi32, #tpu.memory_space<vmem>>, %arg15: memref<1x400xi32, #tpu.memory_space<vmem>>, %arg16: memref<400x16xf32, #tpu.memory_space<vmem>>, %arg17: memref<1x400xi32, #tpu.memory_space<vmem>>, %arg18: memref<1x400xi32, #tpu.memory_space<vmem>>, %arg19: memref<400x16xf32, #tpu.memory_space<vmem>>, %arg20: memref<100000x16xf32, #tpu.memory_space<vmem_shared>>, %arg21: memref<!tpu.dma_semaphore, #tpu.memory_space<semaphore_mem>>, %arg22: memref<!tpu.dma_semaphore, #tpu.memory_space<semaphore_mem>>, %arg23: memref<!tpu.dma_semaphore, #tpu.memory_space<semaphore_mem>>, %arg24: memref<!tpu.dma_semaphore, #tpu.memory_space<semaphore_mem>>, %arg25: memref<!tpu.dma_semaphore, #tpu.memory_space<semaphore_mem>>, %arg26: memref<!tpu.dma_semaphore, #tpu.memory_space<semaphore_mem>>, %arg27: memref<!tpu.dma_semaphore, #tpu.memory_space<semaphore_mem>>, %arg28: memref<!tpu.dma_semaphore, #tpu.memory_space<semaphore_mem>>, %arg29: memref<!tpu.dma_semaphore, #tpu.memory_space<semaphore_mem>>, %arg30: memref<!tpu.dma_semaphore, #tpu.memory_space<semaphore_mem>>, %arg31: memref<!tpu.dma_semaphore, #tpu.memory_space<semaphore_mem>>, %arg32: memref<!tpu.dma_semaphore, #tpu.memory_space<semaphore_mem>>) attributes {dimension_semantics = [#tpu.dimension_semantics<core_parallel>, #tpu.dimension_semantics<subcore_parallel>], iteration_bounds = array<i64: 2, 16>, scalar_prefetch = 0 : i64, scratch_operands = 25 : i64, tpu.core_type = #tpu.core_type<sc_vector_subcore>, window_params = [{transform_indices = #map}, {transform_indices = #map1}, {transform_indices = #map1}, {transform_indices = #map1}, {transform_indices = #map1}, {transform_indices = #map1}]} {
    %mul3A = arith.constant 6250 : i32
    %mul3A_0 = arith.muli %arg1, %mul3A : i32
    %mul3A_1 = arith.constant 6250 : i32
    %mul3A_2 = arith.muli %arg1, %mul3A_1 : i32
    "tpu.region"() ({
      %run_scoped3A = tpu.sem_alloc : memref<!tpu.dma_semaphore, #tpu.memory_space<semaphore_mem>>
      %dma_start3A_103 = arith.constant 0 : i32
      %dma_start3A_104 = tpu.memref_slice %arg20[%mul3A_2, %dma_start3A_103] : memref<100000x16xf32, #tpu.memory_space<vmem_shared>> -> memref<6250x16xf32, #tpu.memory_space<vmem_shared>>
      %dma_start3A_105 = arith.constant 0 : i32
      %dma_start3A_106 = tpu.memref_slice %arg5[%mul3A_0, %dma_start3A_105] : memref<100000x16xf32, #tpu.memory_space<hbm>> -> memref<6250x16xf32, #tpu.memory_space<hbm>>
      tpu.enqueue_dma source(%dma_start3A_106 : memref<6250x16xf32, #tpu.memory_space<hbm>>) target(%dma_start3A_104 : memref<6250x16xf32, #tpu.memory_space<vmem_shared>>) target_semaphore(%run_scoped3A : memref<!tpu.dma_semaphore, #tpu.memory_space<semaphore_mem>>)
      %dma_wait3A_107 = arith.constant 0 : i32
      %dma_wait3A_108 = tpu.memref_slice %arg20[%mul3A_2, %dma_wait3A_107] : memref<100000x16xf32, #tpu.memory_space<vmem_shared>> -> memref<6250x16xf32, #tpu.memory_space<vmem_shared>>
      %dma_wait3A_109 = arith.constant 0 : i32
      %dma_wait3A_110 = tpu.memref_slice %arg5[%mul3A_0, %dma_wait3A_109] : memref<100000x16xf32, #tpu.memory_space<hbm>> -> memref<6250x16xf32, #tpu.memory_space<hbm>>
      tpu.wait_dma2 semaphore(%run_scoped3A : memref<!tpu.dma_semaphore, #tpu.memory_space<semaphore_mem>>) src(%dma_wait3A_110 : memref<6250x16xf32, #tpu.memory_space<hbm>>) dst(%dma_wait3A_108 : memref<6250x16xf32, #tpu.memory_space<vmem_shared>>)
      tpu.yield
    }) : () -> ()
    %barrier3A = arith.constant 0 : index
    tpu.barrier barrier_id(%barrier3A)
    %mul3A_3 = arith.constant 500 : i32
    %mul3A_4 = arith.muli %arg1, %mul3A_3 : i32
    %add3A = arith.constant 0 : i32
    %add3A_5 = arith.addi %mul3A_4, %add3A : i32
    %dma_start3A = arith.constant 0 : i32
    %dma_start3A_6 = arith.constant 0 : i32
    %dma_start3A_7 = arith.constant 0 : i32
    %dma_start3A_8 = tpu.memref_slice %arg2[%dma_start3A, %add3A_5, %dma_start3A_6, %dma_start3A_7] : memref<2x8000x1x400xi32, #tpu.memory_space<hbm>> -> memref<1x1x1x400xi32, #tpu.memory_space<hbm>>
    %dma_start3A_9 = tpu.memref_squeeze %dma_start3A_8 : memref<1x1x1x400xi32, #tpu.memory_space<hbm>> -> memref<1x400xi32, #tpu.memory_space<hbm>>
    %dma_start3A_10 = arith.constant 0 : i32
    %dma_start3A_11 = arith.constant 0 : i32
    %dma_start3A_12 = tpu.memref_slice %arg2[%dma_start3A, %add3A_5, %dma_start3A_10, %dma_start3A_11] : memref<2x8000x1x400xi32, #tpu.memory_space<hbm>> -> memref<1x1x1x400xi32, #tpu.memory_space<hbm>>
    %dma_start3A_13 = tpu.memref_squeeze %dma_start3A_12 : memref<1x1x1x400xi32, #tpu.memory_space<hbm>> -> memref<1x400xi32, #tpu.memory_space<hbm>>
    tpu.enqueue_dma source(%dma_start3A_13 : memref<1x400xi32, #tpu.memory_space<hbm>>) target(%arg8 : memref<1x400xi32, #tpu.memory_space<vmem>>) target_semaphore(%arg21 : memref<!tpu.dma_semaphore, #tpu.memory_space<semaphore_mem>>)
    %dma_start3A_14 = arith.constant 1 : i32
    %dma_start3A_15 = arith.constant 0 : i32
    %dma_start3A_16 = arith.constant 0 : i32
    %dma_start3A_17 = tpu.memref_slice %arg2[%dma_start3A_14, %add3A_5, %dma_start3A_15, %dma_start3A_16] : memref<2x8000x1x400xi32, #tpu.memory_space<hbm>> -> memref<1x1x1x400xi32, #tpu.memory_space<hbm>>
    %dma_start3A_18 = tpu.memref_squeeze %dma_start3A_17 : memref<1x1x1x400xi32, #tpu.memory_space<hbm>> -> memref<1x400xi32, #tpu.memory_space<hbm>>
    %dma_start3A_19 = arith.constant 0 : i32
    %dma_start3A_20 = arith.constant 0 : i32
    %dma_start3A_21 = tpu.memref_slice %arg2[%dma_start3A_14, %add3A_5, %dma_start3A_19, %dma_start3A_20] : memref<2x8000x1x400xi32, #tpu.memory_space<hbm>> -> memref<1x1x1x400xi32, #tpu.memory_space<hbm>>
    %dma_start3A_22 = tpu.memref_squeeze %dma_start3A_21 : memref<1x1x1x400xi32, #tpu.memory_space<hbm>> -> memref<1x400xi32, #tpu.memory_space<hbm>>
    tpu.enqueue_dma source(%dma_start3A_22 : memref<1x400xi32, #tpu.memory_space<hbm>>) target(%arg9 : memref<1x400xi32, #tpu.memory_space<vmem>>) target_semaphore(%arg21 : memref<!tpu.dma_semaphore, #tpu.memory_space<semaphore_mem>>)
    %mul3A_23 = arith.constant 500 : i32
    %mul3A_24 = arith.muli %arg1, %mul3A_23 : i32
    %add3A_25 = arith.constant 1 : i32
    %add3A_26 = arith.addi %mul3A_24, %add3A_25 : i32
    %dma_start3A_27 = arith.constant 0 : i32
    %dma_start3A_28 = arith.constant 0 : i32
    %dma_start3A_29 = arith.constant 0 : i32
    %dma_start3A_30 = tpu.memref_slice %arg2[%dma_start3A_27, %add3A_26, %dma_start3A_28, %dma_start3A_29] : memref<2x8000x1x400xi32, #tpu.memory_space<hbm>> -> memref<1x1x1x400xi32, #tpu.memory_space<hbm>>
    %dma_start3A_31 = tpu.memref_squeeze %dma_start3A_30 : memref<1x1x1x400xi32, #tpu.memory_space<hbm>> -> memref<1x400xi32, #tpu.memory_space<hbm>>
    %dma_start3A_32 = arith.constant 0 : i32
    %dma_start3A_33 = arith.constant 0 : i32
    %dma_start3A_34 = tpu.memref_slice %arg2[%dma_start3A_27, %add3A_26, %dma_start3A_32, %dma_start3A_33] : memref<2x8000x1x400xi32, #tpu.memory_space<hbm>> -> memref<1x1x1x400xi32, #tpu.memory_space<hbm>>
    %dma_start3A_35 = tpu.memref_squeeze %dma_start3A_34 : memref<1x1x1x400xi32, #tpu.memory_space<hbm>> -> memref<1x400xi32, #tpu.memory_space<hbm>>
    tpu.enqueue_dma source(%dma_start3A_35 : memref<1x400xi32, #tpu.memory_space<hbm>>) target(%arg11 : memref<1x400xi32, #tpu.memory_space<vmem>>) target_semaphore(%arg22 : memref<!tpu.dma_semaphore, #tpu.memory_space<semaphore_mem>>)
    %dma_start3A_36 = arith.constant 1 : i32
    %dma_start3A_37 = arith.constant 0 : i32
    %dma_start3A_38 = arith.constant 0 : i32
    %dma_start3A_39 = tpu.memref_slice %arg2[%dma_start3A_36, %add3A_26, %dma_start3A_37, %dma_start3A_38] : memref<2x8000x1x400xi32, #tpu.memory_space<hbm>> -> memref<1x1x1x400xi32, #tpu.memory_space<hbm>>
    %dma_start3A_40 = tpu.memref_squeeze %dma_start3A_39 : memref<1x1x1x400xi32, #tpu.memory_space<hbm>> -> memref<1x400xi32, #tpu.memory_space<hbm>>
    %dma_start3A_41 = arith.constant 0 : i32
    %dma_start3A_42 = arith.constant 0 : i32
    %dma_start3A_43 = tpu.memref_slice %arg2[%dma_start3A_36, %add3A_26, %dma_start3A_41, %dma_start3A_42] : memref<2x8000x1x400xi32, #tpu.memory_space<hbm>> -> memref<1x1x1x400xi32, #tpu.memory_space<hbm>>
    %dma_start3A_44 = tpu.memref_squeeze %dma_start3A_43 : memref<1x1x1x400xi32, #tpu.memory_space<hbm>> -> memref<1x400xi32, #tpu.memory_space<hbm>>
    tpu.enqueue_dma source(%dma_start3A_44 : memref<1x400xi32, #tpu.memory_space<hbm>>) target(%arg12 : memref<1x400xi32, #tpu.memory_space<vmem>>) target_semaphore(%arg22 : memref<!tpu.dma_semaphore, #tpu.memory_space<semaphore_mem>>)
    %mul3A_45 = arith.constant 500 : i32
    %mul3A_46 = arith.muli %arg1, %mul3A_45 : i32
    %add3A_47 = arith.constant 0 : i32
    %add3A_48 = arith.addi %mul3A_46, %add3A_47 : i32
    %dma_wait3A = arith.constant 0 : i32
    %dma_wait3A_49 = arith.constant 0 : i32
    %dma_wait3A_50 = arith.constant 0 : i32
    %dma_wait3A_51 = tpu.memref_slice %arg2[%dma_wait3A, %add3A_48, %dma_wait3A_49, %dma_wait3A_50] : memref<2x8000x1x400xi32, #tpu.memory_space<hbm>> -> memref<1x1x1x400xi32, #tpu.memory_space<hbm>>
    %dma_wait3A_52 = tpu.memref_squeeze %dma_wait3A_51 : memref<1x1x1x400xi32, #tpu.memory_space<hbm>> -> memref<1x400xi32, #tpu.memory_space<hbm>>
    %dma_wait3A_53 = arith.constant 0 : i32
    %dma_wait3A_54 = arith.constant 0 : i32
    %dma_wait3A_55 = tpu.memref_slice %arg2[%dma_wait3A, %add3A_48, %dma_wait3A_53, %dma_wait3A_54] : memref<2x8000x1x400xi32, #tpu.memory_space<hbm>> -> memref<1x1x1x400xi32, #tpu.memory_space<hbm>>
    %dma_wait3A_56 = tpu.memref_squeeze %dma_wait3A_55 : memref<1x1x1x400xi32, #tpu.memory_space<hbm>> -> memref<1x400xi32, #tpu.memory_space<hbm>>
    tpu.wait_dma2 semaphore(%arg21 : memref<!tpu.dma_semaphore, #tpu.memory_space<semaphore_mem>>) src(%dma_wait3A_56 : memref<1x400xi32, #tpu.memory_space<hbm>>) dst(%arg8 : memref<1x400xi32, #tpu.memory_space<vmem>>)
    %dma_wait3A_57 = arith.constant 1 : i32
    %dma_wait3A_58 = arith.constant 0 : i32
    %dma_wait3A_59 = arith.constant 0 : i32
    %dma_wait3A_60 = tpu.memref_slice %arg2[%dma_wait3A_57, %add3A_48, %dma_wait3A_58, %dma_wait3A_59] : memref<2x8000x1x400xi32, #tpu.memory_space<hbm>> -> memref<1x1x1x400xi32, #tpu.memory_space<hbm>>
    %dma_wait3A_61 = tpu.memref_squeeze %dma_wait3A_60 : memref<1x1x1x400xi32, #tpu.memory_space<hbm>> -> memref<1x400xi32, #tpu.memory_space<hbm>>
    %dma_wait3A_62 = arith.constant 0 : i32
    %dma_wait3A_63 = arith.constant 0 : i32
    %dma_wait3A_64 = tpu.memref_slice %arg2[%dma_wait3A_57, %add3A_48, %dma_wait3A_62, %dma_wait3A_63] : memref<2x8000x1x400xi32, #tpu.memory_space<hbm>> -> memref<1x1x1x400xi32, #tpu.memory_space<hbm>>
    %dma_wait3A_65 = tpu.memref_squeeze %dma_wait3A_64 : memref<1x1x1x400xi32, #tpu.memory_space<hbm>> -> memref<1x400xi32, #tpu.memory_space<hbm>>
    tpu.wait_dma2 semaphore(%arg21 : memref<!tpu.dma_semaphore, #tpu.memory_space<semaphore_mem>>) src(%dma_wait3A_65 : memref<1x400xi32, #tpu.memory_space<hbm>>) dst(%arg9 : memref<1x400xi32, #tpu.memory_space<vmem>>)
    %eq3A = arith.constant 0 : i32
    %eq3A_66 = arith.cmpi eq, %arg0, %eq3A : i32
    %convert_element_type3A = arith.extui %eq3A_66 : i1 to i32
    %cond3A = arith.constant 0 : i32
    %cond3A_67 = arith.cmpi ne, %convert_element_type3A, %cond3A : i32
    scf.if %cond3A_67 {
      %dma_start3A_103 = arith.constant 0 : i32
      %dma_start3A_104 = arith.constant 0 : i32
      %dma_start3A_105 = tpu.memref_slice %arg8[%dma_start3A_103, %dma_start3A_104] : memref<1x400xi32, #tpu.memory_space<vmem>> -> memref<1x400xi32, #tpu.memory_space<vmem>>
      %dma_start3A_106 = tpu.memref_squeeze %dma_start3A_105 : memref<1x400xi32, #tpu.memory_space<vmem>> -> memref<400xi32, #tpu.memory_space<vmem>>
      %dma_start3A_107 = arith.constant 0 : i32
      %dma_start3A_108 = arith.constant 0 : i32
      %dma_start3A_109 = tpu.memref_slice %arg3[%dma_start3A_107, %dma_start3A_108] : memref<102400x16xf32, #tpu.memory_space<hbm>> -> memref<102400x16xf32, #tpu.memory_space<hbm>>
      tpu.enqueue_indirect_dma source(%dma_start3A_109 : memref<102400x16xf32, #tpu.memory_space<hbm>>) target(%arg10 : memref<400x16xf32, #tpu.memory_space<vmem>>) offsets(%dma_start3A_106 : memref<400xi32, #tpu.memory_space<vmem>>) semaphore(%arg25 : memref<!tpu.dma_semaphore, #tpu.memory_space<semaphore_mem>>)
    } else {
    }
    %eq3A_68 = arith.constant 1 : i32
    %eq3A_69 = arith.cmpi eq, %arg0, %eq3A_68 : i32
    %convert_element_type3A_70 = arith.extui %eq3A_69 : i1 to i32
    %cond3A_71 = arith.constant 0 : i32
    %cond3A_72 = arith.cmpi ne, %convert_element_type3A_70, %cond3A_71 : i32
    scf.if %cond3A_72 {
      %dma_start3A_103 = arith.constant 0 : i32
      %dma_start3A_104 = arith.constant 0 : i32
      %dma_start3A_105 = tpu.memref_slice %arg8[%dma_start3A_103, %dma_start3A_104] : memref<1x400xi32, #tpu.memory_space<vmem>> -> memref<1x400xi32, #tpu.memory_space<vmem>>
      %dma_start3A_106 = tpu.memref_squeeze %dma_start3A_105 : memref<1x400xi32, #tpu.memory_space<vmem>> -> memref<400xi32, #tpu.memory_space<vmem>>
      %dma_start3A_107 = arith.constant 0 : i32
      %dma_start3A_108 = arith.constant 0 : i32
      %dma_start3A_109 = tpu.memref_slice %arg4[%dma_start3A_107, %dma_start3A_108] : memref<102400x16xf32, #tpu.memory_space<hbm>> -> memref<102400x16xf32, #tpu.memory_space<hbm>>
      tpu.enqueue_indirect_dma source(%dma_start3A_109 : memref<102400x16xf32, #tpu.memory_space<hbm>>) target(%arg10 : memref<400x16xf32, #tpu.memory_space<vmem>>) offsets(%dma_start3A_106 : memref<400xi32, #tpu.memory_space<vmem>>) semaphore(%arg25 : memref<!tpu.dma_semaphore, #tpu.memory_space<semaphore_mem>>)
    } else {
    }
    %scan3A = arith.constant 0 : i32
    %scan3A_73 = arith.constant 0 : i32
    %scan3A_74 = arith.constant 125 : i32
    %scan3A_75 = arith.addi %scan3A_73, %scan3A_74 : i32
    %scan3A_76 = arith.constant 1 : i32
    scf.for %scan3A_103 = %scan3A_73 to %scan3A_75 step %scan3A_76  : i32 {
      %mul3A_104 = arith.constant 4 : i32
      %mul3A_105 = arith.muli %mul3A_104, %scan3A_103 : i32
      %add3A_106 = arith.constant 0 : i32
      %add3A_107 = arith.addi %mul3A_105, %add3A_106 : i32
      %ge3A = arith.constant 2 : i32
      %ge3A_108 = arith.cmpi sge, %add3A_107, %ge3A : i32
      %convert_element_type3A_109 = arith.extui %ge3A_108 : i1 to i32
      %cond3A_110 = arith.constant 0 : i32
      %cond3A_111 = arith.cmpi ne, %convert_element_type3A_109, %cond3A_110 : i32
      scf.if %cond3A_111 {
        %dma_wait3A_250 = arith.constant 0 : i32
        %dma_wait3A_251 = arith.constant 0 : i32
        %dma_wait3A_252 = tpu.memref_slice %arg15[%dma_wait3A_250, %dma_wait3A_251] : memref<1x400xi32, #tpu.memory_space<vmem>> -> memref<1x400xi32, #tpu.memory_space<vmem>>
        %dma_wait3A_253 = tpu.memref_squeeze %dma_wait3A_252 : memref<1x400xi32, #tpu.memory_space<vmem>> -> memref<400xi32, #tpu.memory_space<vmem>>
        %dma_wait3A_254 = arith.constant 0 : i32
        %dma_wait3A_255 = arith.constant 0 : i32
        %dma_wait3A_256 = tpu.memref_slice %arg20[%dma_wait3A_254, %dma_wait3A_255] : memref<100000x16xf32, #tpu.memory_space<vmem_shared>> -> memref<100000x16xf32, #tpu.memory_space<vmem_shared>>
        tpu.wait_indirect_dma semaphore(%arg31 : memref<!tpu.dma_semaphore, #tpu.memory_space<semaphore_mem>>) src(%arg16 : memref<400x16xf32, #tpu.memory_space<vmem>>) dst(%dma_wait3A_256 : memref<100000x16xf32, #tpu.memory_space<vmem_shared>>)
      } else {
      }
      %add3A_112 = arith.constant 2 : i32
      %add3A_113 = arith.addi %add3A_107, %add3A_112 : i32
      %lt3A = arith.constant 500 : i32
      %lt3A_114 = arith.cmpi slt, %add3A_113, %lt3A : i32
      %convert_element_type3A_115 = arith.extui %lt3A_114 : i1 to i32
      %cond3A_116 = arith.constant 0 : i32
      %cond3A_117 = arith.cmpi ne, %convert_element_type3A_115, %cond3A_116 : i32
      scf.if %cond3A_117 {
        %add3A_250 = arith.constant 2 : i32
        %add3A_251 = arith.addi %add3A_107, %add3A_250 : i32
        %mul3A_252 = arith.constant 500 : i32
        %mul3A_253 = arith.muli %arg1, %mul3A_252 : i32
        %add3A_254 = arith.addi %mul3A_253, %add3A_251 : i32
        %dma_start3A_255 = arith.constant 0 : i32
        %dma_start3A_256 = arith.constant 0 : i32
        %dma_start3A_257 = arith.constant 0 : i32
        %dma_start3A_258 = tpu.memref_slice %arg2[%dma_start3A_255, %add3A_254, %dma_start3A_256, %dma_start3A_257] : memref<2x8000x1x400xi32, #tpu.memory_space<hbm>> -> memref<1x1x1x400xi32, #tpu.memory_space<hbm>>
        %dma_start3A_259 = tpu.memref_squeeze %dma_start3A_258 : memref<1x1x1x400xi32, #tpu.memory_space<hbm>> -> memref<1x400xi32, #tpu.memory_space<hbm>>
        %dma_start3A_260 = arith.constant 0 : i32
        %dma_start3A_261 = arith.constant 0 : i32
        %dma_start3A_262 = tpu.memref_slice %arg2[%dma_start3A_255, %add3A_254, %dma_start3A_260, %dma_start3A_261] : memref<2x8000x1x400xi32, #tpu.memory_space<hbm>> -> memref<1x1x1x400xi32, #tpu.memory_space<hbm>>
        %dma_start3A_263 = tpu.memref_squeeze %dma_start3A_262 : memref<1x1x1x400xi32, #tpu.memory_space<hbm>> -> memref<1x400xi32, #tpu.memory_space<hbm>>
        tpu.enqueue_dma source(%dma_start3A_263 : memref<1x400xi32, #tpu.memory_space<hbm>>) target(%arg14 : memref<1x400xi32, #tpu.memory_space<vmem>>) target_semaphore(%arg23 : memref<!tpu.dma_semaphore, #tpu.memory_space<semaphore_mem>>)
        %dma_start3A_264 = arith.constant 1 : i32
        %dma_start3A_265 = arith.constant 0 : i32
        %dma_start3A_266 = arith.constant 0 : i32
        %dma_start3A_267 = tpu.memref_slice %arg2[%dma_start3A_264, %add3A_254, %dma_start3A_265, %dma_start3A_266] : memref<2x8000x1x400xi32, #tpu.memory_space<hbm>> -> memref<1x1x1x400xi32, #tpu.memory_space<hbm>>
        %dma_start3A_268 = tpu.memref_squeeze %dma_start3A_267 : memref<1x1x1x400xi32, #tpu.memory_space<hbm>> -> memref<1x400xi32, #tpu.memory_space<hbm>>
        %dma_start3A_269 = arith.constant 0 : i32
        %dma_start3A_270 = arith.constant 0 : i32
        %dma_start3A_271 = tpu.memref_slice %arg2[%dma_start3A_264, %add3A_254, %dma_start3A_269, %dma_start3A_270] : memref<2x8000x1x400xi32, #tpu.memory_space<hbm>> -> memref<1x1x1x400xi32, #tpu.memory_space<hbm>>
        %dma_start3A_272 = tpu.memref_squeeze %dma_start3A_271 : memref<1x1x1x400xi32, #tpu.memory_space<hbm>> -> memref<1x400xi32, #tpu.memory_space<hbm>>
        tpu.enqueue_dma source(%dma_start3A_272 : memref<1x400xi32, #tpu.memory_space<hbm>>) target(%arg15 : memref<1x400xi32, #tpu.memory_space<vmem>>) target_semaphore(%arg23 : memref<!tpu.dma_semaphore, #tpu.memory_space<semaphore_mem>>)
      } else {
      }
      %add3A_118 = arith.constant 1 : i32
      %add3A_119 = arith.addi %add3A_107, %add3A_118 : i32
      %lt3A_120 = arith.constant 500 : i32
      %lt3A_121 = arith.cmpi slt, %add3A_119, %lt3A_120 : i32
      %convert_element_type3A_122 = arith.extui %lt3A_121 : i1 to i32
      %cond3A_123 = arith.constant 0 : i32
      %cond3A_124 = arith.cmpi ne, %convert_element_type3A_122, %cond3A_123 : i32
      scf.if %cond3A_124 {
        %add3A_250 = arith.constant 1 : i32
        %add3A_251 = arith.addi %add3A_107, %add3A_250 : i32
        %mul3A_252 = arith.constant 500 : i32
        %mul3A_253 = arith.muli %arg1, %mul3A_252 : i32
        %add3A_254 = arith.addi %mul3A_253, %add3A_251 : i32
        %dma_wait3A_255 = arith.constant 0 : i32
        %dma_wait3A_256 = arith.constant 0 : i32
        %dma_wait3A_257 = arith.constant 0 : i32
        %dma_wait3A_258 = tpu.memref_slice %arg2[%dma_wait3A_255, %add3A_254, %dma_wait3A_256, %dma_wait3A_257] : memref<2x8000x1x400xi32, #tpu.memory_space<hbm>> -> memref<1x1x1x400xi32, #tpu.memory_space<hbm>>
        %dma_wait3A_259 = tpu.memref_squeeze %dma_wait3A_258 : memref<1x1x1x400xi32, #tpu.memory_space<hbm>> -> memref<1x400xi32, #tpu.memory_space<hbm>>
        %dma_wait3A_260 = arith.constant 0 : i32
        %dma_wait3A_261 = arith.constant 0 : i32
        %dma_wait3A_262 = tpu.memref_slice %arg2[%dma_wait3A_255, %add3A_254, %dma_wait3A_260, %dma_wait3A_261] : memref<2x8000x1x400xi32, #tpu.memory_space<hbm>> -> memref<1x1x1x400xi32, #tpu.memory_space<hbm>>
        %dma_wait3A_263 = tpu.memref_squeeze %dma_wait3A_262 : memref<1x1x1x400xi32, #tpu.memory_space<hbm>> -> memref<1x400xi32, #tpu.memory_space<hbm>>
        tpu.wait_dma2 semaphore(%arg22 : memref<!tpu.dma_semaphore, #tpu.memory_space<semaphore_mem>>) src(%dma_wait3A_263 : memref<1x400xi32, #tpu.memory_space<hbm>>) dst(%arg11 : memref<1x400xi32, #tpu.memory_space<vmem>>)
        %dma_wait3A_264 = arith.constant 1 : i32
        %dma_wait3A_265 = arith.constant 0 : i32
        %dma_wait3A_266 = arith.constant 0 : i32
        %dma_wait3A_267 = tpu.memref_slice %arg2[%dma_wait3A_264, %add3A_254, %dma_wait3A_265, %dma_wait3A_266] : memref<2x8000x1x400xi32, #tpu.memory_space<hbm>> -> memref<1x1x1x400xi32, #tpu.memory_space<hbm>>
        %dma_wait3A_268 = tpu.memref_squeeze %dma_wait3A_267 : memref<1x1x1x400xi32, #tpu.memory_space<hbm>> -> memref<1x400xi32, #tpu.memory_space<hbm>>
        %dma_wait3A_269 = arith.constant 0 : i32
        %dma_wait3A_270 = arith.constant 0 : i32
        %dma_wait3A_271 = tpu.memref_slice %arg2[%dma_wait3A_264, %add3A_254, %dma_wait3A_269, %dma_wait3A_270] : memref<2x8000x1x400xi32, #tpu.memory_space<hbm>> -> memref<1x1x1x400xi32, #tpu.memory_space<hbm>>
        %dma_wait3A_272 = tpu.memref_squeeze %dma_wait3A_271 : memref<1x1x1x400xi32, #tpu.memory_space<hbm>> -> memref<1x400xi32, #tpu.memory_space<hbm>>
        tpu.wait_dma2 semaphore(%arg22 : memref<!tpu.dma_semaphore, #tpu.memory_space<semaphore_mem>>) src(%dma_wait3A_272 : memref<1x400xi32, #tpu.memory_space<hbm>>) dst(%arg12 : memref<1x400xi32, #tpu.memory_space<vmem>>)
        %eq3A_273 = arith.constant 0 : i32
        %eq3A_274 = arith.cmpi eq, %arg0, %eq3A_273 : i32
        %convert_element_type3A_275 = arith.extui %eq3A_274 : i1 to i32
        %cond3A_276 = arith.constant 0 : i32
        %cond3A_277 = arith.cmpi ne, %convert_element_type3A_275, %cond3A_276 : i32
        scf.if %cond3A_277 {
          %dma_start3A_283 = arith.constant 0 : i32
          %dma_start3A_284 = arith.constant 0 : i32
          %dma_start3A_285 = tpu.memref_slice %arg11[%dma_start3A_283, %dma_start3A_284] : memref<1x400xi32, #tpu.memory_space<vmem>> -> memref<1x400xi32, #tpu.memory_space<vmem>>
          %dma_start3A_286 = tpu.memref_squeeze %dma_start3A_285 : memref<1x400xi32, #tpu.memory_space<vmem>> -> memref<400xi32, #tpu.memory_space<vmem>>
          %dma_start3A_287 = arith.constant 0 : i32
          %dma_start3A_288 = arith.constant 0 : i32
          %dma_start3A_289 = tpu.memref_slice %arg3[%dma_start3A_287, %dma_start3A_288] : memref<102400x16xf32, #tpu.memory_space<hbm>> -> memref<102400x16xf32, #tpu.memory_space<hbm>>
          tpu.enqueue_indirect_dma source(%dma_start3A_289 : memref<102400x16xf32, #tpu.memory_space<hbm>>) target(%arg13 : memref<400x16xf32, #tpu.memory_space<vmem>>) offsets(%dma_start3A_286 : memref<400xi32, #tpu.memory_space<vmem>>) semaphore(%arg26 : memref<!tpu.dma_semaphore, #tpu.memory_space<semaphore_mem>>)
        } else {
        }
        %eq3A_278 = arith.constant 1 : i32
        %eq3A_279 = arith.cmpi eq, %arg0, %eq3A_278 : i32
        %convert_element_type3A_280 = arith.extui %eq3A_279 : i1 to i32
        %cond3A_281 = arith.constant 0 : i32
        %cond3A_282 = arith.cmpi ne, %convert_element_type3A_280, %cond3A_281 : i32
        scf.if %cond3A_282 {
          %dma_start3A_283 = arith.constant 0 : i32
          %dma_start3A_284 = arith.constant 0 : i32
          %dma_start3A_285 = tpu.memref_slice %arg11[%dma_start3A_283, %dma_start3A_284] : memref<1x400xi32, #tpu.memory_space<vmem>> -> memref<1x400xi32, #tpu.memory_space<vmem>>
          %dma_start3A_286 = tpu.memref_squeeze %dma_start3A_285 : memref<1x400xi32, #tpu.memory_space<vmem>> -> memref<400xi32, #tpu.memory_space<vmem>>
          %dma_start3A_287 = arith.constant 0 : i32
          %dma_start3A_288 = arith.constant 0 : i32
          %dma_start3A_289 = tpu.memref_slice %arg4[%dma_start3A_287, %dma_start3A_288] : memref<102400x16xf32, #tpu.memory_space<hbm>> -> memref<102400x16xf32, #tpu.memory_space<hbm>>
          tpu.enqueue_indirect_dma source(%dma_start3A_289 : memref<102400x16xf32, #tpu.memory_space<hbm>>) target(%arg13 : memref<400x16xf32, #tpu.memory_space<vmem>>) offsets(%dma_start3A_286 : memref<400xi32, #tpu.memory_space<vmem>>) semaphore(%arg26 : memref<!tpu.dma_semaphore, #tpu.memory_space<semaphore_mem>>)
        } else {
        }
      } else {
      }
      %dma_wait3A_125 = arith.constant 0 : i32
      %dma_wait3A_126 = arith.constant 0 : i32
      %dma_wait3A_127 = tpu.memref_slice %arg8[%dma_wait3A_125, %dma_wait3A_126] : memref<1x400xi32, #tpu.memory_space<vmem>> -> memref<1x400xi32, #tpu.memory_space<vmem>>
      %dma_wait3A_128 = tpu.memref_squeeze %dma_wait3A_127 : memref<1x400xi32, #tpu.memory_space<vmem>> -> memref<400xi32, #tpu.memory_space<vmem>>
      %dma_wait3A_129 = arith.constant 0 : i32
      %dma_wait3A_130 = arith.constant 0 : i32
      %dma_wait3A_131 = tpu.memref_slice %arg3[%dma_wait3A_129, %dma_wait3A_130] : memref<102400x16xf32, #tpu.memory_space<hbm>> -> memref<102400x16xf32, #tpu.memory_space<hbm>>
      tpu.wait_indirect_dma semaphore(%arg25 : memref<!tpu.dma_semaphore, #tpu.memory_space<semaphore_mem>>) src(%dma_wait3A_131 : memref<102400x16xf32, #tpu.memory_space<hbm>>) dst(%arg10 : memref<400x16xf32, #tpu.memory_space<vmem>>)
      %dma_start3A_132 = arith.constant 0 : i32
      %dma_start3A_133 = arith.constant 0 : i32
      %dma_start3A_134 = tpu.memref_slice %arg9[%dma_start3A_132, %dma_start3A_133] : memref<1x400xi32, #tpu.memory_space<vmem>> -> memref<1x400xi32, #tpu.memory_space<vmem>>
      %dma_start3A_135 = tpu.memref_squeeze %dma_start3A_134 : memref<1x400xi32, #tpu.memory_space<vmem>> -> memref<400xi32, #tpu.memory_space<vmem>>
      %dma_start3A_136 = arith.constant 0 : i32
      %dma_start3A_137 = arith.constant 0 : i32
      %dma_start3A_138 = tpu.memref_slice %arg20[%dma_start3A_136, %dma_start3A_137] : memref<100000x16xf32, #tpu.memory_space<vmem_shared>> -> memref<100000x16xf32, #tpu.memory_space<vmem_shared>>
      tpu.enqueue_indirect_dma source(%arg10 : memref<400x16xf32, #tpu.memory_space<vmem>>) target(%dma_start3A_138 : memref<100000x16xf32, #tpu.memory_space<vmem_shared>>) offsets(%dma_start3A_135 : memref<400xi32, #tpu.memory_space<vmem>>) semaphore(%arg29 : memref<!tpu.dma_semaphore, #tpu.memory_space<semaphore_mem>>) {add = true}
      %mul3A_139 = arith.constant 4 : i32
      %mul3A_140 = arith.muli %mul3A_139, %scan3A_103 : i32
      %add3A_141 = arith.constant 1 : i32
      %add3A_142 = arith.addi %mul3A_140, %add3A_141 : i32
      %ge3A_143 = arith.constant 2 : i32
      %ge3A_144 = arith.cmpi sge, %add3A_142, %ge3A_143 : i32
      %convert_element_type3A_145 = arith.extui %ge3A_144 : i1 to i32
      %cond3A_146 = arith.constant 0 : i32
      %cond3A_147 = arith.cmpi ne, %convert_element_type3A_145, %cond3A_146 : i32
      scf.if %cond3A_147 {
        %dma_wait3A_250 = arith.constant 0 : i32
        %dma_wait3A_251 = arith.constant 0 : i32
        %dma_wait3A_252 = tpu.memref_slice %arg18[%dma_wait3A_250, %dma_wait3A_251] : memref<1x400xi32, #tpu.memory_space<vmem>> -> memref<1x400xi32, #tpu.memory_space<vmem>>
        %dma_wait3A_253 = tpu.memref_squeeze %dma_wait3A_252 : memref<1x400xi32, #tpu.memory_space<vmem>> -> memref<400xi32, #tpu.memory_space<vmem>>
        %dma_wait3A_254 = arith.constant 0 : i32
        %dma_wait3A_255 = arith.constant 0 : i32
        %dma_wait3A_256 = tpu.memref_slice %arg20[%dma_wait3A_254, %dma_wait3A_255] : memref<100000x16xf32, #tpu.memory_space<vmem_shared>> -> memref<100000x16xf32, #tpu.memory_space<vmem_shared>>
        tpu.wait_indirect_dma semaphore(%arg32 : memref<!tpu.dma_semaphore, #tpu.memory_space<semaphore_mem>>) src(%arg19 : memref<400x16xf32, #tpu.memory_space<vmem>>) dst(%dma_wait3A_256 : memref<100000x16xf32, #tpu.memory_space<vmem_shared>>)
      } else {
      }
      %add3A_148 = arith.constant 2 : i32
      %add3A_149 = arith.addi %add3A_142, %add3A_148 : i32
      %lt3A_150 = arith.constant 500 : i32
      %lt3A_151 = arith.cmpi slt, %add3A_149, %lt3A_150 : i32
      %convert_element_type3A_152 = arith.extui %lt3A_151 : i1 to i32
      %cond3A_153 = arith.constant 0 : i32
      %cond3A_154 = arith.cmpi ne, %convert_element_type3A_152, %cond3A_153 : i32
      scf.if %cond3A_154 {
        %add3A_250 = arith.constant 2 : i32
        %add3A_251 = arith.addi %add3A_142, %add3A_250 : i32
        %mul3A_252 = arith.constant 500 : i32
        %mul3A_253 = arith.muli %arg1, %mul3A_252 : i32
        %add3A_254 = arith.addi %mul3A_253, %add3A_251 : i32
        %dma_start3A_255 = arith.constant 0 : i32
        %dma_start3A_256 = arith.constant 0 : i32
        %dma_start3A_257 = arith.constant 0 : i32
        %dma_start3A_258 = tpu.memref_slice %arg2[%dma_start3A_255, %add3A_254, %dma_start3A_256, %dma_start3A_257] : memref<2x8000x1x400xi32, #tpu.memory_space<hbm>> -> memref<1x1x1x400xi32, #tpu.memory_space<hbm>>
        %dma_start3A_259 = tpu.memref_squeeze %dma_start3A_258 : memref<1x1x1x400xi32, #tpu.memory_space<hbm>> -> memref<1x400xi32, #tpu.memory_space<hbm>>
        %dma_start3A_260 = arith.constant 0 : i32
        %dma_start3A_261 = arith.constant 0 : i32
        %dma_start3A_262 = tpu.memref_slice %arg2[%dma_start3A_255, %add3A_254, %dma_start3A_260, %dma_start3A_261] : memref<2x8000x1x400xi32, #tpu.memory_space<hbm>> -> memref<1x1x1x400xi32, #tpu.memory_space<hbm>>
        %dma_start3A_263 = tpu.memref_squeeze %dma_start3A_262 : memref<1x1x1x400xi32, #tpu.memory_space<hbm>> -> memref<1x400xi32, #tpu.memory_space<hbm>>
        tpu.enqueue_dma source(%dma_start3A_263 : memref<1x400xi32, #tpu.memory_space<hbm>>) target(%arg17 : memref<1x400xi32, #tpu.memory_space<vmem>>) target_semaphore(%arg24 : memref<!tpu.dma_semaphore, #tpu.memory_space<semaphore_mem>>)
        %dma_start3A_264 = arith.constant 1 : i32
        %dma_start3A_265 = arith.constant 0 : i32
        %dma_start3A_266 = arith.constant 0 : i32
        %dma_start3A_267 = tpu.memref_slice %arg2[%dma_start3A_264, %add3A_254, %dma_start3A_265, %dma_start3A_266] : memref<2x8000x1x400xi32, #tpu.memory_space<hbm>> -> memref<1x1x1x400xi32, #tpu.memory_space<hbm>>
        %dma_start3A_268 = tpu.memref_squeeze %dma_start3A_267 : memref<1x1x1x400xi32, #tpu.memory_space<hbm>> -> memref<1x400xi32, #tpu.memory_space<hbm>>
        %dma_start3A_269 = arith.constant 0 : i32
        %dma_start3A_270 = arith.constant 0 : i32
        %dma_start3A_271 = tpu.memref_slice %arg2[%dma_start3A_264, %add3A_254, %dma_start3A_269, %dma_start3A_270] : memref<2x8000x1x400xi32, #tpu.memory_space<hbm>> -> memref<1x1x1x400xi32, #tpu.memory_space<hbm>>
        %dma_start3A_272 = tpu.memref_squeeze %dma_start3A_271 : memref<1x1x1x400xi32, #tpu.memory_space<hbm>> -> memref<1x400xi32, #tpu.memory_space<hbm>>
        tpu.enqueue_dma source(%dma_start3A_272 : memref<1x400xi32, #tpu.memory_space<hbm>>) target(%arg18 : memref<1x400xi32, #tpu.memory_space<vmem>>) target_semaphore(%arg24 : memref<!tpu.dma_semaphore, #tpu.memory_space<semaphore_mem>>)
      } else {
      }
      %add3A_155 = arith.constant 1 : i32
      %add3A_156 = arith.addi %add3A_142, %add3A_155 : i32
      %lt3A_157 = arith.constant 500 : i32
      %lt3A_158 = arith.cmpi slt, %add3A_156, %lt3A_157 : i32
      %convert_element_type3A_159 = arith.extui %lt3A_158 : i1 to i32
      %cond3A_160 = arith.constant 0 : i32
      %cond3A_161 = arith.cmpi ne, %convert_element_type3A_159, %cond3A_160 : i32
      scf.if %cond3A_161 {
        %add3A_250 = arith.constant 1 : i32
        %add3A_251 = arith.addi %add3A_142, %add3A_250 : i32
        %mul3A_252 = arith.constant 500 : i32
        %mul3A_253 = arith.muli %arg1, %mul3A_252 : i32
        %add3A_254 = arith.addi %mul3A_253, %add3A_251 : i32
        %dma_wait3A_255 = arith.constant 0 : i32
        %dma_wait3A_256 = arith.constant 0 : i32
        %dma_wait3A_257 = arith.constant 0 : i32
        %dma_wait3A_258 = tpu.memref_slice %arg2[%dma_wait3A_255, %add3A_254, %dma_wait3A_256, %dma_wait3A_257] : memref<2x8000x1x400xi32, #tpu.memory_space<hbm>> -> memref<1x1x1x400xi32, #tpu.memory_space<hbm>>
        %dma_wait3A_259 = tpu.memref_squeeze %dma_wait3A_258 : memref<1x1x1x400xi32, #tpu.memory_space<hbm>> -> memref<1x400xi32, #tpu.memory_space<hbm>>
        %dma_wait3A_260 = arith.constant 0 : i32
        %dma_wait3A_261 = arith.constant 0 : i32
        %dma_wait3A_262 = tpu.memref_slice %arg2[%dma_wait3A_255, %add3A_254, %dma_wait3A_260, %dma_wait3A_261] : memref<2x8000x1x400xi32, #tpu.memory_space<hbm>> -> memref<1x1x1x400xi32, #tpu.memory_space<hbm>>
        %dma_wait3A_263 = tpu.memref_squeeze %dma_wait3A_262 : memref<1x1x1x400xi32, #tpu.memory_space<hbm>> -> memref<1x400xi32, #tpu.memory_space<hbm>>
        tpu.wait_dma2 semaphore(%arg23 : memref<!tpu.dma_semaphore, #tpu.memory_space<semaphore_mem>>) src(%dma_wait3A_263 : memref<1x400xi32, #tpu.memory_space<hbm>>) dst(%arg14 : memref<1x400xi32, #tpu.memory_space<vmem>>)
        %dma_wait3A_264 = arith.constant 1 : i32
        %dma_wait3A_265 = arith.constant 0 : i32
        %dma_wait3A_266 = arith.constant 0 : i32
        %dma_wait3A_267 = tpu.memref_slice %arg2[%dma_wait3A_264, %add3A_254, %dma_wait3A_265, %dma_wait3A_266] : memref<2x8000x1x400xi32, #tpu.memory_space<hbm>> -> memref<1x1x1x400xi32, #tpu.memory_space<hbm>>
        %dma_wait3A_268 = tpu.memref_squeeze %dma_wait3A_267 : memref<1x1x1x400xi32, #tpu.memory_space<hbm>> -> memref<1x400xi32, #tpu.memory_space<hbm>>
        %dma_wait3A_269 = arith.constant 0 : i32
        %dma_wait3A_270 = arith.constant 0 : i32
        %dma_wait3A_271 = tpu.memref_slice %arg2[%dma_wait3A_264, %add3A_254, %dma_wait3A_269, %dma_wait3A_270] : memref<2x8000x1x400xi32, #tpu.memory_space<hbm>> -> memref<1x1x1x400xi32, #tpu.memory_space<hbm>>
        %dma_wait3A_272 = tpu.memref_squeeze %dma_wait3A_271 : memref<1x1x1x400xi32, #tpu.memory_space<hbm>> -> memref<1x400xi32, #tpu.memory_space<hbm>>
        tpu.wait_dma2 semaphore(%arg23 : memref<!tpu.dma_semaphore, #tpu.memory_space<semaphore_mem>>) src(%dma_wait3A_272 : memref<1x400xi32, #tpu.memory_space<hbm>>) dst(%arg15 : memref<1x400xi32, #tpu.memory_space<vmem>>)
        %eq3A_273 = arith.constant 0 : i32
        %eq3A_274 = arith.cmpi eq, %arg0, %eq3A_273 : i32
        %convert_element_type3A_275 = arith.extui %eq3A_274 : i1 to i32
        %cond3A_276 = arith.constant 0 : i32
        %cond3A_277 = arith.cmpi ne, %convert_element_type3A_275, %cond3A_276 : i32
        scf.if %cond3A_277 {
          %dma_start3A_283 = arith.constant 0 : i32
          %dma_start3A_284 = arith.constant 0 : i32
          %dma_start3A_285 = tpu.memref_slice %arg14[%dma_start3A_283, %dma_start3A_284] : memref<1x400xi32, #tpu.memory_space<vmem>> -> memref<1x400xi32, #tpu.memory_space<vmem>>
          %dma_start3A_286 = tpu.memref_squeeze %dma_start3A_285 : memref<1x400xi32, #tpu.memory_space<vmem>> -> memref<400xi32, #tpu.memory_space<vmem>>
          %dma_start3A_287 = arith.constant 0 : i32
          %dma_start3A_288 = arith.constant 0 : i32
          %dma_start3A_289 = tpu.memref_slice %arg3[%dma_start3A_287, %dma_start3A_288] : memref<102400x16xf32, #tpu.memory_space<hbm>> -> memref<102400x16xf32, #tpu.memory_space<hbm>>
          tpu.enqueue_indirect_dma source(%dma_start3A_289 : memref<102400x16xf32, #tpu.memory_space<hbm>>) target(%arg16 : memref<400x16xf32, #tpu.memory_space<vmem>>) offsets(%dma_start3A_286 : memref<400xi32, #tpu.memory_space<vmem>>) semaphore(%arg27 : memref<!tpu.dma_semaphore, #tpu.memory_space<semaphore_mem>>)
        } else {
        }
        %eq3A_278 = arith.constant 1 : i32
        %eq3A_279 = arith.cmpi eq, %arg0, %eq3A_278 : i32
        %convert_element_type3A_280 = arith.extui %eq3A_279 : i1 to i32
        %cond3A_281 = arith.constant 0 : i32
        %cond3A_282 = arith.cmpi ne, %convert_element_type3A_280, %cond3A_281 : i32
        scf.if %cond3A_282 {
          %dma_start3A_283 = arith.constant 0 : i32
          %dma_start3A_284 = arith.constant 0 : i32
          %dma_start3A_285 = tpu.memref_slice %arg14[%dma_start3A_283, %dma_start3A_284] : memref<1x400xi32, #tpu.memory_space<vmem>> -> memref<1x400xi32, #tpu.memory_space<vmem>>
          %dma_start3A_286 = tpu.memref_squeeze %dma_start3A_285 : memref<1x400xi32, #tpu.memory_space<vmem>> -> memref<400xi32, #tpu.memory_space<vmem>>
          %dma_start3A_287 = arith.constant 0 : i32
          %dma_start3A_288 = arith.constant 0 : i32
          %dma_start3A_289 = tpu.memref_slice %arg4[%dma_start3A_287, %dma_start3A_288] : memref<102400x16xf32, #tpu.memory_space<hbm>> -> memref<102400x16xf32, #tpu.memory_space<hbm>>
          tpu.enqueue_indirect_dma source(%dma_start3A_289 : memref<102400x16xf32, #tpu.memory_space<hbm>>) target(%arg16 : memref<400x16xf32, #tpu.memory_space<vmem>>) offsets(%dma_start3A_286 : memref<400xi32, #tpu.memory_space<vmem>>) semaphore(%arg27 : memref<!tpu.dma_semaphore, #tpu.memory_space<semaphore_mem>>)
        } else {
        }
      } else {
      }
      %dma_wait3A_162 = arith.constant 0 : i32
      %dma_wait3A_163 = arith.constant 0 : i32
      %dma_wait3A_164 = tpu.memref_slice %arg11[%dma_wait3A_162, %dma_wait3A_163] : memref<1x400xi32, #tpu.memory_space<vmem>> -> memref<1x400xi32, #tpu.memory_space<vmem>>
      %dma_wait3A_165 = tpu.memref_squeeze %dma_wait3A_164 : memref<1x400xi32, #tpu.memory_space<vmem>> -> memref<400xi32, #tpu.memory_space<vmem>>
      %dma_wait3A_166 = arith.constant 0 : i32
      %dma_wait3A_167 = arith.constant 0 : i32
      %dma_wait3A_168 = tpu.memref_slice %arg3[%dma_wait3A_166, %dma_wait3A_167] : memref<102400x16xf32, #tpu.memory_space<hbm>> -> memref<102400x16xf32, #tpu.memory_space<hbm>>
      tpu.wait_indirect_dma semaphore(%arg26 : memref<!tpu.dma_semaphore, #tpu.memory_space<semaphore_mem>>) src(%dma_wait3A_168 : memref<102400x16xf32, #tpu.memory_space<hbm>>) dst(%arg13 : memref<400x16xf32, #tpu.memory_space<vmem>>)
      %dma_start3A_169 = arith.constant 0 : i32
      %dma_start3A_170 = arith.constant 0 : i32
      %dma_start3A_171 = tpu.memref_slice %arg12[%dma_start3A_169, %dma_start3A_170] : memref<1x400xi32, #tpu.memory_space<vmem>> -> memref<1x400xi32, #tpu.memory_space<vmem>>
      %dma_start3A_172 = tpu.memref_squeeze %dma_start3A_171 : memref<1x400xi32, #tpu.memory_space<vmem>> -> memref<400xi32, #tpu.memory_space<vmem>>
      %dma_start3A_173 = arith.constant 0 : i32
      %dma_start3A_174 = arith.constant 0 : i32
      %dma_start3A_175 = tpu.memref_slice %arg20[%dma_start3A_173, %dma_start3A_174] : memref<100000x16xf32, #tpu.memory_space<vmem_shared>> -> memref<100000x16xf32, #tpu.memory_space<vmem_shared>>
      tpu.enqueue_indirect_dma source(%arg13 : memref<400x16xf32, #tpu.memory_space<vmem>>) target(%dma_start3A_175 : memref<100000x16xf32, #tpu.memory_space<vmem_shared>>) offsets(%dma_start3A_172 : memref<400xi32, #tpu.memory_space<vmem>>) semaphore(%arg30 : memref<!tpu.dma_semaphore, #tpu.memory_space<semaphore_mem>>) {add = true}
      %mul3A_176 = arith.constant 4 : i32
      %mul3A_177 = arith.muli %mul3A_176, %scan3A_103 : i32
      %add3A_178 = arith.constant 2 : i32
      %add3A_179 = arith.addi %mul3A_177, %add3A_178 : i32
      %ge3A_180 = arith.constant 2 : i32
      %ge3A_181 = arith.cmpi sge, %add3A_179, %ge3A_180 : i32
      %convert_element_type3A_182 = arith.extui %ge3A_181 : i1 to i32
      %cond3A_183 = arith.constant 0 : i32
      %cond3A_184 = arith.cmpi ne, %convert_element_type3A_182, %cond3A_183 : i32
      scf.if %cond3A_184 {
        %dma_wait3A_250 = arith.constant 0 : i32
        %dma_wait3A_251 = arith.constant 0 : i32
        %dma_wait3A_252 = tpu.memref_slice %arg9[%dma_wait3A_250, %dma_wait3A_251] : memref<1x400xi32, #tpu.memory_space<vmem>> -> memref<1x400xi32, #tpu.memory_space<vmem>>
        %dma_wait3A_253 = tpu.memref_squeeze %dma_wait3A_252 : memref<1x400xi32, #tpu.memory_space<vmem>> -> memref<400xi32, #tpu.memory_space<vmem>>
        %dma_wait3A_254 = arith.constant 0 : i32
        %dma_wait3A_255 = arith.constant 0 : i32
        %dma_wait3A_256 = tpu.memref_slice %arg20[%dma_wait3A_254, %dma_wait3A_255] : memref<100000x16xf32, #tpu.memory_space<vmem_shared>> -> memref<100000x16xf32, #tpu.memory_space<vmem_shared>>
        tpu.wait_indirect_dma semaphore(%arg29 : memref<!tpu.dma_semaphore, #tpu.memory_space<semaphore_mem>>) src(%arg10 : memref<400x16xf32, #tpu.memory_space<vmem>>) dst(%dma_wait3A_256 : memref<100000x16xf32, #tpu.memory_space<vmem_shared>>)
      } else {
      }
      %add3A_185 = arith.constant 2 : i32
      %add3A_186 = arith.addi %add3A_179, %add3A_185 : i32
      %lt3A_187 = arith.constant 500 : i32
      %lt3A_188 = arith.cmpi slt, %add3A_186, %lt3A_187 : i32
      %convert_element_type3A_189 = arith.extui %lt3A_188 : i1 to i32
      %cond3A_190 = arith.constant 0 : i32
      %cond3A_191 = arith.cmpi ne, %convert_element_type3A_189, %cond3A_190 : i32
      scf.if %cond3A_191 {
        %add3A_250 = arith.constant 2 : i32
        %add3A_251 = arith.addi %add3A_179, %add3A_250 : i32
        %mul3A_252 = arith.constant 500 : i32
        %mul3A_253 = arith.muli %arg1, %mul3A_252 : i32
        %add3A_254 = arith.addi %mul3A_253, %add3A_251 : i32
        %dma_start3A_255 = arith.constant 0 : i32
        %dma_start3A_256 = arith.constant 0 : i32
        %dma_start3A_257 = arith.constant 0 : i32
        %dma_start3A_258 = tpu.memref_slice %arg2[%dma_start3A_255, %add3A_254, %dma_start3A_256, %dma_start3A_257] : memref<2x8000x1x400xi32, #tpu.memory_space<hbm>> -> memref<1x1x1x400xi32, #tpu.memory_space<hbm>>
        %dma_start3A_259 = tpu.memref_squeeze %dma_start3A_258 : memref<1x1x1x400xi32, #tpu.memory_space<hbm>> -> memref<1x400xi32, #tpu.memory_space<hbm>>
        %dma_start3A_260 = arith.constant 0 : i32
        %dma_start3A_261 = arith.constant 0 : i32
        %dma_start3A_262 = tpu.memref_slice %arg2[%dma_start3A_255, %add3A_254, %dma_start3A_260, %dma_start3A_261] : memref<2x8000x1x400xi32, #tpu.memory_space<hbm>> -> memref<1x1x1x400xi32, #tpu.memory_space<hbm>>
        %dma_start3A_263 = tpu.memref_squeeze %dma_start3A_262 : memref<1x1x1x400xi32, #tpu.memory_space<hbm>> -> memref<1x400xi32, #tpu.memory_space<hbm>>
        tpu.enqueue_dma source(%dma_start3A_263 : memref<1x400xi32, #tpu.memory_space<hbm>>) target(%arg8 : memref<1x400xi32, #tpu.memory_space<vmem>>) target_semaphore(%arg21 : memref<!tpu.dma_semaphore, #tpu.memory_space<semaphore_mem>>)
        %dma_start3A_264 = arith.constant 1 : i32
        %dma_start3A_265 = arith.constant 0 : i32
        %dma_start3A_266 = arith.constant 0 : i32
        %dma_start3A_267 = tpu.memref_slice %arg2[%dma_start3A_264, %add3A_254, %dma_start3A_265, %dma_start3A_266] : memref<2x8000x1x400xi32, #tpu.memory_space<hbm>> -> memref<1x1x1x400xi32, #tpu.memory_space<hbm>>
        %dma_start3A_268 = tpu.memref_squeeze %dma_start3A_267 : memref<1x1x1x400xi32, #tpu.memory_space<hbm>> -> memref<1x400xi32, #tpu.memory_space<hbm>>
        %dma_start3A_269 = arith.constant 0 : i32
        %dma_start3A_270 = arith.constant 0 : i32
        %dma_start3A_271 = tpu.memref_slice %arg2[%dma_start3A_264, %add3A_254, %dma_start3A_269, %dma_start3A_270] : memref<2x8000x1x400xi32, #tpu.memory_space<hbm>> -> memref<1x1x1x400xi32, #tpu.memory_space<hbm>>
        %dma_start3A_272 = tpu.memref_squeeze %dma_start3A_271 : memref<1x1x1x400xi32, #tpu.memory_space<hbm>> -> memref<1x400xi32, #tpu.memory_space<hbm>>
        tpu.enqueue_dma source(%dma_start3A_272 : memref<1x400xi32, #tpu.memory_space<hbm>>) target(%arg9 : memref<1x400xi32, #tpu.memory_space<vmem>>) target_semaphore(%arg21 : memref<!tpu.dma_semaphore, #tpu.memory_space<semaphore_mem>>)
      } else {
      }
      %add3A_192 = arith.constant 1 : i32
      %add3A_193 = arith.addi %add3A_179, %add3A_192 : i32
      %lt3A_194 = arith.constant 500 : i32
      %lt3A_195 = arith.cmpi slt, %add3A_193, %lt3A_194 : i32
      %convert_element_type3A_196 = arith.extui %lt3A_195 : i1 to i32
      %cond3A_197 = arith.constant 0 : i32
      %cond3A_198 = arith.cmpi ne, %convert_element_type3A_196, %cond3A_197 : i32
      scf.if %cond3A_198 {
        %add3A_250 = arith.constant 1 : i32
        %add3A_251 = arith.addi %add3A_179, %add3A_250 : i32
        %mul3A_252 = arith.constant 500 : i32
        %mul3A_253 = arith.muli %arg1, %mul3A_252 : i32
        %add3A_254 = arith.addi %mul3A_253, %add3A_251 : i32
        %dma_wait3A_255 = arith.constant 0 : i32
        %dma_wait3A_256 = arith.constant 0 : i32
        %dma_wait3A_257 = arith.constant 0 : i32
        %dma_wait3A_258 = tpu.memref_slice %arg2[%dma_wait3A_255, %add3A_254, %dma_wait3A_256, %dma_wait3A_257] : memref<2x8000x1x400xi32, #tpu.memory_space<hbm>> -> memref<1x1x1x400xi32, #tpu.memory_space<hbm>>
        %dma_wait3A_259 = tpu.memref_squeeze %dma_wait3A_258 : memref<1x1x1x400xi32, #tpu.memory_space<hbm>> -> memref<1x400xi32, #tpu.memory_space<hbm>>
        %dma_wait3A_260 = arith.constant 0 : i32
        %dma_wait3A_261 = arith.constant 0 : i32
        %dma_wait3A_262 = tpu.memref_slice %arg2[%dma_wait3A_255, %add3A_254, %dma_wait3A_260, %dma_wait3A_261] : memref<2x8000x1x400xi32, #tpu.memory_space<hbm>> -> memref<1x1x1x400xi32, #tpu.memory_space<hbm>>
        %dma_wait3A_263 = tpu.memref_squeeze %dma_wait3A_262 : memref<1x1x1x400xi32, #tpu.memory_space<hbm>> -> memref<1x400xi32, #tpu.memory_space<hbm>>
        tpu.wait_dma2 semaphore(%arg24 : memref<!tpu.dma_semaphore, #tpu.memory_space<semaphore_mem>>) src(%dma_wait3A_263 : memref<1x400xi32, #tpu.memory_space<hbm>>) dst(%arg17 : memref<1x400xi32, #tpu.memory_space<vmem>>)
        %dma_wait3A_264 = arith.constant 1 : i32
        %dma_wait3A_265 = arith.constant 0 : i32
        %dma_wait3A_266 = arith.constant 0 : i32
        %dma_wait3A_267 = tpu.memref_slice %arg2[%dma_wait3A_264, %add3A_254, %dma_wait3A_265, %dma_wait3A_266] : memref<2x8000x1x400xi32, #tpu.memory_space<hbm>> -> memref<1x1x1x400xi32, #tpu.memory_space<hbm>>
        %dma_wait3A_268 = tpu.memref_squeeze %dma_wait3A_267 : memref<1x1x1x400xi32, #tpu.memory_space<hbm>> -> memref<1x400xi32, #tpu.memory_space<hbm>>
        %dma_wait3A_269 = arith.constant 0 : i32
        %dma_wait3A_270 = arith.constant 0 : i32
        %dma_wait3A_271 = tpu.memref_slice %arg2[%dma_wait3A_264, %add3A_254, %dma_wait3A_269, %dma_wait3A_270] : memref<2x8000x1x400xi32, #tpu.memory_space<hbm>> -> memref<1x1x1x400xi32, #tpu.memory_space<hbm>>
        %dma_wait3A_272 = tpu.memref_squeeze %dma_wait3A_271 : memref<1x1x1x400xi32, #tpu.memory_space<hbm>> -> memref<1x400xi32, #tpu.memory_space<hbm>>
        tpu.wait_dma2 semaphore(%arg24 : memref<!tpu.dma_semaphore, #tpu.memory_space<semaphore_mem>>) src(%dma_wait3A_272 : memref<1x400xi32, #tpu.memory_space<hbm>>) dst(%arg18 : memref<1x400xi32, #tpu.memory_space<vmem>>)
        %eq3A_273 = arith.constant 0 : i32
        %eq3A_274 = arith.cmpi eq, %arg0, %eq3A_273 : i32
        %convert_element_type3A_275 = arith.extui %eq3A_274 : i1 to i32
        %cond3A_276 = arith.constant 0 : i32
        %cond3A_277 = arith.cmpi ne, %convert_element_type3A_275, %cond3A_276 : i32
        scf.if %cond3A_277 {
          %dma_start3A_283 = arith.constant 0 : i32
          %dma_start3A_284 = arith.constant 0 : i32
          %dma_start3A_285 = tpu.memref_slice %arg17[%dma_start3A_283, %dma_start3A_284] : memref<1x400xi32, #tpu.memory_space<vmem>> -> memref<1x400xi32, #tpu.memory_space<vmem>>
          %dma_start3A_286 = tpu.memref_squeeze %dma_start3A_285 : memref<1x400xi32, #tpu.memory_space<vmem>> -> memref<400xi32, #tpu.memory_space<vmem>>
          %dma_start3A_287 = arith.constant 0 : i32
          %dma_start3A_288 = arith.constant 0 : i32
          %dma_start3A_289 = tpu.memref_slice %arg3[%dma_start3A_287, %dma_start3A_288] : memref<102400x16xf32, #tpu.memory_space<hbm>> -> memref<102400x16xf32, #tpu.memory_space<hbm>>
          tpu.enqueue_indirect_dma source(%dma_start3A_289 : memref<102400x16xf32, #tpu.memory_space<hbm>>) target(%arg19 : memref<400x16xf32, #tpu.memory_space<vmem>>) offsets(%dma_start3A_286 : memref<400xi32, #tpu.memory_space<vmem>>) semaphore(%arg28 : memref<!tpu.dma_semaphore, #tpu.memory_space<semaphore_mem>>)
        } else {
        }
        %eq3A_278 = arith.constant 1 : i32
        %eq3A_279 = arith.cmpi eq, %arg0, %eq3A_278 : i32
        %convert_element_type3A_280 = arith.extui %eq3A_279 : i1 to i32
        %cond3A_281 = arith.constant 0 : i32
        %cond3A_282 = arith.cmpi ne, %convert_element_type3A_280, %cond3A_281 : i32
        scf.if %cond3A_282 {
          %dma_start3A_283 = arith.constant 0 : i32
          %dma_start3A_284 = arith.constant 0 : i32
          %dma_start3A_285 = tpu.memref_slice %arg17[%dma_start3A_283, %dma_start3A_284] : memref<1x400xi32, #tpu.memory_space<vmem>> -> memref<1x400xi32, #tpu.memory_space<vmem>>
          %dma_start3A_286 = tpu.memref_squeeze %dma_start3A_285 : memref<1x400xi32, #tpu.memory_space<vmem>> -> memref<400xi32, #tpu.memory_space<vmem>>
          %dma_start3A_287 = arith.constant 0 : i32
          %dma_start3A_288 = arith.constant 0 : i32
          %dma_start3A_289 = tpu.memref_slice %arg4[%dma_start3A_287, %dma_start3A_288] : memref<102400x16xf32, #tpu.memory_space<hbm>> -> memref<102400x16xf32, #tpu.memory_space<hbm>>
          tpu.enqueue_indirect_dma source(%dma_start3A_289 : memref<102400x16xf32, #tpu.memory_space<hbm>>) target(%arg19 : memref<400x16xf32, #tpu.memory_space<vmem>>) offsets(%dma_start3A_286 : memref<400xi32, #tpu.memory_space<vmem>>) semaphore(%arg28 : memref<!tpu.dma_semaphore, #tpu.memory_space<semaphore_mem>>)
        } else {
        }
      } else {
      }
      %dma_wait3A_199 = arith.constant 0 : i32
      %dma_wait3A_200 = arith.constant 0 : i32
      %dma_wait3A_201 = tpu.memref_slice %arg14[%dma_wait3A_199, %dma_wait3A_200] : memref<1x400xi32, #tpu.memory_space<vmem>> -> memref<1x400xi32, #tpu.memory_space<vmem>>
      %dma_wait3A_202 = tpu.memref_squeeze %dma_wait3A_201 : memref<1x400xi32, #tpu.memory_space<vmem>> -> memref<400xi32, #tpu.memory_space<vmem>>
      %dma_wait3A_203 = arith.constant 0 : i32
      %dma_wait3A_204 = arith.constant 0 : i32
      %dma_wait3A_205 = tpu.memref_slice %arg3[%dma_wait3A_203, %dma_wait3A_204] : memref<102400x16xf32, #tpu.memory_space<hbm>> -> memref<102400x16xf32, #tpu.memory_space<hbm>>
      tpu.wait_indirect_dma semaphore(%arg27 : memref<!tpu.dma_semaphore, #tpu.memory_space<semaphore_mem>>) src(%dma_wait3A_205 : memref<102400x16xf32, #tpu.memory_space<hbm>>) dst(%arg16 : memref<400x16xf32, #tpu.memory_space<vmem>>)
      %dma_start3A_206 = arith.constant 0 : i32
      %dma_start3A_207 = arith.constant 0 : i32
      %dma_start3A_208 = tpu.memref_slice %arg15[%dma_start3A_206, %dma_start3A_207] : memref<1x400xi32, #tpu.memory_space<vmem>> -> memref<1x400xi32, #tpu.memory_space<vmem>>
      %dma_start3A_209 = tpu.memref_squeeze %dma_start3A_208 : memref<1x400xi32, #tpu.memory_space<vmem>> -> memref<400xi32, #tpu.memory_space<vmem>>
      %dma_start3A_210 = arith.constant 0 : i32
      %dma_start3A_211 = arith.constant 0 : i32
      %dma_start3A_212 = tpu.memref_slice %arg20[%dma_start3A_210, %dma_start3A_211] : memref<100000x16xf32, #tpu.memory_space<vmem_shared>> -> memref<100000x16xf32, #tpu.memory_space<vmem_shared>>
      tpu.enqueue_indirect_dma source(%arg16 : memref<400x16xf32, #tpu.memory_space<vmem>>) target(%dma_start3A_212 : memref<100000x16xf32, #tpu.memory_space<vmem_shared>>) offsets(%dma_start3A_209 : memref<400xi32, #tpu.memory_space<vmem>>) semaphore(%arg31 : memref<!tpu.dma_semaphore, #tpu.memory_space<semaphore_mem>>) {add = true}
      %mul3A_213 = arith.constant 4 : i32
      %mul3A_214 = arith.muli %mul3A_213, %scan3A_103 : i32
      %add3A_215 = arith.constant 3 : i32
      %add3A_216 = arith.addi %mul3A_214, %add3A_215 : i32
      %ge3A_217 = arith.constant 2 : i32
      %ge3A_218 = arith.cmpi sge, %add3A_216, %ge3A_217 : i32
      %convert_element_type3A_219 = arith.extui %ge3A_218 : i1 to i32
      %cond3A_220 = arith.constant 0 : i32
      %cond3A_221 = arith.cmpi ne, %convert_element_type3A_219, %cond3A_220 : i32
      scf.if %cond3A_221 {
        %dma_wait3A_250 = arith.constant 0 : i32
        %dma_wait3A_251 = arith.constant 0 : i32
        %dma_wait3A_252 = tpu.memref_slice %arg12[%dma_wait3A_250, %dma_wait3A_251] : memref<1x400xi32, #tpu.memory_space<vmem>> -> memref<1x400xi32, #tpu.memory_space<vmem>>
        %dma_wait3A_253 = tpu.memref_squeeze %dma_wait3A_252 : memref<1x400xi32, #tpu.memory_space<vmem>> -> memref<400xi32, #tpu.memory_space<vmem>>
        %dma_wait3A_254 = arith.constant 0 : i32
        %dma_wait3A_255 = arith.constant 0 : i32
        %dma_wait3A_256 = tpu.memref_slice %arg20[%dma_wait3A_254, %dma_wait3A_255] : memref<100000x16xf32, #tpu.memory_space<vmem_shared>> -> memref<100000x16xf32, #tpu.memory_space<vmem_shared>>
        tpu.wait_indirect_dma semaphore(%arg30 : memref<!tpu.dma_semaphore, #tpu.memory_space<semaphore_mem>>) src(%arg13 : memref<400x16xf32, #tpu.memory_space<vmem>>) dst(%dma_wait3A_256 : memref<100000x16xf32, #tpu.memory_space<vmem_shared>>)
      } else {
      }
      %add3A_222 = arith.constant 2 : i32
      %add3A_223 = arith.addi %add3A_216, %add3A_222 : i32
      %lt3A_224 = arith.constant 500 : i32
      %lt3A_225 = arith.cmpi slt, %add3A_223, %lt3A_224 : i32
      %convert_element_type3A_226 = arith.extui %lt3A_225 : i1 to i32
      %cond3A_227 = arith.constant 0 : i32
      %cond3A_228 = arith.cmpi ne, %convert_element_type3A_226, %cond3A_227 : i32
      scf.if %cond3A_228 {
        %add3A_250 = arith.constant 2 : i32
        %add3A_251 = arith.addi %add3A_216, %add3A_250 : i32
        %mul3A_252 = arith.constant 500 : i32
        %mul3A_253 = arith.muli %arg1, %mul3A_252 : i32
        %add3A_254 = arith.addi %mul3A_253, %add3A_251 : i32
        %dma_start3A_255 = arith.constant 0 : i32
        %dma_start3A_256 = arith.constant 0 : i32
        %dma_start3A_257 = arith.constant 0 : i32
        %dma_start3A_258 = tpu.memref_slice %arg2[%dma_start3A_255, %add3A_254, %dma_start3A_256, %dma_start3A_257] : memref<2x8000x1x400xi32, #tpu.memory_space<hbm>> -> memref<1x1x1x400xi32, #tpu.memory_space<hbm>>
        %dma_start3A_259 = tpu.memref_squeeze %dma_start3A_258 : memref<1x1x1x400xi32, #tpu.memory_space<hbm>> -> memref<1x400xi32, #tpu.memory_space<hbm>>
        %dma_start3A_260 = arith.constant 0 : i32
        %dma_start3A_261 = arith.constant 0 : i32
        %dma_start3A_262 = tpu.memref_slice %arg2[%dma_start3A_255, %add3A_254, %dma_start3A_260, %dma_start3A_261] : memref<2x8000x1x400xi32, #tpu.memory_space<hbm>> -> memref<1x1x1x400xi32, #tpu.memory_space<hbm>>
        %dma_start3A_263 = tpu.memref_squeeze %dma_start3A_262 : memref<1x1x1x400xi32, #tpu.memory_space<hbm>> -> memref<1x400xi32, #tpu.memory_space<hbm>>
        tpu.enqueue_dma source(%dma_start3A_263 : memref<1x400xi32, #tpu.memory_space<hbm>>) target(%arg11 : memref<1x400xi32, #tpu.memory_space<vmem>>) target_semaphore(%arg22 : memref<!tpu.dma_semaphore, #tpu.memory_space<semaphore_mem>>)
        %dma_start3A_264 = arith.constant 1 : i32
        %dma_start3A_265 = arith.constant 0 : i32
        %dma_start3A_266 = arith.constant 0 : i32
        %dma_start3A_267 = tpu.memref_slice %arg2[%dma_start3A_264, %add3A_254, %dma_start3A_265, %dma_start3A_266] : memref<2x8000x1x400xi32, #tpu.memory_space<hbm>> -> memref<1x1x1x400xi32, #tpu.memory_space<hbm>>
        %dma_start3A_268 = tpu.memref_squeeze %dma_start3A_267 : memref<1x1x1x400xi32, #tpu.memory_space<hbm>> -> memref<1x400xi32, #tpu.memory_space<hbm>>
        %dma_start3A_269 = arith.constant 0 : i32
        %dma_start3A_270 = arith.constant 0 : i32
        %dma_start3A_271 = tpu.memref_slice %arg2[%dma_start3A_264, %add3A_254, %dma_start3A_269, %dma_start3A_270] : memref<2x8000x1x400xi32, #tpu.memory_space<hbm>> -> memref<1x1x1x400xi32, #tpu.memory_space<hbm>>
        %dma_start3A_272 = tpu.memref_squeeze %dma_start3A_271 : memref<1x1x1x400xi32, #tpu.memory_space<hbm>> -> memref<1x400xi32, #tpu.memory_space<hbm>>
        tpu.enqueue_dma source(%dma_start3A_272 : memref<1x400xi32, #tpu.memory_space<hbm>>) target(%arg12 : memref<1x400xi32, #tpu.memory_space<vmem>>) target_semaphore(%arg22 : memref<!tpu.dma_semaphore, #tpu.memory_space<semaphore_mem>>)
      } else {
      }
      %add3A_229 = arith.constant 1 : i32
      %add3A_230 = arith.addi %add3A_216, %add3A_229 : i32
      %lt3A_231 = arith.constant 500 : i32
      %lt3A_232 = arith.cmpi slt, %add3A_230, %lt3A_231 : i32
      %convert_element_type3A_233 = arith.extui %lt3A_232 : i1 to i32
      %cond3A_234 = arith.constant 0 : i32
      %cond3A_235 = arith.cmpi ne, %convert_element_type3A_233, %cond3A_234 : i32
      scf.if %cond3A_235 {
        %add3A_250 = arith.constant 1 : i32
        %add3A_251 = arith.addi %add3A_216, %add3A_250 : i32
        %mul3A_252 = arith.constant 500 : i32
        %mul3A_253 = arith.muli %arg1, %mul3A_252 : i32
        %add3A_254 = arith.addi %mul3A_253, %add3A_251 : i32
        %dma_wait3A_255 = arith.constant 0 : i32
        %dma_wait3A_256 = arith.constant 0 : i32
        %dma_wait3A_257 = arith.constant 0 : i32
        %dma_wait3A_258 = tpu.memref_slice %arg2[%dma_wait3A_255, %add3A_254, %dma_wait3A_256, %dma_wait3A_257] : memref<2x8000x1x400xi32, #tpu.memory_space<hbm>> -> memref<1x1x1x400xi32, #tpu.memory_space<hbm>>
        %dma_wait3A_259 = tpu.memref_squeeze %dma_wait3A_258 : memref<1x1x1x400xi32, #tpu.memory_space<hbm>> -> memref<1x400xi32, #tpu.memory_space<hbm>>
        %dma_wait3A_260 = arith.constant 0 : i32
        %dma_wait3A_261 = arith.constant 0 : i32
        %dma_wait3A_262 = tpu.memref_slice %arg2[%dma_wait3A_255, %add3A_254, %dma_wait3A_260, %dma_wait3A_261] : memref<2x8000x1x400xi32, #tpu.memory_space<hbm>> -> memref<1x1x1x400xi32, #tpu.memory_space<hbm>>
        %dma_wait3A_263 = tpu.memref_squeeze %dma_wait3A_262 : memref<1x1x1x400xi32, #tpu.memory_space<hbm>> -> memref<1x400xi32, #tpu.memory_space<hbm>>
        tpu.wait_dma2 semaphore(%arg21 : memref<!tpu.dma_semaphore, #tpu.memory_space<semaphore_mem>>) src(%dma_wait3A_263 : memref<1x400xi32, #tpu.memory_space<hbm>>) dst(%arg8 : memref<1x400xi32, #tpu.memory_space<vmem>>)
        %dma_wait3A_264 = arith.constant 1 : i32
        %dma_wait3A_265 = arith.constant 0 : i32
        %dma_wait3A_266 = arith.constant 0 : i32
        %dma_wait3A_267 = tpu.memref_slice %arg2[%dma_wait3A_264, %add3A_254, %dma_wait3A_265, %dma_wait3A_266] : memref<2x8000x1x400xi32, #tpu.memory_space<hbm>> -> memref<1x1x1x400xi32, #tpu.memory_space<hbm>>
        %dma_wait3A_268 = tpu.memref_squeeze %dma_wait3A_267 : memref<1x1x1x400xi32, #tpu.memory_space<hbm>> -> memref<1x400xi32, #tpu.memory_space<hbm>>
        %dma_wait3A_269 = arith.constant 0 : i32
        %dma_wait3A_270 = arith.constant 0 : i32
        %dma_wait3A_271 = tpu.memref_slice %arg2[%dma_wait3A_264, %add3A_254, %dma_wait3A_269, %dma_wait3A_270] : memref<2x8000x1x400xi32, #tpu.memory_space<hbm>> -> memref<1x1x1x400xi32, #tpu.memory_space<hbm>>
        %dma_wait3A_272 = tpu.memref_squeeze %dma_wait3A_271 : memref<1x1x1x400xi32, #tpu.memory_space<hbm>> -> memref<1x400xi32, #tpu.memory_space<hbm>>
        tpu.wait_dma2 semaphore(%arg21 : memref<!tpu.dma_semaphore, #tpu.memory_space<semaphore_mem>>) src(%dma_wait3A_272 : memref<1x400xi32, #tpu.memory_space<hbm>>) dst(%arg9 : memref<1x400xi32, #tpu.memory_space<vmem>>)
        %eq3A_273 = arith.constant 0 : i32
        %eq3A_274 = arith.cmpi eq, %arg0, %eq3A_273 : i32
        %convert_element_type3A_275 = arith.extui %eq3A_274 : i1 to i32
        %cond3A_276 = arith.constant 0 : i32
        %cond3A_277 = arith.cmpi ne, %convert_element_type3A_275, %cond3A_276 : i32
        scf.if %cond3A_277 {
          %dma_start3A_283 = arith.constant 0 : i32
          %dma_start3A_284 = arith.constant 0 : i32
          %dma_start3A_285 = tpu.memref_slice %arg8[%dma_start3A_283, %dma_start3A_284] : memref<1x400xi32, #tpu.memory_space<vmem>> -> memref<1x400xi32, #tpu.memory_space<vmem>>
          %dma_start3A_286 = tpu.memref_squeeze %dma_start3A_285 : memref<1x400xi32, #tpu.memory_space<vmem>> -> memref<400xi32, #tpu.memory_space<vmem>>
          %dma_start3A_287 = arith.constant 0 : i32
          %dma_start3A_288 = arith.constant 0 : i32
          %dma_start3A_289 = tpu.memref_slice %arg3[%dma_start3A_287, %dma_start3A_288] : memref<102400x16xf32, #tpu.memory_space<hbm>> -> memref<102400x16xf32, #tpu.memory_space<hbm>>
          tpu.enqueue_indirect_dma source(%dma_start3A_289 : memref<102400x16xf32, #tpu.memory_space<hbm>>) target(%arg10 : memref<400x16xf32, #tpu.memory_space<vmem>>) offsets(%dma_start3A_286 : memref<400xi32, #tpu.memory_space<vmem>>) semaphore(%arg25 : memref<!tpu.dma_semaphore, #tpu.memory_space<semaphore_mem>>)
        } else {
        }
        %eq3A_278 = arith.constant 1 : i32
        %eq3A_279 = arith.cmpi eq, %arg0, %eq3A_278 : i32
        %convert_element_type3A_280 = arith.extui %eq3A_279 : i1 to i32
        %cond3A_281 = arith.constant 0 : i32
        %cond3A_282 = arith.cmpi ne, %convert_element_type3A_280, %cond3A_281 : i32
        scf.if %cond3A_282 {
          %dma_start3A_283 = arith.constant 0 : i32
          %dma_start3A_284 = arith.constant 0 : i32
          %dma_start3A_285 = tpu.memref_slice %arg8[%dma_start3A_283, %dma_start3A_284] : memref<1x400xi32, #tpu.memory_space<vmem>> -> memref<1x400xi32, #tpu.memory_space<vmem>>
          %dma_start3A_286 = tpu.memref_squeeze %dma_start3A_285 : memref<1x400xi32, #tpu.memory_space<vmem>> -> memref<400xi32, #tpu.memory_space<vmem>>
          %dma_start3A_287 = arith.constant 0 : i32
          %dma_start3A_288 = arith.constant 0 : i32
          %dma_start3A_289 = tpu.memref_slice %arg4[%dma_start3A_287, %dma_start3A_288] : memref<102400x16xf32, #tpu.memory_space<hbm>> -> memref<102400x16xf32, #tpu.memory_space<hbm>>
          tpu.enqueue_indirect_dma source(%dma_start3A_289 : memref<102400x16xf32, #tpu.memory_space<hbm>>) target(%arg10 : memref<400x16xf32, #tpu.memory_space<vmem>>) offsets(%dma_start3A_286 : memref<400xi32, #tpu.memory_space<vmem>>) semaphore(%arg25 : memref<!tpu.dma_semaphore, #tpu.memory_space<semaphore_mem>>)
        } else {
        }
      } else {
      }
      %dma_wait3A_236 = arith.constant 0 : i32
      %dma_wait3A_237 = arith.constant 0 : i32
      %dma_wait3A_238 = tpu.memref_slice %arg17[%dma_wait3A_236, %dma_wait3A_237] : memref<1x400xi32, #tpu.memory_space<vmem>> -> memref<1x400xi32, #tpu.memory_space<vmem>>
      %dma_wait3A_239 = tpu.memref_squeeze %dma_wait3A_238 : memref<1x400xi32, #tpu.memory_space<vmem>> -> memref<400xi32, #tpu.memory_space<vmem>>
      %dma_wait3A_240 = arith.constant 0 : i32
      %dma_wait3A_241 = arith.constant 0 : i32
      %dma_wait3A_242 = tpu.memref_slice %arg3[%dma_wait3A_240, %dma_wait3A_241] : memref<102400x16xf32, #tpu.memory_space<hbm>> -> memref<102400x16xf32, #tpu.memory_space<hbm>>
      tpu.wait_indirect_dma semaphore(%arg28 : memref<!tpu.dma_semaphore, #tpu.memory_space<semaphore_mem>>) src(%dma_wait3A_242 : memref<102400x16xf32, #tpu.memory_space<hbm>>) dst(%arg19 : memref<400x16xf32, #tpu.memory_space<vmem>>)
      %dma_start3A_243 = arith.constant 0 : i32
      %dma_start3A_244 = arith.constant 0 : i32
      %dma_start3A_245 = tpu.memref_slice %arg18[%dma_start3A_243, %dma_start3A_244] : memref<1x400xi32, #tpu.memory_space<vmem>> -> memref<1x400xi32, #tpu.memory_space<vmem>>
      %dma_start3A_246 = tpu.memref_squeeze %dma_start3A_245 : memref<1x400xi32, #tpu.memory_space<vmem>> -> memref<400xi32, #tpu.memory_space<vmem>>
      %dma_start3A_247 = arith.constant 0 : i32
      %dma_start3A_248 = arith.constant 0 : i32
      %dma_start3A_249 = tpu.memref_slice %arg20[%dma_start3A_247, %dma_start3A_248] : memref<100000x16xf32, #tpu.memory_space<vmem_shared>> -> memref<100000x16xf32, #tpu.memory_space<vmem_shared>>
      tpu.enqueue_indirect_dma source(%arg19 : memref<400x16xf32, #tpu.memory_space<vmem>>) target(%dma_start3A_249 : memref<100000x16xf32, #tpu.memory_space<vmem_shared>>) offsets(%dma_start3A_246 : memref<400xi32, #tpu.memory_space<vmem>>) semaphore(%arg32 : memref<!tpu.dma_semaphore, #tpu.memory_space<semaphore_mem>>) {add = true}
    }
    %scan3A_77 = arith.constant 125 : i32
    %dma_wait3A_78 = arith.constant 0 : i32
    %dma_wait3A_79 = arith.constant 0 : i32
    %dma_wait3A_80 = tpu.memref_slice %arg15[%dma_wait3A_78, %dma_wait3A_79] : memref<1x400xi32, #tpu.memory_space<vmem>> -> memref<1x400xi32, #tpu.memory_space<vmem>>
    %dma_wait3A_81 = tpu.memref_squeeze %dma_wait3A_80 : memref<1x400xi32, #tpu.memory_space<vmem>> -> memref<400xi32, #tpu.memory_space<vmem>>
    %dma_wait3A_82 = arith.constant 0 : i32
    %dma_wait3A_83 = arith.constant 0 : i32
    %dma_wait3A_84 = tpu.memref_slice %arg20[%dma_wait3A_82, %dma_wait3A_83] : memref<100000x16xf32, #tpu.memory_space<vmem_shared>> -> memref<100000x16xf32, #tpu.memory_space<vmem_shared>>
    tpu.wait_indirect_dma semaphore(%arg31 : memref<!tpu.dma_semaphore, #tpu.memory_space<semaphore_mem>>) src(%arg16 : memref<400x16xf32, #tpu.memory_space<vmem>>) dst(%dma_wait3A_84 : memref<100000x16xf32, #tpu.memory_space<vmem_shared>>)
    %dma_wait3A_85 = arith.constant 0 : i32
    %dma_wait3A_86 = arith.constant 0 : i32
    %dma_wait3A_87 = tpu.memref_slice %arg18[%dma_wait3A_85, %dma_wait3A_86] : memref<1x400xi32, #tpu.memory_space<vmem>> -> memref<1x400xi32, #tpu.memory_space<vmem>>
    %dma_wait3A_88 = tpu.memref_squeeze %dma_wait3A_87 : memref<1x400xi32, #tpu.memory_space<vmem>> -> memref<400xi32, #tpu.memory_space<vmem>>
    %dma_wait3A_89 = arith.constant 0 : i32
    %dma_wait3A_90 = arith.constant 0 : i32
    %dma_wait3A_91 = tpu.memref_slice %arg20[%dma_wait3A_89, %dma_wait3A_90] : memref<100000x16xf32, #tpu.memory_space<vmem_shared>> -> memref<100000x16xf32, #tpu.memory_space<vmem_shared>>
    tpu.wait_indirect_dma semaphore(%arg32 : memref<!tpu.dma_semaphore, #tpu.memory_space<semaphore_mem>>) src(%arg19 : memref<400x16xf32, #tpu.memory_space<vmem>>) dst(%dma_wait3A_91 : memref<100000x16xf32, #tpu.memory_space<vmem_shared>>)
    %barrier3A_92 = arith.constant 0 : index
    tpu.barrier barrier_id(%barrier3A_92)
    %eq3A_93 = arith.constant 0 : i32
    %eq3A_94 = arith.cmpi eq, %arg0, %eq3A_93 : i32
    %convert_element_type3A_95 = arith.extui %eq3A_94 : i1 to i32
    %cond3A_96 = arith.constant 0 : i32
    %cond3A_97 = arith.cmpi ne, %convert_element_type3A_95, %cond3A_96 : i32
    scf.if %cond3A_97 {
      %mul3A_103 = arith.constant 6250 : i32
      %mul3A_104 = arith.muli %arg1, %mul3A_103 : i32
      %mul3A_105 = arith.constant 6250 : i32
      %mul3A_106 = arith.muli %arg1, %mul3A_105 : i32
      "tpu.region"() ({
        %run_scoped3A = tpu.sem_alloc : memref<!tpu.dma_semaphore, #tpu.memory_space<semaphore_mem>>
        %dma_start3A_107 = arith.constant 0 : i32
        %dma_start3A_108 = tpu.memref_slice %arg6[%mul3A_106, %dma_start3A_107] : memref<102400x16xf32, #tpu.memory_space<hbm>> -> memref<6250x16xf32, #tpu.memory_space<hbm>>
        %dma_start3A_109 = arith.constant 0 : i32
        %dma_start3A_110 = tpu.memref_slice %arg20[%mul3A_104, %dma_start3A_109] : memref<100000x16xf32, #tpu.memory_space<vmem_shared>> -> memref<6250x16xf32, #tpu.memory_space<vmem_shared>>
        tpu.enqueue_dma source(%dma_start3A_110 : memref<6250x16xf32, #tpu.memory_space<vmem_shared>>) target(%dma_start3A_108 : memref<6250x16xf32, #tpu.memory_space<hbm>>) target_semaphore(%run_scoped3A : memref<!tpu.dma_semaphore, #tpu.memory_space<semaphore_mem>>)
        %dma_wait3A_111 = arith.constant 0 : i32
        %dma_wait3A_112 = tpu.memref_slice %arg6[%mul3A_106, %dma_wait3A_111] : memref<102400x16xf32, #tpu.memory_space<hbm>> -> memref<6250x16xf32, #tpu.memory_space<hbm>>
        %dma_wait3A_113 = arith.constant 0 : i32
        %dma_wait3A_114 = tpu.memref_slice %arg20[%mul3A_104, %dma_wait3A_113] : memref<100000x16xf32, #tpu.memory_space<vmem_shared>> -> memref<6250x16xf32, #tpu.memory_space<vmem_shared>>
        tpu.wait_dma2 semaphore(%run_scoped3A : memref<!tpu.dma_semaphore, #tpu.memory_space<semaphore_mem>>) src(%dma_wait3A_114 : memref<6250x16xf32, #tpu.memory_space<vmem_shared>>) dst(%dma_wait3A_112 : memref<6250x16xf32, #tpu.memory_space<hbm>>)
        tpu.yield
      }) : () -> ()
    } else {
    }
    %eq3A_98 = arith.constant 1 : i32
    %eq3A_99 = arith.cmpi eq, %arg0, %eq3A_98 : i32
    %convert_element_type3A_100 = arith.extui %eq3A_99 : i1 to i32
    %cond3A_101 = arith.constant 0 : i32
    %cond3A_102 = arith.cmpi ne, %convert_element_type3A_100, %cond3A_101 : i32
    scf.if %cond3A_102 {
      %mul3A_103 = arith.constant 6250 : i32
      %mul3A_104 = arith.muli %arg1, %mul3A_103 : i32
      %mul3A_105 = arith.constant 6250 : i32
      %mul3A_106 = arith.muli %arg1, %mul3A_105 : i32
      "tpu.region"() ({
        %run_scoped3A = tpu.sem_alloc : memref<!tpu.dma_semaphore, #tpu.memory_space<semaphore_mem>>
        %dma_start3A_107 = arith.constant 0 : i32
        %dma_start3A_108 = tpu.memref_slice %arg7[%mul3A_106, %dma_start3A_107] : memref<102400x16xf32, #tpu.memory_space<hbm>> -> memref<6250x16xf32, #tpu.memory_space<hbm>>
        %dma_start3A_109 = arith.constant 0 : i32
        %dma_start3A_110 = tpu.memref_slice %arg20[%mul3A_104, %dma_start3A_109] : memref<100000x16xf32, #tpu.memory_space<vmem_shared>> -> memref<6250x16xf32, #tpu.memory_space<vmem_shared>>
        tpu.enqueue_dma source(%dma_start3A_110 : memref<6250x16xf32, #tpu.memory_space<vmem_shared>>) target(%dma_start3A_108 : memref<6250x16xf32, #tpu.memory_space<hbm>>) target_semaphore(%run_scoped3A : memref<!tpu.dma_semaphore, #tpu.memory_space<semaphore_mem>>)
        %dma_wait3A_111 = arith.constant 0 : i32
        %dma_wait3A_112 = tpu.memref_slice %arg7[%mul3A_106, %dma_wait3A_111] : memref<102400x16xf32, #tpu.memory_space<hbm>> -> memref<6250x16xf32, #tpu.memory_space<hbm>>
        %dma_wait3A_113 = arith.constant 0 : i32
        %dma_wait3A_114 = tpu.memref_slice %arg20[%mul3A_104, %dma_wait3A_113] : memref<100000x16xf32, #tpu.memory_space<vmem_shared>> -> memref<6250x16xf32, #tpu.memory_space<vmem_shared>>
        tpu.wait_dma2 semaphore(%run_scoped3A : memref<!tpu.dma_semaphore, #tpu.memory_space<semaphore_mem>>) src(%dma_wait3A_114 : memref<6250x16xf32, #tpu.memory_space<vmem_shared>>) dst(%dma_wait3A_112 : memref<6250x16xf32, #tpu.memory_space<hbm>>)
        tpu.yield
      }) : () -> ()
    } else {
    }
    return
  }
}

module attributes {stable_mosaic.version = 14 : i64} {
  func.func @_enc_body(%arg0: i32, %arg1: memref<2000x128xf32, #tpu.memory_space<vmem>>, %arg2: memref<128x240xf32, #tpu.memory_space<vmem>>, %arg3: memref<1x240xf32, #tpu.memory_space<vmem>>, %arg4: memref<240x24xf32, #tpu.memory_space<vmem>>, %arg5: memref<1x24xf32, #tpu.memory_space<vmem>>, %arg6: memref<2000x16xf32, #tpu.memory_space<vmem>>, %arg7: memref<2000x16xf32, #tpu.memory_space<vmem>>) attributes {dimension_semantics = [#tpu.dimension_semantics<arbitrary>], iteration_bounds = array<i64: 50>, scalar_prefetch = 0 : i64, scratch_operands = 0 : i64, tpu.core_type = #tpu.core_type<tc>, window_params = [{transform_indices = @transform_0, window_bounds = array<i64: 2000, 128>}, {pipeline_mode = #tpu.pipeline_mode<synchronous>, transform_indices = @transform_1, window_bounds = array<i64: 128, 240>}, {pipeline_mode = #tpu.pipeline_mode<synchronous>, transform_indices = @transform_2, window_bounds = array<i64: 1, 240>}, {pipeline_mode = #tpu.pipeline_mode<synchronous>, transform_indices = @transform_3, window_bounds = array<i64: 240, 24>}, {pipeline_mode = #tpu.pipeline_mode<synchronous>, transform_indices = @transform_4, window_bounds = array<i64: 1, 24>}, {transform_indices = @transform_5, window_bounds = array<i64: 2000, 16>}, {transform_indices = @transform_6, window_bounds = array<i64: 2000, 16>}]} {
    %get3A = arith.constant 0 : index
    %get3A_0 = arith.constant 0 : index
    %get3A_1 = vector.load %arg1[%get3A, %get3A_0] : memref<2000x128xf32, #tpu.memory_space<vmem>>, vector<2000x128xf32>
    %get3A_2 = arith.constant 0 : index
    %get3A_3 = arith.constant 0 : index
    %get3A_4 = vector.load %arg2[%get3A_2, %get3A_3] : memref<128x240xf32, #tpu.memory_space<vmem>>, vector<128x240xf32>
    %dot_general3A = arith.constant dense<0.000000e+00> : vector<2000x240xf32>
    %dot_general3A_5 = tpu.matmul %get3A_1, %get3A_4, %dot_general3A {dimension_numbers = #tpu.dot_dimension_numbers<[1], [0], [0], [1], [0, 0, 1, 1], [], []>, transpose_lhs_hint = false} : vector<2000x128xf32>, vector<128x240xf32>, vector<2000x240xf32> -> vector<2000x240xf32>
    %get3A_6 = arith.constant 0 : index
    %get3A_7 = arith.constant 0 : index
    %get3A_8 = vector.load %arg3[%get3A_6, %get3A_7] : memref<1x240xf32, #tpu.memory_space<vmem>>, vector<1x240xf32>
    %add3A = vector.broadcast %get3A_8 : vector<1x240xf32> to vector<2000x240xf32>
    %add3A_9 = arith.addf %dot_general3A_5, %add3A : vector<2000x240xf32>
    %max3A = arith.constant 0.000000e+00 : f32
    %max3A_10 = vector.broadcast %max3A : f32 to vector<2000x240xf32>
    %max3A_11 = arith.maximumf %add3A_9, %max3A_10 : vector<2000x240xf32>
    %get3A_12 = arith.constant 0 : index
    %get3A_13 = arith.constant 0 : index
    %get3A_14 = vector.load %arg4[%get3A_12, %get3A_13] : memref<240x24xf32, #tpu.memory_space<vmem>>, vector<240x24xf32>
    %dot_general3A_15 = arith.constant dense<0.000000e+00> : vector<2000x24xf32>
    %dot_general3A_16 = tpu.matmul %max3A_11, %get3A_14, %dot_general3A_15 {dimension_numbers = #tpu.dot_dimension_numbers<[1], [0], [0], [1], [0, 0, 1, 1], [], []>, transpose_lhs_hint = false} : vector<2000x240xf32>, vector<240x24xf32>, vector<2000x24xf32> -> vector<2000x24xf32>
    %get3A_17 = arith.constant 0 : index
    %get3A_18 = arith.constant 0 : index
    %get3A_19 = vector.load %arg5[%get3A_17, %get3A_18] : memref<1x24xf32, #tpu.memory_space<vmem>>, vector<1x24xf32>
    %add3A_20 = vector.broadcast %get3A_19 : vector<1x24xf32> to vector<2000x24xf32>
    %add3A_21 = arith.addf %dot_general3A_16, %add3A_20 : vector<2000x24xf32>
    %max3A_22 = arith.constant 0.000000e+00 : f32
    %max3A_23 = vector.broadcast %max3A_22 : f32 to vector<2000x24xf32>
    %max3A_24 = arith.maximumf %add3A_21, %max3A_23 : vector<2000x24xf32>
    %broadcast_in_dim3A = arith.constant 1.000000e+00 : f32
    %broadcast_in_dim3A_25 = vector.broadcast %broadcast_in_dim3A : f32 to vector<2000x1xf32>
    %broadcast_in_dim3A_26 = arith.constant 0.000000e+00 : f32
    %broadcast_in_dim3A_27 = vector.broadcast %broadcast_in_dim3A_26 : f32 to vector<2000x3xf32>
    %broadcast_in_dim3A_28 = arith.constant 0.000000e+00 : f32
    %broadcast_in_dim3A_29 = vector.broadcast %broadcast_in_dim3A_28 : f32 to vector<2000x4xf32>
    %slice3A = vector.extract_strided_slice %max3A_24 {offsets = [0, 0], sizes = [2000, 12], strides = [1, 1]} : vector<2000x24xf32> to vector<2000x12xf32>
    %concatenate3A = tpu.concatenate %slice3A, %broadcast_in_dim3A_25, %broadcast_in_dim3A_27 in 1 : vector<2000x12xf32>, vector<2000x1xf32>, vector<2000x3xf32> -> vector<2000x16xf32>
    %swap3A = arith.constant 0 : index
    %swap3A_30 = arith.constant 0 : index
    %swap3A_31 = vector.load %arg6[%swap3A, %swap3A_30] : memref<2000x16xf32, #tpu.memory_space<vmem>>, vector<2000x16xf32>
    tpu.vector_store %arg6[%swap3A, %swap3A_30], %concatenate3A {strides = array<i32>} : memref<2000x16xf32, #tpu.memory_space<vmem>>, vector<2000x16xf32>,
    %slice3A_32 = vector.extract_strided_slice %max3A_24 {offsets = [0, 12], sizes = [2000, 12], strides = [1, 1]} : vector<2000x24xf32> to vector<2000x12xf32>
    %concatenate3A_33 = tpu.concatenate %slice3A_32, %broadcast_in_dim3A_29 in 1 : vector<2000x12xf32>, vector<2000x4xf32> -> vector<2000x16xf32>
    %swap3A_34 = arith.constant 0 : index
    %swap3A_35 = arith.constant 0 : index
    %swap3A_36 = vector.load %arg7[%swap3A_34, %swap3A_35] : memref<2000x16xf32, #tpu.memory_space<vmem>>, vector<2000x16xf32>
    tpu.vector_store %arg7[%swap3A_34, %swap3A_35], %concatenate3A_33 {strides = array<i32>} : memref<2000x16xf32, #tpu.memory_space<vmem>>, vector<2000x16xf32>,
    return
  }
  func.func @transform_0(%arg0: i32) -> (i32, i32) {
    %c0_i32 = arith.constant 0 : i32
    %c0_i32_0 = arith.constant 0 : i32
    return %arg0, %c0_i32 : i32, i32
  }
  func.func @transform_1(%arg0: i32) -> (i32, i32) {
    %c0_i32 = arith.constant 0 : i32
    %c0_i32_0 = arith.constant 0 : i32
    %c0_i32_1 = arith.constant 0 : i32
    return %c0_i32, %c0_i32_0 : i32, i32
  }
  func.func @transform_2(%arg0: i32) -> (i32, i32) {
    %c0_i32 = arith.constant 0 : i32
    %c0_i32_0 = arith.constant 0 : i32
    %c0_i32_1 = arith.constant 0 : i32
    return %c0_i32, %c0_i32_0 : i32, i32
  }
  func.func @transform_3(%arg0: i32) -> (i32, i32) {
    %c0_i32 = arith.constant 0 : i32
    %c0_i32_0 = arith.constant 0 : i32
    %c0_i32_1 = arith.constant 0 : i32
    return %c0_i32, %c0_i32_0 : i32, i32
  }
  func.func @transform_4(%arg0: i32) -> (i32, i32) {
    %c0_i32 = arith.constant 0 : i32
    %c0_i32_0 = arith.constant 0 : i32
    %c0_i32_1 = arith.constant 0 : i32
    return %c0_i32, %c0_i32_0 : i32, i32
  }
  func.func @transform_5(%arg0: i32) -> (i32, i32) {
    %c0_i32 = arith.constant 0 : i32
    %c0_i32_0 = arith.constant 0 : i32
    return %arg0, %c0_i32 : i32, i32
  }
  func.func @transform_6(%arg0: i32) -> (i32, i32) {
    %c0_i32 = arith.constant 0 : i32
    %c0_i32_0 = arith.constant 0 : i32
    return %arg0, %c0_i32 : i32, i32
  }
}

module attributes {stable_mosaic.version = 14 : i64} {
  func.func @_sagep_body(%arg0: i32, %arg1: memref<1600x128xf32, #tpu.memory_space<vmem>>, %arg2: memref<1600x128xf32, #tpu.memory_space<vmem>>, %arg3: memref<1600x128xf32, #tpu.memory_space<vmem>>, %arg4: memref<1600x128xf32, #tpu.memory_space<vmem>>, %arg5: memref<512x256xf32, #tpu.memory_space<vmem>>, %arg6: memref<1x256xf32, #tpu.memory_space<vmem>>, %arg7: memref<128x128xf32, #tpu.memory_space<vmem>>, %arg8: memref<1600x128xf32, #tpu.memory_space<vmem>>, %arg9: memref<1600x128xf32, #tpu.memory_space<vmem>>) attributes {dimension_semantics = [#tpu.dimension_semantics<arbitrary>], iteration_bounds = array<i64: 8>, scalar_prefetch = 0 : i64, scratch_operands = 0 : i64, tpu.core_type = #tpu.core_type<tc>, window_params = [{transform_indices = @transform_0, window_bounds = array<i64: 1600, 128>}, {transform_indices = @transform_1, window_bounds = array<i64: 1600, 128>}, {transform_indices = @transform_2, window_bounds = array<i64: 1600, 128>}, {transform_indices = @transform_3, window_bounds = array<i64: 1600, 128>}, {pipeline_mode = #tpu.pipeline_mode<synchronous>, transform_indices = @transform_4, window_bounds = array<i64: 512, 256>}, {pipeline_mode = #tpu.pipeline_mode<synchronous>, transform_indices = @transform_5, window_bounds = array<i64: 1, 256>}, {pipeline_mode = #tpu.pipeline_mode<synchronous>, transform_indices = @transform_6, window_bounds = array<i64: 128, 128>}, {transform_indices = @transform_7, window_bounds = array<i64: 1600, 128>}, {transform_indices = @transform_8, window_bounds = array<i64: 1600, 128>}]} {
    %get3A = arith.constant 0 : index
    %get3A_0 = arith.constant 0 : index
    %get3A_1 = vector.load %arg1[%get3A, %get3A_0] : memref<1600x128xf32, #tpu.memory_space<vmem>>, vector<1600x128xf32>
    %get3A_2 = arith.constant 0 : index
    %get3A_3 = arith.constant 0 : index
    %get3A_4 = vector.load %arg2[%get3A_2, %get3A_3] : memref<1600x128xf32, #tpu.memory_space<vmem>>, vector<1600x128xf32>
    %get3A_5 = arith.constant 0 : index
    %get3A_6 = arith.constant 0 : index
    %get3A_7 = vector.load %arg7[%get3A_5, %get3A_6] : memref<128x128xf32, #tpu.memory_space<vmem>>, vector<128x128xf32>
    %dot_general3A = arith.constant dense<0.000000e+00> : vector<1600x128xf32>
    %dot_general3A_8 = tpu.matmul %get3A_1, %get3A_7, %dot_general3A {dimension_numbers = #tpu.dot_dimension_numbers<[1], [0], [0], [1], [0, 0, 1, 1], [], []>, transpose_lhs_hint = false} : vector<1600x128xf32>, vector<128x128xf32>, vector<1600x128xf32> -> vector<1600x128xf32>
    %max3A = arith.constant 1.000000e+00 : f32
    %max3A_9 = vector.broadcast %max3A : f32 to vector<1600x128xf32>
    %max3A_10 = arith.maximumf %dot_general3A_8, %max3A_9 : vector<1600x128xf32>
    %div3A = arith.constant 1.000000e+00 : f32
    %div3A_11 = vector.broadcast %div3A : f32 to vector<1600x128xf32>
    %div3A_12 = arith.divf %div3A_11, %max3A_10 : vector<1600x128xf32>
    %mul3A = arith.mulf %get3A_1, %div3A_12 : vector<1600x128xf32>
    %mul3A_13 = arith.mulf %get3A_4, %div3A_12 : vector<1600x128xf32>
    %get3A_14 = arith.constant 0 : index
    %get3A_15 = arith.constant 0 : index
    %get3A_16 = vector.load %arg3[%get3A_14, %get3A_15] : memref<1600x128xf32, #tpu.memory_space<vmem>>, vector<1600x128xf32>
    %get3A_17 = arith.constant 0 : index
    %get3A_18 = arith.constant 0 : index
    %get3A_19 = vector.load %arg4[%get3A_17, %get3A_18] : memref<1600x128xf32, #tpu.memory_space<vmem>>, vector<1600x128xf32>
    %concatenate3A = tpu.concatenate %mul3A, %mul3A_13, %get3A_16, %get3A_19 in 1 : vector<1600x128xf32>, vector<1600x128xf32>, vector<1600x128xf32>, vector<1600x128xf32> -> vector<1600x512xf32>
    %get3A_20 = arith.constant 0 : index
    %get3A_21 = arith.constant 0 : index
    %get3A_22 = vector.load %arg5[%get3A_20, %get3A_21] : memref<512x256xf32, #tpu.memory_space<vmem>>, vector<512x256xf32>
    %dot_general3A_23 = arith.constant dense<0.000000e+00> : vector<1600x256xf32>
    %dot_general3A_24 = tpu.matmul %concatenate3A, %get3A_22, %dot_general3A_23 {dimension_numbers = #tpu.dot_dimension_numbers<[1], [0], [0], [1], [0, 0, 1, 1], [], []>, transpose_lhs_hint = false} : vector<1600x512xf32>, vector<512x256xf32>, vector<1600x256xf32> -> vector<1600x256xf32>
    %get3A_25 = arith.constant 0 : index
    %get3A_26 = arith.constant 0 : index
    %get3A_27 = vector.load %arg6[%get3A_25, %get3A_26] : memref<1x256xf32, #tpu.memory_space<vmem>>, vector<1x256xf32>
    %add3A = vector.broadcast %get3A_27 : vector<1x256xf32> to vector<1600x256xf32>
    %add3A_28 = arith.addf %dot_general3A_24, %add3A : vector<1600x256xf32>
    %slice3A = vector.extract_strided_slice %add3A_28 {offsets = [0, 0], sizes = [1600, 128], strides = [1, 1]} : vector<1600x256xf32> to vector<1600x128xf32>
    %slice3A_29 = vector.extract_strided_slice %add3A_28 {offsets = [0, 128], sizes = [1600, 128], strides = [1, 1]} : vector<1600x256xf32> to vector<1600x128xf32>
    %iota3A = tpu.iota {dimensions = array<i32: 1>} : vector<1600x128xi32>
    %jit3A = arith.constant 16 : i32
    %eq3A = arith.constant 0 : i32
    %eq3A_30 = arith.cmpi eq, %jit3A, %eq3A : i32
    %jit3A_31 = arith.constant 1 : i32
    %select_n3A = arith.select %eq3A_30, %jit3A_31, %jit3A : i32
    %rem3A = vector.broadcast %select_n3A : i32 to vector<1600x128xi32>
    %rem3A_32 = arith.remsi %iota3A, %rem3A : vector<1600x128xi32>
    %ne3A = arith.constant 0 : i32
    %ne3A_33 = vector.broadcast %ne3A : i32 to vector<1600x128xi32>
    %ne3A_34 = arith.cmpi ne, %rem3A_32, %ne3A_33 : vector<1600x128xi32>
    %lt3A = arith.constant 0 : i32
    %lt3A_35 = vector.broadcast %lt3A : i32 to vector<1600x128xi32>
    %lt3A_36 = arith.cmpi slt, %rem3A_32, %lt3A_35 : vector<1600x128xi32>
    %lt3A_37 = arith.constant 0 : i32
    %lt3A_38 = arith.cmpi slt, %select_n3A, %lt3A_37 : i32
    %ne3A_39 = vector.broadcast %lt3A_38 : i1 to vector<1600x128xi1>
    %ne3A_40 = vector.broadcast %ne3A_39 : vector<1600x128xi1> to vector<1600x128xi1>
    %ne3A_41 = arith.xori %lt3A_36, %ne3A_40 : vector<1600x128xi1>
    %and3A = arith.andi %ne3A_41, %ne3A_34 : vector<1600x128xi1>
    %add3A_42 = vector.broadcast %select_n3A : i32 to vector<1600x128xi32>
    %add3A_43 = arith.addi %rem3A_32, %add3A_42 : vector<1600x128xi32>
    %select_n3A_44 = arith.select %and3A, %add3A_43, %rem3A_32 : vector<1600x128xi1>, vector<1600x128xi32>
    %eq3A_45 = arith.constant 12 : i32
    %eq3A_46 = vector.broadcast %eq3A_45 : i32 to vector<1600x128xi32>
    %eq3A_47 = arith.cmpi eq, %select_n3A_44, %eq3A_46 : vector<1600x128xi32>
    %jit3A_48 = arith.constant 1.000000e+00 : f32
    %jit3A_49 = arith.constant 0.000000e+00 : f32
    %broadcast_in_dim3A = vector.broadcast %jit3A_48 : f32 to vector<1600x128xf32>
    %broadcast_in_dim3A_50 = vector.broadcast %jit3A_49 : f32 to vector<1600x128xf32>
    %select_n3A_51 = arith.select %eq3A_47, %broadcast_in_dim3A, %broadcast_in_dim3A_50 : vector<1600x128xi1>, vector<1600x128xf32>
    %max3A_52 = arith.constant 0.000000e+00 : f32
    %max3A_53 = vector.broadcast %max3A_52 : f32 to vector<1600x128xf32>
    %max3A_54 = arith.maximumf %slice3A, %max3A_53 : vector<1600x128xf32>
    %add3A_55 = arith.addf %max3A_54, %select_n3A_51 : vector<1600x128xf32>
    %swap3A = arith.constant 0 : index
    %swap3A_56 = arith.constant 0 : index
    %swap3A_57 = vector.load %arg8[%swap3A, %swap3A_56] : memref<1600x128xf32, #tpu.memory_space<vmem>>, vector<1600x128xf32>
    tpu.vector_store %arg8[%swap3A, %swap3A_56], %add3A_55 {strides = array<i32>} : memref<1600x128xf32, #tpu.memory_space<vmem>>, vector<1600x128xf32>,
    %max3A_58 = arith.constant 0.000000e+00 : f32
    %max3A_59 = vector.broadcast %max3A_58 : f32 to vector<1600x128xf32>
    %max3A_60 = arith.maximumf %slice3A_29, %max3A_59 : vector<1600x128xf32>
    %swap3A_61 = arith.constant 0 : index
    %swap3A_62 = arith.constant 0 : index
    %swap3A_63 = vector.load %arg9[%swap3A_61, %swap3A_62] : memref<1600x128xf32, #tpu.memory_space<vmem>>, vector<1600x128xf32>
    tpu.vector_store %arg9[%swap3A_61, %swap3A_62], %max3A_60 {strides = array<i32>} : memref<1600x128xf32, #tpu.memory_space<vmem>>, vector<1600x128xf32>,
    return
  }
  func.func @transform_0(%arg0: i32) -> (i32, i32) {
    %c0_i32 = arith.constant 0 : i32
    %c0_i32_0 = arith.constant 0 : i32
    return %arg0, %c0_i32 : i32, i32
  }
  func.func @transform_1(%arg0: i32) -> (i32, i32) {
    %c0_i32 = arith.constant 0 : i32
    %c0_i32_0 = arith.constant 0 : i32
    return %arg0, %c0_i32 : i32, i32
  }
  func.func @transform_2(%arg0: i32) -> (i32, i32) {
    %c0_i32 = arith.constant 0 : i32
    %c0_i32_0 = arith.constant 0 : i32
    return %arg0, %c0_i32 : i32, i32
  }
  func.func @transform_3(%arg0: i32) -> (i32, i32) {
    %c0_i32 = arith.constant 0 : i32
    %c0_i32_0 = arith.constant 0 : i32
    return %arg0, %c0_i32 : i32, i32
  }
  func.func @transform_4(%arg0: i32) -> (i32, i32) {
    %c0_i32 = arith.constant 0 : i32
    %c0_i32_0 = arith.constant 0 : i32
    %c0_i32_1 = arith.constant 0 : i32
    return %c0_i32, %c0_i32_0 : i32, i32
  }
  func.func @transform_5(%arg0: i32) -> (i32, i32) {
    %c0_i32 = arith.constant 0 : i32
    %c0_i32_0 = arith.constant 0 : i32
    %c0_i32_1 = arith.constant 0 : i32
    return %c0_i32, %c0_i32_0 : i32, i32
  }
  func.func @transform_6(%arg0: i32) -> (i32, i32) {
    %c0_i32 = arith.constant 0 : i32
    %c0_i32_0 = arith.constant 0 : i32
    %c0_i32_1 = arith.constant 0 : i32
    return %c0_i32, %c0_i32_0 : i32, i32
  }
  func.func @transform_7(%arg0: i32) -> (i32, i32) {
    %c0_i32 = arith.constant 0 : i32
    %c0_i32_0 = arith.constant 0 : i32
    return %arg0, %c0_i32 : i32, i32
  }
  func.func @transform_8(%arg0: i32) -> (i32, i32) {
    %c0_i32 = arith.constant 0 : i32
    %c0_i32_0 = arith.constant 0 : i32
    return %arg0, %c0_i32 : i32, i32
  }
}

module attributes {stable_mosaic.version = 14 : i64} {
  func.func @_sagep_body(%arg0: i32, %arg1: memref<1600x128xf32, #tpu.memory_space<vmem>>, %arg2: memref<1600x128xf32, #tpu.memory_space<vmem>>, %arg3: memref<1600x128xf32, #tpu.memory_space<vmem>>, %arg4: memref<1600x128xf32, #tpu.memory_space<vmem>>, %arg5: memref<512x256xf32, #tpu.memory_space<vmem>>, %arg6: memref<1x256xf32, #tpu.memory_space<vmem>>, %arg7: memref<128x128xf32, #tpu.memory_space<vmem>>, %arg8: memref<1600x128xf32, #tpu.memory_space<vmem>>, %arg9: memref<1600x128xf32, #tpu.memory_space<vmem>>) attributes {dimension_semantics = [#tpu.dimension_semantics<arbitrary>], iteration_bounds = array<i64: 8>, scalar_prefetch = 0 : i64, scratch_operands = 0 : i64, tpu.core_type = #tpu.core_type<tc>, window_params = [{transform_indices = @transform_0, window_bounds = array<i64: 1600, 128>}, {transform_indices = @transform_1, window_bounds = array<i64: 1600, 128>}, {transform_indices = @transform_2, window_bounds = array<i64: 1600, 128>}, {transform_indices = @transform_3, window_bounds = array<i64: 1600, 128>}, {pipeline_mode = #tpu.pipeline_mode<synchronous>, transform_indices = @transform_4, window_bounds = array<i64: 512, 256>}, {pipeline_mode = #tpu.pipeline_mode<synchronous>, transform_indices = @transform_5, window_bounds = array<i64: 1, 256>}, {pipeline_mode = #tpu.pipeline_mode<synchronous>, transform_indices = @transform_6, window_bounds = array<i64: 128, 128>}, {transform_indices = @transform_7, window_bounds = array<i64: 1600, 128>}, {transform_indices = @transform_8, window_bounds = array<i64: 1600, 128>}]} {
    %get3A = arith.constant 0 : index
    %get3A_0 = arith.constant 0 : index
    %get3A_1 = vector.load %arg1[%get3A, %get3A_0] : memref<1600x128xf32, #tpu.memory_space<vmem>>, vector<1600x128xf32>
    %get3A_2 = arith.constant 0 : index
    %get3A_3 = arith.constant 0 : index
    %get3A_4 = vector.load %arg2[%get3A_2, %get3A_3] : memref<1600x128xf32, #tpu.memory_space<vmem>>, vector<1600x128xf32>
    %get3A_5 = arith.constant 0 : index
    %get3A_6 = arith.constant 0 : index
    %get3A_7 = vector.load %arg7[%get3A_5, %get3A_6] : memref<128x128xf32, #tpu.memory_space<vmem>>, vector<128x128xf32>
    %dot_general3A = arith.constant dense<0.000000e+00> : vector<1600x128xf32>
    %dot_general3A_8 = tpu.matmul %get3A_1, %get3A_7, %dot_general3A {dimension_numbers = #tpu.dot_dimension_numbers<[1], [0], [0], [1], [0, 0, 1, 1], [], []>, transpose_lhs_hint = false} : vector<1600x128xf32>, vector<128x128xf32>, vector<1600x128xf32> -> vector<1600x128xf32>
    %max3A = arith.constant 1.000000e+00 : f32
    %max3A_9 = vector.broadcast %max3A : f32 to vector<1600x128xf32>
    %max3A_10 = arith.maximumf %dot_general3A_8, %max3A_9 : vector<1600x128xf32>
    %div3A = arith.constant 1.000000e+00 : f32
    %div3A_11 = vector.broadcast %div3A : f32 to vector<1600x128xf32>
    %div3A_12 = arith.divf %div3A_11, %max3A_10 : vector<1600x128xf32>
    %mul3A = arith.mulf %get3A_1, %div3A_12 : vector<1600x128xf32>
    %mul3A_13 = arith.mulf %get3A_4, %div3A_12 : vector<1600x128xf32>
    %get3A_14 = arith.constant 0 : index
    %get3A_15 = arith.constant 0 : index
    %get3A_16 = vector.load %arg3[%get3A_14, %get3A_15] : memref<1600x128xf32, #tpu.memory_space<vmem>>, vector<1600x128xf32>
    %get3A_17 = arith.constant 0 : index
    %get3A_18 = arith.constant 0 : index
    %get3A_19 = vector.load %arg4[%get3A_17, %get3A_18] : memref<1600x128xf32, #tpu.memory_space<vmem>>, vector<1600x128xf32>
    %concatenate3A = tpu.concatenate %mul3A, %mul3A_13, %get3A_16, %get3A_19 in 1 : vector<1600x128xf32>, vector<1600x128xf32>, vector<1600x128xf32>, vector<1600x128xf32> -> vector<1600x512xf32>
    %get3A_20 = arith.constant 0 : index
    %get3A_21 = arith.constant 0 : index
    %get3A_22 = vector.load %arg5[%get3A_20, %get3A_21] : memref<512x256xf32, #tpu.memory_space<vmem>>, vector<512x256xf32>
    %dot_general3A_23 = arith.constant dense<0.000000e+00> : vector<1600x256xf32>
    %dot_general3A_24 = tpu.matmul %concatenate3A, %get3A_22, %dot_general3A_23 {dimension_numbers = #tpu.dot_dimension_numbers<[1], [0], [0], [1], [0, 0, 1, 1], [], []>, transpose_lhs_hint = false} : vector<1600x512xf32>, vector<512x256xf32>, vector<1600x256xf32> -> vector<1600x256xf32>
    %get3A_25 = arith.constant 0 : index
    %get3A_26 = arith.constant 0 : index
    %get3A_27 = vector.load %arg6[%get3A_25, %get3A_26] : memref<1x256xf32, #tpu.memory_space<vmem>>, vector<1x256xf32>
    %add3A = vector.broadcast %get3A_27 : vector<1x256xf32> to vector<1600x256xf32>
    %add3A_28 = arith.addf %dot_general3A_24, %add3A : vector<1600x256xf32>
    %slice3A = vector.extract_strided_slice %add3A_28 {offsets = [0, 0], sizes = [1600, 128], strides = [1, 1]} : vector<1600x256xf32> to vector<1600x128xf32>
    %slice3A_29 = vector.extract_strided_slice %add3A_28 {offsets = [0, 128], sizes = [1600, 128], strides = [1, 1]} : vector<1600x256xf32> to vector<1600x128xf32>
    %swap3A = arith.constant 0 : index
    %swap3A_30 = arith.constant 0 : index
    %swap3A_31 = vector.load %arg8[%swap3A, %swap3A_30] : memref<1600x128xf32, #tpu.memory_space<vmem>>, vector<1600x128xf32>
    tpu.vector_store %arg8[%swap3A, %swap3A_30], %slice3A {strides = array<i32>} : memref<1600x128xf32, #tpu.memory_space<vmem>>, vector<1600x128xf32>,
    %swap3A_32 = arith.constant 0 : index
    %swap3A_33 = arith.constant 0 : index
    %swap3A_34 = vector.load %arg9[%swap3A_32, %swap3A_33] : memref<1600x128xf32, #tpu.memory_space<vmem>>, vector<1600x128xf32>
    tpu.vector_store %arg9[%swap3A_32, %swap3A_33], %slice3A_29 {strides = array<i32>} : memref<1600x128xf32, #tpu.memory_space<vmem>>, vector<1600x128xf32>,
    return
  }
  func.func @transform_0(%arg0: i32) -> (i32, i32) {
    %c0_i32 = arith.constant 0 : i32
    %c0_i32_0 = arith.constant 0 : i32
    return %arg0, %c0_i32 : i32, i32
  }
  func.func @transform_1(%arg0: i32) -> (i32, i32) {
    %c0_i32 = arith.constant 0 : i32
    %c0_i32_0 = arith.constant 0 : i32
    return %arg0, %c0_i32 : i32, i32
  }
  func.func @transform_2(%arg0: i32) -> (i32, i32) {
    %c0_i32 = arith.constant 0 : i32
    %c0_i32_0 = arith.constant 0 : i32
    return %arg0, %c0_i32 : i32, i32
  }
  func.func @transform_3(%arg0: i32) -> (i32, i32) {
    %c0_i32 = arith.constant 0 : i32
    %c0_i32_0 = arith.constant 0 : i32
    return %arg0, %c0_i32 : i32, i32
  }
  func.func @transform_4(%arg0: i32) -> (i32, i32) {
    %c0_i32 = arith.constant 0 : i32
    %c0_i32_0 = arith.constant 0 : i32
    %c0_i32_1 = arith.constant 0 : i32
    return %c0_i32, %c0_i32_0 : i32, i32
  }
  func.func @transform_5(%arg0: i32) -> (i32, i32) {
    %c0_i32 = arith.constant 0 : i32
    %c0_i32_0 = arith.constant 0 : i32
    %c0_i32_1 = arith.constant 0 : i32
    return %c0_i32, %c0_i32_0 : i32, i32
  }
  func.func @transform_6(%arg0: i32) -> (i32, i32) {
    %c0_i32 = arith.constant 0 : i32
    %c0_i32_0 = arith.constant 0 : i32
    %c0_i32_1 = arith.constant 0 : i32
    return %c0_i32, %c0_i32_0 : i32, i32
  }
  func.func @transform_7(%arg0: i32) -> (i32, i32) {
    %c0_i32 = arith.constant 0 : i32
    %c0_i32_0 = arith.constant 0 : i32
    return %arg0, %c0_i32 : i32, i32
  }
  func.func @transform_8(%arg0: i32) -> (i32, i32) {
    %c0_i32 = arith.constant 0 : i32
    %c0_i32_0 = arith.constant 0 : i32
    return %arg0, %c0_i32 : i32, i32
  }
}

module attributes {stable_mosaic.version = 14 : i64} {
  func.func @_dec_body(%arg0: i32, %arg1: memref<1600x128xf32, #tpu.memory_space<vmem>>, %arg2: memref<1600x128xf32, #tpu.memory_space<vmem>>, %arg3: memref<256x960xf32, #tpu.memory_space<vmem>>, %arg4: memref<1x960xf32, #tpu.memory_space<vmem>>, %arg5: memref<960x96xf32, #tpu.memory_space<vmem>>, %arg6: memref<1x96xf32, #tpu.memory_space<vmem>>, %arg7: memref<1600x96xf32, #tpu.memory_space<vmem>>) attributes {dimension_semantics = [#tpu.dimension_semantics<arbitrary>], iteration_bounds = array<i64: 8>, scalar_prefetch = 0 : i64, scratch_operands = 0 : i64, tpu.core_type = #tpu.core_type<tc>, window_params = [{transform_indices = @transform_0, window_bounds = array<i64: 1600, 128>}, {transform_indices = @transform_1, window_bounds = array<i64: 1600, 128>}, {pipeline_mode = #tpu.pipeline_mode<synchronous>, transform_indices = @transform_2, window_bounds = array<i64: 256, 960>}, {pipeline_mode = #tpu.pipeline_mode<synchronous>, transform_indices = @transform_3, window_bounds = array<i64: 1, 960>}, {pipeline_mode = #tpu.pipeline_mode<synchronous>, transform_indices = @transform_4, window_bounds = array<i64: 960, 96>}, {pipeline_mode = #tpu.pipeline_mode<synchronous>, transform_indices = @transform_5, window_bounds = array<i64: 1, 96>}, {transform_indices = @transform_6, window_bounds = array<i64: 1600, 96>}]} {
    %get3A = arith.constant 0 : index
    %get3A_0 = arith.constant 0 : index
    %get3A_1 = vector.load %arg1[%get3A, %get3A_0] : memref<1600x128xf32, #tpu.memory_space<vmem>>, vector<1600x128xf32>
    %get3A_2 = arith.constant 0 : index
    %get3A_3 = arith.constant 0 : index
    %get3A_4 = vector.load %arg2[%get3A_2, %get3A_3] : memref<1600x128xf32, #tpu.memory_space<vmem>>, vector<1600x128xf32>
    %concatenate3A = tpu.concatenate %get3A_1, %get3A_4 in 1 : vector<1600x128xf32>, vector<1600x128xf32> -> vector<1600x256xf32>
    %get3A_5 = arith.constant 0 : index
    %get3A_6 = arith.constant 0 : index
    %get3A_7 = vector.load %arg3[%get3A_5, %get3A_6] : memref<256x960xf32, #tpu.memory_space<vmem>>, vector<256x960xf32>
    %dot_general3A = arith.constant dense<0.000000e+00> : vector<1600x960xf32>
    %dot_general3A_8 = tpu.matmul %concatenate3A, %get3A_7, %dot_general3A {dimension_numbers = #tpu.dot_dimension_numbers<[1], [0], [0], [1], [0, 0, 1, 1], [], []>, transpose_lhs_hint = false} : vector<1600x256xf32>, vector<256x960xf32>, vector<1600x960xf32> -> vector<1600x960xf32>
    %get3A_9 = arith.constant 0 : index
    %get3A_10 = arith.constant 0 : index
    %get3A_11 = vector.load %arg4[%get3A_9, %get3A_10] : memref<1x960xf32, #tpu.memory_space<vmem>>, vector<1x960xf32>
    %add3A = vector.broadcast %get3A_11 : vector<1x960xf32> to vector<1600x960xf32>
    %add3A_12 = arith.addf %dot_general3A_8, %add3A : vector<1600x960xf32>
    %max3A = arith.constant 0.000000e+00 : f32
    %max3A_13 = vector.broadcast %max3A : f32 to vector<1600x960xf32>
    %max3A_14 = arith.maximumf %add3A_12, %max3A_13 : vector<1600x960xf32>
    %get3A_15 = arith.constant 0 : index
    %get3A_16 = arith.constant 0 : index
    %get3A_17 = vector.load %arg5[%get3A_15, %get3A_16] : memref<960x96xf32, #tpu.memory_space<vmem>>, vector<960x96xf32>
    %dot_general3A_18 = arith.constant dense<0.000000e+00> : vector<1600x96xf32>
    %dot_general3A_19 = tpu.matmul %max3A_14, %get3A_17, %dot_general3A_18 {dimension_numbers = #tpu.dot_dimension_numbers<[1], [0], [0], [1], [0, 0, 1, 1], [], []>, transpose_lhs_hint = false} : vector<1600x960xf32>, vector<960x96xf32>, vector<1600x96xf32> -> vector<1600x96xf32>
    %get3A_20 = arith.constant 0 : index
    %get3A_21 = arith.constant 0 : index
    %get3A_22 = vector.load %arg6[%get3A_20, %get3A_21] : memref<1x96xf32, #tpu.memory_space<vmem>>, vector<1x96xf32>
    %add3A_23 = vector.broadcast %get3A_22 : vector<1x96xf32> to vector<1600x96xf32>
    %add3A_24 = arith.addf %dot_general3A_19, %add3A_23 : vector<1600x96xf32>
    %swap3A = arith.constant 0 : index
    %swap3A_25 = arith.constant 0 : index
    %swap3A_26 = vector.load %arg7[%swap3A, %swap3A_25] : memref<1600x96xf32, #tpu.memory_space<vmem>>, vector<1600x96xf32>
    tpu.vector_store %arg7[%swap3A, %swap3A_25], %add3A_24 {strides = array<i32>} : memref<1600x96xf32, #tpu.memory_space<vmem>>, vector<1600x96xf32>,
    return
  }
  func.func @transform_0(%arg0: i32) -> (i32, i32) {
    %c0_i32 = arith.constant 0 : i32
    %c0_i32_0 = arith.constant 0 : i32
    return %arg0, %c0_i32 : i32, i32
  }
  func.func @transform_1(%arg0: i32) -> (i32, i32) {
    %c0_i32 = arith.constant 0 : i32
    %c0_i32_0 = arith.constant 0 : i32
    return %arg0, %c0_i32 : i32, i32
  }
  func.func @transform_2(%arg0: i32) -> (i32, i32) {
    %c0_i32 = arith.constant 0 : i32
    %c0_i32_0 = arith.constant 0 : i32
    %c0_i32_1 = arith.constant 0 : i32
    return %c0_i32, %c0_i32_0 : i32, i32
  }
  func.func @transform_3(%arg0: i32) -> (i32, i32) {
    %c0_i32 = arith.constant 0 : i32
    %c0_i32_0 = arith.constant 0 : i32
    %c0_i32_1 = arith.constant 0 : i32
    return %c0_i32, %c0_i32_0 : i32, i32
  }
  func.func @transform_4(%arg0: i32) -> (i32, i32) {
    %c0_i32 = arith.constant 0 : i32
    %c0_i32_0 = arith.constant 0 : i32
    %c0_i32_1 = arith.constant 0 : i32
    return %c0_i32, %c0_i32_0 : i32, i32
  }
  func.func @transform_5(%arg0: i32) -> (i32, i32) {
    %c0_i32 = arith.constant 0 : i32
    %c0_i32_0 = arith.constant 0 : i32
    %c0_i32_1 = arith.constant 0 : i32
    return %c0_i32, %c0_i32_0 : i32, i32
  }
  func.func @transform_6(%arg0: i32) -> (i32, i32) {
    %c0_i32 = arith.constant 0 : i32
    %c0_i32_0 = arith.constant 0 : i32
    return %arg0, %c0_i32 : i32, i32
  }
}

</mosaic_0001>

<sc_bundles>
// kernel: kernel.10.cloned.1.call-start
scs
__scs_entry_jumppad:
0x0: {  	(pc) =	sbr.rel $0x88, $3  }
0x1: {  	(tag) =	ssettag $0x0;
	lr =	simm.s32 $0x1  }
0x2: {  	[smem:$0x3F8E] =	sst lr;
	_ =	strace $0xD0000000  }
0x3: {  	_ = 	snop  }
0x4: {  	_ = 	snop  }
0x5: {  	_ = 	snop  }
0x6: {  	_ = 	snop  }
0x7: {  	_ = 	snop  }
__scs_overlays_trampoline_lowered:
0x8: {  	[smem:$0x3F9D] =	sst s0  }
0x9: {  	[smem:$0x3F9E] =	sst s1  }
0xa: {  	[smem:$0x3F9F] =	sst s2  }
0xb: {  	[smem:$0x3FA0] =	sst s3  }
0xc: {  	[smem:$0x3FA1] =	sst s4  }
0xd: {  	[smem:$0x3FA2] =	sst s5  }
0xe: {  	[smem:$0x3FA3] =	sst s6  }
0xf: {  	[smem:$0x3FA4] =	sst s7  }
0x10: {  	[smem:$0x3FA5] =	sst s8  }
0x11: {  	[smem:$0x3FA6] =	sst s9;
	s0 =	simm.s32 @!p0 $0x0  }
0x12: {  	s1 =	sld [smem:$0x3F8C];
	s0 =	simm.s32 @p0 $0x1  }
0x13: {  	[smem:$0x3FA7] =	sst s0;
	s0 =	simm.s32 @!p1 $0x0  }
0x14: {  	s2 =	sld [smem:$0x3F8B];
	s0 =	simm.s32 @p1 $0x1  }
0x15: {  	[smem:$0x3FA8] =	sst s0;
	s0 =	simm.s32 @!p2 $0x0  }
0x16: {  	s3 =	sld [smem:$0x3FDB];
	s0 =	simm.s32 @p2 $0x1  }
0x17: {  	s4 =	simm.s32 $0x1BF5;
	[smem:$0x3FAA] =	sst s0  }
0x18: {  	s0 =	sld [smem:$0x3F8D];
	_ =	swait.ge [sflag:s4], $0x0  }
0x19: {  	s7 =	sld [smem:$0x3F8E]  }
0x1a: {  	s8 =	sadd.s32 $0xFFFFE003, lr  }
0x1b: {  	s9 =	sadd.s32 $0xFFFFFEF7, lr;
	s5 =	simm.s32 $0xFFFFFFFF;
	p2 =	slt.u32 s8, $0xFFFFF086  }
0x1c: {  	p1 =	slt.u32 s9, $0xF7A;
	s5 =	simm.s32 @!p2 $0x0  }
0x1d: {  	s5 =	simm.s32 @p1 $0x1;
	p0 =	seq.s32 s7, s2  }
0x1e: {  	s7 =	smul.u32 @!p0 $0xF7A, s2;
	p2 =	seq.s32 @!p0 s5, $0x0  }
0x1f: {  	s9 =	smul.u32 $0xF7A, s1;
	s8 =	simm.s32 @!p0 $0x1BF5;
	p2 =	por !p2, p0  }
0x20: {  	[sflag:s8] =	ssyncset.s32 @!p0 $0xFFFFF086;
	s6 =	sadd.s32 @!p0 s3, s7;
	s7 =	simm.s32 @!p0 $0x108  }
0x21: {  	s3 =	sadd.s32 s3, s9;
	s6 =	sadd.s32 @!p0 $0x88, s6;
	s7 =	simm.s32 @p2 $0x1082  }
0x22: {  	[simem:s7], [sflag:s8] =	dma.local @!p0 [hbm:s6], $0xF7A  }
0x23: {  	s9 =	sor.u32 $0xD0000000, s2;
	s6 =	simm.s32 $0x108;
	_ =	swait.ge @!p0 [sflag:s8], $0x0  }
0x24: {  	s3 =	sadd.s32 $0x88, s3;
	s6 =	simm.s32 @!p1 $0x1082;
	[sflag:s4] =	ssyncset.s32 $0xFFFFF086  }
0x25: {  	[simem:s6], [sflag:s4] =	dma.local [hbm:s3], $0xF7A  }
0x26: {  	[smem:$0x3F8E] =	sst s1;
	(tag) =	ssettag s2;
	_ =	strace s9  }
0x27: {  	s1 =	sld [smem:$0x3F9E]  }
0x28: {  	s2 =	sld [smem:$0x3F9F]  }
0x29: {  	s4 =	sld [smem:$0x3FA1]  }
0x2a: {  	p0 =	seq.s32 s5, $0x0;
	s5 =	sld [smem:$0x3FA2]  }
0x2b: {  	s6 =	sld [smem:$0x3FA3]  }
0x2c: {  	s7 =	sld [smem:$0x3FA4]  }
0x2d: {  	s3 =	simm.s32 $0x108;
	s8 =	sld [smem:$0x3FA5]  }
0x2e: {  	s3 =	simm.s32 @!p0 $0x1082;
	s9 =	sld [smem:$0x3FA6]  }
0x2f: {  	lr =	sadd.s32 s0, s3;
	s0 =	sld [smem:$0x3F9D]  }
0x30: {  	s3 =	sld [smem:$0x3FA0]  }
0x31: {  	[smem:$0x3FA9] =	sst s10  }
0x32: {  	s10 =	sld [smem:$0x3FA7];
	_ =	sdelay $0x3  }
0x33: {  	p0 =	seq.s32 s10, $0x1;
	s10 =	sld [smem:$0x3FA9];
	_ =	sdelay $0x3  }
0x34: {  	[smem:$0x3FA9] =	sst s10  }
0x35: {  	s10 =	sld [smem:$0x3FA8];
	_ =	sdelay $0x3  }
0x36: {  	p1 =	seq.s32 s10, $0x1;
	s10 =	sld [smem:$0x3FA9];
	_ =	sdelay $0x3  }
0x37: {  	[smem:$0x3FA9] =	sst s10  }
0x38: {  	s10 =	sld [smem:$0x3FAA]  }
0x39: {  	_ = 	snop;
	(pc) =	sbr.ind lr, $3  }
0x3a: {  	_ = 	snop  }
0x3b: {  	_ = 	snop  }
0x3c: {  	p2 =	seq.s32 s10, $0x1;
	s10 =	sld [smem:$0x3FA9]  }
0x3d: {  	_ =	shalt  }
0x3e: {  	_ =	shalt  }
0x3f: {  	_ =	shalt  }
0x40: {  	_ =	shalt  }
0x41: {  	_ =	shalt  }
0x42: {  	_ =	shalt  }
0x43: {  	_ =	shalt  }
0x44: {  	_ =	shalt  }
0x45: {  	_ =	shalt  }
0x46: {  	_ =	shalt  }
0x47: {  	_ =	shalt  }
0x48: {  	_ =	shalt  }
0x49: {  	_ =	shalt  }
0x4a: {  	_ =	shalt  }
0x4b: {  	_ =	shalt  }
0x4c: {  	_ =	shalt  }
0x4d: {  	_ =	shalt  }
0x4e: {  	_ =	shalt  }
0x4f: {  	_ =	shalt  }
0x50: {  	_ =	shalt  }
0x51: {  	_ =	shalt  }
0x52: {  	_ =	shalt  }
0x53: {  	_ =	shalt  }
0x54: {  	_ =	shalt  }
0x55: {  	_ =	shalt  }
0x56: {  	_ =	shalt  }
0x57: {  	_ =	shalt  }
0x58: {  	_ =	shalt  }
0x59: {  	_ =	shalt  }
0x5a: {  	_ =	shalt  }
0x5b: {  	_ =	shalt  }
0x5c: {  	_ =	shalt  }
0x5d: {  	_ =	shalt  }
0x5e: {  	_ =	shalt  }
0x5f: {  	_ =	shalt  }
0x60: {  	_ =	shalt  }
0x61: {  	_ =	shalt  }
0x62: {  	_ =	shalt  }
0x63: {  	_ =	shalt  }
0x64: {  	_ =	shalt  }
0x65: {  	_ =	shalt  }
0x66: {  	_ =	shalt  }
0x67: {  	_ =	shalt  }
0x68: {  	_ =	shalt  }
0x69: {  	_ =	shalt  }
0x6a: {  	_ =	shalt  }
0x6b: {  	_ =	shalt  }
0x6c: {  	_ =	shalt  }
0x6d: {  	_ =	shalt  }
0x6e: {  	_ =	shalt  }
0x6f: {  	_ =	shalt  }
0x70: {  	_ =	shalt  }
0x71: {  	_ =	shalt  }
0x72: {  	_ =	shalt  }
0x73: {  	_ =	shalt  }
0x74: {  	_ =	shalt  }
0x75: {  	_ =	shalt  }
0x76: {  	_ =	shalt  }
0x77: {  	_ =	shalt  }
0x78: {  	_ =	shalt  }
0x79: {  	_ =	shalt  }
0x7a: {  	_ =	shalt  }
0x7b: {  	_ =	shalt  }
0x7c: {  	_ =	shalt  }
0x7d: {  	_ =	shalt  }
0x7e: {  	_ =	shalt  }
0x7f: {  	_ =	shalt  }
0x80: {  	_ =	shalt  }
0x81: {  	_ =	shalt  }
0x82: {  	_ =	shalt  }
0x83: {  	_ =	shalt  }
0x84: {  	_ =	shalt  }
0x85: {  	_ =	shalt  }
0x86: {  	_ =	shalt  }
0x87: {  	_ =	shalt  }
.Lfunc_end0:
.L_simem_size_0:
called_computation_lowered:
.L_overlay_start_0:
0x88: {  	s2 =	sld [smem:$0x3FD9]  }
0x89: {  	s3 =	sld [smem:$0x3FFE];
	_ =	sdelay $0x1  }
0x8a: {  	s1 =	srdreg.scid  }
0x8b: {  	s0 =	sand.u32 $0x1, s1  }
0x8c: {  	s17 =	sshll.u32 s0, $0xA;
	s2 =	sadd.s32 s3, s2  }
0x8d: {  	s2 =	sadd.s32 s2, s17  }
0x8e: {  	[smem:$0x3FB5] =	sst s2  }
0x8f: {  	_ = 	snop  }
0x90: {  	s2 =	sld [smem:$0x3FD0];
	(tm) =	ssettm $0x1  }
0x91: {  	s18 =	sld [smem:$0x3FFB];
	_ =	sdelay $0x3  }
0x92: {  	_ =	strace s18  }
0x93: {  	s3 =	sld [smem:$0x3FFC];
	_ =	sdelay $0x3  }
0x94: {  	_ =	strace s3  }
0x95: {  	s3 =	sld [smem:$0x3FFD];
	_ =	sdelay $0x3  }
0x96: {  	_ =	strace s3  }
0x97: {  	_ =	strace $0x8FFFFFFF  }
0x98: {  	s19 =	sld [smem:$0x3FDB];
	_ =	sdelay $0x1  }
0x99: {  	s4 =	simm.s32 $_scs_section_size  }
0x9a: {  	s5 =	simm.s32 $_size__tile_overlayer_lowered;
	s6 =	simm.s32 $_tile_overlayer_lowered  }
0x9b: {  	s22 =	simm.s32 $0x1BFF;
	s21 =	sshll.u32 s6, $0x1;
	s3 =	sadd.s32 s4, s19  }
0x9c: {  	s7 =	simm.s32 $0x0;
	s20 =	sshll.u32 s5, $0x1;
	s5 =	sadd.s32 s21, s3  }
0x9d: {  	[timem:s7], [sflag:s22] =	dma.local [hbm:s5], s20  }
0x9e: {  	_ =	swait.ge [sflag:s22], s20  }
0x9f: {  	s4 =	ssub.s32 $0x0, s20;
	[sflag:s22] =	ssyncset.done $0x0  }
0xa0: {  	[sflag:s22] =	ssyncadd.s32 s4;
	_ =	sdelay $0x1  }
0xa1: {  	s23 =	simm.s32 $0x1B8B  }
0xa2: {  	_ =	swait.ge [sflag:s23], $0x1  }
0xa3: {  	[sflag:s23] =	ssyncset.done $0x0  }
0xa4: {  	s25 =	simm.s32 $0x1B8E;
	s24 =	sld [smem:$0x3FFE];
	[sflag:s23] =	ssyncadd.s32 $0xFFFFFFFF  }
0xa5: {  	s26 =	simm.s32 $execute0_lowered;
	[smem:$0x3FD2] =	sst s25  }
0xa6: {  	s5 =	sshll.u32 s26, $0x1;
	_ =	strace $0x80000046;
	[dreg:$0x1] =	wrdreg $0xFFFFFFFF  }
0xa7: {  	s28 =	simm.s32 $_size_execute0_lowered;
	s3 =	sadd.s32 s3, s5;
	[dreg:$0x0] =	wrdreg $0x0  }
0xa8: {  	s5 =	sshll.u32 s28, $0x1;
	[dreg:$0x2] =	wrdreg s3  }
0xa9: {  	[dreg:$0x3] =	wrdreg s5  }
0xaa: {  	[dreg:$0x4] =	wrdreg $0xC0  }
0xab: {  	_ =	task [dreg:s7], $0x5FFFF  }
0xac: {  	[dreg:$0x1] =	wrdreg $0xFFFFFFFF  }
0xad: {  	[dreg:$0x0] =	wrdreg $0x60  }
0xae: {  	[dreg:$0x2] =	wrdreg s24  }
0xaf: {  	[dreg:$0x3] =	wrdreg s2  }
0xb0: {  	[dreg:$0x4] =	wrdreg $0x70800  }
0xb1: {  	[dreg:$0x5] =	wrdreg $0x9  }
0xb2: {  	_ =	task.clear_ibuf [dreg:s7], $0x6FFFF;
	_ =	strace $0x90000046  }
0xb3: {  	s29 =	simm.s32 $0x9;
	_ =	strace $0x80000048  }
0xb4: {  	_ =	swait.ge [sflag:s29], $0x1  }
0xb5: {  	[sflag:s29] =	ssyncadd.s32 $0xFFFFFFFF  }
0xb6: {  	_ =	strace $0x90000048  }
0xb7: {  	_ =	sfence  }
0xb8: {  	s30 =	sld [smem:$0x0];
	_ =	sdelay $0x2  }
0xb9: {  	s31 =	sshll.u32 s1, $0xD;
	s1 =	sshrl.u32 s1, $0x2  }
0xba: {  	s3 =	sand.u32 $0x4000, s31;
	s1 =	sadd.s32 s1, s30  }
0xbb: {  	s0 =	sor.u32 s3, s0;
	s1 =	sshll.u32 s1, $0x11  }
0xbc: {  	s0 =	sor.u32 s1, s0  }
0xbd: {  	s0 =	sadd.s32 $0x8F2B, s0  }
0xbe: {  	[sflag:s0] =	ssyncadd.remote.s32 $0x1  }
0xbf: {  	_ =	sfence.sel $0xFFFF  }
0xc0: {  	[dreg:$0x0] =	wrdreg $0xFFFFFFFF;
	(pc) =	sbr.abs _section_cstart, $3  }
0xc1: {  	[dreg:$0x1] =	wrdreg $0xFFFFFFFF  }
0xc2: {  	_ =	task.clear_ibuf [dreg:s7], $0x2FFFF;
	_ =	strace $0x9FFFFFFF  }
0xc3: {  	(tm) =	ssettm $0x7FFFFFFF  }
tec
execute0_lowered:
.L_overlay_start_1:
0x0: {  	(tag) =	ssettag $0x1  }
0x1: {  	s0 =	rddreg [dreg:$0x0]  }
0x2: {  	s3 =	rddreg [dreg:$0x1]  }
0x3: {  	s1 =	rddreg [dreg:$0x2];
	s2 =	simm.s32 $0x0;
	s4 =	srdreg.scid  }
0x4: {  	s14 =	stileid.u32;
	s16 =	simm.s32 $0x190;
	s17 =	simm.s32 $0x1C20  }
0x5: {  	s18 =	simm.s32 $0x1DB0;
	s20 =	simm.s32 $0x320;
	s21 =	simm.s32 $0x3840  }
0x6: {  	s28 =	simm.s32 $0x55F0;
	s29 =	simm.s32 $0x3;
	s30 =	simm.s32 $0x3B60  }
0x7: {  	s31 =	simm.s32 $0x6;
	[smem:$0x7FF] =	sst s2;
	s5 =	sadd.s32 $0x6A00, s0  }
0x8: {  	s6 =	sadd.s32 $0x3EA000, s0;
	s7 =	sand.u32 $0x1, s4;
	s9 =	smul.u32 $0x186A0, s14  }
0x9: {  	s4 =	sadd.s32 $0x41C000, s0;
	s10 =	sadd.s32 $0x44E000, s0;
	s12 =	smul.u32 $0x30D40, s14  }
0xa: {  	s0 =	sadd.s32 $0x480000, s0;
	s13 =	sshll.u32 s14, $0x6;
	s25 =	smul.u32 $0x61A8, s14  }
0xb: {  	_ =	strace $0x80000047;
	s8 =	ssub.s32 $0x2, s7;
	s15 =	sor.u32 $0x1C0D, s13  }
0xc: {  	p0 =	seq.s32 s7, $0x0;
	s11 =	sshrl.u32 s8, $0x1;
	s22 =	sadd.s32 s9, s1  }
0xd: {  	s9 =	sshrl.u32 s9, $0x3;
	s12 =	sshrl.u32 s12, $0x3;
	s0 =	smov.u32 @p0 s10  }
0xe: {  	s4 =	smov.u32 @p0 s6;
	s13 =	sadd.s32 s25, s5;
	s25 =	simm.s32 $0x5  }
0xf: {  	s10 =	simm.s32 $0x8;
	[dreg:$0x5] =	wrdreg s15;
	s3 =	sadd.s32 s3, s9  }
0x10: {  	s8 =	ssub.s32 s8, s11;
	s23 =	sadd.s32 s5, s12;
	[dreg:$0x4] =	wrdreg s3  }
0x11: {  	s0 =	sadd.s32 s0, s9;
	s7 =	sshrl.u32 s22, $0x3;
	[dreg:$0x6] =	wrdreg s23  }
0x12: {  	s11 =	simm.s32 $0xD;
	s22 =	simm.s32 $0x39D0;
	[dreg:$0xb] =	wrdreg s0  }
0x13: {  	s5 =	simm.s32 $0x5780;
	s12 =	sadd.s32 $0x61A80, s23;
	[dreg:$0xc] =	wrdreg s7  }
0x14: {  	s9 =	simm.s32 $0xA;
	s24 =	sadd.s32 $0x32, s23;
	[dreg:$0x7] =	wrdreg s12  }
0x15: {  	s3 =	sadd.s32 $0x61AB2, s23;
	s26 =	smax.u32 s8, $0x1;
	[dreg:$0x8] =	wrdreg s24  }
0x16: {  	s23 =	simm.s32 $0x2;
	s0 =	simm.s32 $0x9;
	[dreg:$0x9] =	wrdreg s3  }
0x17: {  	s8 =	simm.s32 $0x7;
	[dreg:$0xa] =	wrdreg s26;
	s24 =	simm.s32 $0x1F40  }
0x18: {  	s26 =	simm.s32 $0x5460;
	s3 =	simm.s32 $0x4;
	s12 =	simm.s32 $0x0  }
.LBB2_1:
0x19: {  	[dreg:$0xd] =	wrdreg s12  }
0x1a: {  	s6 =	rddreg [dreg:$0x4]  }
0x1b: {  	[spmem:s7], [sflag:s15] =	dma.local [hbm:s6], $0x30D4  }
0x1c: {  	_ =	swait.ge [sflag:s11], $0x30D4  }
0x1d: {  	[sflag:s11] =	ssyncset.done $0x0  }
0x1e: {  	[sflag:s11] =	ssyncadd.s32 $0xFFFFCF2C  }
0x1f: {  	[bflag:$0x0] =	sbarrier.arrive $0xFFFF  }
0x20: {  	s11 =	rddreg [dreg:$0x6]  }
0x21: {  	[tilespmem:s2], [sflag:$0x1] =	stream.linear.gather [hbm4b:s11+s2], $0x190, $0x38;
	[tilespmem:$0x1F720] =	vst v63  }
0x22: {  	s12 =	rddreg [dreg:$0x7]  }
0x23: {  	[tilespmem:s16], [sflag:$0x1] =	stream.linear.gather [hbm4b:s12+s2], $0x190, $0x38;
	[tilespmem:$0x1F720] =	vst v63  }
0x24: {  	s14 =	rddreg [dreg:$0x8]  }
0x25: {  	[tilespmem:s17], [sflag:$0x2] =	stream.linear.gather [hbm4b:s14+s2], $0x190, $0x38;
	[tilespmem:$0x1F720] =	vst v63  }
0x26: {  	s19 =	simm.s32 $0x1;
	s15 =	rddreg [dreg:$0x9]  }
0x27: {  	[tilespmem:s18], [sflag:$0x2] =	stream.linear.gather [hbm4b:s15+s2], $0x190, $0x38;
	[tilespmem:$0x1F720] =	vst v63  }
0x28: {  	_ =	swait.ge [sflag:s19], $0x190  }
0x29: {  	[sflag:s19] =	ssyncset.done $0x0  }
0x2a: {  	[sflag:s19] =	ssyncadd.s32 $0xFFFFFE70  }
0x2b: {  	_ =	swait.ge [sflag:s19], $0x190  }
0x2c: {  	p0 =	por $0x1, $0x1;
	[sflag:s19] =	ssyncset.done $0x0  }
0x2d: {  	s6 =	simm.s32 @!p0 $0xB;
	[sflag:s19] =	ssyncadd.s32 $0xFFFFFE70  }
0x2e: {  	[tilespmem:s20], [sflag:$0x5] =	stream.indirect.gather [hbm4b:s4+s16], $0x10, s2, s16, $0xb8;
	[tilespmem:$0x1F720] =	vst v63  }
0x2f: {  	_ =	swait.ge @!p0 [sflag:s6], $0x1900  }
0x30: {  	s7 =	sadd.s32 $0x0, s13;
	[sflag:s6] =	ssyncset.done @!p0 $0x0  }
0x31: {  	s12 =	sadd.s32 $0x64, s7;
	[sflag:s6] =	ssyncadd.s32 @!p0 $0xFFFFE700  }
0x32: {  	[tilespmem:s21], [sflag:$0x3] =	stream.linear.gather [hbm4b:s12+s2], $0x190, $0x38;
	[tilespmem:$0x1F720] =	vst v63  }
0x33: {  	s14 =	sadd.s32 $0x61AE4, s7  }
0x34: {  	[tilespmem:s22], [sflag:$0x3] =	stream.linear.gather [hbm4b:s14+s2], $0x190, $0x38;
	[tilespmem:$0x1F720] =	vst v63  }
0x35: {  	_ =	swait.ge [sflag:s23], $0x190  }
0x36: {  	[sflag:s23] =	ssyncset.done $0x0  }
0x37: {  	[sflag:s23] =	ssyncadd.s32 $0xFFFFFE70  }
0x38: {  	_ =	swait.ge [sflag:s23], $0x190  }
0x39: {  	[sflag:s23] =	ssyncset.done $0x0  }
0x3a: {  	[sflag:s23] =	ssyncadd.s32 $0xFFFFFE70  }
0x3b: {  	[tilespmem:s24], [sflag:$0x6] =	stream.indirect.gather [hbm4b:s4+s16], $0x10, s17, s16, $0xb8;
	[tilespmem:$0x1F720] =	vst v63  }
0x3c: {  	_ =	swait.ge [sflag:s25], $0x1900  }
0x3d: {  	[sflag:s25] =	ssyncset.done $0x0  }
0x3e: {  	s6 =	simm.s32 @!p0 $0xC;
	[sflag:s25] =	ssyncadd.s32 $0xFFFFE700  }
0x3f: {  	[spmem:s1] =	stream.indirect.scatter.add.f32 [tilespmem:s20], [sflag:$0x9], $0x10, s16, s16, $0xb8;
	[tilespmem:$0x1F720] =	vst v63  }
0x40: {  	_ =	swait.ge @!p0 [sflag:s6], $0x1900  }
0x41: {  	[sflag:s6] =	ssyncset.done @!p0 $0x0  }
0x42: {  	s15 =	sadd.s32 $0x96, s7;
	[sflag:s6] =	ssyncadd.s32 @!p0 $0xFFFFE700  }
0x43: {  	[tilespmem:s26], [sflag:$0x4] =	stream.linear.gather [hbm4b:s15+s2], $0x190, $0x38;
	[tilespmem:$0x1F720] =	vst v63  }
0x44: {  	s19 =	sadd.s32 $0x61B16, s7  }
0x45: {  	[tilespmem:s28], [sflag:$0x4] =	stream.linear.gather [hbm4b:s19+s2], $0x190, $0x38;
	[tilespmem:$0x1F720] =	vst v63  }
0x46: {  	_ =	swait.ge [sflag:s29], $0x190  }
0x47: {  	[sflag:s29] =	ssyncset.done $0x0  }
0x48: {  	[sflag:s29] =	ssyncadd.s32 $0xFFFFFE70  }
0x49: {  	_ =	swait.ge [sflag:s29], $0x190  }
0x4a: {  	[sflag:s29] =	ssyncset.done $0x0  }
0x4b: {  	[sflag:s29] =	ssyncadd.s32 $0xFFFFFE70  }
0x4c: {  	[tilespmem:s30], [sflag:$0x7] =	stream.indirect.gather [hbm4b:s4+s16], $0x10, s21, s16, $0xb8;
	[tilespmem:$0x1F720] =	vst v63  }
0x4d: {  	_ =	swait.ge [sflag:s31], $0x1900  }
0x4e: {  	[sflag:s31] =	ssyncset.done $0x0  }
0x4f: {  	[sflag:s31] =	ssyncadd.s32 $0xFFFFE700  }
0x50: {  	[spmem:s1] =	stream.indirect.scatter.add.f32 [tilespmem:s24], [sflag:$0xA], $0x10, s18, s16, $0xb8;
	[tilespmem:$0x1F720] =	vst v63  }
0x51: {  	p0 =	por $0x0, $0x0;
	_ =	swait.ge [sflag:s0], $0x1900  }
0x52: {  	s6 =	sadd.s32 @!p0 $0x0, s13;
	[sflag:s0] =	ssyncset.done $0x0  }
0x53: {  	s12 =	simm.s32 @!p0 $0x0;
	s11 =	sadd.s32 @!p0 $0xC8, s6;
	[sflag:s0] =	ssyncadd.s32 $0xFFFFE700  }
0x54: {  	[tilespmem:s12], [sflag:$0x1] =	stream.linear.gather @!p0 [hbm4b:s11+s12], $0x190, $0x38;
	[tilespmem:$0x1F720] =	vst v63  }
0x55: {  	s14 =	simm.s32 @!p0 $0x190;
	s11 =	sadd.s32 @!p0 $0x61B48, s6  }
0x56: {  	[tilespmem:s14], [sflag:$0x1] =	stream.linear.gather @!p0 [hbm4b:s11+s12], $0x190, $0x38;
	[tilespmem:$0x1F720] =	vst v63  }
0x57: {  	_ =	swait.ge [sflag:s3], $0x190  }
0x58: {  	[sflag:s3] =	ssyncset.done $0x0  }
0x59: {  	[sflag:s3] =	ssyncadd.s32 $0xFFFFFE70  }
0x5a: {  	_ =	swait.ge [sflag:s3], $0x190  }
0x5b: {  	[sflag:s3] =	ssyncset.done $0x0  }
0x5c: {  	[sflag:s3] =	ssyncadd.s32 $0xFFFFFE70  }
0x5d: {  	[tilespmem:s5], [sflag:$0x8] =	stream.indirect.gather [hbm4b:s4+s16], $0x10, s26, s16, $0xb8;
	[tilespmem:$0x1F720] =	vst v63  }
0x5e: {  	_ =	swait.ge [sflag:s8], $0x1900  }
0x5f: {  	[sflag:s8] =	ssyncset.done $0x0  }
0x60: {  	[sflag:s8] =	ssyncadd.s32 $0xFFFFE700  }
0x61: {  	[spmem:s1] =	stream.indirect.scatter.add.f32 [tilespmem:s30], [sflag:$0xB], $0x10, s22, s16, $0xb8;
	[tilespmem:$0x1F720] =	vst v63  }
0x62: {  	_ =	swait.ge [sflag:s9], $0x1900  }
0x63: {  	[sflag:s9] =	ssyncset.done $0x0  }
0x64: {  	s15 =	simm.s32 @!p0 $0x1C20;
	s11 =	sadd.s32 @!p0 $0xFA, s6;
	[sflag:s9] =	ssyncadd.s32 $0xFFFFE700  }
0x65: {  	[tilespmem:s15], [sflag:$0x2] =	stream.linear.gather @!p0 [hbm4b:s11+s12], $0x190, $0x38;
	[tilespmem:$0x1F720] =	vst v63  }
0x66: {  	s6 =	sadd.s32 @!p0 $0x61B7A, s6;
	s11 =	simm.s32 @!p0 $0x1DB0  }
0x67: {  	[tilespmem:s11], [sflag:$0x2] =	stream.linear.gather @!p0 [hbm4b:s6+s12], $0x190, $0x38;
	[tilespmem:$0x1F720] =	vst v63  }
0x68: {  	s6 =	simm.s32 @!p0 $0x1  }
0x69: {  	_ =	swait.ge @!p0 [sflag:s6], $0x190  }
0x6a: {  	[sflag:s6] =	ssyncset.done @!p0 $0x0  }
0x6b: {  	[sflag:s6] =	ssyncadd.s32 @!p0 $0xFFFFFE70  }
0x6c: {  	_ =	swait.ge @!p0 [sflag:s6], $0x190  }
0x6d: {  	[sflag:s6] =	ssyncset.done @!p0 $0x0  }
0x6e: {  	[sflag:s6] =	ssyncadd.s32 @!p0 $0xFFFFFE70;
	s6 =	simm.s32 @!p0 $0x320  }
0x6f: {  	[tilespmem:s6], [sflag:$0x5] =	stream.indirect.gather @!p0 [hbm4b:s4+s14], $0x10, s12, s14, $0xb8;
	[tilespmem:$0x1F720] =	vst v63  }
0x70: {  	p1 =	por $0x0, $0x0;
	_ =	swait.ge [sflag:s10], $0x1900  }
0x71: {  	s11 =	simm.s32 $0xC8;
	s12 =	simm.s32 $0x190;
	[sflag:s10] =	ssyncset.done $0x0  }
.LBB2_2:
0x72: {  	s14 =	simm.s32 @!p1 $0xB  }
0x73: {  	[sflag:s10] =	ssyncadd.s32 $0xFFFFE700;
	s6 =	smov.u32 s12;
	s12 =	sadd.s32 $0xC8, s12  }
0x74: {  	[spmem:s1] =	stream.indirect.scatter.add.f32 [tilespmem:s5], [sflag:$0xC], $0x10, s28, s16, $0xb8;
	[tilespmem:$0x1F720] =	vst v63  }
0x75: {  	p0 =	sne.s32 s12, $0x61A8;
	_ =	swait.ge @!p1 [sflag:s14], $0x1900  }
0x76: {  	s15 =	sadd.s32 s11, s13;
	[sflag:s14] =	ssyncset.done @!p1 $0x0  }
0x77: {  	[sflag:s14] =	ssyncadd.s32 @!p1 $0xFFFFE700;
	s14 =	sadd.s32 $0x64, s15  }
0x78: {  	[tilespmem:s21], [sflag:$0x3] =	stream.linear.gather [hbm4b:s14+s2], $0x190, $0x38;
	[tilespmem:$0x1F720] =	vst v63  }
0x79: {  	s14 =	sadd.s32 $0x61AE4, s15  }
0x7a: {  	[tilespmem:s22], [sflag:$0x3] =	stream.linear.gather [hbm4b:s14+s2], $0x190, $0x38;
	[tilespmem:$0x1F720] =	vst v63  }
0x7b: {  	_ =	swait.ge [sflag:s23], $0x190  }
0x7c: {  	[sflag:s23] =	ssyncset.done $0x0  }
0x7d: {  	[sflag:s23] =	ssyncadd.s32 $0xFFFFFE70  }
0x7e: {  	_ =	swait.ge [sflag:s23], $0x190  }
0x7f: {  	[sflag:s23] =	ssyncset.done $0x0  }
0x80: {  	[sflag:s23] =	ssyncadd.s32 $0xFFFFFE70  }
0x81: {  	[tilespmem:s24], [sflag:$0x6] =	stream.indirect.gather [hbm4b:s4+s16], $0x10, s17, s16, $0xb8;
	[tilespmem:$0x1F720] =	vst v63  }
0x82: {  	_ =	swait.ge [sflag:s25], $0x1900  }
0x83: {  	[sflag:s25] =	ssyncset.done $0x0  }
0x84: {  	s14 =	simm.s32 @!p1 $0xC;
	[sflag:s25] =	ssyncadd.s32 $0xFFFFE700  }
0x85: {  	[spmem:s1] =	stream.indirect.scatter.add.f32 [tilespmem:s20], [sflag:$0x9], $0x10, s16, s16, $0xb8;
	[tilespmem:$0x1F720] =	vst v63  }
0x86: {  	_ =	swait.ge @!p1 [sflag:s14], $0x1900  }
0x87: {  	[sflag:s14] =	ssyncset.done @!p1 $0x0  }
0x88: {  	[sflag:s14] =	ssyncadd.s32 @!p1 $0xFFFFE700;
	s14 =	sadd.s32 $0x96, s15  }
0x89: {  	[tilespmem:s26], [sflag:$0x4] =	stream.linear.gather [hbm4b:s14+s2], $0x190, $0x38;
	[tilespmem:$0x1F720] =	vst v63  }
0x8a: {  	s14 =	sadd.s32 $0x61B16, s15  }
0x8b: {  	[tilespmem:s28], [sflag:$0x4] =	stream.linear.gather [hbm4b:s14+s2], $0x190, $0x38;
	[tilespmem:$0x1F720] =	vst v63  }
0x8c: {  	_ =	swait.ge [sflag:s29], $0x190  }
0x8d: {  	[sflag:s29] =	ssyncset.done $0x0  }
0x8e: {  	[sflag:s29] =	ssyncadd.s32 $0xFFFFFE70  }
0x8f: {  	_ =	swait.ge [sflag:s29], $0x190  }
0x90: {  	[sflag:s29] =	ssyncset.done $0x0  }
0x91: {  	[sflag:s29] =	ssyncadd.s32 $0xFFFFFE70  }
0x92: {  	[tilespmem:s30], [sflag:$0x7] =	stream.indirect.gather [hbm4b:s4+s16], $0x10, s21, s16, $0xb8;
	[tilespmem:$0x1F720] =	vst v63  }
0x93: {  	_ =	swait.ge [sflag:s31], $0x1900  }
0x94: {  	[sflag:s31] =	ssyncset.done $0x0  }
0x95: {  	[sflag:s31] =	ssyncadd.s32 $0xFFFFE700  }
0x96: {  	[spmem:s1] =	stream.indirect.scatter.add.f32 [tilespmem:s24], [sflag:$0xA], $0x10, s18, s16, $0xb8;
	[tilespmem:$0x1F720] =	vst v63  }
0x97: {  	p1 =	seq.s32 s11, $0x60E0;
	_ =	swait.ge [sflag:s0], $0x1900  }
0x98: {  	s14 =	sadd.s32 @!p1 s11, s13;
	s11 =	smov.u32 s6;
	[sflag:s0] =	ssyncset.done $0x0  }
0x99: {  	s15 =	simm.s32 @!p1 $0x0;
	s6 =	sadd.s32 @!p1 $0xC8, s14;
	[sflag:s0] =	ssyncadd.s32 $0xFFFFE700  }
0x9a: {  	[tilespmem:s15], [sflag:$0x1] =	stream.linear.gather @!p1 [hbm4b:s6+s15], $0x190, $0x38;
	[tilespmem:$0x1F720] =	vst v63  }
0x9b: {  	s19 =	simm.s32 @!p1 $0x190;
	s7 =	sadd.s32 @!p1 $0xFA, s14;
	s6 =	sadd.s32 @!p1 $0x61B48, s14  }
0x9c: {  	[tilespmem:s19], [sflag:$0x1] =	stream.linear.gather @!p1 [hbm4b:s6+s15], $0x190, $0x38;
	[tilespmem:$0x1F720] =	vst v63  }
0x9d: {  	s6 =	sadd.s32 @!p1 $0x61B7A, s14;
	_ =	swait.ge [sflag:s3], $0x190  }
0x9e: {  	[sflag:s3] =	ssyncset.done $0x0  }
0x9f: {  	[sflag:s3] =	ssyncadd.s32 $0xFFFFFE70  }
0xa0: {  	_ =	swait.ge [sflag:s3], $0x190  }
0xa1: {  	[sflag:s3] =	ssyncset.done $0x0  }
0xa2: {  	[sflag:s3] =	ssyncadd.s32 $0xFFFFFE70  }
0xa3: {  	[tilespmem:s5], [sflag:$0x8] =	stream.indirect.gather [hbm4b:s4+s16], $0x10, s26, s16, $0xb8;
	[tilespmem:$0x1F720] =	vst v63  }
0xa4: {  	_ =	swait.ge [sflag:s8], $0x1900  }
0xa5: {  	[sflag:s8] =	ssyncset.done $0x0  }
0xa6: {  	[sflag:s8] =	ssyncadd.s32 $0xFFFFE700  }
0xa7: {  	[spmem:s1] =	stream.indirect.scatter.add.f32 [tilespmem:s30], [sflag:$0xB], $0x10, s22, s16, $0xb8;
	[tilespmem:$0x1F720] =	vst v63  }
0xa8: {  	_ =	swait.ge [sflag:s9], $0x1900  }
0xa9: {  	[sflag:s9] =	ssyncset.done $0x0  }
0xaa: {  	s14 =	simm.s32 @!p1 $0x1C20;
	[sflag:s9] =	ssyncadd.s32 $0xFFFFE700  }
0xab: {  	[tilespmem:s14], [sflag:$0x2] =	stream.linear.gather @!p1 [hbm4b:s7+s15], $0x190, $0x38;
	[tilespmem:$0x1F720] =	vst v63  }
0xac: {  	s7 =	simm.s32 @!p1 $0x1DB0;
	s14 =	simm.s32 @!p1 $0x1  }
0xad: {  	[tilespmem:s7], [sflag:$0x2] =	stream.linear.gather @!p1 [hbm4b:s6+s15], $0x190, $0x38;
	[tilespmem:$0x1F720] =	vst v63  }
0xae: {  	_ =	swait.ge @!p1 [sflag:s14], $0x190  }
0xaf: {  	[sflag:s14] =	ssyncset.done @!p1 $0x0  }
0xb0: {  	[sflag:s14] =	ssyncadd.s32 @!p1 $0xFFFFFE70  }
0xb1: {  	_ =	swait.ge @!p1 [sflag:s14], $0x190  }
.Ltmp0:
0xb2: {  	[sflag:s14] =	ssyncset.done @!p1 $0x0;
	(pc) =	sbr.rel @p0 .LBB2_2-.Ltmp0, $4  }
0xb3: {  	s6 =	simm.s32 @!p1 $0x320;
	[sflag:s14] =	ssyncadd.s32 @!p1 $0xFFFFFE70  }
0xb4: {  	[tilespmem:s6], [sflag:$0x5] =	stream.indirect.gather @!p1 [hbm4b:s4+s19], $0x10, s15, s19, $0xb8;
	[tilespmem:$0x1F720] =	vst v63  }
0xb5: {  	_ =	swait.ge [sflag:s10], $0x1900  }
0xb6: {  	p1 =	seq.s32 s11, $0x0;
	[sflag:s10] =	ssyncset.done $0x0  }
0xb7: {  	s6 =	simm.s32 @!p1 $0xB;
	[sflag:s10] =	ssyncadd.s32 $0xFFFFE700  }
0xb8: {  	[spmem:s1] =	stream.indirect.scatter.add.f32 [tilespmem:s5], [sflag:$0xC], $0x10, s28, s16, $0xb8;
	[tilespmem:$0x1F720] =	vst v63  }
0xb9: {  	_ =	swait.ge @!p1 [sflag:s6], $0x1900  }
0xba: {  	s7 =	sadd.s32 s11, s13;
	[sflag:s6] =	ssyncset.done @!p1 $0x0  }
0xbb: {  	s12 =	sadd.s32 $0x64, s7;
	[sflag:s6] =	ssyncadd.s32 @!p1 $0xFFFFE700  }
0xbc: {  	[tilespmem:s21], [sflag:$0x3] =	stream.linear.gather [hbm4b:s12+s2], $0x190, $0x38;
	[tilespmem:$0x1F720] =	vst v63  }
0xbd: {  	s14 =	sadd.s32 $0x61AE4, s7  }
0xbe: {  	[tilespmem:s22], [sflag:$0x3] =	stream.linear.gather [hbm4b:s14+s2], $0x190, $0x38;
	[tilespmem:$0x1F720] =	vst v63  }
0xbf: {  	_ =	swait.ge [sflag:s23], $0x190  }
0xc0: {  	[sflag:s23] =	ssyncset.done $0x0  }
0xc1: {  	[sflag:s23] =	ssyncadd.s32 $0xFFFFFE70  }
0xc2: {  	_ =	swait.ge [sflag:s23], $0x190  }
0xc3: {  	[sflag:s23] =	ssyncset.done $0x0  }
0xc4: {  	[sflag:s23] =	ssyncadd.s32 $0xFFFFFE70  }
0xc5: {  	[tilespmem:s24], [sflag:$0x6] =	stream.indirect.gather [hbm4b:s4+s16], $0x10, s17, s16, $0xb8;
	[tilespmem:$0x1F720] =	vst v63  }
0xc6: {  	_ =	swait.ge [sflag:s25], $0x1900  }
0xc7: {  	[sflag:s25] =	ssyncset.done $0x0  }
0xc8: {  	s6 =	simm.s32 @!p1 $0xC;
	[sflag:s25] =	ssyncadd.s32 $0xFFFFE700  }
0xc9: {  	[spmem:s1] =	stream.indirect.scatter.add.f32 [tilespmem:s20], [sflag:$0x9], $0x10, s16, s16, $0xb8;
	[tilespmem:$0x1F720] =	vst v63  }
0xca: {  	_ =	swait.ge @!p1 [sflag:s6], $0x1900  }
0xcb: {  	[sflag:s6] =	ssyncset.done @!p1 $0x0  }
0xcc: {  	s15 =	sadd.s32 $0x96, s7;
	[sflag:s6] =	ssyncadd.s32 @!p1 $0xFFFFE700  }
0xcd: {  	[tilespmem:s26], [sflag:$0x4] =	stream.linear.gather [hbm4b:s15+s2], $0x190, $0x38;
	[tilespmem:$0x1F720] =	vst v63  }
0xce: {  	s19 =	sadd.s32 $0x61B16, s7  }
0xcf: {  	[tilespmem:s28], [sflag:$0x4] =	stream.linear.gather [hbm4b:s19+s2], $0x190, $0x38;
	[tilespmem:$0x1F720] =	vst v63  }
0xd0: {  	_ =	swait.ge [sflag:s29], $0x190  }
0xd1: {  	[sflag:s29] =	ssyncset.done $0x0  }
0xd2: {  	[sflag:s29] =	ssyncadd.s32 $0xFFFFFE70  }
0xd3: {  	_ =	swait.ge [sflag:s29], $0x190  }
0xd4: {  	[sflag:s29] =	ssyncset.done $0x0  }
0xd5: {  	[sflag:s29] =	ssyncadd.s32 $0xFFFFFE70  }
0xd6: {  	[tilespmem:s30], [sflag:$0x7] =	stream.indirect.gather [hbm4b:s4+s16], $0x10, s21, s16, $0xb8;
	[tilespmem:$0x1F720] =	vst v63  }
0xd7: {  	_ =	swait.ge [sflag:s31], $0x1900  }
0xd8: {  	[sflag:s31] =	ssyncset.done $0x0  }
0xd9: {  	[sflag:s31] =	ssyncadd.s32 $0xFFFFE700  }
0xda: {  	[spmem:s1] =	stream.indirect.scatter.add.f32 [tilespmem:s24], [sflag:$0xA], $0x10, s18, s16, $0xb8;
	[tilespmem:$0x1F720] =	vst v63  }
0xdb: {  	p0 =	seq.s32 s11, $0x60E0;
	_ =	swait.ge [sflag:s0], $0x1900  }
0xdc: {  	s6 =	sadd.s32 @!p0 s11, s13;
	[sflag:s0] =	ssyncset.done $0x0  }
0xdd: {  	s11 =	simm.s32 @!p0 $0x0;
	s7 =	sadd.s32 @!p0 $0xC8, s6;
	[sflag:s0] =	ssyncadd.s32 $0xFFFFE700  }
0xde: {  	[tilespmem:s11], [sflag:$0x1] =	stream.linear.gather @!p0 [hbm4b:s7+s11], $0x190, $0x38;
	[tilespmem:$0x1F720] =	vst v63  }
0xdf: {  	s12 =	simm.s32 @!p0 $0x190;
	s7 =	sadd.s32 @!p0 $0x61B48, s6  }
0xe0: {  	[tilespmem:s12], [sflag:$0x1] =	stream.linear.gather @!p0 [hbm4b:s7+s11], $0x190, $0x38;
	[tilespmem:$0x1F720] =	vst v63  }
0xe1: {  	_ =	swait.ge [sflag:s3], $0x190  }
0xe2: {  	[sflag:s3] =	ssyncset.done $0x0  }
0xe3: {  	[sflag:s3] =	ssyncadd.s32 $0xFFFFFE70  }
0xe4: {  	_ =	swait.ge [sflag:s3], $0x190  }
0xe5: {  	[sflag:s3] =	ssyncset.done $0x0  }
0xe6: {  	[sflag:s3] =	ssyncadd.s32 $0xFFFFFE70  }
0xe7: {  	[tilespmem:s5], [sflag:$0x8] =	stream.indirect.gather [hbm4b:s4+s16], $0x10, s26, s16, $0xb8;
	[tilespmem:$0x1F720] =	vst v63  }
0xe8: {  	_ =	swait.ge [sflag:s8], $0x1900  }
0xe9: {  	[sflag:s8] =	ssyncset.done $0x0  }
0xea: {  	[sflag:s8] =	ssyncadd.s32 $0xFFFFE700  }
0xeb: {  	[spmem:s1] =	stream.indirect.scatter.add.f32 [tilespmem:s30], [sflag:$0xB], $0x10, s22, s16, $0xb8;
	[tilespmem:$0x1F720] =	vst v63  }
0xec: {  	_ =	swait.ge [sflag:s9], $0x1900  }
0xed: {  	[sflag:s9] =	ssyncset.done $0x0  }
0xee: {  	s14 =	simm.s32 @!p0 $0x1C20;
	s7 =	sadd.s32 @!p0 $0xFA, s6;
	[sflag:s9] =	ssyncadd.s32 $0xFFFFE700  }
0xef: {  	[tilespmem:s14], [sflag:$0x2] =	stream.linear.gather @!p0 [hbm4b:s7+s11], $0x190, $0x38;
	[tilespmem:$0x1F720] =	vst v63  }
0xf0: {  	s6 =	sadd.s32 @!p0 $0x61B7A, s6;
	s7 =	simm.s32 @!p0 $0x1DB0  }
0xf1: {  	[tilespmem:s7], [sflag:$0x2] =	stream.linear.gather @!p0 [hbm4b:s6+s11], $0x190, $0x38;
	[tilespmem:$0x1F720] =	vst v63  }
0xf2: {  	s6 =	simm.s32 @!p0 $0x1  }
0xf3: {  	_ =	swait.ge @!p0 [sflag:s6], $0x190  }
0xf4: {  	[sflag:s6] =	ssyncset.done @!p0 $0x0  }
0xf5: {  	[sflag:s6] =	ssyncadd.s32 @!p0 $0xFFFFFE70  }
0xf6: {  	_ =	swait.ge @!p0 [sflag:s6], $0x190  }
0xf7: {  	[sflag:s6] =	ssyncset.done @!p0 $0x0  }
0xf8: {  	[sflag:s6] =	ssyncadd.s32 @!p0 $0xFFFFFE70;
	s6 =	simm.s32 @!p0 $0x320  }
0xf9: {  	[tilespmem:s6], [sflag:$0x5] =	stream.indirect.gather @!p0 [hbm4b:s4+s12], $0x10, s11, s12, $0xb8;
	[tilespmem:$0x1F720] =	vst v63  }
0xfa: {  	_ =	swait.ge [sflag:s10], $0x1900  }
0xfb: {  	[sflag:s10] =	ssyncset.done $0x0  }
0xfc: {  	s7 =	simm.s32 $0xB;
	[sflag:s10] =	ssyncadd.s32 $0xFFFFE700  }
0xfd: {  	[spmem:s1] =	stream.indirect.scatter.add.f32 [tilespmem:s5], [sflag:$0xC], $0x10, s28, s16, $0xb8;
	[tilespmem:$0x1F720] =	vst v63  }
0xfe: {  	_ =	swait.ge [sflag:s7], $0x1900  }
0xff: {  	[sflag:s7] =	ssyncset.done $0x0  }
0x100: {  	s11 =	simm.s32 $0xC;
	[sflag:s7] =	ssyncadd.s32 $0xFFFFE700  }
0x101: {  	_ =	swait.ge [sflag:s11], $0x1900  }
0x102: {  	[sflag:s11] =	ssyncset.done $0x0  }
0x103: {  	[sflag:s11] =	ssyncadd.s32 $0xFFFFE700  }
0x104: {  	[bflag:$0x0] =	sbarrier.arrive $0xFFFF  }
0x105: {  	s15 =	rddreg [dreg:$0x5]  }
0x106: {  	s12 =	rddreg [dreg:$0xb]  }
0x107: {  	s11 =	simm.s32 $0xD;
	s7 =	rddreg [dreg:$0xc]  }
0x108: {  	[hbm:s12], [sflag:s15] =	dma.local [spmem:s7], $0x30D4  }
0x109: {  	_ =	swait.ge [sflag:s11], $0x30D4  }
0x10a: {  	s14 =	rddreg [dreg:$0xd]  }
0x10b: {  	s19 =	rddreg [dreg:$0xa];
	s12 =	sadd.s32 $0x1, s14  }
0x10c: {  	p0 =	sne.s32 s12, s19  }
.Ltmp1:
0x10d: {  	_ = 	snop;
	(pc) =	sbr.rel @p0 .LBB2_1-.Ltmp1, $3  }
0x10e: {  	_ =	sdelay $0x1  }
0x10f: {  	[sflag:s11] =	ssyncset.done $0x0  }
0x110: {  	[sflag:s11] =	ssyncadd.s32 $0xFFFFCF2C  }
0x111: {  	_ =	sfence.sel $0x180000  }
0x112: {  	[bflag:$0x0] =	sbarrier.arrive $0xFFFF  }
0x113: {  	_ =	strace $0x90000047  }
0x114: {  	s0 =	stileid.u32;
	[bflag:$0x2] =	sbarrier.arrive $0xFFFF  }
0x115: {  	p0 =	sne.s32 s0, $0x0;
	s0 =	rddreg [dreg:$0x3]  }
0x116: {  	s0 =	sadd.s32 @!p0 $0x100000, s0  }
0x117: {  	[sflag:s0] =	ssyncadd.tile.s32 @!p0 $0x1;
	_ =	shalt  }
.Lfunc_end2:
_tile_overlayer_lowered:
.L_overlay_start_2:
0x118: {  	(tag) =	ssettag $0x2  }
0x119: {  	s0 =	rddreg [dreg:$0x0];
	s2 =	stileid.u32  }
0x11a: {  	s1 =	rddreg [dreg:$0x1];
	p0 =	sne.s32 s2, $0x0  }
0x11b: {  	s3 =	rddreg [dreg:$0x2];
	[bflag:$0x3] =	sbarrier.arrive $0xFFFF;
	s2 =	simm.s32 @!p0 $0x1C0D  }
0x11c: {  	[timem:s3], [sflag:s2] =	dma.local @!p0 [hbm:s0], s1  }
0x11d: {  	s0 =	simm.s32 @!p0 $0xD  }
0x11e: {  	_ =	swait.ge @!p0 [sflag:s0], s1  }
0x11f: {  	s1 =	ssub.s32 @!p0 $0x0, s1;
	[sflag:s0] =	ssyncset.done @!p0 $0x0  }
0x120: {  	[sflag:s0] =	ssyncadd.s32 @!p0 s1  }
0x121: {  	[bflag:$0x3] =	sbarrier.arrive $0xFFFF  }
0x122: {  	_ =	shalt  }

// kernel: kernel.13.cloned.1.call-start
scs
__scs_entry_jumppad:
0x0: {  	(pc) =	sbr.rel $0x88, $3  }
0x1: {  	(tag) =	ssettag $0x0;
	lr =	simm.s32 $0x1  }
0x2: {  	[smem:$0x3F8E] =	sst lr;
	_ =	strace $0xD0000000  }
0x3: {  	_ = 	snop  }
0x4: {  	_ = 	snop  }
0x5: {  	_ = 	snop  }
0x6: {  	_ = 	snop  }
0x7: {  	_ = 	snop  }
__scs_overlays_trampoline_lowered:
0x8: {  	[smem:$0x3F9D] =	sst s0  }
0x9: {  	[smem:$0x3F9E] =	sst s1  }
0xa: {  	[smem:$0x3F9F] =	sst s2  }
0xb: {  	[smem:$0x3FA0] =	sst s3  }
0xc: {  	[smem:$0x3FA1] =	sst s4  }
0xd: {  	[smem:$0x3FA2] =	sst s5  }
0xe: {  	[smem:$0x3FA3] =	sst s6  }
0xf: {  	[smem:$0x3FA4] =	sst s7  }
0x10: {  	[smem:$0x3FA5] =	sst s8  }
0x11: {  	[smem:$0x3FA6] =	sst s9;
	s0 =	simm.s32 @!p0 $0x0  }
0x12: {  	s1 =	sld [smem:$0x3F8C];
	s0 =	simm.s32 @p0 $0x1  }
0x13: {  	[smem:$0x3FA7] =	sst s0;
	s0 =	simm.s32 @!p1 $0x0  }
0x14: {  	s2 =	sld [smem:$0x3F8B];
	s0 =	simm.s32 @p1 $0x1  }
0x15: {  	[smem:$0x3FA8] =	sst s0;
	s0 =	simm.s32 @!p2 $0x0  }
0x16: {  	s3 =	sld [smem:$0x3FDB];
	s0 =	simm.s32 @p2 $0x1  }
0x17: {  	s4 =	simm.s32 $0x1BF5;
	[smem:$0x3FAA] =	sst s0  }
0x18: {  	s0 =	sld [smem:$0x3F8D];
	_ =	swait.ge [sflag:s4], $0x0  }
0x19: {  	s7 =	sld [smem:$0x3F8E]  }
0x1a: {  	s8 =	sadd.s32 $0xFFFFE003, lr  }
0x1b: {  	s9 =	sadd.s32 $0xFFFFFEF7, lr;
	s5 =	simm.s32 $0xFFFFFFFF;
	p2 =	slt.u32 s8, $0xFFFFF086  }
0x1c: {  	p1 =	slt.u32 s9, $0xF7A;
	s5 =	simm.s32 @!p2 $0x0  }
0x1d: {  	s5 =	simm.s32 @p1 $0x1;
	p0 =	seq.s32 s7, s2  }
0x1e: {  	s7 =	smul.u32 @!p0 $0xF7A, s2;
	p2 =	seq.s32 @!p0 s5, $0x0  }
0x1f: {  	s9 =	smul.u32 $0xF7A, s1;
	s8 =	simm.s32 @!p0 $0x1BF5;
	p2 =	por !p2, p0  }
0x20: {  	[sflag:s8] =	ssyncset.s32 @!p0 $0xFFFFF086;
	s6 =	sadd.s32 @!p0 s3, s7;
	s7 =	simm.s32 @!p0 $0x108  }
0x21: {  	s3 =	sadd.s32 s3, s9;
	s6 =	sadd.s32 @!p0 $0x88, s6;
	s7 =	simm.s32 @p2 $0x1082  }
0x22: {  	[simem:s7], [sflag:s8] =	dma.local @!p0 [hbm:s6], $0xF7A  }
0x23: {  	s9 =	sor.u32 $0xD0000000, s2;
	s6 =	simm.s32 $0x108;
	_ =	swait.ge @!p0 [sflag:s8], $0x0  }
0x24: {  	s3 =	sadd.s32 $0x88, s3;
	s6 =	simm.s32 @!p1 $0x1082;
	[sflag:s4] =	ssyncset.s32 $0xFFFFF086  }
0x25: {  	[simem:s6], [sflag:s4] =	dma.local [hbm:s3], $0xF7A  }
0x26: {  	[smem:$0x3F8E] =	sst s1;
	(tag) =	ssettag s2;
	_ =	strace s9  }
0x27: {  	s1 =	sld [smem:$0x3F9E]  }
0x28: {  	s2 =	sld [smem:$0x3F9F]  }
0x29: {  	s4 =	sld [smem:$0x3FA1]  }
0x2a: {  	p0 =	seq.s32 s5, $0x0;
	s5 =	sld [smem:$0x3FA2]  }
0x2b: {  	s6 =	sld [smem:$0x3FA3]  }
0x2c: {  	s7 =	sld [smem:$0x3FA4]  }
0x2d: {  	s3 =	simm.s32 $0x108;
	s8 =	sld [smem:$0x3FA5]  }
0x2e: {  	s3 =	simm.s32 @!p0 $0x1082;
	s9 =	sld [smem:$0x3FA6]  }
0x2f: {  	lr =	sadd.s32 s0, s3;
	s0 =	sld [smem:$0x3F9D]  }
0x30: {  	s3 =	sld [smem:$0x3FA0]  }
0x31: {  	[smem:$0x3FA9] =	sst s10  }
0x32: {  	s10 =	sld [smem:$0x3FA7];
	_ =	sdelay $0x3  }
0x33: {  	p0 =	seq.s32 s10, $0x1;
	s10 =	sld [smem:$0x3FA9];
	_ =	sdelay $0x3  }
0x34: {  	[smem:$0x3FA9] =	sst s10  }
0x35: {  	s10 =	sld [smem:$0x3FA8];
	_ =	sdelay $0x3  }
0x36: {  	p1 =	seq.s32 s10, $0x1;
	s10 =	sld [smem:$0x3FA9];
	_ =	sdelay $0x3  }
0x37: {  	[smem:$0x3FA9] =	sst s10  }
0x38: {  	s10 =	sld [smem:$0x3FAA]  }
0x39: {  	_ = 	snop;
	(pc) =	sbr.ind lr, $3  }
0x3a: {  	_ = 	snop  }
0x3b: {  	_ = 	snop  }
0x3c: {  	p2 =	seq.s32 s10, $0x1;
	s10 =	sld [smem:$0x3FA9]  }
0x3d: {  	_ =	shalt  }
0x3e: {  	_ =	shalt  }
0x3f: {  	_ =	shalt  }
0x40: {  	_ =	shalt  }
0x41: {  	_ =	shalt  }
0x42: {  	_ =	shalt  }
0x43: {  	_ =	shalt  }
0x44: {  	_ =	shalt  }
0x45: {  	_ =	shalt  }
0x46: {  	_ =	shalt  }
0x47: {  	_ =	shalt  }
0x48: {  	_ =	shalt  }
0x49: {  	_ =	shalt  }
0x4a: {  	_ =	shalt  }
0x4b: {  	_ =	shalt  }
0x4c: {  	_ =	shalt  }
0x4d: {  	_ =	shalt  }
0x4e: {  	_ =	shalt  }
0x4f: {  	_ =	shalt  }
0x50: {  	_ =	shalt  }
0x51: {  	_ =	shalt  }
0x52: {  	_ =	shalt  }
0x53: {  	_ =	shalt  }
0x54: {  	_ =	shalt  }
0x55: {  	_ =	shalt  }
0x56: {  	_ =	shalt  }
0x57: {  	_ =	shalt  }
0x58: {  	_ =	shalt  }
0x59: {  	_ =	shalt  }
0x5a: {  	_ =	shalt  }
0x5b: {  	_ =	shalt  }
0x5c: {  	_ =	shalt  }
0x5d: {  	_ =	shalt  }
0x5e: {  	_ =	shalt  }
0x5f: {  	_ =	shalt  }
0x60: {  	_ =	shalt  }
0x61: {  	_ =	shalt  }
0x62: {  	_ =	shalt  }
0x63: {  	_ =	shalt  }
0x64: {  	_ =	shalt  }
0x65: {  	_ =	shalt  }
0x66: {  	_ =	shalt  }
0x67: {  	_ =	shalt  }
0x68: {  	_ =	shalt  }
0x69: {  	_ =	shalt  }
0x6a: {  	_ =	shalt  }
0x6b: {  	_ =	shalt  }
0x6c: {  	_ =	shalt  }
0x6d: {  	_ =	shalt  }
0x6e: {  	_ =	shalt  }
0x6f: {  	_ =	shalt  }
0x70: {  	_ =	shalt  }
0x71: {  	_ =	shalt  }
0x72: {  	_ =	shalt  }
0x73: {  	_ =	shalt  }
0x74: {  	_ =	shalt  }
0x75: {  	_ =	shalt  }
0x76: {  	_ =	shalt  }
0x77: {  	_ =	shalt  }
0x78: {  	_ =	shalt  }
0x79: {  	_ =	shalt  }
0x7a: {  	_ =	shalt  }
0x7b: {  	_ =	shalt  }
0x7c: {  	_ =	shalt  }
0x7d: {  	_ =	shalt  }
0x7e: {  	_ =	shalt  }
0x7f: {  	_ =	shalt  }
0x80: {  	_ =	shalt  }
0x81: {  	_ =	shalt  }
0x82: {  	_ =	shalt  }
0x83: {  	_ =	shalt  }
0x84: {  	_ =	shalt  }
0x85: {  	_ =	shalt  }
0x86: {  	_ =	shalt  }
0x87: {  	_ =	shalt  }
.Lfunc_end0:
.L_simem_size_0:
called_computation.1_lowered:
.L_overlay_start_0:
0x88: {  	s2 =	sld [smem:$0x3FD9]  }
0x89: {  	s3 =	sld [smem:$0x3FFE];
	_ =	sdelay $0x1  }
0x8a: {  	s1 =	srdreg.scid  }
0x8b: {  	s0 =	sand.u32 $0x1, s1  }
0x8c: {  	s17 =	sshll.u32 s0, $0xA;
	s2 =	sadd.s32 s3, s2  }
0x8d: {  	s2 =	sadd.s32 s2, s17  }
0x8e: {  	[smem:$0x3FB5] =	sst s2  }
0x8f: {  	_ = 	snop  }
0x90: {  	s2 =	sld [smem:$0x3FD0];
	(tm) =	ssettm $0x1  }
0x91: {  	s18 =	sld [smem:$0x3FFB];
	_ =	sdelay $0x3  }
0x92: {  	_ =	strace s18  }
0x93: {  	s3 =	sld [smem:$0x3FFC];
	_ =	sdelay $0x3  }
0x94: {  	_ =	strace s3  }
0x95: {  	s3 =	sld [smem:$0x3FFD];
	_ =	sdelay $0x3  }
0x96: {  	_ =	strace s3  }
0x97: {  	_ =	strace $0x8FFFFFFF  }
0x98: {  	s19 =	sld [smem:$0x3FDB];
	_ =	sdelay $0x1  }
0x99: {  	s4 =	simm.s32 $_scs_section_size  }
0x9a: {  	s5 =	simm.s32 $_size__tile_overlayer_lowered;
	s6 =	simm.s32 $_tile_overlayer_lowered  }
0x9b: {  	s22 =	simm.s32 $0x1BFF;
	s21 =	sshll.u32 s6, $0x1;
	s3 =	sadd.s32 s4, s19  }
0x9c: {  	s7 =	simm.s32 $0x0;
	s20 =	sshll.u32 s5, $0x1;
	s5 =	sadd.s32 s21, s3  }
0x9d: {  	[timem:s7], [sflag:s22] =	dma.local [hbm:s5], s20  }
0x9e: {  	_ =	swait.ge [sflag:s22], s20  }
0x9f: {  	s4 =	ssub.s32 $0x0, s20;
	[sflag:s22] =	ssyncset.done $0x0  }
0xa0: {  	[sflag:s22] =	ssyncadd.s32 s4;
	_ =	sdelay $0x1  }
0xa1: {  	s23 =	simm.s32 $0x1B8B  }
0xa2: {  	_ =	swait.ge [sflag:s23], $0x1  }
0xa3: {  	[sflag:s23] =	ssyncset.done $0x0  }
0xa4: {  	s25 =	simm.s32 $0x1B8E;
	s24 =	sld [smem:$0x3FFE];
	[sflag:s23] =	ssyncadd.s32 $0xFFFFFFFF  }
0xa5: {  	s26 =	simm.s32 $execute0_lowered;
	[smem:$0x3FD2] =	sst s25  }
0xa6: {  	s5 =	sshll.u32 s26, $0x1;
	_ =	strace $0x80000049;
	[dreg:$0x1] =	wrdreg $0xFFFFFFFF  }
0xa7: {  	s28 =	simm.s32 $_size_execute0_lowered;
	s3 =	sadd.s32 s3, s5;
	[dreg:$0x0] =	wrdreg $0x0  }
0xa8: {  	s5 =	sshll.u32 s28, $0x1;
	[dreg:$0x2] =	wrdreg s3  }
0xa9: {  	[dreg:$0x3] =	wrdreg s5  }
0xaa: {  	[dreg:$0x4] =	wrdreg $0xC0  }
0xab: {  	_ =	task [dreg:s7], $0x5FFFF  }
0xac: {  	[dreg:$0x1] =	wrdreg $0xFFFFFFFF  }
0xad: {  	[dreg:$0x0] =	wrdreg $0x60  }
0xae: {  	[dreg:$0x2] =	wrdreg s24  }
0xaf: {  	[dreg:$0x3] =	wrdreg s2  }
0xb0: {  	[dreg:$0x4] =	wrdreg $0x70800  }
0xb1: {  	[dreg:$0x5] =	wrdreg $0x9  }
0xb2: {  	_ =	task.clear_ibuf [dreg:s7], $0x6FFFF;
	_ =	strace $0x90000049  }
0xb3: {  	s29 =	simm.s32 $0x9;
	_ =	strace $0x8000004B  }
0xb4: {  	_ =	swait.ge [sflag:s29], $0x1  }
0xb5: {  	[sflag:s29] =	ssyncadd.s32 $0xFFFFFFFF  }
0xb6: {  	_ =	strace $0x9000004B  }
0xb7: {  	_ =	sfence  }
0xb8: {  	s30 =	sld [smem:$0x0];
	_ =	sdelay $0x2  }
0xb9: {  	s31 =	sshll.u32 s1, $0xD;
	s1 =	sshrl.u32 s1, $0x2  }
0xba: {  	s3 =	sand.u32 $0x4000, s31;
	s1 =	sadd.s32 s1, s30  }
0xbb: {  	s0 =	sor.u32 s3, s0;
	s1 =	sshll.u32 s1, $0x11  }
0xbc: {  	s0 =	sor.u32 s1, s0  }
0xbd: {  	s0 =	sadd.s32 $0x8F2B, s0  }
0xbe: {  	[sflag:s0] =	ssyncadd.remote.s32 $0x1  }
0xbf: {  	_ =	sfence.sel $0xFFFF  }
0xc0: {  	[dreg:$0x0] =	wrdreg $0xFFFFFFFF;
	(pc) =	sbr.abs _section_cstart, $3  }
0xc1: {  	[dreg:$0x1] =	wrdreg $0xFFFFFFFF  }
0xc2: {  	_ =	task.clear_ibuf [dreg:s7], $0x2FFFF;
	_ =	strace $0x9FFFFFFF  }
0xc3: {  	(tm) =	ssettm $0x7FFFFFFF  }
tec
execute0_lowered:
.L_overlay_start_1:
0x0: {  	(tag) =	ssettag $0x1  }
0x1: {  	s0 =	rddreg [dreg:$0x0]  }
0x2: {  	s3 =	rddreg [dreg:$0x1]  }
0x3: {  	s1 =	rddreg [dreg:$0x2];
	s2 =	simm.s32 $0x0;
	s4 =	srdreg.scid  }
0x4: {  	s14 =	stileid.u32;
	s16 =	simm.s32 $0x190;
	s17 =	simm.s32 $0x1C20  }
0x5: {  	s18 =	simm.s32 $0x1DB0;
	s20 =	simm.s32 $0x320;
	s21 =	simm.s32 $0x3840  }
0x6: {  	s28 =	simm.s32 $0x55F0;
	s29 =	simm.s32 $0x3;
	s30 =	simm.s32 $0x3B60  }
0x7: {  	s31 =	simm.s32 $0x6;
	[smem:$0x7FF] =	sst s2;
	s5 =	sadd.s32 $0x6A00, s0  }
0x8: {  	s6 =	sadd.s32 $0xCA000, s0;
	s7 =	sand.u32 $0x1, s4;
	s9 =	smul.u32 $0x186A0, s14  }
0x9: {  	s4 =	sadd.s32 $0xFC000, s0;
	s10 =	sadd.s32 $0x12E000, s0;
	s12 =	smul.u32 $0x30D40, s14  }
0xa: {  	s0 =	sadd.s32 $0x160000, s0;
	s13 =	sshll.u32 s14, $0x6;
	s25 =	smul.u32 $0x61A8, s14  }
0xb: {  	_ =	strace $0x8000004A;
	s8 =	ssub.s32 $0x2, s7;
	s15 =	sor.u32 $0x1C0D, s13  }
0xc: {  	p0 =	seq.s32 s7, $0x0;
	s11 =	sshrl.u32 s8, $0x1;
	s22 =	sadd.s32 s9, s1  }
0xd: {  	s9 =	sshrl.u32 s9, $0x3;
	s12 =	sshrl.u32 s12, $0x3;
	s0 =	smov.u32 @p0 s10  }
0xe: {  	s4 =	smov.u32 @p0 s6;
	s13 =	sadd.s32 s25, s5;
	s25 =	simm.s32 $0x5  }
0xf: {  	s10 =	simm.s32 $0x8;
	[dreg:$0x5] =	wrdreg s15;
	s3 =	sadd.s32 s3, s9  }
0x10: {  	s8 =	ssub.s32 s8, s11;
	s23 =	sadd.s32 s5, s12;
	[dreg:$0x4] =	wrdreg s3  }
0x11: {  	s0 =	sadd.s32 s0, s9;
	s7 =	sshrl.u32 s22, $0x3;
	[dreg:$0x6] =	wrdreg s23  }
0x12: {  	s11 =	simm.s32 $0xD;
	s22 =	simm.s32 $0x39D0;
	[dreg:$0xb] =	wrdreg s0  }
0x13: {  	s5 =	simm.s32 $0x5780;
	s12 =	sadd.s32 $0x61A80, s23;
	[dreg:$0xc] =	wrdreg s7  }
0x14: {  	s9 =	simm.s32 $0xA;
	s24 =	sadd.s32 $0x32, s23;
	[dreg:$0x7] =	wrdreg s12  }
0x15: {  	s3 =	sadd.s32 $0x61AB2, s23;
	s26 =	smax.u32 s8, $0x1;
	[dreg:$0x8] =	wrdreg s24  }
0x16: {  	s23 =	simm.s32 $0x2;
	s0 =	simm.s32 $0x9;
	[dreg:$0x9] =	wrdreg s3  }
0x17: {  	s8 =	simm.s32 $0x7;
	[dreg:$0xa] =	wrdreg s26;
	s24 =	simm.s32 $0x1F40  }
0x18: {  	s26 =	simm.s32 $0x5460;
	s3 =	simm.s32 $0x4;
	s12 =	simm.s32 $0x0  }
.LBB2_1:
0x19: {  	[dreg:$0xd] =	wrdreg s12  }
0x1a: {  	s6 =	rddreg [dreg:$0x4]  }
0x1b: {  	[spmem:s7], [sflag:s15] =	dma.local [hbm:s6], $0x30D4  }
0x1c: {  	_ =	swait.ge [sflag:s11], $0x30D4  }
0x1d: {  	[sflag:s11] =	ssyncset.done $0x0  }
0x1e: {  	[sflag:s11] =	ssyncadd.s32 $0xFFFFCF2C  }
0x1f: {  	[bflag:$0x0] =	sbarrier.arrive $0xFFFF  }
0x20: {  	s11 =	rddreg [dreg:$0x6]  }
0x21: {  	[tilespmem:s2], [sflag:$0x1] =	stream.linear.gather [hbm4b:s11+s2], $0x190, $0x38;
	[tilespmem:$0x1F720] =	vst v63  }
0x22: {  	s12 =	rddreg [dreg:$0x7]  }
0x23: {  	[tilespmem:s16], [sflag:$0x1] =	stream.linear.gather [hbm4b:s12+s2], $0x190, $0x38;
	[tilespmem:$0x1F720] =	vst v63  }
0x24: {  	s14 =	rddreg [dreg:$0x8]  }
0x25: {  	[tilespmem:s17], [sflag:$0x2] =	stream.linear.gather [hbm4b:s14+s2], $0x190, $0x38;
	[tilespmem:$0x1F720] =	vst v63  }
0x26: {  	s19 =	simm.s32 $0x1;
	s15 =	rddreg [dreg:$0x9]  }
0x27: {  	[tilespmem:s18], [sflag:$0x2] =	stream.linear.gather [hbm4b:s15+s2], $0x190, $0x38;
	[tilespmem:$0x1F720] =	vst v63  }
0x28: {  	_ =	swait.ge [sflag:s19], $0x190  }
0x29: {  	[sflag:s19] =	ssyncset.done $0x0  }
0x2a: {  	[sflag:s19] =	ssyncadd.s32 $0xFFFFFE70  }
0x2b: {  	_ =	swait.ge [sflag:s19], $0x190  }
0x2c: {  	p0 =	por $0x1, $0x1;
	[sflag:s19] =	ssyncset.done $0x0  }
0x2d: {  	s6 =	simm.s32 @!p0 $0xB;
	[sflag:s19] =	ssyncadd.s32 $0xFFFFFE70  }
0x2e: {  	[tilespmem:s20], [sflag:$0x5] =	stream.indirect.gather [hbm4b:s4+s16], $0x10, s2, s16, $0xb8;
	[tilespmem:$0x1F720] =	vst v63  }
0x2f: {  	_ =	swait.ge @!p0 [sflag:s6], $0x1900  }
0x30: {  	s7 =	sadd.s32 $0x0, s13;
	[sflag:s6] =	ssyncset.done @!p0 $0x0  }
0x31: {  	s12 =	sadd.s32 $0x64, s7;
	[sflag:s6] =	ssyncadd.s32 @!p0 $0xFFFFE700  }
0x32: {  	[tilespmem:s21], [sflag:$0x3] =	stream.linear.gather [hbm4b:s12+s2], $0x190, $0x38;
	[tilespmem:$0x1F720] =	vst v63  }
0x33: {  	s14 =	sadd.s32 $0x61AE4, s7  }
0x34: {  	[tilespmem:s22], [sflag:$0x3] =	stream.linear.gather [hbm4b:s14+s2], $0x190, $0x38;
	[tilespmem:$0x1F720] =	vst v63  }
0x35: {  	_ =	swait.ge [sflag:s23], $0x190  }
0x36: {  	[sflag:s23] =	ssyncset.done $0x0  }
0x37: {  	[sflag:s23] =	ssyncadd.s32 $0xFFFFFE70  }
0x38: {  	_ =	swait.ge [sflag:s23], $0x190  }
0x39: {  	[sflag:s23] =	ssyncset.done $0x0  }
0x3a: {  	[sflag:s23] =	ssyncadd.s32 $0xFFFFFE70  }
0x3b: {  	[tilespmem:s24], [sflag:$0x6] =	stream.indirect.gather [hbm4b:s4+s16], $0x10, s17, s16, $0xb8;
	[tilespmem:$0x1F720] =	vst v63  }
0x3c: {  	_ =	swait.ge [sflag:s25], $0x1900  }
0x3d: {  	[sflag:s25] =	ssyncset.done $0x0  }
0x3e: {  	s6 =	simm.s32 @!p0 $0xC;
	[sflag:s25] =	ssyncadd.s32 $0xFFFFE700  }
0x3f: {  	[spmem:s1] =	stream.indirect.scatter.add.f32 [tilespmem:s20], [sflag:$0x9], $0x10, s16, s16, $0xb8;
	[tilespmem:$0x1F720] =	vst v63  }
0x40: {  	_ =	swait.ge @!p0 [sflag:s6], $0x1900  }
0x41: {  	[sflag:s6] =	ssyncset.done @!p0 $0x0  }
0x42: {  	s15 =	sadd.s32 $0x96, s7;
	[sflag:s6] =	ssyncadd.s32 @!p0 $0xFFFFE700  }
0x43: {  	[tilespmem:s26], [sflag:$0x4] =	stream.linear.gather [hbm4b:s15+s2], $0x190, $0x38;
	[tilespmem:$0x1F720] =	vst v63  }
0x44: {  	s19 =	sadd.s32 $0x61B16, s7  }
0x45: {  	[tilespmem:s28], [sflag:$0x4] =	stream.linear.gather [hbm4b:s19+s2], $0x190, $0x38;
	[tilespmem:$0x1F720] =	vst v63  }
0x46: {  	_ =	swait.ge [sflag:s29], $0x190  }
0x47: {  	[sflag:s29] =	ssyncset.done $0x0  }
0x48: {  	[sflag:s29] =	ssyncadd.s32 $0xFFFFFE70  }
0x49: {  	_ =	swait.ge [sflag:s29], $0x190  }
0x4a: {  	[sflag:s29] =	ssyncset.done $0x0  }
0x4b: {  	[sflag:s29] =	ssyncadd.s32 $0xFFFFFE70  }
0x4c: {  	[tilespmem:s30], [sflag:$0x7] =	stream.indirect.gather [hbm4b:s4+s16], $0x10, s21, s16, $0xb8;
	[tilespmem:$0x1F720] =	vst v63  }
0x4d: {  	_ =	swait.ge [sflag:s31], $0x1900  }
0x4e: {  	[sflag:s31] =	ssyncset.done $0x0  }
0x4f: {  	[sflag:s31] =	ssyncadd.s32 $0xFFFFE700  }
0x50: {  	[spmem:s1] =	stream.indirect.scatter.add.f32 [tilespmem:s24], [sflag:$0xA], $0x10, s18, s16, $0xb8;
	[tilespmem:$0x1F720] =	vst v63  }
0x51: {  	p0 =	por $0x0, $0x0;
	_ =	swait.ge [sflag:s0], $0x1900  }
0x52: {  	s6 =	sadd.s32 @!p0 $0x0, s13;
	[sflag:s0] =	ssyncset.done $0x0  }
0x53: {  	s12 =	simm.s32 @!p0 $0x0;
	s11 =	sadd.s32 @!p0 $0xC8, s6;
	[sflag:s0] =	ssyncadd.s32 $0xFFFFE700  }
0x54: {  	[tilespmem:s12], [sflag:$0x1] =	stream.linear.gather @!p0 [hbm4b:s11+s12], $0x190, $0x38;
	[tilespmem:$0x1F720] =	vst v63  }
0x55: {  	s14 =	simm.s32 @!p0 $0x190;
	s11 =	sadd.s32 @!p0 $0x61B48, s6  }
0x56: {  	[tilespmem:s14], [sflag:$0x1] =	stream.linear.gather @!p0 [hbm4b:s11+s12], $0x190, $0x38;
	[tilespmem:$0x1F720] =	vst v63  }
0x57: {  	_ =	swait.ge [sflag:s3], $0x190  }
0x58: {  	[sflag:s3] =	ssyncset.done $0x0  }
0x59: {  	[sflag:s3] =	ssyncadd.s32 $0xFFFFFE70  }
0x5a: {  	_ =	swait.ge [sflag:s3], $0x190  }
0x5b: {  	[sflag:s3] =	ssyncset.done $0x0  }
0x5c: {  	[sflag:s3] =	ssyncadd.s32 $0xFFFFFE70  }
0x5d: {  	[tilespmem:s5], [sflag:$0x8] =	stream.indirect.gather [hbm4b:s4+s16], $0x10, s26, s16, $0xb8;
	[tilespmem:$0x1F720] =	vst v63  }
0x5e: {  	_ =	swait.ge [sflag:s8], $0x1900  }
0x5f: {  	[sflag:s8] =	ssyncset.done $0x0  }
0x60: {  	[sflag:s8] =	ssyncadd.s32 $0xFFFFE700  }
0x61: {  	[spmem:s1] =	stream.indirect.scatter.add.f32 [tilespmem:s30], [sflag:$0xB], $0x10, s22, s16, $0xb8;
	[tilespmem:$0x1F720] =	vst v63  }
0x62: {  	_ =	swait.ge [sflag:s9], $0x1900  }
0x63: {  	[sflag:s9] =	ssyncset.done $0x0  }
0x64: {  	s15 =	simm.s32 @!p0 $0x1C20;
	s11 =	sadd.s32 @!p0 $0xFA, s6;
	[sflag:s9] =	ssyncadd.s32 $0xFFFFE700  }
0x65: {  	[tilespmem:s15], [sflag:$0x2] =	stream.linear.gather @!p0 [hbm4b:s11+s12], $0x190, $0x38;
	[tilespmem:$0x1F720] =	vst v63  }
0x66: {  	s6 =	sadd.s32 @!p0 $0x61B7A, s6;
	s11 =	simm.s32 @!p0 $0x1DB0  }
0x67: {  	[tilespmem:s11], [sflag:$0x2] =	stream.linear.gather @!p0 [hbm4b:s6+s12], $0x190, $0x38;
	[tilespmem:$0x1F720] =	vst v63  }
0x68: {  	s6 =	simm.s32 @!p0 $0x1  }
0x69: {  	_ =	swait.ge @!p0 [sflag:s6], $0x190  }
0x6a: {  	[sflag:s6] =	ssyncset.done @!p0 $0x0  }
0x6b: {  	[sflag:s6] =	ssyncadd.s32 @!p0 $0xFFFFFE70  }
0x6c: {  	_ =	swait.ge @!p0 [sflag:s6], $0x190  }
0x6d: {  	[sflag:s6] =	ssyncset.done @!p0 $0x0  }
0x6e: {  	[sflag:s6] =	ssyncadd.s32 @!p0 $0xFFFFFE70;
	s6 =	simm.s32 @!p0 $0x320  }
0x6f: {  	[tilespmem:s6], [sflag:$0x5] =	stream.indirect.gather @!p0 [hbm4b:s4+s14], $0x10, s12, s14, $0xb8;
	[tilespmem:$0x1F720] =	vst v63  }
0x70: {  	p1 =	por $0x0, $0x0;
	_ =	swait.ge [sflag:s10], $0x1900  }
0x71: {  	s11 =	simm.s32 $0xC8;
	s12 =	simm.s32 $0x190;
	[sflag:s10] =	ssyncset.done $0x0  }
.LBB2_2:
0x72: {  	s14 =	simm.s32 @!p1 $0xB  }
0x73: {  	[sflag:s10] =	ssyncadd.s32 $0xFFFFE700;
	s6 =	smov.u32 s12;
	s12 =	sadd.s32 $0xC8, s12  }
0x74: {  	[spmem:s1] =	stream.indirect.scatter.add.f32 [tilespmem:s5], [sflag:$0xC], $0x10, s28, s16, $0xb8;
	[tilespmem:$0x1F720] =	vst v63  }
0x75: {  	p0 =	sne.s32 s12, $0x61A8;
	_ =	swait.ge @!p1 [sflag:s14], $0x1900  }
0x76: {  	s15 =	sadd.s32 s11, s13;
	[sflag:s14] =	ssyncset.done @!p1 $0x0  }
0x77: {  	[sflag:s14] =	ssyncadd.s32 @!p1 $0xFFFFE700;
	s14 =	sadd.s32 $0x64, s15  }
0x78: {  	[tilespmem:s21], [sflag:$0x3] =	stream.linear.gather [hbm4b:s14+s2], $0x190, $0x38;
	[tilespmem:$0x1F720] =	vst v63  }
0x79: {  	s14 =	sadd.s32 $0x61AE4, s15  }
0x7a: {  	[tilespmem:s22], [sflag:$0x3] =	stream.linear.gather [hbm4b:s14+s2], $0x190, $0x38;
	[tilespmem:$0x1F720] =	vst v63  }
0x7b: {  	_ =	swait.ge [sflag:s23], $0x190  }
0x7c: {  	[sflag:s23] =	ssyncset.done $0x0  }
0x7d: {  	[sflag:s23] =	ssyncadd.s32 $0xFFFFFE70  }
0x7e: {  	_ =	swait.ge [sflag:s23], $0x190  }
0x7f: {  	[sflag:s23] =	ssyncset.done $0x0  }
0x80: {  	[sflag:s23] =	ssyncadd.s32 $0xFFFFFE70  }
0x81: {  	[tilespmem:s24], [sflag:$0x6] =	stream.indirect.gather [hbm4b:s4+s16], $0x10, s17, s16, $0xb8;
	[tilespmem:$0x1F720] =	vst v63  }
0x82: {  	_ =	swait.ge [sflag:s25], $0x1900  }
0x83: {  	[sflag:s25] =	ssyncset.done $0x0  }
0x84: {  	s14 =	simm.s32 @!p1 $0xC;
	[sflag:s25] =	ssyncadd.s32 $0xFFFFE700  }
0x85: {  	[spmem:s1] =	stream.indirect.scatter.add.f32 [tilespmem:s20], [sflag:$0x9], $0x10, s16, s16, $0xb8;
	[tilespmem:$0x1F720] =	vst v63  }
0x86: {  	_ =	swait.ge @!p1 [sflag:s14], $0x1900  }
0x87: {  	[sflag:s14] =	ssyncset.done @!p1 $0x0  }
0x88: {  	[sflag:s14] =	ssyncadd.s32 @!p1 $0xFFFFE700;
	s14 =	sadd.s32 $0x96, s15  }
0x89: {  	[tilespmem:s26], [sflag:$0x4] =	stream.linear.gather [hbm4b:s14+s2], $0x190, $0x38;
	[tilespmem:$0x1F720] =	vst v63  }
0x8a: {  	s14 =	sadd.s32 $0x61B16, s15  }
0x8b: {  	[tilespmem:s28], [sflag:$0x4] =	stream.linear.gather [hbm4b:s14+s2], $0x190, $0x38;
	[tilespmem:$0x1F720] =	vst v63  }
0x8c: {  	_ =	swait.ge [sflag:s29], $0x190  }
0x8d: {  	[sflag:s29] =	ssyncset.done $0x0  }
0x8e: {  	[sflag:s29] =	ssyncadd.s32 $0xFFFFFE70  }
0x8f: {  	_ =	swait.ge [sflag:s29], $0x190  }
0x90: {  	[sflag:s29] =	ssyncset.done $0x0  }
0x91: {  	[sflag:s29] =	ssyncadd.s32 $0xFFFFFE70  }
0x92: {  	[tilespmem:s30], [sflag:$0x7] =	stream.indirect.gather [hbm4b:s4+s16], $0x10, s21, s16, $0xb8;
	[tilespmem:$0x1F720] =	vst v63  }
0x93: {  	_ =	swait.ge [sflag:s31], $0x1900  }
0x94: {  	[sflag:s31] =	ssyncset.done $0x0  }
0x95: {  	[sflag:s31] =	ssyncadd.s32 $0xFFFFE700  }
0x96: {  	[spmem:s1] =	stream.indirect.scatter.add.f32 [tilespmem:s24], [sflag:$0xA], $0x10, s18, s16, $0xb8;
	[tilespmem:$0x1F720] =	vst v63  }
0x97: {  	p1 =	seq.s32 s11, $0x60E0;
	_ =	swait.ge [sflag:s0], $0x1900  }
0x98: {  	s14 =	sadd.s32 @!p1 s11, s13;
	s11 =	smov.u32 s6;
	[sflag:s0] =	ssyncset.done $0x0  }
0x99: {  	s15 =	simm.s32 @!p1 $0x0;
	s6 =	sadd.s32 @!p1 $0xC8, s14;
	[sflag:s0] =	ssyncadd.s32 $0xFFFFE700  }
0x9a: {  	[tilespmem:s15], [sflag:$0x1] =	stream.linear.gather @!p1 [hbm4b:s6+s15], $0x190, $0x38;
	[tilespmem:$0x1F720] =	vst v63  }
0x9b: {  	s19 =	simm.s32 @!p1 $0x190;
	s7 =	sadd.s32 @!p1 $0xFA, s14;
	s6 =	sadd.s32 @!p1 $0x61B48, s14  }
0x9c: {  	[tilespmem:s19], [sflag:$0x1] =	stream.linear.gather @!p1 [hbm4b:s6+s15], $0x190, $0x38;
	[tilespmem:$0x1F720] =	vst v63  }
0x9d: {  	s6 =	sadd.s32 @!p1 $0x61B7A, s14;
	_ =	swait.ge [sflag:s3], $0x190  }
0x9e: {  	[sflag:s3] =	ssyncset.done $0x0  }
0x9f: {  	[sflag:s3] =	ssyncadd.s32 $0xFFFFFE70  }
0xa0: {  	_ =	swait.ge [sflag:s3], $0x190  }
0xa1: {  	[sflag:s3] =	ssyncset.done $0x0  }
0xa2: {  	[sflag:s3] =	ssyncadd.s32 $0xFFFFFE70  }
0xa3: {  	[tilespmem:s5], [sflag:$0x8] =	stream.indirect.gather [hbm4b:s4+s16], $0x10, s26, s16, $0xb8;
	[tilespmem:$0x1F720] =	vst v63  }
0xa4: {  	_ =	swait.ge [sflag:s8], $0x1900  }
0xa5: {  	[sflag:s8] =	ssyncset.done $0x0  }
0xa6: {  	[sflag:s8] =	ssyncadd.s32 $0xFFFFE700  }
0xa7: {  	[spmem:s1] =	stream.indirect.scatter.add.f32 [tilespmem:s30], [sflag:$0xB], $0x10, s22, s16, $0xb8;
	[tilespmem:$0x1F720] =	vst v63  }
0xa8: {  	_ =	swait.ge [sflag:s9], $0x1900  }
0xa9: {  	[sflag:s9] =	ssyncset.done $0x0  }
0xaa: {  	s14 =	simm.s32 @!p1 $0x1C20;
	[sflag:s9] =	ssyncadd.s32 $0xFFFFE700  }
0xab: {  	[tilespmem:s14], [sflag:$0x2] =	stream.linear.gather @!p1 [hbm4b:s7+s15], $0x190, $0x38;
	[tilespmem:$0x1F720] =	vst v63  }
0xac: {  	s7 =	simm.s32 @!p1 $0x1DB0;
	s14 =	simm.s32 @!p1 $0x1  }
0xad: {  	[tilespmem:s7], [sflag:$0x2] =	stream.linear.gather @!p1 [hbm4b:s6+s15], $0x190, $0x38;
	[tilespmem:$0x1F720] =	vst v63  }
0xae: {  	_ =	swait.ge @!p1 [sflag:s14], $0x190  }
0xaf: {  	[sflag:s14] =	ssyncset.done @!p1 $0x0  }
0xb0: {  	[sflag:s14] =	ssyncadd.s32 @!p1 $0xFFFFFE70  }
0xb1: {  	_ =	swait.ge @!p1 [sflag:s14], $0x190  }
.Ltmp0:
0xb2: {  	[sflag:s14] =	ssyncset.done @!p1 $0x0;
	(pc) =	sbr.rel @p0 .LBB2_2-.Ltmp0, $4  }
0xb3: {  	s6 =	simm.s32 @!p1 $0x320;
	[sflag:s14] =	ssyncadd.s32 @!p1 $0xFFFFFE70  }
0xb4: {  	[tilespmem:s6], [sflag:$0x5] =	stream.indirect.gather @!p1 [hbm4b:s4+s19], $0x10, s15, s19, $0xb8;
	[tilespmem:$0x1F720] =	vst v63  }
0xb5: {  	_ =	swait.ge [sflag:s10], $0x1900  }
0xb6: {  	p1 =	seq.s32 s11, $0x0;
	[sflag:s10] =	ssyncset.done $0x0  }
0xb7: {  	s6 =	simm.s32 @!p1 $0xB;
	[sflag:s10] =	ssyncadd.s32 $0xFFFFE700  }
0xb8: {  	[spmem:s1] =	stream.indirect.scatter.add.f32 [tilespmem:s5], [sflag:$0xC], $0x10, s28, s16, $0xb8;
	[tilespmem:$0x1F720] =	vst v63  }
0xb9: {  	_ =	swait.ge @!p1 [sflag:s6], $0x1900  }
0xba: {  	s7 =	sadd.s32 s11, s13;
	[sflag:s6] =	ssyncset.done @!p1 $0x0  }
0xbb: {  	s12 =	sadd.s32 $0x64, s7;
	[sflag:s6] =	ssyncadd.s32 @!p1 $0xFFFFE700  }
0xbc: {  	[tilespmem:s21], [sflag:$0x3] =	stream.linear.gather [hbm4b:s12+s2], $0x190, $0x38;
	[tilespmem:$0x1F720] =	vst v63  }
0xbd: {  	s14 =	sadd.s32 $0x61AE4, s7  }
0xbe: {  	[tilespmem:s22], [sflag:$0x3] =	stream.linear.gather [hbm4b:s14+s2], $0x190, $0x38;
	[tilespmem:$0x1F720] =	vst v63  }
0xbf: {  	_ =	swait.ge [sflag:s23], $0x190  }
0xc0: {  	[sflag:s23] =	ssyncset.done $0x0  }
0xc1: {  	[sflag:s23] =	ssyncadd.s32 $0xFFFFFE70  }
0xc2: {  	_ =	swait.ge [sflag:s23], $0x190  }
0xc3: {  	[sflag:s23] =	ssyncset.done $0x0  }
0xc4: {  	[sflag:s23] =	ssyncadd.s32 $0xFFFFFE70  }
0xc5: {  	[tilespmem:s24], [sflag:$0x6] =	stream.indirect.gather [hbm4b:s4+s16], $0x10, s17, s16, $0xb8;
	[tilespmem:$0x1F720] =	vst v63  }
0xc6: {  	_ =	swait.ge [sflag:s25], $0x1900  }
0xc7: {  	[sflag:s25] =	ssyncset.done $0x0  }
0xc8: {  	s6 =	simm.s32 @!p1 $0xC;
	[sflag:s25] =	ssyncadd.s32 $0xFFFFE700  }
0xc9: {  	[spmem:s1] =	stream.indirect.scatter.add.f32 [tilespmem:s20], [sflag:$0x9], $0x10, s16, s16, $0xb8;
	[tilespmem:$0x1F720] =	vst v63  }
0xca: {  	_ =	swait.ge @!p1 [sflag:s6], $0x1900  }
0xcb: {  	[sflag:s6] =	ssyncset.done @!p1 $0x0  }
0xcc: {  	s15 =	sadd.s32 $0x96, s7;
	[sflag:s6] =	ssyncadd.s32 @!p1 $0xFFFFE700  }
0xcd: {  	[tilespmem:s26], [sflag:$0x4] =	stream.linear.gather [hbm4b:s15+s2], $0x190, $0x38;
	[tilespmem:$0x1F720] =	vst v63  }
0xce: {  	s19 =	sadd.s32 $0x61B16, s7  }
0xcf: {  	[tilespmem:s28], [sflag:$0x4] =	stream.linear.gather [hbm4b:s19+s2], $0x190, $0x38;
	[tilespmem:$0x1F720] =	vst v63  }
0xd0: {  	_ =	swait.ge [sflag:s29], $0x190  }
0xd1: {  	[sflag:s29] =	ssyncset.done $0x0  }
0xd2: {  	[sflag:s29] =	ssyncadd.s32 $0xFFFFFE70  }
0xd3: {  	_ =	swait.ge [sflag:s29], $0x190  }
0xd4: {  	[sflag:s29] =	ssyncset.done $0x0  }
0xd5: {  	[sflag:s29] =	ssyncadd.s32 $0xFFFFFE70  }
0xd6: {  	[tilespmem:s30], [sflag:$0x7] =	stream.indirect.gather [hbm4b:s4+s16], $0x10, s21, s16, $0xb8;
	[tilespmem:$0x1F720] =	vst v63  }
0xd7: {  	_ =	swait.ge [sflag:s31], $0x1900  }
0xd8: {  	[sflag:s31] =	ssyncset.done $0x0  }
0xd9: {  	[sflag:s31] =	ssyncadd.s32 $0xFFFFE700  }
0xda: {  	[spmem:s1] =	stream.indirect.scatter.add.f32 [tilespmem:s24], [sflag:$0xA], $0x10, s18, s16, $0xb8;
	[tilespmem:$0x1F720] =	vst v63  }
0xdb: {  	p0 =	seq.s32 s11, $0x60E0;
	_ =	swait.ge [sflag:s0], $0x1900  }
0xdc: {  	s6 =	sadd.s32 @!p0 s11, s13;
	[sflag:s0] =	ssyncset.done $0x0  }
0xdd: {  	s11 =	simm.s32 @!p0 $0x0;
	s7 =	sadd.s32 @!p0 $0xC8, s6;
	[sflag:s0] =	ssyncadd.s32 $0xFFFFE700  }
0xde: {  	[tilespmem:s11], [sflag:$0x1] =	stream.linear.gather @!p0 [hbm4b:s7+s11], $0x190, $0x38;
	[tilespmem:$0x1F720] =	vst v63  }
0xdf: {  	s12 =	simm.s32 @!p0 $0x190;
	s7 =	sadd.s32 @!p0 $0x61B48, s6  }
0xe0: {  	[tilespmem:s12], [sflag:$0x1] =	stream.linear.gather @!p0 [hbm4b:s7+s11], $0x190, $0x38;
	[tilespmem:$0x1F720] =	vst v63  }
0xe1: {  	_ =	swait.ge [sflag:s3], $0x190  }
0xe2: {  	[sflag:s3] =	ssyncset.done $0x0  }
0xe3: {  	[sflag:s3] =	ssyncadd.s32 $0xFFFFFE70  }
0xe4: {  	_ =	swait.ge [sflag:s3], $0x190  }
0xe5: {  	[sflag:s3] =	ssyncset.done $0x0  }
0xe6: {  	[sflag:s3] =	ssyncadd.s32 $0xFFFFFE70  }
0xe7: {  	[tilespmem:s5], [sflag:$0x8] =	stream.indirect.gather [hbm4b:s4+s16], $0x10, s26, s16, $0xb8;
	[tilespmem:$0x1F720] =	vst v63  }
0xe8: {  	_ =	swait.ge [sflag:s8], $0x1900  }
0xe9: {  	[sflag:s8] =	ssyncset.done $0x0  }
0xea: {  	[sflag:s8] =	ssyncadd.s32 $0xFFFFE700  }
0xeb: {  	[spmem:s1] =	stream.indirect.scatter.add.f32 [tilespmem:s30], [sflag:$0xB], $0x10, s22, s16, $0xb8;
	[tilespmem:$0x1F720] =	vst v63  }
0xec: {  	_ =	swait.ge [sflag:s9], $0x1900  }
0xed: {  	[sflag:s9] =	ssyncset.done $0x0  }
0xee: {  	s14 =	simm.s32 @!p0 $0x1C20;
	s7 =	sadd.s32 @!p0 $0xFA, s6;
	[sflag:s9] =	ssyncadd.s32 $0xFFFFE700  }
0xef: {  	[tilespmem:s14], [sflag:$0x2] =	stream.linear.gather @!p0 [hbm4b:s7+s11], $0x190, $0x38;
	[tilespmem:$0x1F720] =	vst v63  }
0xf0: {  	s6 =	sadd.s32 @!p0 $0x61B7A, s6;
	s7 =	simm.s32 @!p0 $0x1DB0  }
0xf1: {  	[tilespmem:s7], [sflag:$0x2] =	stream.linear.gather @!p0 [hbm4b:s6+s11], $0x190, $0x38;
	[tilespmem:$0x1F720] =	vst v63  }
0xf2: {  	s6 =	simm.s32 @!p0 $0x1  }
0xf3: {  	_ =	swait.ge @!p0 [sflag:s6], $0x190  }
0xf4: {  	[sflag:s6] =	ssyncset.done @!p0 $0x0  }
0xf5: {  	[sflag:s6] =	ssyncadd.s32 @!p0 $0xFFFFFE70  }
0xf6: {  	_ =	swait.ge @!p0 [sflag:s6], $0x190  }
0xf7: {  	[sflag:s6] =	ssyncset.done @!p0 $0x0  }
0xf8: {  	[sflag:s6] =	ssyncadd.s32 @!p0 $0xFFFFFE70;
	s6 =	simm.s32 @!p0 $0x320  }
0xf9: {  	[tilespmem:s6], [sflag:$0x5] =	stream.indirect.gather @!p0 [hbm4b:s4+s12], $0x10, s11, s12, $0xb8;
	[tilespmem:$0x1F720] =	vst v63  }
0xfa: {  	_ =	swait.ge [sflag:s10], $0x1900  }
0xfb: {  	[sflag:s10] =	ssyncset.done $0x0  }
0xfc: {  	s7 =	simm.s32 $0xB;
	[sflag:s10] =	ssyncadd.s32 $0xFFFFE700  }
0xfd: {  	[spmem:s1] =	stream.indirect.scatter.add.f32 [tilespmem:s5], [sflag:$0xC], $0x10, s28, s16, $0xb8;
	[tilespmem:$0x1F720] =	vst v63  }
0xfe: {  	_ =	swait.ge [sflag:s7], $0x1900  }
0xff: {  	[sflag:s7] =	ssyncset.done $0x0  }
0x100: {  	s11 =	simm.s32 $0xC;
	[sflag:s7] =	ssyncadd.s32 $0xFFFFE700  }
0x101: {  	_ =	swait.ge [sflag:s11], $0x1900  }
0x102: {  	[sflag:s11] =	ssyncset.done $0x0  }
0x103: {  	[sflag:s11] =	ssyncadd.s32 $0xFFFFE700  }
0x104: {  	[bflag:$0x0] =	sbarrier.arrive $0xFFFF  }
0x105: {  	s15 =	rddreg [dreg:$0x5]  }
0x106: {  	s12 =	rddreg [dreg:$0xb]  }
0x107: {  	s11 =	simm.s32 $0xD;
	s7 =	rddreg [dreg:$0xc]  }
0x108: {  	[hbm:s12], [sflag:s15] =	dma.local [spmem:s7], $0x30D4  }
0x109: {  	_ =	swait.ge [sflag:s11], $0x30D4  }
0x10a: {  	s14 =	rddreg [dreg:$0xd]  }
0x10b: {  	s19 =	rddreg [dreg:$0xa];
	s12 =	sadd.s32 $0x1, s14  }
0x10c: {  	p0 =	sne.s32 s12, s19  }
.Ltmp1:
0x10d: {  	_ = 	snop;
	(pc) =	sbr.rel @p0 .LBB2_1-.Ltmp1, $3  }
0x10e: {  	_ =	sdelay $0x1  }
0x10f: {  	[sflag:s11] =	ssyncset.done $0x0  }
0x110: {  	[sflag:s11] =	ssyncadd.s32 $0xFFFFCF2C  }
0x111: {  	_ =	sfence.sel $0x180000  }
0x112: {  	[bflag:$0x0] =	sbarrier.arrive $0xFFFF  }
0x113: {  	_ =	strace $0x9000004A  }
0x114: {  	s0 =	stileid.u32;
	[bflag:$0x2] =	sbarrier.arrive $0xFFFF  }
0x115: {  	p0 =	sne.s32 s0, $0x0;
	s0 =	rddreg [dreg:$0x3]  }
0x116: {  	s0 =	sadd.s32 @!p0 $0x100000, s0  }
0x117: {  	[sflag:s0] =	ssyncadd.tile.s32 @!p0 $0x1;
	_ =	shalt  }
.Lfunc_end2:
_tile_overlayer_lowered:
.L_overlay_start_2:
0x118: {  	(tag) =	ssettag $0x2  }
0x119: {  	s0 =	rddreg [dreg:$0x0];
	s2 =	stileid.u32  }
0x11a: {  	s1 =	rddreg [dreg:$0x1];
	p0 =	sne.s32 s2, $0x0  }
0x11b: {  	s3 =	rddreg [dreg:$0x2];
	[bflag:$0x3] =	sbarrier.arrive $0xFFFF;
	s2 =	simm.s32 @!p0 $0x1C0D  }
0x11c: {  	[timem:s3], [sflag:s2] =	dma.local @!p0 [hbm:s0], s1  }
0x11d: {  	s0 =	simm.s32 @!p0 $0xD  }
0x11e: {  	_ =	swait.ge @!p0 [sflag:s0], s1  }
0x11f: {  	s1 =	ssub.s32 @!p0 $0x0, s1;
	[sflag:s0] =	ssyncset.done @!p0 $0x0  }
0x120: {  	[sflag:s0] =	ssyncadd.s32 @!p0 s1  }
0x121: {  	[bflag:$0x3] =	sbarrier.arrive $0xFFFF  }
0x122: {  	_ =	shalt  }

// kernel: kernel.16.cloned.1.call-start
scs
__scs_entry_jumppad:
0x0: {  	(pc) =	sbr.rel $0x88, $3  }
0x1: {  	(tag) =	ssettag $0x0;
	lr =	simm.s32 $0x1  }
0x2: {  	[smem:$0x3F8E] =	sst lr;
	_ =	strace $0xD0000000  }
0x3: {  	_ = 	snop  }
0x4: {  	_ = 	snop  }
0x5: {  	_ = 	snop  }
0x6: {  	_ = 	snop  }
0x7: {  	_ = 	snop  }
__scs_overlays_trampoline_lowered:
0x8: {  	[smem:$0x3F9D] =	sst s0  }
0x9: {  	[smem:$0x3F9E] =	sst s1  }
0xa: {  	[smem:$0x3F9F] =	sst s2  }
0xb: {  	[smem:$0x3FA0] =	sst s3  }
0xc: {  	[smem:$0x3FA1] =	sst s4  }
0xd: {  	[smem:$0x3FA2] =	sst s5  }
0xe: {  	[smem:$0x3FA3] =	sst s6  }
0xf: {  	[smem:$0x3FA4] =	sst s7  }
0x10: {  	[smem:$0x3FA5] =	sst s8  }
0x11: {  	[smem:$0x3FA6] =	sst s9;
	s0 =	simm.s32 @!p0 $0x0  }
0x12: {  	s1 =	sld [smem:$0x3F8C];
	s0 =	simm.s32 @p0 $0x1  }
0x13: {  	[smem:$0x3FA7] =	sst s0;
	s0 =	simm.s32 @!p1 $0x0  }
0x14: {  	s2 =	sld [smem:$0x3F8B];
	s0 =	simm.s32 @p1 $0x1  }
0x15: {  	[smem:$0x3FA8] =	sst s0;
	s0 =	simm.s32 @!p2 $0x0  }
0x16: {  	s3 =	sld [smem:$0x3FDB];
	s0 =	simm.s32 @p2 $0x1  }
0x17: {  	s4 =	simm.s32 $0x1BF5;
	[smem:$0x3FAA] =	sst s0  }
0x18: {  	s0 =	sld [smem:$0x3F8D];
	_ =	swait.ge [sflag:s4], $0x0  }
0x19: {  	s7 =	sld [smem:$0x3F8E]  }
0x1a: {  	s8 =	sadd.s32 $0xFFFFE003, lr  }
0x1b: {  	s9 =	sadd.s32 $0xFFFFFEF7, lr;
	s5 =	simm.s32 $0xFFFFFFFF;
	p2 =	slt.u32 s8, $0xFFFFF086  }
0x1c: {  	p1 =	slt.u32 s9, $0xF7A;
	s5 =	simm.s32 @!p2 $0x0  }
0x1d: {  	s5 =	simm.s32 @p1 $0x1;
	p0 =	seq.s32 s7, s2  }
0x1e: {  	s7 =	smul.u32 @!p0 $0xF7A, s2;
	p2 =	seq.s32 @!p0 s5, $0x0  }
0x1f: {  	s9 =	smul.u32 $0xF7A, s1;
	s8 =	simm.s32 @!p0 $0x1BF5;
	p2 =	por !p2, p0  }
0x20: {  	[sflag:s8] =	ssyncset.s32 @!p0 $0xFFFFF086;
	s6 =	sadd.s32 @!p0 s3, s7;
	s7 =	simm.s32 @!p0 $0x108  }
0x21: {  	s3 =	sadd.s32 s3, s9;
	s6 =	sadd.s32 @!p0 $0x88, s6;
	s7 =	simm.s32 @p2 $0x1082  }
0x22: {  	[simem:s7], [sflag:s8] =	dma.local @!p0 [hbm:s6], $0xF7A  }
0x23: {  	s9 =	sor.u32 $0xD0000000, s2;
	s6 =	simm.s32 $0x108;
	_ =	swait.ge @!p0 [sflag:s8], $0x0  }
0x24: {  	s3 =	sadd.s32 $0x88, s3;
	s6 =	simm.s32 @!p1 $0x1082;
	[sflag:s4] =	ssyncset.s32 $0xFFFFF086  }
0x25: {  	[simem:s6], [sflag:s4] =	dma.local [hbm:s3], $0xF7A  }
0x26: {  	[smem:$0x3F8E] =	sst s1;
	(tag) =	ssettag s2;
	_ =	strace s9  }
0x27: {  	s1 =	sld [smem:$0x3F9E]  }
0x28: {  	s2 =	sld [smem:$0x3F9F]  }
0x29: {  	s4 =	sld [smem:$0x3FA1]  }
0x2a: {  	p0 =	seq.s32 s5, $0x0;
	s5 =	sld [smem:$0x3FA2]  }
0x2b: {  	s6 =	sld [smem:$0x3FA3]  }
0x2c: {  	s7 =	sld [smem:$0x3FA4]  }
0x2d: {  	s3 =	simm.s32 $0x108;
	s8 =	sld [smem:$0x3FA5]  }
0x2e: {  	s3 =	simm.s32 @!p0 $0x1082;
	s9 =	sld [smem:$0x3FA6]  }
0x2f: {  	lr =	sadd.s32 s0, s3;
	s0 =	sld [smem:$0x3F9D]  }
0x30: {  	s3 =	sld [smem:$0x3FA0]  }
0x31: {  	[smem:$0x3FA9] =	sst s10  }
0x32: {  	s10 =	sld [smem:$0x3FA7];
	_ =	sdelay $0x3  }
0x33: {  	p0 =	seq.s32 s10, $0x1;
	s10 =	sld [smem:$0x3FA9];
	_ =	sdelay $0x3  }
0x34: {  	[smem:$0x3FA9] =	sst s10  }
0x35: {  	s10 =	sld [smem:$0x3FA8];
	_ =	sdelay $0x3  }
0x36: {  	p1 =	seq.s32 s10, $0x1;
	s10 =	sld [smem:$0x3FA9];
	_ =	sdelay $0x3  }
0x37: {  	[smem:$0x3FA9] =	sst s10  }
0x38: {  	s10 =	sld [smem:$0x3FAA]  }
0x39: {  	_ = 	snop;
	(pc) =	sbr.ind lr, $3  }
0x3a: {  	_ = 	snop  }
0x3b: {  	_ = 	snop  }
0x3c: {  	p2 =	seq.s32 s10, $0x1;
	s10 =	sld [smem:$0x3FA9]  }
0x3d: {  	_ =	shalt  }
0x3e: {  	_ =	shalt  }
0x3f: {  	_ =	shalt  }
0x40: {  	_ =	shalt  }
0x41: {  	_ =	shalt  }
0x42: {  	_ =	shalt  }
0x43: {  	_ =	shalt  }
0x44: {  	_ =	shalt  }
0x45: {  	_ =	shalt  }
0x46: {  	_ =	shalt  }
0x47: {  	_ =	shalt  }
0x48: {  	_ =	shalt  }
0x49: {  	_ =	shalt  }
0x4a: {  	_ =	shalt  }
0x4b: {  	_ =	shalt  }
0x4c: {  	_ =	shalt  }
0x4d: {  	_ =	shalt  }
0x4e: {  	_ =	shalt  }
0x4f: {  	_ =	shalt  }
0x50: {  	_ =	shalt  }
0x51: {  	_ =	shalt  }
0x52: {  	_ =	shalt  }
0x53: {  	_ =	shalt  }
0x54: {  	_ =	shalt  }
0x55: {  	_ =	shalt  }
0x56: {  	_ =	shalt  }
0x57: {  	_ =	shalt  }
0x58: {  	_ =	shalt  }
0x59: {  	_ =	shalt  }
0x5a: {  	_ =	shalt  }
0x5b: {  	_ =	shalt  }
0x5c: {  	_ =	shalt  }
0x5d: {  	_ =	shalt  }
0x5e: {  	_ =	shalt  }
0x5f: {  	_ =	shalt  }
0x60: {  	_ =	shalt  }
0x61: {  	_ =	shalt  }
0x62: {  	_ =	shalt  }
0x63: {  	_ =	shalt  }
0x64: {  	_ =	shalt  }
0x65: {  	_ =	shalt  }
0x66: {  	_ =	shalt  }
0x67: {  	_ =	shalt  }
0x68: {  	_ =	shalt  }
0x69: {  	_ =	shalt  }
0x6a: {  	_ =	shalt  }
0x6b: {  	_ =	shalt  }
0x6c: {  	_ =	shalt  }
0x6d: {  	_ =	shalt  }
0x6e: {  	_ =	shalt  }
0x6f: {  	_ =	shalt  }
0x70: {  	_ =	shalt  }
0x71: {  	_ =	shalt  }
0x72: {  	_ =	shalt  }
0x73: {  	_ =	shalt  }
0x74: {  	_ =	shalt  }
0x75: {  	_ =	shalt  }
0x76: {  	_ =	shalt  }
0x77: {  	_ =	shalt  }
0x78: {  	_ =	shalt  }
0x79: {  	_ =	shalt  }
0x7a: {  	_ =	shalt  }
0x7b: {  	_ =	shalt  }
0x7c: {  	_ =	shalt  }
0x7d: {  	_ =	shalt  }
0x7e: {  	_ =	shalt  }
0x7f: {  	_ =	shalt  }
0x80: {  	_ =	shalt  }
0x81: {  	_ =	shalt  }
0x82: {  	_ =	shalt  }
0x83: {  	_ =	shalt  }
0x84: {  	_ =	shalt  }
0x85: {  	_ =	shalt  }
0x86: {  	_ =	shalt  }
0x87: {  	_ =	shalt  }
.Lfunc_end0:
.L_simem_size_0:
called_computation.2_lowered:
.L_overlay_start_0:
0x88: {  	s2 =	sld [smem:$0x3FD9]  }
0x89: {  	s3 =	sld [smem:$0x3FFE];
	_ =	sdelay $0x1  }
0x8a: {  	s1 =	srdreg.scid  }
0x8b: {  	s0 =	sand.u32 $0x1, s1  }
0x8c: {  	s17 =	sshll.u32 s0, $0xA;
	s2 =	sadd.s32 s3, s2  }
0x8d: {  	s2 =	sadd.s32 s2, s17  }
0x8e: {  	[smem:$0x3FB5] =	sst s2  }
0x8f: {  	_ = 	snop  }
0x90: {  	s2 =	sld [smem:$0x3FD0];
	(tm) =	ssettm $0x1  }
0x91: {  	s18 =	sld [smem:$0x3FFB];
	_ =	sdelay $0x3  }
0x92: {  	_ =	strace s18  }
0x93: {  	s3 =	sld [smem:$0x3FFC];
	_ =	sdelay $0x3  }
0x94: {  	_ =	strace s3  }
0x95: {  	s3 =	sld [smem:$0x3FFD];
	_ =	sdelay $0x3  }
0x96: {  	_ =	strace s3  }
0x97: {  	_ =	strace $0x8FFFFFFF  }
0x98: {  	s19 =	sld [smem:$0x3FDB];
	_ =	sdelay $0x1  }
0x99: {  	s4 =	simm.s32 $_scs_section_size  }
0x9a: {  	s5 =	simm.s32 $_size__tile_overlayer_lowered;
	s6 =	simm.s32 $_tile_overlayer_lowered  }
0x9b: {  	s22 =	simm.s32 $0x1BFF;
	s21 =	sshll.u32 s6, $0x1;
	s3 =	sadd.s32 s4, s19  }
0x9c: {  	s7 =	simm.s32 $0x0;
	s20 =	sshll.u32 s5, $0x1;
	s5 =	sadd.s32 s21, s3  }
0x9d: {  	[timem:s7], [sflag:s22] =	dma.local [hbm:s5], s20  }
0x9e: {  	_ =	swait.ge [sflag:s22], s20  }
0x9f: {  	s4 =	ssub.s32 $0x0, s20;
	[sflag:s22] =	ssyncset.done $0x0  }
0xa0: {  	[sflag:s22] =	ssyncadd.s32 s4;
	_ =	sdelay $0x1  }
0xa1: {  	s23 =	simm.s32 $0x1B8B  }
0xa2: {  	_ =	swait.ge [sflag:s23], $0x1  }
0xa3: {  	[sflag:s23] =	ssyncset.done $0x0  }
0xa4: {  	s25 =	simm.s32 $0x1B8E;
	s24 =	sld [smem:$0x3FFE];
	[sflag:s23] =	ssyncadd.s32 $0xFFFFFFFF  }
0xa5: {  	s26 =	simm.s32 $execute0_lowered;
	[smem:$0x3FD2] =	sst s25  }
0xa6: {  	s5 =	sshll.u32 s26, $0x1;
	_ =	strace $0x8000004C;
	[dreg:$0x1] =	wrdreg $0xFFFFFFFF  }
0xa7: {  	s28 =	simm.s32 $_size_execute0_lowered;
	s3 =	sadd.s32 s3, s5;
	[dreg:$0x0] =	wrdreg $0x0  }
0xa8: {  	s5 =	sshll.u32 s28, $0x1;
	[dreg:$0x2] =	wrdreg s3  }
0xa9: {  	[dreg:$0x3] =	wrdreg s5  }
0xaa: {  	[dreg:$0x4] =	wrdreg $0xC0  }
0xab: {  	_ =	task [dreg:s7], $0x5FFFF  }
0xac: {  	[dreg:$0x1] =	wrdreg $0xFFFFFFFF  }
0xad: {  	[dreg:$0x0] =	wrdreg $0x60  }
0xae: {  	[dreg:$0x2] =	wrdreg s24  }
0xaf: {  	[dreg:$0x3] =	wrdreg s2  }
0xb0: {  	[dreg:$0x4] =	wrdreg $0x70800  }
0xb1: {  	[dreg:$0x5] =	wrdreg $0x9  }
0xb2: {  	_ =	task.clear_ibuf [dreg:s7], $0x6FFFF;
	_ =	strace $0x9000004C  }
0xb3: {  	s29 =	simm.s32 $0x9;
	_ =	strace $0x8000004E  }
0xb4: {  	_ =	swait.ge [sflag:s29], $0x1  }
0xb5: {  	[sflag:s29] =	ssyncadd.s32 $0xFFFFFFFF  }
0xb6: {  	_ =	strace $0x9000004E  }
0xb7: {  	_ =	sfence  }
0xb8: {  	s30 =	sld [smem:$0x0];
	_ =	sdelay $0x2  }
0xb9: {  	s31 =	sshll.u32 s1, $0xD;
	s1 =	sshrl.u32 s1, $0x2  }
0xba: {  	s3 =	sand.u32 $0x4000, s31;
	s1 =	sadd.s32 s1, s30  }
0xbb: {  	s0 =	sor.u32 s3, s0;
	s1 =	sshll.u32 s1, $0x11  }
0xbc: {  	s0 =	sor.u32 s1, s0  }
0xbd: {  	s0 =	sadd.s32 $0x8F2B, s0  }
0xbe: {  	[sflag:s0] =	ssyncadd.remote.s32 $0x1  }
0xbf: {  	_ =	sfence.sel $0xFFFF  }
0xc0: {  	[dreg:$0x0] =	wrdreg $0xFFFFFFFF;
	(pc) =	sbr.abs _section_cstart, $3  }
0xc1: {  	[dreg:$0x1] =	wrdreg $0xFFFFFFFF  }
0xc2: {  	_ =	task.clear_ibuf [dreg:s7], $0x2FFFF;
	_ =	strace $0x9FFFFFFF  }
0xc3: {  	(tm) =	ssettm $0x7FFFFFFF  }
tec
execute0_lowered:
.L_overlay_start_1:
0x0: {  	(tag) =	ssettag $0x1  }
0x1: {  	s0 =	rddreg [dreg:$0x0]  }
0x2: {  	s3 =	rddreg [dreg:$0x1]  }
0x3: {  	s1 =	rddreg [dreg:$0x2];
	s2 =	simm.s32 $0x0;
	s4 =	srdreg.scid  }
0x4: {  	s14 =	stileid.u32;
	s16 =	simm.s32 $0x190;
	s17 =	simm.s32 $0x1C20  }
0x5: {  	s18 =	simm.s32 $0x1DB0;
	s20 =	simm.s32 $0x320;
	s21 =	simm.s32 $0x3840  }
0x6: {  	s28 =	simm.s32 $0x55F0;
	s29 =	simm.s32 $0x3;
	s30 =	simm.s32 $0x3B60  }
0x7: {  	s31 =	simm.s32 $0x6;
	[smem:$0x7FF] =	sst s2;
	s5 =	sadd.s32 $0x6A00, s0  }
0x8: {  	s6 =	sadd.s32 $0xCA000, s0;
	s7 =	sand.u32 $0x1, s4;
	s9 =	smul.u32 $0x186A0, s14  }
0x9: {  	s4 =	sadd.s32 $0xFC000, s0;
	s10 =	sadd.s32 $0x12E000, s0;
	s12 =	smul.u32 $0x30D40, s14  }
0xa: {  	s0 =	sadd.s32 $0x160000, s0;
	s13 =	sshll.u32 s14, $0x6;
	s25 =	smul.u32 $0x61A8, s14  }
0xb: {  	_ =	strace $0x8000004D;
	s8 =	ssub.s32 $0x2, s7;
	s15 =	sor.u32 $0x1C0D, s13  }
0xc: {  	p0 =	seq.s32 s7, $0x0;
	s11 =	sshrl.u32 s8, $0x1;
	s22 =	sadd.s32 s9, s1  }
0xd: {  	s9 =	sshrl.u32 s9, $0x3;
	s12 =	sshrl.u32 s12, $0x3;
	s0 =	smov.u32 @p0 s10  }
0xe: {  	s4 =	smov.u32 @p0 s6;
	s13 =	sadd.s32 s25, s5;
	s25 =	simm.s32 $0x5  }
0xf: {  	s10 =	simm.s32 $0x8;
	[dreg:$0x5] =	wrdreg s15;
	s3 =	sadd.s32 s3, s9  }
0x10: {  	s8 =	ssub.s32 s8, s11;
	s23 =	sadd.s32 s5, s12;
	[dreg:$0x4] =	wrdreg s3  }
0x11: {  	s0 =	sadd.s32 s0, s9;
	s7 =	sshrl.u32 s22, $0x3;
	[dreg:$0x6] =	wrdreg s23  }
0x12: {  	s11 =	simm.s32 $0xD;
	s22 =	simm.s32 $0x39D0;
	[dreg:$0xb] =	wrdreg s0  }
0x13: {  	s5 =	simm.s32 $0x5780;
	s12 =	sadd.s32 $0x61A80, s23;
	[dreg:$0xc] =	wrdreg s7  }
0x14: {  	s9 =	simm.s32 $0xA;
	s24 =	sadd.s32 $0x32, s23;
	[dreg:$0x7] =	wrdreg s12  }
0x15: {  	s3 =	sadd.s32 $0x61AB2, s23;
	s26 =	smax.u32 s8, $0x1;
	[dreg:$0x8] =	wrdreg s24  }
0x16: {  	s23 =	simm.s32 $0x2;
	s0 =	simm.s32 $0x9;
	[dreg:$0x9] =	wrdreg s3  }
0x17: {  	s8 =	simm.s32 $0x7;
	[dreg:$0xa] =	wrdreg s26;
	s24 =	simm.s32 $0x1F40  }
0x18: {  	s26 =	simm.s32 $0x5460;
	s3 =	simm.s32 $0x4;
	s12 =	simm.s32 $0x0  }
.LBB2_1:
0x19: {  	[dreg:$0xd] =	wrdreg s12  }
0x1a: {  	s6 =	rddreg [dreg:$0x4]  }
0x1b: {  	[spmem:s7], [sflag:s15] =	dma.local [hbm:s6], $0x30D4  }
0x1c: {  	_ =	swait.ge [sflag:s11], $0x30D4  }
0x1d: {  	[sflag:s11] =	ssyncset.done $0x0  }
0x1e: {  	[sflag:s11] =	ssyncadd.s32 $0xFFFFCF2C  }
0x1f: {  	[bflag:$0x0] =	sbarrier.arrive $0xFFFF  }
0x20: {  	s11 =	rddreg [dreg:$0x6]  }
0x21: {  	[tilespmem:s2], [sflag:$0x1] =	stream.linear.gather [hbm4b:s11+s2], $0x190, $0x38;
	[tilespmem:$0x1F720] =	vst v63  }
0x22: {  	s12 =	rddreg [dreg:$0x7]  }
0x23: {  	[tilespmem:s16], [sflag:$0x1] =	stream.linear.gather [hbm4b:s12+s2], $0x190, $0x38;
	[tilespmem:$0x1F720] =	vst v63  }
0x24: {  	s14 =	rddreg [dreg:$0x8]  }
0x25: {  	[tilespmem:s17], [sflag:$0x2] =	stream.linear.gather [hbm4b:s14+s2], $0x190, $0x38;
	[tilespmem:$0x1F720] =	vst v63  }
0x26: {  	s19 =	simm.s32 $0x1;
	s15 =	rddreg [dreg:$0x9]  }
0x27: {  	[tilespmem:s18], [sflag:$0x2] =	stream.linear.gather [hbm4b:s15+s2], $0x190, $0x38;
	[tilespmem:$0x1F720] =	vst v63  }
0x28: {  	_ =	swait.ge [sflag:s19], $0x190  }
0x29: {  	[sflag:s19] =	ssyncset.done $0x0  }
0x2a: {  	[sflag:s19] =	ssyncadd.s32 $0xFFFFFE70  }
0x2b: {  	_ =	swait.ge [sflag:s19], $0x190  }
0x2c: {  	p0 =	por $0x1, $0x1;
	[sflag:s19] =	ssyncset.done $0x0  }
0x2d: {  	s6 =	simm.s32 @!p0 $0xB;
	[sflag:s19] =	ssyncadd.s32 $0xFFFFFE70  }
0x2e: {  	[tilespmem:s20], [sflag:$0x5] =	stream.indirect.gather [hbm4b:s4+s16], $0x10, s2, s16, $0xb8;
	[tilespmem:$0x1F720] =	vst v63  }
0x2f: {  	_ =	swait.ge @!p0 [sflag:s6], $0x1900  }
0x30: {  	s7 =	sadd.s32 $0x0, s13;
	[sflag:s6] =	ssyncset.done @!p0 $0x0  }
0x31: {  	s12 =	sadd.s32 $0x64, s7;
	[sflag:s6] =	ssyncadd.s32 @!p0 $0xFFFFE700  }
0x32: {  	[tilespmem:s21], [sflag:$0x3] =	stream.linear.gather [hbm4b:s12+s2], $0x190, $0x38;
	[tilespmem:$0x1F720] =	vst v63  }
0x33: {  	s14 =	sadd.s32 $0x61AE4, s7  }
0x34: {  	[tilespmem:s22], [sflag:$0x3] =	stream.linear.gather [hbm4b:s14+s2], $0x190, $0x38;
	[tilespmem:$0x1F720] =	vst v63  }
0x35: {  	_ =	swait.ge [sflag:s23], $0x190  }
0x36: {  	[sflag:s23] =	ssyncset.done $0x0  }
0x37: {  	[sflag:s23] =	ssyncadd.s32 $0xFFFFFE70  }
0x38: {  	_ =	swait.ge [sflag:s23], $0x190  }
0x39: {  	[sflag:s23] =	ssyncset.done $0x0  }
0x3a: {  	[sflag:s23] =	ssyncadd.s32 $0xFFFFFE70  }
0x3b: {  	[tilespmem:s24], [sflag:$0x6] =	stream.indirect.gather [hbm4b:s4+s16], $0x10, s17, s16, $0xb8;
	[tilespmem:$0x1F720] =	vst v63  }
0x3c: {  	_ =	swait.ge [sflag:s25], $0x1900  }
0x3d: {  	[sflag:s25] =	ssyncset.done $0x0  }
0x3e: {  	s6 =	simm.s32 @!p0 $0xC;
	[sflag:s25] =	ssyncadd.s32 $0xFFFFE700  }
0x3f: {  	[spmem:s1] =	stream.indirect.scatter.add.f32 [tilespmem:s20], [sflag:$0x9], $0x10, s16, s16, $0xb8;
	[tilespmem:$0x1F720] =	vst v63  }
0x40: {  	_ =	swait.ge @!p0 [sflag:s6], $0x1900  }
0x41: {  	[sflag:s6] =	ssyncset.done @!p0 $0x0  }
0x42: {  	s15 =	sadd.s32 $0x96, s7;
	[sflag:s6] =	ssyncadd.s32 @!p0 $0xFFFFE700  }
0x43: {  	[tilespmem:s26], [sflag:$0x4] =	stream.linear.gather [hbm4b:s15+s2], $0x190, $0x38;
	[tilespmem:$0x1F720] =	vst v63  }
0x44: {  	s19 =	sadd.s32 $0x61B16, s7  }
0x45: {  	[tilespmem:s28], [sflag:$0x4] =	stream.linear.gather [hbm4b:s19+s2], $0x190, $0x38;
	[tilespmem:$0x1F720] =	vst v63  }
0x46: {  	_ =	swait.ge [sflag:s29], $0x190  }
0x47: {  	[sflag:s29] =	ssyncset.done $0x0  }
0x48: {  	[sflag:s29] =	ssyncadd.s32 $0xFFFFFE70  }
0x49: {  	_ =	swait.ge [sflag:s29], $0x190  }
0x4a: {  	[sflag:s29] =	ssyncset.done $0x0  }
0x4b: {  	[sflag:s29] =	ssyncadd.s32 $0xFFFFFE70  }
0x4c: {  	[tilespmem:s30], [sflag:$0x7] =	stream.indirect.gather [hbm4b:s4+s16], $0x10, s21, s16, $0xb8;
	[tilespmem:$0x1F720] =	vst v63  }
0x4d: {  	_ =	swait.ge [sflag:s31], $0x1900  }
0x4e: {  	[sflag:s31] =	ssyncset.done $0x0  }
0x4f: {  	[sflag:s31] =	ssyncadd.s32 $0xFFFFE700  }
0x50: {  	[spmem:s1] =	stream.indirect.scatter.add.f32 [tilespmem:s24], [sflag:$0xA], $0x10, s18, s16, $0xb8;
	[tilespmem:$0x1F720] =	vst v63  }
0x51: {  	p0 =	por $0x0, $0x0;
	_ =	swait.ge [sflag:s0], $0x1900  }
0x52: {  	s6 =	sadd.s32 @!p0 $0x0, s13;
	[sflag:s0] =	ssyncset.done $0x0  }
0x53: {  	s12 =	simm.s32 @!p0 $0x0;
	s11 =	sadd.s32 @!p0 $0xC8, s6;
	[sflag:s0] =	ssyncadd.s32 $0xFFFFE700  }
0x54: {  	[tilespmem:s12], [sflag:$0x1] =	stream.linear.gather @!p0 [hbm4b:s11+s12], $0x190, $0x38;
	[tilespmem:$0x1F720] =	vst v63  }
0x55: {  	s14 =	simm.s32 @!p0 $0x190;
	s11 =	sadd.s32 @!p0 $0x61B48, s6  }
0x56: {  	[tilespmem:s14], [sflag:$0x1] =	stream.linear.gather @!p0 [hbm4b:s11+s12], $0x190, $0x38;
	[tilespmem:$0x1F720] =	vst v63  }
0x57: {  	_ =	swait.ge [sflag:s3], $0x190  }
0x58: {  	[sflag:s3] =	ssyncset.done $0x0  }
0x59: {  	[sflag:s3] =	ssyncadd.s32 $0xFFFFFE70  }
0x5a: {  	_ =	swait.ge [sflag:s3], $0x190  }
0x5b: {  	[sflag:s3] =	ssyncset.done $0x0  }
0x5c: {  	[sflag:s3] =	ssyncadd.s32 $0xFFFFFE70  }
0x5d: {  	[tilespmem:s5], [sflag:$0x8] =	stream.indirect.gather [hbm4b:s4+s16], $0x10, s26, s16, $0xb8;
	[tilespmem:$0x1F720] =	vst v63  }
0x5e: {  	_ =	swait.ge [sflag:s8], $0x1900  }
0x5f: {  	[sflag:s8] =	ssyncset.done $0x0  }
0x60: {  	[sflag:s8] =	ssyncadd.s32 $0xFFFFE700  }
0x61: {  	[spmem:s1] =	stream.indirect.scatter.add.f32 [tilespmem:s30], [sflag:$0xB], $0x10, s22, s16, $0xb8;
	[tilespmem:$0x1F720] =	vst v63  }
0x62: {  	_ =	swait.ge [sflag:s9], $0x1900  }
0x63: {  	[sflag:s9] =	ssyncset.done $0x0  }
0x64: {  	s15 =	simm.s32 @!p0 $0x1C20;
	s11 =	sadd.s32 @!p0 $0xFA, s6;
	[sflag:s9] =	ssyncadd.s32 $0xFFFFE700  }
0x65: {  	[tilespmem:s15], [sflag:$0x2] =	stream.linear.gather @!p0 [hbm4b:s11+s12], $0x190, $0x38;
	[tilespmem:$0x1F720] =	vst v63  }
0x66: {  	s6 =	sadd.s32 @!p0 $0x61B7A, s6;
	s11 =	simm.s32 @!p0 $0x1DB0  }
0x67: {  	[tilespmem:s11], [sflag:$0x2] =	stream.linear.gather @!p0 [hbm4b:s6+s12], $0x190, $0x38;
	[tilespmem:$0x1F720] =	vst v63  }
0x68: {  	s6 =	simm.s32 @!p0 $0x1  }
0x69: {  	_ =	swait.ge @!p0 [sflag:s6], $0x190  }
0x6a: {  	[sflag:s6] =	ssyncset.done @!p0 $0x0  }
0x6b: {  	[sflag:s6] =	ssyncadd.s32 @!p0 $0xFFFFFE70  }
0x6c: {  	_ =	swait.ge @!p0 [sflag:s6], $0x190  }
0x6d: {  	[sflag:s6] =	ssyncset.done @!p0 $0x0  }
0x6e: {  	[sflag:s6] =	ssyncadd.s32 @!p0 $0xFFFFFE70;
	s6 =	simm.s32 @!p0 $0x320  }
0x6f: {  	[tilespmem:s6], [sflag:$0x5] =	stream.indirect.gather @!p0 [hbm4b:s4+s14], $0x10, s12, s14, $0xb8;
	[tilespmem:$0x1F720] =	vst v63  }
0x70: {  	p1 =	por $0x0, $0x0;
	_ =	swait.ge [sflag:s10], $0x1900  }
0x71: {  	s11 =	simm.s32 $0xC8;
	s12 =	simm.s32 $0x190;
	[sflag:s10] =	ssyncset.done $0x0  }
.LBB2_2:
0x72: {  	s14 =	simm.s32 @!p1 $0xB  }
0x73: {  	[sflag:s10] =	ssyncadd.s32 $0xFFFFE700;
	s6 =	smov.u32 s12;
	s12 =	sadd.s32 $0xC8, s12  }
0x74: {  	[spmem:s1] =	stream.indirect.scatter.add.f32 [tilespmem:s5], [sflag:$0xC], $0x10, s28, s16, $0xb8;
	[tilespmem:$0x1F720] =	vst v63  }
0x75: {  	p0 =	sne.s32 s12, $0x61A8;
	_ =	swait.ge @!p1 [sflag:s14], $0x1900  }
0x76: {  	s15 =	sadd.s32 s11, s13;
	[sflag:s14] =	ssyncset.done @!p1 $0x0  }
0x77: {  	[sflag:s14] =	ssyncadd.s32 @!p1 $0xFFFFE700;
	s14 =	sadd.s32 $0x64, s15  }
0x78: {  	[tilespmem:s21], [sflag:$0x3] =	stream.linear.gather [hbm4b:s14+s2], $0x190, $0x38;
	[tilespmem:$0x1F720] =	vst v63  }
0x79: {  	s14 =	sadd.s32 $0x61AE4, s15  }
0x7a: {  	[tilespmem:s22], [sflag:$0x3] =	stream.linear.gather [hbm4b:s14+s2], $0x190, $0x38;
	[tilespmem:$0x1F720] =	vst v63  }
0x7b: {  	_ =	swait.ge [sflag:s23], $0x190  }
0x7c: {  	[sflag:s23] =	ssyncset.done $0x0  }
0x7d: {  	[sflag:s23] =	ssyncadd.s32 $0xFFFFFE70  }
0x7e: {  	_ =	swait.ge [sflag:s23], $0x190  }
0x7f: {  	[sflag:s23] =	ssyncset.done $0x0  }
0x80: {  	[sflag:s23] =	ssyncadd.s32 $0xFFFFFE70  }
0x81: {  	[tilespmem:s24], [sflag:$0x6] =	stream.indirect.gather [hbm4b:s4+s16], $0x10, s17, s16, $0xb8;
	[tilespmem:$0x1F720] =	vst v63  }
0x82: {  	_ =	swait.ge [sflag:s25], $0x1900  }
0x83: {  	[sflag:s25] =	ssyncset.done $0x0  }
0x84: {  	s14 =	simm.s32 @!p1 $0xC;
	[sflag:s25] =	ssyncadd.s32 $0xFFFFE700  }
0x85: {  	[spmem:s1] =	stream.indirect.scatter.add.f32 [tilespmem:s20], [sflag:$0x9], $0x10, s16, s16, $0xb8;
	[tilespmem:$0x1F720] =	vst v63  }
0x86: {  	_ =	swait.ge @!p1 [sflag:s14], $0x1900  }
0x87: {  	[sflag:s14] =	ssyncset.done @!p1 $0x0  }
0x88: {  	[sflag:s14] =	ssyncadd.s32 @!p1 $0xFFFFE700;
	s14 =	sadd.s32 $0x96, s15  }
0x89: {  	[tilespmem:s26], [sflag:$0x4] =	stream.linear.gather [hbm4b:s14+s2], $0x190, $0x38;
	[tilespmem:$0x1F720] =	vst v63  }
0x8a: {  	s14 =	sadd.s32 $0x61B16, s15  }
0x8b: {  	[tilespmem:s28], [sflag:$0x4] =	stream.linear.gather [hbm4b:s14+s2], $0x190, $0x38;
	[tilespmem:$0x1F720] =	vst v63  }
0x8c: {  	_ =	swait.ge [sflag:s29], $0x190  }
0x8d: {  	[sflag:s29] =	ssyncset.done $0x0  }
0x8e: {  	[sflag:s29] =	ssyncadd.s32 $0xFFFFFE70  }
0x8f: {  	_ =	swait.ge [sflag:s29], $0x190  }
0x90: {  	[sflag:s29] =	ssyncset.done $0x0  }
0x91: {  	[sflag:s29] =	ssyncadd.s32 $0xFFFFFE70  }
0x92: {  	[tilespmem:s30], [sflag:$0x7] =	stream.indirect.gather [hbm4b:s4+s16], $0x10, s21, s16, $0xb8;
	[tilespmem:$0x1F720] =	vst v63  }
0x93: {  	_ =	swait.ge [sflag:s31], $0x1900  }
0x94: {  	[sflag:s31] =	ssyncset.done $0x0  }
0x95: {  	[sflag:s31] =	ssyncadd.s32 $0xFFFFE700  }
0x96: {  	[spmem:s1] =	stream.indirect.scatter.add.f32 [tilespmem:s24], [sflag:$0xA], $0x10, s18, s16, $0xb8;
	[tilespmem:$0x1F720] =	vst v63  }
0x97: {  	p1 =	seq.s32 s11, $0x60E0;
	_ =	swait.ge [sflag:s0], $0x1900  }
0x98: {  	s14 =	sadd.s32 @!p1 s11, s13;
	s11 =	smov.u32 s6;
	[sflag:s0] =	ssyncset.done $0x0  }
0x99: {  	s15 =	simm.s32 @!p1 $0x0;
	s6 =	sadd.s32 @!p1 $0xC8, s14;
	[sflag:s0] =	ssyncadd.s32 $0xFFFFE700  }
0x9a: {  	[tilespmem:s15], [sflag:$0x1] =	stream.linear.gather @!p1 [hbm4b:s6+s15], $0x190, $0x38;
	[tilespmem:$0x1F720] =	vst v63  }
0x9b: {  	s19 =	simm.s32 @!p1 $0x190;
	s7 =	sadd.s32 @!p1 $0xFA, s14;
	s6 =	sadd.s32 @!p1 $0x61B48, s14  }
0x9c: {  	[tilespmem:s19], [sflag:$0x1] =	stream.linear.gather @!p1 [hbm4b:s6+s15], $0x190, $0x38;
	[tilespmem:$0x1F720] =	vst v63  }
0x9d: {  	s6 =	sadd.s32 @!p1 $0x61B7A, s14;
	_ =	swait.ge [sflag:s3], $0x190  }
0x9e: {  	[sflag:s3] =	ssyncset.done $0x0  }
0x9f: {  	[sflag:s3] =	ssyncadd.s32 $0xFFFFFE70  }
0xa0: {  	_ =	swait.ge [sflag:s3], $0x190  }
0xa1: {  	[sflag:s3] =	ssyncset.done $0x0  }
0xa2: {  	[sflag:s3] =	ssyncadd.s32 $0xFFFFFE70  }
0xa3: {  	[tilespmem:s5], [sflag:$0x8] =	stream.indirect.gather [hbm4b:s4+s16], $0x10, s26, s16, $0xb8;
	[tilespmem:$0x1F720] =	vst v63  }
0xa4: {  	_ =	swait.ge [sflag:s8], $0x1900  }
0xa5: {  	[sflag:s8] =	ssyncset.done $0x0  }
0xa6: {  	[sflag:s8] =	ssyncadd.s32 $0xFFFFE700  }
0xa7: {  	[spmem:s1] =	stream.indirect.scatter.add.f32 [tilespmem:s30], [sflag:$0xB], $0x10, s22, s16, $0xb8;
	[tilespmem:$0x1F720] =	vst v63  }
0xa8: {  	_ =	swait.ge [sflag:s9], $0x1900  }
0xa9: {  	[sflag:s9] =	ssyncset.done $0x0  }
0xaa: {  	s14 =	simm.s32 @!p1 $0x1C20;
	[sflag:s9] =	ssyncadd.s32 $0xFFFFE700  }
0xab: {  	[tilespmem:s14], [sflag:$0x2] =	stream.linear.gather @!p1 [hbm4b:s7+s15], $0x190, $0x38;
	[tilespmem:$0x1F720] =	vst v63  }
0xac: {  	s7 =	simm.s32 @!p1 $0x1DB0;
	s14 =	simm.s32 @!p1 $0x1  }
0xad: {  	[tilespmem:s7], [sflag:$0x2] =	stream.linear.gather @!p1 [hbm4b:s6+s15], $0x190, $0x38;
	[tilespmem:$0x1F720] =	vst v63  }
0xae: {  	_ =	swait.ge @!p1 [sflag:s14], $0x190  }
0xaf: {  	[sflag:s14] =	ssyncset.done @!p1 $0x0  }
0xb0: {  	[sflag:s14] =	ssyncadd.s32 @!p1 $0xFFFFFE70  }
0xb1: {  	_ =	swait.ge @!p1 [sflag:s14], $0x190  }
.Ltmp0:
0xb2: {  	[sflag:s14] =	ssyncset.done @!p1 $0x0;
	(pc) =	sbr.rel @p0 .LBB2_2-.Ltmp0, $4  }
0xb3: {  	s6 =	simm.s32 @!p1 $0x320;
	[sflag:s14] =	ssyncadd.s32 @!p1 $0xFFFFFE70  }
0xb4: {  	[tilespmem:s6], [sflag:$0x5] =	stream.indirect.gather @!p1 [hbm4b:s4+s19], $0x10, s15, s19, $0xb8;
	[tilespmem:$0x1F720] =	vst v63  }
0xb5: {  	_ =	swait.ge [sflag:s10], $0x1900  }
0xb6: {  	p1 =	seq.s32 s11, $0x0;
	[sflag:s10] =	ssyncset.done $0x0  }
0xb7: {  	s6 =	simm.s32 @!p1 $0xB;
	[sflag:s10] =	ssyncadd.s32 $0xFFFFE700  }
0xb8: {  	[spmem:s1] =	stream.indirect.scatter.add.f32 [tilespmem:s5], [sflag:$0xC], $0x10, s28, s16, $0xb8;
	[tilespmem:$0x1F720] =	vst v63  }
0xb9: {  	_ =	swait.ge @!p1 [sflag:s6], $0x1900  }
0xba: {  	s7 =	sadd.s32 s11, s13;
	[sflag:s6] =	ssyncset.done @!p1 $0x0  }
0xbb: {  	s12 =	sadd.s32 $0x64, s7;
	[sflag:s6] =	ssyncadd.s32 @!p1 $0xFFFFE700  }
0xbc: {  	[tilespmem:s21], [sflag:$0x3] =	stream.linear.gather [hbm4b:s12+s2], $0x190, $0x38;
	[tilespmem:$0x1F720] =	vst v63  }
0xbd: {  	s14 =	sadd.s32 $0x61AE4, s7  }
0xbe: {  	[tilespmem:s22], [sflag:$0x3] =	stream.linear.gather [hbm4b:s14+s2], $0x190, $0x38;
	[tilespmem:$0x1F720] =	vst v63  }
0xbf: {  	_ =	swait.ge [sflag:s23], $0x190  }
0xc0: {  	[sflag:s23] =	ssyncset.done $0x0  }
0xc1: {  	[sflag:s23] =	ssyncadd.s32 $0xFFFFFE70  }
0xc2: {  	_ =	swait.ge [sflag:s23], $0x190  }
0xc3: {  	[sflag:s23] =	ssyncset.done $0x0  }
0xc4: {  	[sflag:s23] =	ssyncadd.s32 $0xFFFFFE70  }
0xc5: {  	[tilespmem:s24], [sflag:$0x6] =	stream.indirect.gather [hbm4b:s4+s16], $0x10, s17, s16, $0xb8;
	[tilespmem:$0x1F720] =	vst v63  }
0xc6: {  	_ =	swait.ge [sflag:s25], $0x1900  }
0xc7: {  	[sflag:s25] =	ssyncset.done $0x0  }
0xc8: {  	s6 =	simm.s32 @!p1 $0xC;
	[sflag:s25] =	ssyncadd.s32 $0xFFFFE700  }
0xc9: {  	[spmem:s1] =	stream.indirect.scatter.add.f32 [tilespmem:s20], [sflag:$0x9], $0x10, s16, s16, $0xb8;
	[tilespmem:$0x1F720] =	vst v63  }
0xca: {  	_ =	swait.ge @!p1 [sflag:s6], $0x1900  }
0xcb: {  	[sflag:s6] =	ssyncset.done @!p1 $0x0  }
0xcc: {  	s15 =	sadd.s32 $0x96, s7;
	[sflag:s6] =	ssyncadd.s32 @!p1 $0xFFFFE700  }
0xcd: {  	[tilespmem:s26], [sflag:$0x4] =	stream.linear.gather [hbm4b:s15+s2], $0x190, $0x38;
	[tilespmem:$0x1F720] =	vst v63  }
0xce: {  	s19 =	sadd.s32 $0x61B16, s7  }
0xcf: {  	[tilespmem:s28], [sflag:$0x4] =	stream.linear.gather [hbm4b:s19+s2], $0x190, $0x38;
	[tilespmem:$0x1F720] =	vst v63  }
0xd0: {  	_ =	swait.ge [sflag:s29], $0x190  }
0xd1: {  	[sflag:s29] =	ssyncset.done $0x0  }
0xd2: {  	[sflag:s29] =	ssyncadd.s32 $0xFFFFFE70  }
0xd3: {  	_ =	swait.ge [sflag:s29], $0x190  }
0xd4: {  	[sflag:s29] =	ssyncset.done $0x0  }
0xd5: {  	[sflag:s29] =	ssyncadd.s32 $0xFFFFFE70  }
0xd6: {  	[tilespmem:s30], [sflag:$0x7] =	stream.indirect.gather [hbm4b:s4+s16], $0x10, s21, s16, $0xb8;
	[tilespmem:$0x1F720] =	vst v63  }
0xd7: {  	_ =	swait.ge [sflag:s31], $0x1900  }
0xd8: {  	[sflag:s31] =	ssyncset.done $0x0  }
0xd9: {  	[sflag:s31] =	ssyncadd.s32 $0xFFFFE700  }
0xda: {  	[spmem:s1] =	stream.indirect.scatter.add.f32 [tilespmem:s24], [sflag:$0xA], $0x10, s18, s16, $0xb8;
	[tilespmem:$0x1F720] =	vst v63  }
0xdb: {  	p0 =	seq.s32 s11, $0x60E0;
	_ =	swait.ge [sflag:s0], $0x1900  }
0xdc: {  	s6 =	sadd.s32 @!p0 s11, s13;
	[sflag:s0] =	ssyncset.done $0x0  }
0xdd: {  	s11 =	simm.s32 @!p0 $0x0;
	s7 =	sadd.s32 @!p0 $0xC8, s6;
	[sflag:s0] =	ssyncadd.s32 $0xFFFFE700  }
0xde: {  	[tilespmem:s11], [sflag:$0x1] =	stream.linear.gather @!p0 [hbm4b:s7+s11], $0x190, $0x38;
	[tilespmem:$0x1F720] =	vst v63  }
0xdf: {  	s12 =	simm.s32 @!p0 $0x190;
	s7 =	sadd.s32 @!p0 $0x61B48, s6  }
0xe0: {  	[tilespmem:s12], [sflag:$0x1] =	stream.linear.gather @!p0 [hbm4b:s7+s11], $0x190, $0x38;
	[tilespmem:$0x1F720] =	vst v63  }
0xe1: {  	_ =	swait.ge [sflag:s3], $0x190  }
0xe2: {  	[sflag:s3] =	ssyncset.done $0x0  }
0xe3: {  	[sflag:s3] =	ssyncadd.s32 $0xFFFFFE70  }
0xe4: {  	_ =	swait.ge [sflag:s3], $0x190  }
0xe5: {  	[sflag:s3] =	ssyncset.done $0x0  }
0xe6: {  	[sflag:s3] =	ssyncadd.s32 $0xFFFFFE70  }
0xe7: {  	[tilespmem:s5], [sflag:$0x8] =	stream.indirect.gather [hbm4b:s4+s16], $0x10, s26, s16, $0xb8;
	[tilespmem:$0x1F720] =	vst v63  }
0xe8: {  	_ =	swait.ge [sflag:s8], $0x1900  }
0xe9: {  	[sflag:s8] =	ssyncset.done $0x0  }
0xea: {  	[sflag:s8] =	ssyncadd.s32 $0xFFFFE700  }
0xeb: {  	[spmem:s1] =	stream.indirect.scatter.add.f32 [tilespmem:s30], [sflag:$0xB], $0x10, s22, s16, $0xb8;
	[tilespmem:$0x1F720] =	vst v63  }
0xec: {  	_ =	swait.ge [sflag:s9], $0x1900  }
0xed: {  	[sflag:s9] =	ssyncset.done $0x0  }
0xee: {  	s14 =	simm.s32 @!p0 $0x1C20;
	s7 =	sadd.s32 @!p0 $0xFA, s6;
	[sflag:s9] =	ssyncadd.s32 $0xFFFFE700  }
0xef: {  	[tilespmem:s14], [sflag:$0x2] =	stream.linear.gather @!p0 [hbm4b:s7+s11], $0x190, $0x38;
	[tilespmem:$0x1F720] =	vst v63  }
0xf0: {  	s6 =	sadd.s32 @!p0 $0x61B7A, s6;
	s7 =	simm.s32 @!p0 $0x1DB0  }
0xf1: {  	[tilespmem:s7], [sflag:$0x2] =	stream.linear.gather @!p0 [hbm4b:s6+s11], $0x190, $0x38;
	[tilespmem:$0x1F720] =	vst v63  }
0xf2: {  	s6 =	simm.s32 @!p0 $0x1  }
0xf3: {  	_ =	swait.ge @!p0 [sflag:s6], $0x190  }
0xf4: {  	[sflag:s6] =	ssyncset.done @!p0 $0x0  }
0xf5: {  	[sflag:s6] =	ssyncadd.s32 @!p0 $0xFFFFFE70  }
0xf6: {  	_ =	swait.ge @!p0 [sflag:s6], $0x190  }
0xf7: {  	[sflag:s6] =	ssyncset.done @!p0 $0x0  }
0xf8: {  	[sflag:s6] =	ssyncadd.s32 @!p0 $0xFFFFFE70;
	s6 =	simm.s32 @!p0 $0x320  }
0xf9: {  	[tilespmem:s6], [sflag:$0x5] =	stream.indirect.gather @!p0 [hbm4b:s4+s12], $0x10, s11, s12, $0xb8;
	[tilespmem:$0x1F720] =	vst v63  }
0xfa: {  	_ =	swait.ge [sflag:s10], $0x1900  }
0xfb: {  	[sflag:s10] =	ssyncset.done $0x0  }
0xfc: {  	s7 =	simm.s32 $0xB;
	[sflag:s10] =	ssyncadd.s32 $0xFFFFE700  }
0xfd: {  	[spmem:s1] =	stream.indirect.scatter.add.f32 [tilespmem:s5], [sflag:$0xC], $0x10, s28, s16, $0xb8;
	[tilespmem:$0x1F720] =	vst v63  }
0xfe: {  	_ =	swait.ge [sflag:s7], $0x1900  }
0xff: {  	[sflag:s7] =	ssyncset.done $0x0  }
0x100: {  	s11 =	simm.s32 $0xC;
	[sflag:s7] =	ssyncadd.s32 $0xFFFFE700  }
0x101: {  	_ =	swait.ge [sflag:s11], $0x1900  }
0x102: {  	[sflag:s11] =	ssyncset.done $0x0  }
0x103: {  	[sflag:s11] =	ssyncadd.s32 $0xFFFFE700  }
0x104: {  	[bflag:$0x0] =	sbarrier.arrive $0xFFFF  }
0x105: {  	s15 =	rddreg [dreg:$0x5]  }
0x106: {  	s12 =	rddreg [dreg:$0xb]  }
0x107: {  	s11 =	simm.s32 $0xD;
	s7 =	rddreg [dreg:$0xc]  }
0x108: {  	[hbm:s12], [sflag:s15] =	dma.local [spmem:s7], $0x30D4  }
0x109: {  	_ =	swait.ge [sflag:s11], $0x30D4  }
0x10a: {  	s14 =	rddreg [dreg:$0xd]  }
0x10b: {  	s19 =	rddreg [dreg:$0xa];
	s12 =	sadd.s32 $0x1, s14  }
0x10c: {  	p0 =	sne.s32 s12, s19  }
.Ltmp1:
0x10d: {  	_ = 	snop;
	(pc) =	sbr.rel @p0 .LBB2_1-.Ltmp1, $3  }
0x10e: {  	_ =	sdelay $0x1  }
0x10f: {  	[sflag:s11] =	ssyncset.done $0x0  }
0x110: {  	[sflag:s11] =	ssyncadd.s32 $0xFFFFCF2C  }
0x111: {  	_ =	sfence.sel $0x180000  }
0x112: {  	[bflag:$0x0] =	sbarrier.arrive $0xFFFF  }
0x113: {  	_ =	strace $0x9000004D  }
0x114: {  	s0 =	stileid.u32;
	[bflag:$0x2] =	sbarrier.arrive $0xFFFF  }
0x115: {  	p0 =	sne.s32 s0, $0x0;
	s0 =	rddreg [dreg:$0x3]  }
0x116: {  	s0 =	sadd.s32 @!p0 $0x100000, s0  }
0x117: {  	[sflag:s0] =	ssyncadd.tile.s32 @!p0 $0x1;
	_ =	shalt  }
.Lfunc_end2:
_tile_overlayer_lowered:
.L_overlay_start_2:
0x118: {  	(tag) =	ssettag $0x2  }
0x119: {  	s0 =	rddreg [dreg:$0x0];
	s2 =	stileid.u32  }
0x11a: {  	s1 =	rddreg [dreg:$0x1];
	p0 =	sne.s32 s2, $0x0  }
0x11b: {  	s3 =	rddreg [dreg:$0x2];
	[bflag:$0x3] =	sbarrier.arrive $0xFFFF;
	s2 =	simm.s32 @!p0 $0x1C0D  }
0x11c: {  	[timem:s3], [sflag:s2] =	dma.local @!p0 [hbm:s0], s1  }
0x11d: {  	s0 =	simm.s32 @!p0 $0xD  }
0x11e: {  	_ =	swait.ge @!p0 [sflag:s0], s1  }
0x11f: {  	s1 =	ssub.s32 @!p0 $0x0, s1;
	[sflag:s0] =	ssyncset.done @!p0 $0x0  }
0x120: {  	[sflag:s0] =	ssyncadd.s32 @!p0 s1  }
0x121: {  	[bflag:$0x3] =	sbarrier.arrive $0xFFFF  }
0x122: {  	_ =	shalt  }

</sc_bundles>
